<compile_context>
chip_gen: v7x
topology: tpu7x:2x2x1
jax: 0.10.2.dev20260603
libtpu: 0.0.44.dev20260713+nightly
codegen_flags: <defaults>
</compile_context>

<pallas_src>
from itertools import product

import jax
import jax.numpy as jnp
import numpy as np
from jax.experimental import pallas as pl

B = 2
BN_SCALE = 1.0 / np.sqrt(1.0 + 1e-3)

_DIMS = {0: (9, 96, 128), 1: (5, 48, 64), 2: (3, 24, 32), 3: (2, 12, 16)}
_R = 1024

_D0, _H0, _W0 = _DIMS[0]
_DP0, _HP0, _WP0 = _D0 + 2, _H0 + 2, _W0 + 2
_Q0 = _HP0 * _WP0
_P0 = B * _DP0
_K0 = 4
_CH0 = _Q0 // _K0
_G0 = 138
_CHT0 = _CH0 + 2 * _G0
_S0 = 136
_SLAB0 = 3192


def _lv(lv):
    D, H, W = _DIMS[lv]
    Dp, Hp, Wp = D + 2, H + 2, W + 2
    N = B * Dp * Hp * Wp
    G = Hp * Wp + Wp + 1
    GG = -(-G // _R) * _R
    M = -(-N // _R) * _R
    return D, H, W, Dp, Hp, Wp, N, G, GG, M


def _wflat(w):
    Co, Ci, ksz = w.shape[0], w.shape[1], w.shape[2]
    return jnp.transpose(w, (2, 3, 4, 1, 0)).reshape(ksz ** 3 * Ci, Co)


def _chunk(planes):
    C = planes.shape[-1]
    xp = jnp.pad(planes, ((0, 0), (_G0, _G0), (0, 0)))
    ch = jnp.stack([xp[:, k * _CH0:k * _CH0 + _CHT0, :] for k in range(_K0)],
                   axis=1)
    return ch.reshape((_P0 + 2) * _K0, _CHT0, C)


def _unchunk(out):
    Co = out.shape[-1]
    return out.reshape(_P0, _K0, _CHT0, Co)[:, :, _G0:_G0 + _CH0, :
                                            ].reshape(_P0, _Q0, Co)


def _conv_plane(x, w, relu):
    Ci, Co = w.shape[1], w.shape[0]
    wf = _wflat(w)
    xc = _chunk(x)
    offs2 = [(ty - 1) * _WP0 + (tx - 1) for ty, tx in product(range(3), repeat=2)]

    g = max(1, min(9, 128 // Ci))

    def body(xm_ref, x0_ref, xp_ref, w_ref, o_ref):
        acc = jnp.zeros((_SLAB0, Co), jnp.float32)
        for tz, zref in enumerate((xm_ref, x0_ref, xp_ref)):
            for j0 in range(0, 9, g):
                gj = min(g, 9 - j0)
                xs = jnp.concatenate(
                    [zref[0, pl.ds(_S0 + offs2[j0 + j], _SLAB0), :]
                     for j in range(gj)], axis=1)
                t0 = (tz * 9 + j0) * Ci
                acc = acc + jnp.dot(xs, w_ref[t0:t0 + gj * Ci, :],
                                    preferred_element_type=jnp.float32)
        if relu:
            acc = jnp.maximum(acc * BN_SCALE, 0.0)
        o_ref[0, pl.ds(0, _S0), :] = jnp.zeros((_S0, Co), jnp.float32)
        o_ref[0, pl.ds(_S0, _SLAB0), :] = acc
        tail = _CHT0 - _S0 - _SLAB0
        o_ref[0, pl.ds(_S0 + _SLAB0, tail), :] = jnp.zeros((tail, Co), jnp.float32)

    out = pl.pallas_call(
        body,
        grid=(_P0 * _K0,),
        in_specs=[
            pl.BlockSpec((1, _CHT0, Ci), lambda i: (i, 0, 0)),
            pl.BlockSpec((1, _CHT0, Ci), lambda i: (i + _K0, 0, 0)),
            pl.BlockSpec((1, _CHT0, Ci), lambda i: (i + 2 * _K0, 0, 0)),
            pl.BlockSpec(wf.shape, lambda i: (0, 0)),
        ],
        out_specs=pl.BlockSpec((1, _CHT0, Co), lambda i: (i, 0, 0)),
        out_shape=jax.ShapeDtypeStruct((_P0 * _K0, _CHT0, Co), jnp.float32),
    )(xc, xc, xc, wf)
    return _unchunk(out)


def _zguard(x):
    return jnp.pad(x, ((1, 1), (0, 0), (0, 0)))


def _plane_to_dense(x):
    C = x.shape[-1]
    d = x.reshape(B, _DP0, _HP0, _WP0, C)
    return d[:, 1:1 + _D0, 1:1 + _H0, 1:1 + _W0, :]


def _conv_flat(core, lv, w, relu, mask_core):
    _, _, _, _, Hp, Wp, N, G, GG, M = _lv(lv)
    Ci, Co = w.shape[1], w.shape[0]
    ksz = w.shape[2]
    wf = _wflat(w)
    offs = [0] if ksz == 1 else [
        (tz - 1) * Hp * Wp + (ty - 1) * Wp + (tx - 1)
        for tz, ty, tx in product(range(3), repeat=3)]
    x_ext = jnp.pad(core, ((GG, GG), (0, 0)))
    nb = M // _R
    Me = M + 2 * GG

    def body(*refs):
        if mask_core is not None:
            x_ref, w_ref, m_ref, o_ref = refs
        else:
            x_ref, w_ref, o_ref = refs
            m_ref = None
        i = pl.program_id(0)
        base = i * _R + GG
        acc = jnp.zeros((_R, Co), jnp.float32)
        g = max(1, min(len(offs), 128 // Ci))
        for t0 in range(0, len(offs), g):
            gj = min(g, len(offs) - t0)
            xs = jnp.concatenate(
                [x_ref[pl.ds(base + offs[t0 + j], _R), :] for j in range(gj)],
                axis=1) if gj > 1 else x_ref[pl.ds(base + offs[t0], _R), :]
            acc = acc + jnp.dot(xs, w_ref[t0 * Ci:(t0 + gj) * Ci, :],
                                preferred_element_type=jnp.float32)
        if relu:
            acc = jnp.maximum(acc * BN_SCALE, 0.0)
        if m_ref is not None:
            acc = acc * m_ref[:, :]
        o_ref[:, :] = acc

    in_specs = [pl.BlockSpec((Me, Ci), lambda i: (0, 0)),
                pl.BlockSpec(wf.shape, lambda i: (0, 0))]
    args = [x_ext, wf]
    if mask_core is not None:
        in_specs.append(pl.BlockSpec((_R, 1), lambda i: (i, 0)))
        args.append(mask_core)

    return pl.pallas_call(
        body,
        grid=(nb,),
        in_specs=in_specs,
        out_specs=pl.BlockSpec((_R, Co), lambda i: (i, 0)),
        out_shape=jax.ShapeDtypeStruct((M, Co), jnp.float32),
    )(*args)


def _interior_flat(core, lv, C):
    D, H, W, Dp, Hp, Wp, N, _, _, _ = _lv(lv)
    x = core[:N].reshape(B, Dp, Hp, Wp, C)
    return x[:, 1:1 + D, 1:1 + H, 1:1 + W, :]


def _embed_flat(dense, lv):
    _, _, _, _, _, _, N, _, _, M = _lv(lv)
    C = dense.shape[-1]
    x = jnp.pad(dense, ((0, 0), (1, 1), (1, 1), (1, 1), (0, 0))).reshape(N, C)
    return jnp.pad(x, ((0, M - N), (0, 0)))


def _aug_w(wd):
    Co, Ci = wd.shape[0], wd.shape[1]
    w = jnp.zeros((Co + 1, Ci + 1, 3, 3, 3), jnp.float32)
    w = w.at[:Co, :Ci].set(wd)
    return w.at[Co, Ci].set(1.0)


def _sub2(dense):
    return dense[:, ::2, ::2, ::2, :]


def _known(lv, vsz):
    D, H, W = _DIMS[lv]
    idx = jnp.arange(B * D * H * W)
    xg = (idx % W).astype(jnp.float32)
    yg = ((idx // W) % H).astype(jnp.float32)
    zg = ((idx // (W * H)) % D).astype(jnp.float32)
    bg = (idx // (W * H * D)).astype(jnp.float32)
    px = xg * vsz[0] + vsz[0] / 2 + 0.0
    py = yg * vsz[1] + vsz[1] / 2 + (-40.0)
    pz = zg * vsz[2] + vsz[2] / 2 + (-3.0)
    return jnp.stack([bg, px, py, pz], axis=1)


def _interp_knn(unknown, known, feats, valid, chunk=1024):
    outs = []
    for s in range(0, unknown.shape[0], chunk):
        u = unknown[s:s + chunk]
        d2 = jnp.sum((u[:, None, 1:] - known[None, :, 1:]) ** 2, axis=-1)
        d2 = d2 + (u[:, None, 0] != known[None, :, 0]).astype(jnp.float32) * 1e10
        d2 = d2 + (1.0 - valid)[None, :] * 1e10
        dist = jnp.sqrt(d2)
        negd, idx = jax.lax.top_k(-dist, 3)
        w = 1.0 / (-negd + 1e-8)
        w = w / jnp.sum(w, axis=1, keepdims=True)
        outs.append(jnp.sum(feats[idx] * w[..., None], axis=1))
    return jnp.concatenate(outs, axis=0)


def _heads_body(p_ref, wfc_ref, wcls_ref, wreg_ref, cls_ref, reg_ref):
    pw = jnp.dot(p_ref[:, :], wfc_ref[:, :], preferred_element_type=jnp.float32)
    cls_ref[:, :] = jnp.dot(pw, wcls_ref[:, :], preferred_element_type=jnp.float32)
    reg_ref[:, :] = jnp.dot(pw, wreg_ref[:, :], preferred_element_type=jnp.float32)


def _heads(p_cat, w_fc, w_cls, w_reg):
    V = p_cat.shape[0]
    return pl.pallas_call(
        _heads_body,
        out_shape=(jax.ShapeDtypeStruct((V, 1), jnp.float32),
                   jax.ShapeDtypeStruct((V, 3), jnp.float32)),
    )(p_cat, w_fc.T, w_cls.T, w_reg.T)


def kernel(voxel_features, coors, batch_size, input_shape, w0a, w0b, wd0,
           w1a, w1b, wd1, w2a, w2b, w2c, wd2, w3a, w3b, w3c, wex,
           w_fc, w_cls, w_reg):
    del batch_size, input_shape
    CIN = voxel_features.shape[1]

    bi = coors[:, 0].astype(jnp.int32)
    zi = coors[:, 1].astype(jnp.int32)
    yi = coors[:, 2].astype(jnp.int32)
    xi = coors[:, 3].astype(jnp.int32)
    pidx = bi * _DP0 + zi + 2
    ridx = (yi + 1) * _WP0 + (xi + 1)

    x0 = jnp.zeros((_P0 + 2, _Q0, CIN), jnp.float32).at[pidx, ridx].set(voxel_features)
    m0g = jnp.zeros((_P0 + 2, _Q0, 1), jnp.float32).at[pidx, ridx, 0].set(1.0)
    m0 = m0g[1:-1]
    points_mean = jnp.concatenate(
        [coors[:, 0:1].astype(jnp.float32), voxel_features[:, :4]], axis=1)
    unknown = points_mean[:, :4]

    h = _conv_plane(x0, w0a, True) * m0
    h = _conv_plane(_zguard(h), w0b, True) * m0
    haug = jnp.concatenate([_zguard(h), m0g], axis=-1)
    dn = _conv_plane(haug, _aug_w(wd0), True)
    sub = _sub2(_plane_to_dense(dn))
    m1d = (sub[..., 32:33] > 0).astype(jnp.float32)
    xd = sub[..., :32] * m1d

    x1 = _embed_flat(xd, 1)
    mk1 = _embed_flat(m1d, 1)
    x1 = _conv_flat(x1, 1, w1a, True, mk1)
    x1 = _conv_flat(x1, 1, w1b, True, mk1)
    feats1 = _interior_flat(x1, 1, 32).reshape(-1, 32)
    p1 = _interp_knn(unknown, _known(1, (0.2, 0.2, 0.4)), feats1, m1d.reshape(-1))

    dn1 = _conv_flat(jnp.concatenate([x1, mk1], axis=1), 1, _aug_w(wd1), True, None)
    sub1 = _sub2(_interior_flat(dn1, 1, 65))
    m2d = (sub1[..., 64:65] > 0).astype(jnp.float32)
    xd2 = sub1[..., :64] * m2d

    x2 = _embed_flat(xd2, 2)
    mk2 = _embed_flat(m2d, 2)
    x2 = _conv_flat(x2, 2, w2a, True, mk2)
    x2 = _conv_flat(x2, 2, w2b, True, mk2)
    x2 = _conv_flat(x2, 2, w2c, True, mk2)
    feats2 = _interior_flat(x2, 2, 64).reshape(-1, 64)
    p2 = _interp_knn(unknown, _known(2, (0.4, 0.4, 0.8)), feats2, m2d.reshape(-1))

    dn2 = _conv_flat(jnp.concatenate([x2, mk2], axis=1), 2, _aug_w(wd2), True, None)
    sub2 = _sub2(_interior_flat(dn2, 2, 65))
    m3d = (sub2[..., 64:65] > 0).astype(jnp.float32)
    xd3 = sub2[..., :64] * m3d

    x3 = _embed_flat(xd3, 3)
    mk3 = _embed_flat(m3d, 3)
    x3 = _conv_flat(x3, 3, w3a, True, mk3)
    x3 = _conv_flat(x3, 3, w3b, True, mk3)
    x3 = _conv_flat(x3, 3, w3c, True, mk3)
    feats3 = _interior_flat(x3, 3, 64).reshape(-1, 64)
    p3 = _interp_knn(unknown, _known(3, (0.8, 0.8, 1.6)), feats3, m3d.reshape(-1))

    xex = _conv_flat(x3, 3, wex, True, mk3)
    D3, H3, W3 = _DIMS[3]
    x_out = jnp.transpose(_interior_flat(xex, 3, 64), (0, 4, 1, 2, 3)
                          ).reshape(B, 64 * D3, H3, W3)

    p_cat = jnp.concatenate([p1, p2, p3], axis=-1)
    cls_o, reg_o = _heads(p_cat, w_fc, w_cls, w_reg)
    return (x_out, points_mean, cls_o, reg_o)

# --- scband reference (transcript-rebuilt; emitter-appended) ---
"""Pipeline reference for scband-sp-middle-fhd-33998961115505 (READ-ONLY COPY).

The authoritative reference and input builder live on the scoring server;
editing this copy changes nothing except your own understanding.
"""

import jax, jax.numpy as jnp
import numpy as np

B = 2
D, H, W = 9, 96, 128
V = 6000
CIN = 5
BN_SCALE = 1.0 / np.sqrt(1.0 + 1e-3)

def _conv3d(x, w, stride, pad):
    return jax.lax.conv_general_dilated(x, w, window_strides=(stride, stride, stride), padding=[(pad, pad)] * 3, dimension_numbers=('NCDHW', 'OIDHW', 'NCDHW'))

def _subm(x, w, m):
    return jax.nn.relu(_conv3d(x, w, 1, 1) * BN_SCALE) * m

def _down(x, w):
    return jax.nn.relu(_conv3d(x, w, 2, 1) * BN_SCALE)

def _down_mask(m):
    k = jnp.ones((1, 1, 3, 3, 3), jnp.float32)
    return (_conv3d(m, k, 2, 1) > 0).astype(jnp.float32)

def _coords(m):
    Bn, _, Dz, Hy, Wx = m.shape
    b, z, y, x = jnp.meshgrid(jnp.arange(Bn), jnp.arange(Dz), jnp.arange(Hy), jnp.arange(Wx), indexing='ij')
    c = jnp.stack([b.ravel(), z.ravel(), y.ravel(), x.ravel()], axis=1)
    valid = (m[:, 0].reshape(-1) > 0).astype(jnp.float32)
    return c, valid

def _t2p(c, vsz):
    off = (0.0, -40.0, -3.0)
    xyz = jnp.stack([c[:, 3].astype(jnp.float32) * vsz[0] + vsz[0] / 2 + off[0], c[:, 2].astype(jnp.float32) * vsz[1] + vsz[1] / 2 + off[1], c[:, 1].astype(jnp.float32) * vsz[2] + vsz[2] / 2 + off[2]], axis=1)
    return jnp.concatenate([c[:, 0:1].astype(jnp.float32), xyz], axis=1)

def _interp(unknown, known, feats, valid, chunk=1024):
    outs = []
    for s in range(0, unknown.shape[0], chunk):
        u = unknown[s:s + chunk]
        d2 = jnp.sum((u[:, None, 1:] - known[None, :, 1:]) ** 2, axis=-1)
        d2 = d2 + (u[:, None, 0] != known[None, :, 0]).astype(jnp.float32) * 1e10
        d2 = d2 + (1.0 - valid)[None, :] * 1e10
        dist = jnp.sqrt(d2)
        negd, idx = jax.lax.top_k(-dist, 3)
        w = 1.0 / (-negd + 1e-8)
        w = jax.lax.stop_gradient(w / jnp.sum(w, axis=1, keepdims=True))
        outs.append(jnp.sum(feats[idx] * w[..., None], axis=1))
    return jnp.concatenate(outs, axis=0)

def setup_inputs():
    rng = np.random.default_rng(0)
    lin = rng.choice(B * D * H * W, size=V, replace=False)
    b = lin // (D * H * W); r = lin % (D * H * W)
    z = r // (H * W); r2 = r % (H * W)
    y = r2 // W; xc = r2 % W
    coors = jnp.asarray(np.stack([b, z, y, xc], axis=1).astype(np.int64))
    ks = jax.random.split(jax.random.key(0), 20)
    def wconv(k, o, i, ksz):
        return jax.random.normal(k, (o, i, ksz, ksz, ksz), jnp.float32) * 0.05
    return dict(
        voxel_features=jax.random.normal(ks[0], (V, CIN), jnp.float32),
        coors=coors, batch_size=B, input_shape=jnp.array([W, H, D - 1], jnp.int64),
        w0a=wconv(ks[1], 16, CIN, 3), w0b=wconv(ks[2], 16, 16, 3), wd0=wconv(ks[3], 32, 16, 3),
        w1a=wconv(ks[4], 32, 32, 3), w1b=wconv(ks[5], 32, 32, 3), wd1=wconv(ks[6], 64, 32, 3),
        w2a=wconv(ks[7], 64, 64, 3), w2b=wconv(ks[8], 64, 64, 3), w2c=wconv(ks[9], 64, 64, 3),
        wd2=wconv(ks[10], 64, 64, 3),
        w3a=wconv(ks[11], 64, 64, 3), w3b=wconv(ks[12], 64, 64, 3), w3c=wconv(ks[13], 64, 64, 3),
        wex=wconv(ks[14], 64, 64, 1),
        w_fc=jax.random.normal(ks[15], (64, 160), jnp.float32) * 0.05,
        w_cls=jax.random.normal(ks[16], (1, 64), jnp.float32) * 0.05,
        w_reg=jax.random.normal(ks[17], (3, 64), jnp.float32) * 0.05)

def reference(voxel_features, coors, batch_size, input_shape, w0a, w0b, wd0, w1a, w1b, wd1, w2a, w2b, w2c, wd2, w3a, w3b, w3c, wex, w_fc, w_cls, w_reg):
    Dz, Hy, Wx = D, H, W
    Bn = B
    zero = (jnp.sum(input_shape) * 0 + jnp.asarray(batch_size) * 0).astype(coors.dtype)
    bi, zi, yi, xi = coors[:, 0] + zero, coors[:, 1], coors[:, 2], coors[:, 3]
    mask0 = jnp.zeros((Bn, 1, Dz, Hy, Wx), jnp.float32).at[bi, 0, zi, yi, xi].set(1.0)
    x = jnp.zeros((Bn, voxel_features.shape[1], Dz, Hy, Wx), jnp.float32).at[bi, :, zi, yi, xi].set(voxel_features)
    points_mean = jnp.concatenate([coors[:, 0:1].astype(jnp.float32), voxel_features[:, :4]], axis=1)
    x = _subm(_subm(x, w0a, mask0), w0b, mask0)
    mask1 = _down_mask(mask0)
    x = _down(x, wd0) * mask1
    x = _subm(_subm(x, w1a, mask1), w1b, mask1)
    c1, v1 = _coords(mask1)
    p1 = _interp(points_mean[:, :4], _t2p(c1, (0.2, 0.2, 0.4)), x[c1[:, 0], :, c1[:, 1], c1[:, 2], c1[:, 3]], v1)
    mask2 = _down_mask(mask1)
    x = _down(x, wd1) * mask2
    x = _subm(_subm(_subm(x, w2a, mask2), w2b, mask2), w2c, mask2)
    c2, v2 = _coords(mask2)
    p2 = _interp(points_mean[:, :4], _t2p(c2, (0.4, 0.4, 0.8)), x[c2[:, 0], :, c2[:, 1], c2[:, 2], c2[:, 3]], v2)
    mask3 = _down_mask(mask2)
    x = _down(x, wd2) * mask3
    x = _subm(_subm(_subm(x, w3a, mask3), w3b, mask3), w3c, mask3)
    c3, v3 = _coords(mask3)
    p3 = _interp(points_mean[:, :4], _t2p(c3, (0.8, 0.8, 1.6)), x[c3[:, 0], :, c3[:, 1], c3[:, 2], c3[:, 3]], v3)
    x = jax.nn.relu(_conv3d(x, wex, 1, 0) * BN_SCALE) * mask3
    N, C, Dd, Hh, Ww = x.shape
    x_out = x.reshape(N, C * Dd, Hh, Ww)
    pw = jnp.concatenate([p1, p2, p3], axis=-1) @ w_fc.T
    return (x_out, points_mean, pw @ w_cls.T, pw @ w_reg.T)

if __name__ == "__main__":
    import jax
    _d = setup_inputs()
    print(jax.jit(kernel)(*tuple(_d.values())))

</pallas_src>

<mosaic_0001>
module attributes {stable_mosaic.version = 14 : i64} {
  func.func @body(%arg0: i32, %arg1: memref<1x3461x5xf32, #tpu.memory_space<vmem>>, %arg2: memref<1x3461x5xf32, #tpu.memory_space<vmem>>, %arg3: memref<1x3461x5xf32, #tpu.memory_space<vmem>>, %arg4: memref<135x16xf32, #tpu.memory_space<vmem>>, %arg5: memref<1x3461x16xf32, #tpu.memory_space<vmem>>) attributes {dimension_semantics = [#tpu.dimension_semantics<arbitrary>], iteration_bounds = array<i64: 88>, scalar_prefetch = 0 : i64, scratch_operands = 0 : i64, tpu.core_type = #tpu.core_type<tc>, window_params = [{transform_indices = @transform_0, window_bounds = array<i64: 1, 3461, 5>}, {transform_indices = @transform_1, window_bounds = array<i64: 1, 3461, 5>}, {transform_indices = @transform_2, window_bounds = array<i64: 1, 3461, 5>}, {pipeline_mode = #tpu.pipeline_mode<synchronous>, transform_indices = @transform_3, window_bounds = array<i64: 135, 16>}, {transform_indices = @transform_4, window_bounds = array<i64: 1, 3461, 16>}]} {
    %broadcast_in_dim3A = arith.constant 0.000000e+00 : f32
    %broadcast_in_dim3A_0 = vector.broadcast %broadcast_in_dim3A : f32 to vector<3192x16xf32>
    %get3A = arith.constant 0 : index
    %get3A_1 = arith.constant 5 : index
    %get3A_2 = arith.constant 0 : index
    %get3A_3 = vector.load %arg1[%get3A, %get3A_1, %get3A_2] : memref<1x3461x5xf32, #tpu.memory_space<vmem>>, vector<1x3192x5xf32>
    %get3A_4 = vector.shape_cast %get3A_3 : vector<1x3192x5xf32> to vector<3192x5xf32>
    %get3A_5 = arith.constant 0 : index
    %get3A_6 = arith.constant 6 : index
    %get3A_7 = arith.constant 0 : index
    %get3A_8 = vector.load %arg1[%get3A_5, %get3A_6, %get3A_7] : memref<1x3461x5xf32, #tpu.memory_space<vmem>>, vector<1x3192x5xf32>
    %get3A_9 = vector.shape_cast %get3A_8 : vector<1x3192x5xf32> to vector<3192x5xf32>
    %get3A_10 = arith.constant 0 : index
    %get3A_11 = arith.constant 7 : index
    %get3A_12 = arith.constant 0 : index
    %get3A_13 = vector.load %arg1[%get3A_10, %get3A_11, %get3A_12] : memref<1x3461x5xf32, #tpu.memory_space<vmem>>, vector<1x3192x5xf32>
    %get3A_14 = vector.shape_cast %get3A_13 : vector<1x3192x5xf32> to vector<3192x5xf32>
    %get3A_15 = arith.constant 0 : index
    %get3A_16 = arith.constant 135 : index
    %get3A_17 = arith.constant 0 : index
    %get3A_18 = vector.load %arg1[%get3A_15, %get3A_16, %get3A_17] : memref<1x3461x5xf32, #tpu.memory_space<vmem>>, vector<1x3192x5xf32>
    %get3A_19 = vector.shape_cast %get3A_18 : vector<1x3192x5xf32> to vector<3192x5xf32>
    %get3A_20 = arith.constant 0 : index
    %get3A_21 = arith.constant 136 : index
    %get3A_22 = arith.constant 0 : index
    %get3A_23 = vector.load %arg1[%get3A_20, %get3A_21, %get3A_22] : memref<1x3461x5xf32, #tpu.memory_space<vmem>>, vector<1x3192x5xf32>
    %get3A_24 = vector.shape_cast %get3A_23 : vector<1x3192x5xf32> to vector<3192x5xf32>
    %get3A_25 = arith.constant 0 : index
    %get3A_26 = arith.constant 137 : index
    %get3A_27 = arith.constant 0 : index
    %get3A_28 = vector.load %arg1[%get3A_25, %get3A_26, %get3A_27] : memref<1x3461x5xf32, #tpu.memory_space<vmem>>, vector<1x3192x5xf32>
    %get3A_29 = vector.shape_cast %get3A_28 : vector<1x3192x5xf32> to vector<3192x5xf32>
    %get3A_30 = arith.constant 0 : index
    %get3A_31 = arith.constant 265 : index
    %get3A_32 = arith.constant 0 : index
    %get3A_33 = vector.load %arg1[%get3A_30, %get3A_31, %get3A_32] : memref<1x3461x5xf32, #tpu.memory_space<vmem>>, vector<1x3192x5xf32>
    %get3A_34 = vector.shape_cast %get3A_33 : vector<1x3192x5xf32> to vector<3192x5xf32>
    %get3A_35 = arith.constant 0 : index
    %get3A_36 = arith.constant 266 : index
    %get3A_37 = arith.constant 0 : index
    %get3A_38 = vector.load %arg1[%get3A_35, %get3A_36, %get3A_37] : memref<1x3461x5xf32, #tpu.memory_space<vmem>>, vector<1x3192x5xf32>
    %get3A_39 = vector.shape_cast %get3A_38 : vector<1x3192x5xf32> to vector<3192x5xf32>
    %get3A_40 = arith.constant 0 : index
    %get3A_41 = arith.constant 267 : index
    %get3A_42 = arith.constant 0 : index
    %get3A_43 = vector.load %arg1[%get3A_40, %get3A_41, %get3A_42] : memref<1x3461x5xf32, #tpu.memory_space<vmem>>, vector<1x3192x5xf32>
    %get3A_44 = vector.shape_cast %get3A_43 : vector<1x3192x5xf32> to vector<3192x5xf32>
    %concatenate3A = tpu.concatenate %get3A_4, %get3A_9, %get3A_14, %get3A_19, %get3A_24, %get3A_29, %get3A_34, %get3A_39, %get3A_44 in 1 : vector<3192x5xf32>, vector<3192x5xf32>, vector<3192x5xf32>, vector<3192x5xf32>, vector<3192x5xf32>, vector<3192x5xf32>, vector<3192x5xf32>, vector<3192x5xf32>, vector<3192x5xf32> -> vector<3192x45xf32>
    %get3A_45 = arith.constant 0 : index
    %get3A_46 = arith.constant 0 : index
    %get3A_47 = vector.load %arg4[%get3A_45, %get3A_46] : memref<135x16xf32, #tpu.memory_space<vmem>>, vector<45x16xf32>
    %dot_general3A = arith.constant dense<0.000000e+00> : vector<3192x16xf32>
    %dot_general3A_48 = tpu.matmul %concatenate3A, %get3A_47, %dot_general3A {dimension_numbers = #tpu.dot_dimension_numbers<[1], [0], [0], [1], [0, 0, 1, 1], [], []>, transpose_lhs_hint = false} : vector<3192x45xf32>, vector<45x16xf32>, vector<3192x16xf32> -> vector<3192x16xf32>
    %add3A = arith.addf %broadcast_in_dim3A_0, %dot_general3A_48 : vector<3192x16xf32>
    %get3A_49 = arith.constant 0 : index
    %get3A_50 = arith.constant 5 : index
    %get3A_51 = arith.constant 0 : index
    %get3A_52 = vector.load %arg2[%get3A_49, %get3A_50, %get3A_51] : memref<1x3461x5xf32, #tpu.memory_space<vmem>>, vector<1x3192x5xf32>
    %get3A_53 = vector.shape_cast %get3A_52 : vector<1x3192x5xf32> to vector<3192x5xf32>
    %get3A_54 = arith.constant 0 : index
    %get3A_55 = arith.constant 6 : index
    %get3A_56 = arith.constant 0 : index
    %get3A_57 = vector.load %arg2[%get3A_54, %get3A_55, %get3A_56] : memref<1x3461x5xf32, #tpu.memory_space<vmem>>, vector<1x3192x5xf32>
    %get3A_58 = vector.shape_cast %get3A_57 : vector<1x3192x5xf32> to vector<3192x5xf32>
    %get3A_59 = arith.constant 0 : index
    %get3A_60 = arith.constant 7 : index
    %get3A_61 = arith.constant 0 : index
    %get3A_62 = vector.load %arg2[%get3A_59, %get3A_60, %get3A_61] : memref<1x3461x5xf32, #tpu.memory_space<vmem>>, vector<1x3192x5xf32>
    %get3A_63 = vector.shape_cast %get3A_62 : vector<1x3192x5xf32> to vector<3192x5xf32>
    %get3A_64 = arith.constant 0 : index
    %get3A_65 = arith.constant 135 : index
    %get3A_66 = arith.constant 0 : index
    %get3A_67 = vector.load %arg2[%get3A_64, %get3A_65, %get3A_66] : memref<1x3461x5xf32, #tpu.memory_space<vmem>>, vector<1x3192x5xf32>
    %get3A_68 = vector.shape_cast %get3A_67 : vector<1x3192x5xf32> to vector<3192x5xf32>
    %get3A_69 = arith.constant 0 : index
    %get3A_70 = arith.constant 136 : index
    %get3A_71 = arith.constant 0 : index
    %get3A_72 = vector.load %arg2[%get3A_69, %get3A_70, %get3A_71] : memref<1x3461x5xf32, #tpu.memory_space<vmem>>, vector<1x3192x5xf32>
    %get3A_73 = vector.shape_cast %get3A_72 : vector<1x3192x5xf32> to vector<3192x5xf32>
    %get3A_74 = arith.constant 0 : index
    %get3A_75 = arith.constant 137 : index
    %get3A_76 = arith.constant 0 : index
    %get3A_77 = vector.load %arg2[%get3A_74, %get3A_75, %get3A_76] : memref<1x3461x5xf32, #tpu.memory_space<vmem>>, vector<1x3192x5xf32>
    %get3A_78 = vector.shape_cast %get3A_77 : vector<1x3192x5xf32> to vector<3192x5xf32>
    %get3A_79 = arith.constant 0 : index
    %get3A_80 = arith.constant 265 : index
    %get3A_81 = arith.constant 0 : index
    %get3A_82 = vector.load %arg2[%get3A_79, %get3A_80, %get3A_81] : memref<1x3461x5xf32, #tpu.memory_space<vmem>>, vector<1x3192x5xf32>
    %get3A_83 = vector.shape_cast %get3A_82 : vector<1x3192x5xf32> to vector<3192x5xf32>
    %get3A_84 = arith.constant 0 : index
    %get3A_85 = arith.constant 266 : index
    %get3A_86 = arith.constant 0 : index
    %get3A_87 = vector.load %arg2[%get3A_84, %get3A_85, %get3A_86] : memref<1x3461x5xf32, #tpu.memory_space<vmem>>, vector<1x3192x5xf32>
    %get3A_88 = vector.shape_cast %get3A_87 : vector<1x3192x5xf32> to vector<3192x5xf32>
    %get3A_89 = arith.constant 0 : index
    %get3A_90 = arith.constant 267 : index
    %get3A_91 = arith.constant 0 : index
    %get3A_92 = vector.load %arg2[%get3A_89, %get3A_90, %get3A_91] : memref<1x3461x5xf32, #tpu.memory_space<vmem>>, vector<1x3192x5xf32>
    %get3A_93 = vector.shape_cast %get3A_92 : vector<1x3192x5xf32> to vector<3192x5xf32>
    %concatenate3A_94 = tpu.concatenate %get3A_53, %get3A_58, %get3A_63, %get3A_68, %get3A_73, %get3A_78, %get3A_83, %get3A_88, %get3A_93 in 1 : vector<3192x5xf32>, vector<3192x5xf32>, vector<3192x5xf32>, vector<3192x5xf32>, vector<3192x5xf32>, vector<3192x5xf32>, vector<3192x5xf32>, vector<3192x5xf32>, vector<3192x5xf32> -> vector<3192x45xf32>
    %get3A_95 = arith.constant 45 : index
    %get3A_96 = arith.constant 0 : index
    %get3A_97 = vector.load %arg4[%get3A_95, %get3A_96] : memref<135x16xf32, #tpu.memory_space<vmem>>, vector<45x16xf32>
    %dot_general3A_98 = arith.constant dense<0.000000e+00> : vector<3192x16xf32>
    %dot_general3A_99 = tpu.matmul %concatenate3A_94, %get3A_97, %dot_general3A_98 {dimension_numbers = #tpu.dot_dimension_numbers<[1], [0], [0], [1], [0, 0, 1, 1], [], []>, transpose_lhs_hint = false} : vector<3192x45xf32>, vector<45x16xf32>, vector<3192x16xf32> -> vector<3192x16xf32>
    %add3A_100 = arith.addf %add3A, %dot_general3A_99 : vector<3192x16xf32>
    %get3A_101 = arith.constant 0 : index
    %get3A_102 = arith.constant 5 : index
    %get3A_103 = arith.constant 0 : index
    %get3A_104 = vector.load %arg3[%get3A_101, %get3A_102, %get3A_103] : memref<1x3461x5xf32, #tpu.memory_space<vmem>>, vector<1x3192x5xf32>
    %get3A_105 = vector.shape_cast %get3A_104 : vector<1x3192x5xf32> to vector<3192x5xf32>
    %get3A_106 = arith.constant 0 : index
    %get3A_107 = arith.constant 6 : index
    %get3A_108 = arith.constant 0 : index
    %get3A_109 = vector.load %arg3[%get3A_106, %get3A_107, %get3A_108] : memref<1x3461x5xf32, #tpu.memory_space<vmem>>, vector<1x3192x5xf32>
    %get3A_110 = vector.shape_cast %get3A_109 : vector<1x3192x5xf32> to vector<3192x5xf32>
    %get3A_111 = arith.constant 0 : index
    %get3A_112 = arith.constant 7 : index
    %get3A_113 = arith.constant 0 : index
    %get3A_114 = vector.load %arg3[%get3A_111, %get3A_112, %get3A_113] : memref<1x3461x5xf32, #tpu.memory_space<vmem>>, vector<1x3192x5xf32>
    %get3A_115 = vector.shape_cast %get3A_114 : vector<1x3192x5xf32> to vector<3192x5xf32>
    %get3A_116 = arith.constant 0 : index
    %get3A_117 = arith.constant 135 : index
    %get3A_118 = arith.constant 0 : index
    %get3A_119 = vector.load %arg3[%get3A_116, %get3A_117, %get3A_118] : memref<1x3461x5xf32, #tpu.memory_space<vmem>>, vector<1x3192x5xf32>
    %get3A_120 = vector.shape_cast %get3A_119 : vector<1x3192x5xf32> to vector<3192x5xf32>
    %get3A_121 = arith.constant 0 : index
    %get3A_122 = arith.constant 136 : index
    %get3A_123 = arith.constant 0 : index
    %get3A_124 = vector.load %arg3[%get3A_121, %get3A_122, %get3A_123] : memref<1x3461x5xf32, #tpu.memory_space<vmem>>, vector<1x3192x5xf32>
    %get3A_125 = vector.shape_cast %get3A_124 : vector<1x3192x5xf32> to vector<3192x5xf32>
    %get3A_126 = arith.constant 0 : index
    %get3A_127 = arith.constant 137 : index
    %get3A_128 = arith.constant 0 : index
    %get3A_129 = vector.load %arg3[%get3A_126, %get3A_127, %get3A_128] : memref<1x3461x5xf32, #tpu.memory_space<vmem>>, vector<1x3192x5xf32>
    %get3A_130 = vector.shape_cast %get3A_129 : vector<1x3192x5xf32> to vector<3192x5xf32>
    %get3A_131 = arith.constant 0 : index
    %get3A_132 = arith.constant 265 : index
    %get3A_133 = arith.constant 0 : index
    %get3A_134 = vector.load %arg3[%get3A_131, %get3A_132, %get3A_133] : memref<1x3461x5xf32, #tpu.memory_space<vmem>>, vector<1x3192x5xf32>
    %get3A_135 = vector.shape_cast %get3A_134 : vector<1x3192x5xf32> to vector<3192x5xf32>
    %get3A_136 = arith.constant 0 : index
    %get3A_137 = arith.constant 266 : index
    %get3A_138 = arith.constant 0 : index
    %get3A_139 = vector.load %arg3[%get3A_136, %get3A_137, %get3A_138] : memref<1x3461x5xf32, #tpu.memory_space<vmem>>, vector<1x3192x5xf32>
    %get3A_140 = vector.shape_cast %get3A_139 : vector<1x3192x5xf32> to vector<3192x5xf32>
    %get3A_141 = arith.constant 0 : index
    %get3A_142 = arith.constant 267 : index
    %get3A_143 = arith.constant 0 : index
    %get3A_144 = vector.load %arg3[%get3A_141, %get3A_142, %get3A_143] : memref<1x3461x5xf32, #tpu.memory_space<vmem>>, vector<1x3192x5xf32>
    %get3A_145 = vector.shape_cast %get3A_144 : vector<1x3192x5xf32> to vector<3192x5xf32>
    %concatenate3A_146 = tpu.concatenate %get3A_105, %get3A_110, %get3A_115, %get3A_120, %get3A_125, %get3A_130, %get3A_135, %get3A_140, %get3A_145 in 1 : vector<3192x5xf32>, vector<3192x5xf32>, vector<3192x5xf32>, vector<3192x5xf32>, vector<3192x5xf32>, vector<3192x5xf32>, vector<3192x5xf32>, vector<3192x5xf32>, vector<3192x5xf32> -> vector<3192x45xf32>
    %get3A_147 = arith.constant 90 : index
    %get3A_148 = arith.constant 0 : index
    %get3A_149 = vector.load %arg4[%get3A_147, %get3A_148] : memref<135x16xf32, #tpu.memory_space<vmem>>, vector<45x16xf32>
    %dot_general3A_150 = arith.constant dense<0.000000e+00> : vector<3192x16xf32>
    %dot_general3A_151 = tpu.matmul %concatenate3A_146, %get3A_149, %dot_general3A_150 {dimension_numbers = #tpu.dot_dimension_numbers<[1], [0], [0], [1], [0, 0, 1, 1], [], []>, transpose_lhs_hint = false} : vector<3192x45xf32>, vector<45x16xf32>, vector<3192x16xf32> -> vector<3192x16xf32>
    %add3A_152 = arith.addf %add3A_100, %dot_general3A_151 : vector<3192x16xf32>
    %mul3A = arith.constant 0.999500393 : f32
    %mul3A_153 = vector.broadcast %mul3A : f32 to vector<3192x16xf32>
    %mul3A_154 = arith.mulf %add3A_152, %mul3A_153 : vector<3192x16xf32>
    %max3A = arith.constant 0.000000e+00 : f32
    %max3A_155 = vector.broadcast %max3A : f32 to vector<3192x16xf32>
    %max3A_156 = arith.maximumf %mul3A_154, %max3A_155 : vector<3192x16xf32>
    %broadcast_in_dim3A_157 = arith.constant 0.000000e+00 : f32
    %broadcast_in_dim3A_158 = vector.broadcast %broadcast_in_dim3A_157 : f32 to vector<136x16xf32>
    %swap3A = arith.constant 0 : index
    %swap3A_159 = arith.constant 0 : index
    %swap3A_160 = arith.constant 0 : index
    %swap3A_161 = vector.load %arg5[%swap3A, %swap3A_159, %swap3A_160] : memref<1x3461x16xf32, #tpu.memory_space<vmem>>, vector<1x136x16xf32>
    %swap3A_162 = vector.shape_cast %swap3A_161 : vector<1x136x16xf32> to vector<136x16xf32>
    %swap3A_163 = vector.shape_cast %broadcast_in_dim3A_158 : vector<136x16xf32> to vector<1x136x16xf32>
    tpu.vector_store %arg5[%swap3A, %swap3A_159, %swap3A_160], %swap3A_163 {strides = array<i32>} : memref<1x3461x16xf32, #tpu.memory_space<vmem>>, vector<1x136x16xf32>,
    %swap3A_164 = arith.constant 0 : index
    %swap3A_165 = arith.constant 136 : index
    %swap3A_166 = arith.constant 0 : index
    %swap3A_167 = vector.load %arg5[%swap3A_164, %swap3A_165, %swap3A_166] : memref<1x3461x16xf32, #tpu.memory_space<vmem>>, vector<1x3192x16xf32>
    %swap3A_168 = vector.shape_cast %swap3A_167 : vector<1x3192x16xf32> to vector<3192x16xf32>
    %swap3A_169 = vector.shape_cast %max3A_156 : vector<3192x16xf32> to vector<1x3192x16xf32>
    tpu.vector_store %arg5[%swap3A_164, %swap3A_165, %swap3A_166], %swap3A_169 {strides = array<i32>} : memref<1x3461x16xf32, #tpu.memory_space<vmem>>, vector<1x3192x16xf32>,
    %broadcast_in_dim3A_170 = arith.constant 0.000000e+00 : f32
    %broadcast_in_dim3A_171 = vector.broadcast %broadcast_in_dim3A_170 : f32 to vector<133x16xf32>
    %swap3A_172 = arith.constant 0 : index
    %swap3A_173 = arith.constant 3328 : index
    %swap3A_174 = arith.constant 0 : index
    %swap3A_175 = vector.load %arg5[%swap3A_172, %swap3A_173, %swap3A_174] : memref<1x3461x16xf32, #tpu.memory_space<vmem>>, vector<1x133x16xf32>
    %swap3A_176 = vector.shape_cast %swap3A_175 : vector<1x133x16xf32> to vector<133x16xf32>
    %swap3A_177 = vector.shape_cast %broadcast_in_dim3A_171 : vector<133x16xf32> to vector<1x133x16xf32>
    tpu.vector_store %arg5[%swap3A_172, %swap3A_173, %swap3A_174], %swap3A_177 {strides = array<i32>} : memref<1x3461x16xf32, #tpu.memory_space<vmem>>, vector<1x133x16xf32>,
    return
  }
  func.func @transform_0(%arg0: i32) -> (i32, i32, i32) {
    %c0_i32 = arith.constant 0 : i32
    %c0_i32_0 = arith.constant 0 : i32
    %c0_i32_1 = arith.constant 0 : i32
    return %arg0, %c0_i32, %c0_i32_0 : i32, i32, i32
  }
  func.func @transform_1(%arg0: i32) -> (i32, i32, i32) {
    %add3A = arith.constant 4 : i32
    %add3A_0 = arith.addi %arg0, %add3A : i32
    %c0_i32 = arith.constant 0 : i32
    %c0_i32_1 = arith.constant 0 : i32
    %c0_i32_2 = arith.constant 0 : i32
    return %add3A_0, %c0_i32, %c0_i32_1 : i32, i32, i32
  }
  func.func @transform_2(%arg0: i32) -> (i32, i32, i32) {
    %add3A = arith.constant 8 : i32
    %add3A_0 = arith.addi %arg0, %add3A : i32
    %c0_i32 = arith.constant 0 : i32
    %c0_i32_1 = arith.constant 0 : i32
    %c0_i32_2 = arith.constant 0 : i32
    return %add3A_0, %c0_i32, %c0_i32_1 : i32, i32, i32
  }
  func.func @transform_3(%arg0: i32) -> (i32, i32) {
    %c0_i32 = arith.constant 0 : i32
    %c0_i32_0 = arith.constant 0 : i32
    %c0_i32_1 = arith.constant 0 : i32
    return %c0_i32, %c0_i32_0 : i32, i32
  }
  func.func @transform_4(%arg0: i32) -> (i32, i32, i32) {
    %c0_i32 = arith.constant 0 : i32
    %c0_i32_0 = arith.constant 0 : i32
    %c0_i32_1 = arith.constant 0 : i32
    return %arg0, %c0_i32, %c0_i32_0 : i32, i32, i32
  }
}

module attributes {stable_mosaic.version = 14 : i64} {
  func.func @body(%arg0: i32, %arg1: memref<1x3461x16xf32, #tpu.memory_space<vmem>>, %arg2: memref<1x3461x16xf32, #tpu.memory_space<vmem>>, %arg3: memref<1x3461x16xf32, #tpu.memory_space<vmem>>, %arg4: memref<432x16xf32, #tpu.memory_space<vmem>>, %arg5: memref<1x3461x16xf32, #tpu.memory_space<vmem>>) attributes {dimension_semantics = [#tpu.dimension_semantics<arbitrary>], iteration_bounds = array<i64: 88>, scalar_prefetch = 0 : i64, scratch_operands = 0 : i64, tpu.core_type = #tpu.core_type<tc>, window_params = [{transform_indices = @transform_0, window_bounds = array<i64: 1, 3461, 16>}, {transform_indices = @transform_1, window_bounds = array<i64: 1, 3461, 16>}, {transform_indices = @transform_2, window_bounds = array<i64: 1, 3461, 16>}, {pipeline_mode = #tpu.pipeline_mode<synchronous>, transform_indices = @transform_3, window_bounds = array<i64: 432, 16>}, {transform_indices = @transform_4, window_bounds = array<i64: 1, 3461, 16>}]} {
    %broadcast_in_dim3A = arith.constant 0.000000e+00 : f32
    %broadcast_in_dim3A_0 = vector.broadcast %broadcast_in_dim3A : f32 to vector<3192x16xf32>
    %get3A = arith.constant 0 : index
    %get3A_1 = arith.constant 5 : index
    %get3A_2 = arith.constant 0 : index
    %get3A_3 = vector.load %arg1[%get3A, %get3A_1, %get3A_2] : memref<1x3461x16xf32, #tpu.memory_space<vmem>>, vector<1x3192x16xf32>
    %get3A_4 = vector.shape_cast %get3A_3 : vector<1x3192x16xf32> to vector<3192x16xf32>
    %get3A_5 = arith.constant 0 : index
    %get3A_6 = arith.constant 6 : index
    %get3A_7 = arith.constant 0 : index
    %get3A_8 = vector.load %arg1[%get3A_5, %get3A_6, %get3A_7] : memref<1x3461x16xf32, #tpu.memory_space<vmem>>, vector<1x3192x16xf32>
    %get3A_9 = vector.shape_cast %get3A_8 : vector<1x3192x16xf32> to vector<3192x16xf32>
    %get3A_10 = arith.constant 0 : index
    %get3A_11 = arith.constant 7 : index
    %get3A_12 = arith.constant 0 : index
    %get3A_13 = vector.load %arg1[%get3A_10, %get3A_11, %get3A_12] : memref<1x3461x16xf32, #tpu.memory_space<vmem>>, vector<1x3192x16xf32>
    %get3A_14 = vector.shape_cast %get3A_13 : vector<1x3192x16xf32> to vector<3192x16xf32>
    %get3A_15 = arith.constant 0 : index
    %get3A_16 = arith.constant 135 : index
    %get3A_17 = arith.constant 0 : index
    %get3A_18 = vector.load %arg1[%get3A_15, %get3A_16, %get3A_17] : memref<1x3461x16xf32, #tpu.memory_space<vmem>>, vector<1x3192x16xf32>
    %get3A_19 = vector.shape_cast %get3A_18 : vector<1x3192x16xf32> to vector<3192x16xf32>
    %get3A_20 = arith.constant 0 : index
    %get3A_21 = arith.constant 136 : index
    %get3A_22 = arith.constant 0 : index
    %get3A_23 = vector.load %arg1[%get3A_20, %get3A_21, %get3A_22] : memref<1x3461x16xf32, #tpu.memory_space<vmem>>, vector<1x3192x16xf32>
    %get3A_24 = vector.shape_cast %get3A_23 : vector<1x3192x16xf32> to vector<3192x16xf32>
    %get3A_25 = arith.constant 0 : index
    %get3A_26 = arith.constant 137 : index
    %get3A_27 = arith.constant 0 : index
    %get3A_28 = vector.load %arg1[%get3A_25, %get3A_26, %get3A_27] : memref<1x3461x16xf32, #tpu.memory_space<vmem>>, vector<1x3192x16xf32>
    %get3A_29 = vector.shape_cast %get3A_28 : vector<1x3192x16xf32> to vector<3192x16xf32>
    %get3A_30 = arith.constant 0 : index
    %get3A_31 = arith.constant 265 : index
    %get3A_32 = arith.constant 0 : index
    %get3A_33 = vector.load %arg1[%get3A_30, %get3A_31, %get3A_32] : memref<1x3461x16xf32, #tpu.memory_space<vmem>>, vector<1x3192x16xf32>
    %get3A_34 = vector.shape_cast %get3A_33 : vector<1x3192x16xf32> to vector<3192x16xf32>
    %get3A_35 = arith.constant 0 : index
    %get3A_36 = arith.constant 266 : index
    %get3A_37 = arith.constant 0 : index
    %get3A_38 = vector.load %arg1[%get3A_35, %get3A_36, %get3A_37] : memref<1x3461x16xf32, #tpu.memory_space<vmem>>, vector<1x3192x16xf32>
    %get3A_39 = vector.shape_cast %get3A_38 : vector<1x3192x16xf32> to vector<3192x16xf32>
    %concatenate3A = tpu.concatenate %get3A_4, %get3A_9, %get3A_14, %get3A_19, %get3A_24, %get3A_29, %get3A_34, %get3A_39 in 1 : vector<3192x16xf32>, vector<3192x16xf32>, vector<3192x16xf32>, vector<3192x16xf32>, vector<3192x16xf32>, vector<3192x16xf32>, vector<3192x16xf32>, vector<3192x16xf32> -> vector<3192x128xf32>
    %get3A_40 = arith.constant 0 : index
    %get3A_41 = arith.constant 0 : index
    %get3A_42 = vector.load %arg4[%get3A_40, %get3A_41] : memref<432x16xf32, #tpu.memory_space<vmem>>, vector<128x16xf32>
    %dot_general3A = arith.constant dense<0.000000e+00> : vector<3192x16xf32>
    %dot_general3A_43 = tpu.matmul %concatenate3A, %get3A_42, %dot_general3A {dimension_numbers = #tpu.dot_dimension_numbers<[1], [0], [0], [1], [0, 0, 1, 1], [], []>, transpose_lhs_hint = false} : vector<3192x128xf32>, vector<128x16xf32>, vector<3192x16xf32> -> vector<3192x16xf32>
    %add3A = arith.addf %broadcast_in_dim3A_0, %dot_general3A_43 : vector<3192x16xf32>
    %get3A_44 = arith.constant 0 : index
    %get3A_45 = arith.constant 267 : index
    %get3A_46 = arith.constant 0 : index
    %get3A_47 = vector.load %arg1[%get3A_44, %get3A_45, %get3A_46] : memref<1x3461x16xf32, #tpu.memory_space<vmem>>, vector<1x3192x16xf32>
    %get3A_48 = vector.shape_cast %get3A_47 : vector<1x3192x16xf32> to vector<3192x16xf32>
    %get3A_49 = arith.constant 128 : index
    %get3A_50 = arith.constant 0 : index
    %get3A_51 = vector.load %arg4[%get3A_49, %get3A_50] : memref<432x16xf32, #tpu.memory_space<vmem>>, vector<16x16xf32>
    %dot_general3A_52 = arith.constant dense<0.000000e+00> : vector<3192x16xf32>
    %dot_general3A_53 = tpu.matmul %get3A_48, %get3A_51, %dot_general3A_52 {dimension_numbers = #tpu.dot_dimension_numbers<[1], [0], [0], [1], [0, 0, 1, 1], [], []>, transpose_lhs_hint = false} : vector<3192x16xf32>, vector<16x16xf32>, vector<3192x16xf32> -> vector<3192x16xf32>
    %add3A_54 = arith.addf %add3A, %dot_general3A_53 : vector<3192x16xf32>
    %get3A_55 = arith.constant 0 : index
    %get3A_56 = arith.constant 5 : index
    %get3A_57 = arith.constant 0 : index
    %get3A_58 = vector.load %arg2[%get3A_55, %get3A_56, %get3A_57] : memref<1x3461x16xf32, #tpu.memory_space<vmem>>, vector<1x3192x16xf32>
    %get3A_59 = vector.shape_cast %get3A_58 : vector<1x3192x16xf32> to vector<3192x16xf32>
    %get3A_60 = arith.constant 0 : index
    %get3A_61 = arith.constant 6 : index
    %get3A_62 = arith.constant 0 : index
    %get3A_63 = vector.load %arg2[%get3A_60, %get3A_61, %get3A_62] : memref<1x3461x16xf32, #tpu.memory_space<vmem>>, vector<1x3192x16xf32>
    %get3A_64 = vector.shape_cast %get3A_63 : vector<1x3192x16xf32> to vector<3192x16xf32>
    %get3A_65 = arith.constant 0 : index
    %get3A_66 = arith.constant 7 : index
    %get3A_67 = arith.constant 0 : index
    %get3A_68 = vector.load %arg2[%get3A_65, %get3A_66, %get3A_67] : memref<1x3461x16xf32, #tpu.memory_space<vmem>>, vector<1x3192x16xf32>
    %get3A_69 = vector.shape_cast %get3A_68 : vector<1x3192x16xf32> to vector<3192x16xf32>
    %get3A_70 = arith.constant 0 : index
    %get3A_71 = arith.constant 135 : index
    %get3A_72 = arith.constant 0 : index
    %get3A_73 = vector.load %arg2[%get3A_70, %get3A_71, %get3A_72] : memref<1x3461x16xf32, #tpu.memory_space<vmem>>, vector<1x3192x16xf32>
    %get3A_74 = vector.shape_cast %get3A_73 : vector<1x3192x16xf32> to vector<3192x16xf32>
    %get3A_75 = arith.constant 0 : index
    %get3A_76 = arith.constant 136 : index
    %get3A_77 = arith.constant 0 : index
    %get3A_78 = vector.load %arg2[%get3A_75, %get3A_76, %get3A_77] : memref<1x3461x16xf32, #tpu.memory_space<vmem>>, vector<1x3192x16xf32>
    %get3A_79 = vector.shape_cast %get3A_78 : vector<1x3192x16xf32> to vector<3192x16xf32>
    %get3A_80 = arith.constant 0 : index
    %get3A_81 = arith.constant 137 : index
    %get3A_82 = arith.constant 0 : index
    %get3A_83 = vector.load %arg2[%get3A_80, %get3A_81, %get3A_82] : memref<1x3461x16xf32, #tpu.memory_space<vmem>>, vector<1x3192x16xf32>
    %get3A_84 = vector.shape_cast %get3A_83 : vector<1x3192x16xf32> to vector<3192x16xf32>
    %get3A_85 = arith.constant 0 : index
    %get3A_86 = arith.constant 265 : index
    %get3A_87 = arith.constant 0 : index
    %get3A_88 = vector.load %arg2[%get3A_85, %get3A_86, %get3A_87] : memref<1x3461x16xf32, #tpu.memory_space<vmem>>, vector<1x3192x16xf32>
    %get3A_89 = vector.shape_cast %get3A_88 : vector<1x3192x16xf32> to vector<3192x16xf32>
    %get3A_90 = arith.constant 0 : index
    %get3A_91 = arith.constant 266 : index
    %get3A_92 = arith.constant 0 : index
    %get3A_93 = vector.load %arg2[%get3A_90, %get3A_91, %get3A_92] : memref<1x3461x16xf32, #tpu.memory_space<vmem>>, vector<1x3192x16xf32>
    %get3A_94 = vector.shape_cast %get3A_93 : vector<1x3192x16xf32> to vector<3192x16xf32>
    %concatenate3A_95 = tpu.concatenate %get3A_59, %get3A_64, %get3A_69, %get3A_74, %get3A_79, %get3A_84, %get3A_89, %get3A_94 in 1 : vector<3192x16xf32>, vector<3192x16xf32>, vector<3192x16xf32>, vector<3192x16xf32>, vector<3192x16xf32>, vector<3192x16xf32>, vector<3192x16xf32>, vector<3192x16xf32> -> vector<3192x128xf32>
    %get3A_96 = arith.constant 144 : index
    %get3A_97 = arith.constant 0 : index
    %get3A_98 = vector.load %arg4[%get3A_96, %get3A_97] : memref<432x16xf32, #tpu.memory_space<vmem>>, vector<128x16xf32>
    %dot_general3A_99 = arith.constant dense<0.000000e+00> : vector<3192x16xf32>
    %dot_general3A_100 = tpu.matmul %concatenate3A_95, %get3A_98, %dot_general3A_99 {dimension_numbers = #tpu.dot_dimension_numbers<[1], [0], [0], [1], [0, 0, 1, 1], [], []>, transpose_lhs_hint = false} : vector<3192x128xf32>, vector<128x16xf32>, vector<3192x16xf32> -> vector<3192x16xf32>
    %add3A_101 = arith.addf %add3A_54, %dot_general3A_100 : vector<3192x16xf32>
    %get3A_102 = arith.constant 0 : index
    %get3A_103 = arith.constant 267 : index
    %get3A_104 = arith.constant 0 : index
    %get3A_105 = vector.load %arg2[%get3A_102, %get3A_103, %get3A_104] : memref<1x3461x16xf32, #tpu.memory_space<vmem>>, vector<1x3192x16xf32>
    %get3A_106 = vector.shape_cast %get3A_105 : vector<1x3192x16xf32> to vector<3192x16xf32>
    %get3A_107 = arith.constant 272 : index
    %get3A_108 = arith.constant 0 : index
    %get3A_109 = vector.load %arg4[%get3A_107, %get3A_108] : memref<432x16xf32, #tpu.memory_space<vmem>>, vector<16x16xf32>
    %dot_general3A_110 = arith.constant dense<0.000000e+00> : vector<3192x16xf32>
    %dot_general3A_111 = tpu.matmul %get3A_106, %get3A_109, %dot_general3A_110 {dimension_numbers = #tpu.dot_dimension_numbers<[1], [0], [0], [1], [0, 0, 1, 1], [], []>, transpose_lhs_hint = false} : vector<3192x16xf32>, vector<16x16xf32>, vector<3192x16xf32> -> vector<3192x16xf32>
    %add3A_112 = arith.addf %add3A_101, %dot_general3A_111 : vector<3192x16xf32>
    %get3A_113 = arith.constant 0 : index
    %get3A_114 = arith.constant 5 : index
    %get3A_115 = arith.constant 0 : index
    %get3A_116 = vector.load %arg3[%get3A_113, %get3A_114, %get3A_115] : memref<1x3461x16xf32, #tpu.memory_space<vmem>>, vector<1x3192x16xf32>
    %get3A_117 = vector.shape_cast %get3A_116 : vector<1x3192x16xf32> to vector<3192x16xf32>
    %get3A_118 = arith.constant 0 : index
    %get3A_119 = arith.constant 6 : index
    %get3A_120 = arith.constant 0 : index
    %get3A_121 = vector.load %arg3[%get3A_118, %get3A_119, %get3A_120] : memref<1x3461x16xf32, #tpu.memory_space<vmem>>, vector<1x3192x16xf32>
    %get3A_122 = vector.shape_cast %get3A_121 : vector<1x3192x16xf32> to vector<3192x16xf32>
    %get3A_123 = arith.constant 0 : index
    %get3A_124 = arith.constant 7 : index
    %get3A_125 = arith.constant 0 : index
    %get3A_126 = vector.load %arg3[%get3A_123, %get3A_124, %get3A_125] : memref<1x3461x16xf32, #tpu.memory_space<vmem>>, vector<1x3192x16xf32>
    %get3A_127 = vector.shape_cast %get3A_126 : vector<1x3192x16xf32> to vector<3192x16xf32>
    %get3A_128 = arith.constant 0 : index
    %get3A_129 = arith.constant 135 : index
    %get3A_130 = arith.constant 0 : index
    %get3A_131 = vector.load %arg3[%get3A_128, %get3A_129, %get3A_130] : memref<1x3461x16xf32, #tpu.memory_space<vmem>>, vector<1x3192x16xf32>
    %get3A_132 = vector.shape_cast %get3A_131 : vector<1x3192x16xf32> to vector<3192x16xf32>
    %get3A_133 = arith.constant 0 : index
    %get3A_134 = arith.constant 136 : index
    %get3A_135 = arith.constant 0 : index
    %get3A_136 = vector.load %arg3[%get3A_133, %get3A_134, %get3A_135] : memref<1x3461x16xf32, #tpu.memory_space<vmem>>, vector<1x3192x16xf32>
    %get3A_137 = vector.shape_cast %get3A_136 : vector<1x3192x16xf32> to vector<3192x16xf32>
    %get3A_138 = arith.constant 0 : index
    %get3A_139 = arith.constant 137 : index
    %get3A_140 = arith.constant 0 : index
    %get3A_141 = vector.load %arg3[%get3A_138, %get3A_139, %get3A_140] : memref<1x3461x16xf32, #tpu.memory_space<vmem>>, vector<1x3192x16xf32>
    %get3A_142 = vector.shape_cast %get3A_141 : vector<1x3192x16xf32> to vector<3192x16xf32>
    %get3A_143 = arith.constant 0 : index
    %get3A_144 = arith.constant 265 : index
    %get3A_145 = arith.constant 0 : index
    %get3A_146 = vector.load %arg3[%get3A_143, %get3A_144, %get3A_145] : memref<1x3461x16xf32, #tpu.memory_space<vmem>>, vector<1x3192x16xf32>
    %get3A_147 = vector.shape_cast %get3A_146 : vector<1x3192x16xf32> to vector<3192x16xf32>
    %get3A_148 = arith.constant 0 : index
    %get3A_149 = arith.constant 266 : index
    %get3A_150 = arith.constant 0 : index
    %get3A_151 = vector.load %arg3[%get3A_148, %get3A_149, %get3A_150] : memref<1x3461x16xf32, #tpu.memory_space<vmem>>, vector<1x3192x16xf32>
    %get3A_152 = vector.shape_cast %get3A_151 : vector<1x3192x16xf32> to vector<3192x16xf32>
    %concatenate3A_153 = tpu.concatenate %get3A_117, %get3A_122, %get3A_127, %get3A_132, %get3A_137, %get3A_142, %get3A_147, %get3A_152 in 1 : vector<3192x16xf32>, vector<3192x16xf32>, vector<3192x16xf32>, vector<3192x16xf32>, vector<3192x16xf32>, vector<3192x16xf32>, vector<3192x16xf32>, vector<3192x16xf32> -> vector<3192x128xf32>
    %get3A_154 = arith.constant 288 : index
    %get3A_155 = arith.constant 0 : index
    %get3A_156 = vector.load %arg4[%get3A_154, %get3A_155] : memref<432x16xf32, #tpu.memory_space<vmem>>, vector<128x16xf32>
    %dot_general3A_157 = arith.constant dense<0.000000e+00> : vector<3192x16xf32>
    %dot_general3A_158 = tpu.matmul %concatenate3A_153, %get3A_156, %dot_general3A_157 {dimension_numbers = #tpu.dot_dimension_numbers<[1], [0], [0], [1], [0, 0, 1, 1], [], []>, transpose_lhs_hint = false} : vector<3192x128xf32>, vector<128x16xf32>, vector<3192x16xf32> -> vector<3192x16xf32>
    %add3A_159 = arith.addf %add3A_112, %dot_general3A_158 : vector<3192x16xf32>
    %get3A_160 = arith.constant 0 : index
    %get3A_161 = arith.constant 267 : index
    %get3A_162 = arith.constant 0 : index
    %get3A_163 = vector.load %arg3[%get3A_160, %get3A_161, %get3A_162] : memref<1x3461x16xf32, #tpu.memory_space<vmem>>, vector<1x3192x16xf32>
    %get3A_164 = vector.shape_cast %get3A_163 : vector<1x3192x16xf32> to vector<3192x16xf32>
    %get3A_165 = arith.constant 416 : index
    %get3A_166 = arith.constant 0 : index
    %get3A_167 = vector.load %arg4[%get3A_165, %get3A_166] : memref<432x16xf32, #tpu.memory_space<vmem>>, vector<16x16xf32>
    %dot_general3A_168 = arith.constant dense<0.000000e+00> : vector<3192x16xf32>
    %dot_general3A_169 = tpu.matmul %get3A_164, %get3A_167, %dot_general3A_168 {dimension_numbers = #tpu.dot_dimension_numbers<[1], [0], [0], [1], [0, 0, 1, 1], [], []>, transpose_lhs_hint = false} : vector<3192x16xf32>, vector<16x16xf32>, vector<3192x16xf32> -> vector<3192x16xf32>
    %add3A_170 = arith.addf %add3A_159, %dot_general3A_169 : vector<3192x16xf32>
    %mul3A = arith.constant 0.999500393 : f32
    %mul3A_171 = vector.broadcast %mul3A : f32 to vector<3192x16xf32>
    %mul3A_172 = arith.mulf %add3A_170, %mul3A_171 : vector<3192x16xf32>
    %max3A = arith.constant 0.000000e+00 : f32
    %max3A_173 = vector.broadcast %max3A : f32 to vector<3192x16xf32>
    %max3A_174 = arith.maximumf %mul3A_172, %max3A_173 : vector<3192x16xf32>
    %broadcast_in_dim3A_175 = arith.constant 0.000000e+00 : f32
    %broadcast_in_dim3A_176 = vector.broadcast %broadcast_in_dim3A_175 : f32 to vector<136x16xf32>
    %swap3A = arith.constant 0 : index
    %swap3A_177 = arith.constant 0 : index
    %swap3A_178 = arith.constant 0 : index
    %swap3A_179 = vector.load %arg5[%swap3A, %swap3A_177, %swap3A_178] : memref<1x3461x16xf32, #tpu.memory_space<vmem>>, vector<1x136x16xf32>
    %swap3A_180 = vector.shape_cast %swap3A_179 : vector<1x136x16xf32> to vector<136x16xf32>
    %swap3A_181 = vector.shape_cast %broadcast_in_dim3A_176 : vector<136x16xf32> to vector<1x136x16xf32>
    tpu.vector_store %arg5[%swap3A, %swap3A_177, %swap3A_178], %swap3A_181 {strides = array<i32>} : memref<1x3461x16xf32, #tpu.memory_space<vmem>>, vector<1x136x16xf32>,
    %swap3A_182 = arith.constant 0 : index
    %swap3A_183 = arith.constant 136 : index
    %swap3A_184 = arith.constant 0 : index
    %swap3A_185 = vector.load %arg5[%swap3A_182, %swap3A_183, %swap3A_184] : memref<1x3461x16xf32, #tpu.memory_space<vmem>>, vector<1x3192x16xf32>
    %swap3A_186 = vector.shape_cast %swap3A_185 : vector<1x3192x16xf32> to vector<3192x16xf32>
    %swap3A_187 = vector.shape_cast %max3A_174 : vector<3192x16xf32> to vector<1x3192x16xf32>
    tpu.vector_store %arg5[%swap3A_182, %swap3A_183, %swap3A_184], %swap3A_187 {strides = array<i32>} : memref<1x3461x16xf32, #tpu.memory_space<vmem>>, vector<1x3192x16xf32>,
    %broadcast_in_dim3A_188 = arith.constant 0.000000e+00 : f32
    %broadcast_in_dim3A_189 = vector.broadcast %broadcast_in_dim3A_188 : f32 to vector<133x16xf32>
    %swap3A_190 = arith.constant 0 : index
    %swap3A_191 = arith.constant 3328 : index
    %swap3A_192 = arith.constant 0 : index
    %swap3A_193 = vector.load %arg5[%swap3A_190, %swap3A_191, %swap3A_192] : memref<1x3461x16xf32, #tpu.memory_space<vmem>>, vector<1x133x16xf32>
    %swap3A_194 = vector.shape_cast %swap3A_193 : vector<1x133x16xf32> to vector<133x16xf32>
    %swap3A_195 = vector.shape_cast %broadcast_in_dim3A_189 : vector<133x16xf32> to vector<1x133x16xf32>
    tpu.vector_store %arg5[%swap3A_190, %swap3A_191, %swap3A_192], %swap3A_195 {strides = array<i32>} : memref<1x3461x16xf32, #tpu.memory_space<vmem>>, vector<1x133x16xf32>,
    return
  }
  func.func @transform_0(%arg0: i32) -> (i32, i32, i32) {
    %c0_i32 = arith.constant 0 : i32
    %c0_i32_0 = arith.constant 0 : i32
    %c0_i32_1 = arith.constant 0 : i32
    return %arg0, %c0_i32, %c0_i32_0 : i32, i32, i32
  }
  func.func @transform_1(%arg0: i32) -> (i32, i32, i32) {
    %add3A = arith.constant 4 : i32
    %add3A_0 = arith.addi %arg0, %add3A : i32
    %c0_i32 = arith.constant 0 : i32
    %c0_i32_1 = arith.constant 0 : i32
    %c0_i32_2 = arith.constant 0 : i32
    return %add3A_0, %c0_i32, %c0_i32_1 : i32, i32, i32
  }
  func.func @transform_2(%arg0: i32) -> (i32, i32, i32) {
    %add3A = arith.constant 8 : i32
    %add3A_0 = arith.addi %arg0, %add3A : i32
    %c0_i32 = arith.constant 0 : i32
    %c0_i32_1 = arith.constant 0 : i32
    %c0_i32_2 = arith.constant 0 : i32
    return %add3A_0, %c0_i32, %c0_i32_1 : i32, i32, i32
  }
  func.func @transform_3(%arg0: i32) -> (i32, i32) {
    %c0_i32 = arith.constant 0 : i32
    %c0_i32_0 = arith.constant 0 : i32
    %c0_i32_1 = arith.constant 0 : i32
    return %c0_i32, %c0_i32_0 : i32, i32
  }
  func.func @transform_4(%arg0: i32) -> (i32, i32, i32) {
    %c0_i32 = arith.constant 0 : i32
    %c0_i32_0 = arith.constant 0 : i32
    %c0_i32_1 = arith.constant 0 : i32
    return %arg0, %c0_i32, %c0_i32_0 : i32, i32, i32
  }
}

module attributes {stable_mosaic.version = 14 : i64} {
  func.func @body(%arg0: i32, %arg1: memref<1x3461x17xf32, #tpu.memory_space<vmem>>, %arg2: memref<1x3461x17xf32, #tpu.memory_space<vmem>>, %arg3: memref<1x3461x17xf32, #tpu.memory_space<vmem>>, %arg4: memref<459x33xf32, #tpu.memory_space<vmem>>, %arg5: memref<1x3461x33xf32, #tpu.memory_space<vmem>>) attributes {dimension_semantics = [#tpu.dimension_semantics<arbitrary>], iteration_bounds = array<i64: 88>, scalar_prefetch = 0 : i64, scratch_operands = 0 : i64, tpu.core_type = #tpu.core_type<tc>, window_params = [{transform_indices = @transform_0, window_bounds = array<i64: 1, 3461, 17>}, {transform_indices = @transform_1, window_bounds = array<i64: 1, 3461, 17>}, {transform_indices = @transform_2, window_bounds = array<i64: 1, 3461, 17>}, {pipeline_mode = #tpu.pipeline_mode<synchronous>, transform_indices = @transform_3, window_bounds = array<i64: 459, 33>}, {transform_indices = @transform_4, window_bounds = array<i64: 1, 3461, 33>}]} {
    %broadcast_in_dim3A = arith.constant 0.000000e+00 : f32
    %broadcast_in_dim3A_0 = vector.broadcast %broadcast_in_dim3A : f32 to vector<3192x33xf32>
    %get3A = arith.constant 0 : index
    %get3A_1 = arith.constant 5 : index
    %get3A_2 = arith.constant 0 : index
    %get3A_3 = vector.load %arg1[%get3A, %get3A_1, %get3A_2] : memref<1x3461x17xf32, #tpu.memory_space<vmem>>, vector<1x3192x17xf32>
    %get3A_4 = vector.shape_cast %get3A_3 : vector<1x3192x17xf32> to vector<3192x17xf32>
    %get3A_5 = arith.constant 0 : index
    %get3A_6 = arith.constant 6 : index
    %get3A_7 = arith.constant 0 : index
    %get3A_8 = vector.load %arg1[%get3A_5, %get3A_6, %get3A_7] : memref<1x3461x17xf32, #tpu.memory_space<vmem>>, vector<1x3192x17xf32>
    %get3A_9 = vector.shape_cast %get3A_8 : vector<1x3192x17xf32> to vector<3192x17xf32>
    %get3A_10 = arith.constant 0 : index
    %get3A_11 = arith.constant 7 : index
    %get3A_12 = arith.constant 0 : index
    %get3A_13 = vector.load %arg1[%get3A_10, %get3A_11, %get3A_12] : memref<1x3461x17xf32, #tpu.memory_space<vmem>>, vector<1x3192x17xf32>
    %get3A_14 = vector.shape_cast %get3A_13 : vector<1x3192x17xf32> to vector<3192x17xf32>
    %get3A_15 = arith.constant 0 : index
    %get3A_16 = arith.constant 135 : index
    %get3A_17 = arith.constant 0 : index
    %get3A_18 = vector.load %arg1[%get3A_15, %get3A_16, %get3A_17] : memref<1x3461x17xf32, #tpu.memory_space<vmem>>, vector<1x3192x17xf32>
    %get3A_19 = vector.shape_cast %get3A_18 : vector<1x3192x17xf32> to vector<3192x17xf32>
    %get3A_20 = arith.constant 0 : index
    %get3A_21 = arith.constant 136 : index
    %get3A_22 = arith.constant 0 : index
    %get3A_23 = vector.load %arg1[%get3A_20, %get3A_21, %get3A_22] : memref<1x3461x17xf32, #tpu.memory_space<vmem>>, vector<1x3192x17xf32>
    %get3A_24 = vector.shape_cast %get3A_23 : vector<1x3192x17xf32> to vector<3192x17xf32>
    %get3A_25 = arith.constant 0 : index
    %get3A_26 = arith.constant 137 : index
    %get3A_27 = arith.constant 0 : index
    %get3A_28 = vector.load %arg1[%get3A_25, %get3A_26, %get3A_27] : memref<1x3461x17xf32, #tpu.memory_space<vmem>>, vector<1x3192x17xf32>
    %get3A_29 = vector.shape_cast %get3A_28 : vector<1x3192x17xf32> to vector<3192x17xf32>
    %get3A_30 = arith.constant 0 : index
    %get3A_31 = arith.constant 265 : index
    %get3A_32 = arith.constant 0 : index
    %get3A_33 = vector.load %arg1[%get3A_30, %get3A_31, %get3A_32] : memref<1x3461x17xf32, #tpu.memory_space<vmem>>, vector<1x3192x17xf32>
    %get3A_34 = vector.shape_cast %get3A_33 : vector<1x3192x17xf32> to vector<3192x17xf32>
    %concatenate3A = tpu.concatenate %get3A_4, %get3A_9, %get3A_14, %get3A_19, %get3A_24, %get3A_29, %get3A_34 in 1 : vector<3192x17xf32>, vector<3192x17xf32>, vector<3192x17xf32>, vector<3192x17xf32>, vector<3192x17xf32>, vector<3192x17xf32>, vector<3192x17xf32> -> vector<3192x119xf32>
    %get3A_35 = arith.constant 0 : index
    %get3A_36 = arith.constant 0 : index
    %get3A_37 = vector.load %arg4[%get3A_35, %get3A_36] : memref<459x33xf32, #tpu.memory_space<vmem>>, vector<119x33xf32>
    %dot_general3A = arith.constant dense<0.000000e+00> : vector<3192x33xf32>
    %dot_general3A_38 = tpu.matmul %concatenate3A, %get3A_37, %dot_general3A {dimension_numbers = #tpu.dot_dimension_numbers<[1], [0], [0], [1], [0, 0, 1, 1], [], []>, transpose_lhs_hint = false} : vector<3192x119xf32>, vector<119x33xf32>, vector<3192x33xf32> -> vector<3192x33xf32>
    %add3A = arith.addf %broadcast_in_dim3A_0, %dot_general3A_38 : vector<3192x33xf32>
    %get3A_39 = arith.constant 0 : index
    %get3A_40 = arith.constant 266 : index
    %get3A_41 = arith.constant 0 : index
    %get3A_42 = vector.load %arg1[%get3A_39, %get3A_40, %get3A_41] : memref<1x3461x17xf32, #tpu.memory_space<vmem>>, vector<1x3192x17xf32>
    %get3A_43 = vector.shape_cast %get3A_42 : vector<1x3192x17xf32> to vector<3192x17xf32>
    %get3A_44 = arith.constant 0 : index
    %get3A_45 = arith.constant 267 : index
    %get3A_46 = arith.constant 0 : index
    %get3A_47 = vector.load %arg1[%get3A_44, %get3A_45, %get3A_46] : memref<1x3461x17xf32, #tpu.memory_space<vmem>>, vector<1x3192x17xf32>
    %get3A_48 = vector.shape_cast %get3A_47 : vector<1x3192x17xf32> to vector<3192x17xf32>
    %concatenate3A_49 = tpu.concatenate %get3A_43, %get3A_48 in 1 : vector<3192x17xf32>, vector<3192x17xf32> -> vector<3192x34xf32>
    %get3A_50 = arith.constant 119 : index
    %get3A_51 = arith.constant 0 : index
    %get3A_52 = vector.load %arg4[%get3A_50, %get3A_51] : memref<459x33xf32, #tpu.memory_space<vmem>>, vector<34x33xf32>
    %dot_general3A_53 = arith.constant dense<0.000000e+00> : vector<3192x33xf32>
    %dot_general3A_54 = tpu.matmul %concatenate3A_49, %get3A_52, %dot_general3A_53 {dimension_numbers = #tpu.dot_dimension_numbers<[1], [0], [0], [1], [0, 0, 1, 1], [], []>, transpose_lhs_hint = false} : vector<3192x34xf32>, vector<34x33xf32>, vector<3192x33xf32> -> vector<3192x33xf32>
    %add3A_55 = arith.addf %add3A, %dot_general3A_54 : vector<3192x33xf32>
    %get3A_56 = arith.constant 0 : index
    %get3A_57 = arith.constant 5 : index
    %get3A_58 = arith.constant 0 : index
    %get3A_59 = vector.load %arg2[%get3A_56, %get3A_57, %get3A_58] : memref<1x3461x17xf32, #tpu.memory_space<vmem>>, vector<1x3192x17xf32>
    %get3A_60 = vector.shape_cast %get3A_59 : vector<1x3192x17xf32> to vector<3192x17xf32>
    %get3A_61 = arith.constant 0 : index
    %get3A_62 = arith.constant 6 : index
    %get3A_63 = arith.constant 0 : index
    %get3A_64 = vector.load %arg2[%get3A_61, %get3A_62, %get3A_63] : memref<1x3461x17xf32, #tpu.memory_space<vmem>>, vector<1x3192x17xf32>
    %get3A_65 = vector.shape_cast %get3A_64 : vector<1x3192x17xf32> to vector<3192x17xf32>
    %get3A_66 = arith.constant 0 : index
    %get3A_67 = arith.constant 7 : index
    %get3A_68 = arith.constant 0 : index
    %get3A_69 = vector.load %arg2[%get3A_66, %get3A_67, %get3A_68] : memref<1x3461x17xf32, #tpu.memory_space<vmem>>, vector<1x3192x17xf32>
    %get3A_70 = vector.shape_cast %get3A_69 : vector<1x3192x17xf32> to vector<3192x17xf32>
    %get3A_71 = arith.constant 0 : index
    %get3A_72 = arith.constant 135 : index
    %get3A_73 = arith.constant 0 : index
    %get3A_74 = vector.load %arg2[%get3A_71, %get3A_72, %get3A_73] : memref<1x3461x17xf32, #tpu.memory_space<vmem>>, vector<1x3192x17xf32>
    %get3A_75 = vector.shape_cast %get3A_74 : vector<1x3192x17xf32> to vector<3192x17xf32>
    %get3A_76 = arith.constant 0 : index
    %get3A_77 = arith.constant 136 : index
    %get3A_78 = arith.constant 0 : index
    %get3A_79 = vector.load %arg2[%get3A_76, %get3A_77, %get3A_78] : memref<1x3461x17xf32, #tpu.memory_space<vmem>>, vector<1x3192x17xf32>
    %get3A_80 = vector.shape_cast %get3A_79 : vector<1x3192x17xf32> to vector<3192x17xf32>
    %get3A_81 = arith.constant 0 : index
    %get3A_82 = arith.constant 137 : index
    %get3A_83 = arith.constant 0 : index
    %get3A_84 = vector.load %arg2[%get3A_81, %get3A_82, %get3A_83] : memref<1x3461x17xf32, #tpu.memory_space<vmem>>, vector<1x3192x17xf32>
    %get3A_85 = vector.shape_cast %get3A_84 : vector<1x3192x17xf32> to vector<3192x17xf32>
    %get3A_86 = arith.constant 0 : index
    %get3A_87 = arith.constant 265 : index
    %get3A_88 = arith.constant 0 : index
    %get3A_89 = vector.load %arg2[%get3A_86, %get3A_87, %get3A_88] : memref<1x3461x17xf32, #tpu.memory_space<vmem>>, vector<1x3192x17xf32>
    %get3A_90 = vector.shape_cast %get3A_89 : vector<1x3192x17xf32> to vector<3192x17xf32>
    %concatenate3A_91 = tpu.concatenate %get3A_60, %get3A_65, %get3A_70, %get3A_75, %get3A_80, %get3A_85, %get3A_90 in 1 : vector<3192x17xf32>, vector<3192x17xf32>, vector<3192x17xf32>, vector<3192x17xf32>, vector<3192x17xf32>, vector<3192x17xf32>, vector<3192x17xf32> -> vector<3192x119xf32>
    %get3A_92 = arith.constant 153 : index
    %get3A_93 = arith.constant 0 : index
    %get3A_94 = vector.load %arg4[%get3A_92, %get3A_93] : memref<459x33xf32, #tpu.memory_space<vmem>>, vector<119x33xf32>
    %dot_general3A_95 = arith.constant dense<0.000000e+00> : vector<3192x33xf32>
    %dot_general3A_96 = tpu.matmul %concatenate3A_91, %get3A_94, %dot_general3A_95 {dimension_numbers = #tpu.dot_dimension_numbers<[1], [0], [0], [1], [0, 0, 1, 1], [], []>, transpose_lhs_hint = false} : vector<3192x119xf32>, vector<119x33xf32>, vector<3192x33xf32> -> vector<3192x33xf32>
    %add3A_97 = arith.addf %add3A_55, %dot_general3A_96 : vector<3192x33xf32>
    %get3A_98 = arith.constant 0 : index
    %get3A_99 = arith.constant 266 : index
    %get3A_100 = arith.constant 0 : index
    %get3A_101 = vector.load %arg2[%get3A_98, %get3A_99, %get3A_100] : memref<1x3461x17xf32, #tpu.memory_space<vmem>>, vector<1x3192x17xf32>
    %get3A_102 = vector.shape_cast %get3A_101 : vector<1x3192x17xf32> to vector<3192x17xf32>
    %get3A_103 = arith.constant 0 : index
    %get3A_104 = arith.constant 267 : index
    %get3A_105 = arith.constant 0 : index
    %get3A_106 = vector.load %arg2[%get3A_103, %get3A_104, %get3A_105] : memref<1x3461x17xf32, #tpu.memory_space<vmem>>, vector<1x3192x17xf32>
    %get3A_107 = vector.shape_cast %get3A_106 : vector<1x3192x17xf32> to vector<3192x17xf32>
    %concatenate3A_108 = tpu.concatenate %get3A_102, %get3A_107 in 1 : vector<3192x17xf32>, vector<3192x17xf32> -> vector<3192x34xf32>
    %get3A_109 = arith.constant 272 : index
    %get3A_110 = arith.constant 0 : index
    %get3A_111 = vector.load %arg4[%get3A_109, %get3A_110] : memref<459x33xf32, #tpu.memory_space<vmem>>, vector<34x33xf32>
    %dot_general3A_112 = arith.constant dense<0.000000e+00> : vector<3192x33xf32>
    %dot_general3A_113 = tpu.matmul %concatenate3A_108, %get3A_111, %dot_general3A_112 {dimension_numbers = #tpu.dot_dimension_numbers<[1], [0], [0], [1], [0, 0, 1, 1], [], []>, transpose_lhs_hint = false} : vector<3192x34xf32>, vector<34x33xf32>, vector<3192x33xf32> -> vector<3192x33xf32>
    %add3A_114 = arith.addf %add3A_97, %dot_general3A_113 : vector<3192x33xf32>
    %get3A_115 = arith.constant 0 : index
    %get3A_116 = arith.constant 5 : index
    %get3A_117 = arith.constant 0 : index
    %get3A_118 = vector.load %arg3[%get3A_115, %get3A_116, %get3A_117] : memref<1x3461x17xf32, #tpu.memory_space<vmem>>, vector<1x3192x17xf32>
    %get3A_119 = vector.shape_cast %get3A_118 : vector<1x3192x17xf32> to vector<3192x17xf32>
    %get3A_120 = arith.constant 0 : index
    %get3A_121 = arith.constant 6 : index
    %get3A_122 = arith.constant 0 : index
    %get3A_123 = vector.load %arg3[%get3A_120, %get3A_121, %get3A_122] : memref<1x3461x17xf32, #tpu.memory_space<vmem>>, vector<1x3192x17xf32>
    %get3A_124 = vector.shape_cast %get3A_123 : vector<1x3192x17xf32> to vector<3192x17xf32>
    %get3A_125 = arith.constant 0 : index
    %get3A_126 = arith.constant 7 : index
    %get3A_127 = arith.constant 0 : index
    %get3A_128 = vector.load %arg3[%get3A_125, %get3A_126, %get3A_127] : memref<1x3461x17xf32, #tpu.memory_space<vmem>>, vector<1x3192x17xf32>
    %get3A_129 = vector.shape_cast %get3A_128 : vector<1x3192x17xf32> to vector<3192x17xf32>
    %get3A_130 = arith.constant 0 : index
    %get3A_131 = arith.constant 135 : index
    %get3A_132 = arith.constant 0 : index
    %get3A_133 = vector.load %arg3[%get3A_130, %get3A_131, %get3A_132] : memref<1x3461x17xf32, #tpu.memory_space<vmem>>, vector<1x3192x17xf32>
    %get3A_134 = vector.shape_cast %get3A_133 : vector<1x3192x17xf32> to vector<3192x17xf32>
    %get3A_135 = arith.constant 0 : index
    %get3A_136 = arith.constant 136 : index
    %get3A_137 = arith.constant 0 : index
    %get3A_138 = vector.load %arg3[%get3A_135, %get3A_136, %get3A_137] : memref<1x3461x17xf32, #tpu.memory_space<vmem>>, vector<1x3192x17xf32>
    %get3A_139 = vector.shape_cast %get3A_138 : vector<1x3192x17xf32> to vector<3192x17xf32>
    %get3A_140 = arith.constant 0 : index
    %get3A_141 = arith.constant 137 : index
    %get3A_142 = arith.constant 0 : index
    %get3A_143 = vector.load %arg3[%get3A_140, %get3A_141, %get3A_142] : memref<1x3461x17xf32, #tpu.memory_space<vmem>>, vector<1x3192x17xf32>
    %get3A_144 = vector.shape_cast %get3A_143 : vector<1x3192x17xf32> to vector<3192x17xf32>
    %get3A_145 = arith.constant 0 : index
    %get3A_146 = arith.constant 265 : index
    %get3A_147 = arith.constant 0 : index
    %get3A_148 = vector.load %arg3[%get3A_145, %get3A_146, %get3A_147] : memref<1x3461x17xf32, #tpu.memory_space<vmem>>, vector<1x3192x17xf32>
    %get3A_149 = vector.shape_cast %get3A_148 : vector<1x3192x17xf32> to vector<3192x17xf32>
    %concatenate3A_150 = tpu.concatenate %get3A_119, %get3A_124, %get3A_129, %get3A_134, %get3A_139, %get3A_144, %get3A_149 in 1 : vector<3192x17xf32>, vector<3192x17xf32>, vector<3192x17xf32>, vector<3192x17xf32>, vector<3192x17xf32>, vector<3192x17xf32>, vector<3192x17xf32> -> vector<3192x119xf32>
    %get3A_151 = arith.constant 306 : index
    %get3A_152 = arith.constant 0 : index
    %get3A_153 = vector.load %arg4[%get3A_151, %get3A_152] : memref<459x33xf32, #tpu.memory_space<vmem>>, vector<119x33xf32>
    %dot_general3A_154 = arith.constant dense<0.000000e+00> : vector<3192x33xf32>
    %dot_general3A_155 = tpu.matmul %concatenate3A_150, %get3A_153, %dot_general3A_154 {dimension_numbers = #tpu.dot_dimension_numbers<[1], [0], [0], [1], [0, 0, 1, 1], [], []>, transpose_lhs_hint = false} : vector<3192x119xf32>, vector<119x33xf32>, vector<3192x33xf32> -> vector<3192x33xf32>
    %add3A_156 = arith.addf %add3A_114, %dot_general3A_155 : vector<3192x33xf32>
    %get3A_157 = arith.constant 0 : index
    %get3A_158 = arith.constant 266 : index
    %get3A_159 = arith.constant 0 : index
    %get3A_160 = vector.load %arg3[%get3A_157, %get3A_158, %get3A_159] : memref<1x3461x17xf32, #tpu.memory_space<vmem>>, vector<1x3192x17xf32>
    %get3A_161 = vector.shape_cast %get3A_160 : vector<1x3192x17xf32> to vector<3192x17xf32>
    %get3A_162 = arith.constant 0 : index
    %get3A_163 = arith.constant 267 : index
    %get3A_164 = arith.constant 0 : index
    %get3A_165 = vector.load %arg3[%get3A_162, %get3A_163, %get3A_164] : memref<1x3461x17xf32, #tpu.memory_space<vmem>>, vector<1x3192x17xf32>
    %get3A_166 = vector.shape_cast %get3A_165 : vector<1x3192x17xf32> to vector<3192x17xf32>
    %concatenate3A_167 = tpu.concatenate %get3A_161, %get3A_166 in 1 : vector<3192x17xf32>, vector<3192x17xf32> -> vector<3192x34xf32>
    %get3A_168 = arith.constant 425 : index
    %get3A_169 = arith.constant 0 : index
    %get3A_170 = vector.load %arg4[%get3A_168, %get3A_169] : memref<459x33xf32, #tpu.memory_space<vmem>>, vector<34x33xf32>
    %dot_general3A_171 = arith.constant dense<0.000000e+00> : vector<3192x33xf32>
    %dot_general3A_172 = tpu.matmul %concatenate3A_167, %get3A_170, %dot_general3A_171 {dimension_numbers = #tpu.dot_dimension_numbers<[1], [0], [0], [1], [0, 0, 1, 1], [], []>, transpose_lhs_hint = false} : vector<3192x34xf32>, vector<34x33xf32>, vector<3192x33xf32> -> vector<3192x33xf32>
    %add3A_173 = arith.addf %add3A_156, %dot_general3A_172 : vector<3192x33xf32>
    %mul3A = arith.constant 0.999500393 : f32
    %mul3A_174 = vector.broadcast %mul3A : f32 to vector<3192x33xf32>
    %mul3A_175 = arith.mulf %add3A_173, %mul3A_174 : vector<3192x33xf32>
    %max3A = arith.constant 0.000000e+00 : f32
    %max3A_176 = vector.broadcast %max3A : f32 to vector<3192x33xf32>
    %max3A_177 = arith.maximumf %mul3A_175, %max3A_176 : vector<3192x33xf32>
    %broadcast_in_dim3A_178 = arith.constant 0.000000e+00 : f32
    %broadcast_in_dim3A_179 = vector.broadcast %broadcast_in_dim3A_178 : f32 to vector<136x33xf32>
    %swap3A = arith.constant 0 : index
    %swap3A_180 = arith.constant 0 : index
    %swap3A_181 = arith.constant 0 : index
    %swap3A_182 = vector.load %arg5[%swap3A, %swap3A_180, %swap3A_181] : memref<1x3461x33xf32, #tpu.memory_space<vmem>>, vector<1x136x33xf32>
    %swap3A_183 = vector.shape_cast %swap3A_182 : vector<1x136x33xf32> to vector<136x33xf32>
    %swap3A_184 = vector.shape_cast %broadcast_in_dim3A_179 : vector<136x33xf32> to vector<1x136x33xf32>
    tpu.vector_store %arg5[%swap3A, %swap3A_180, %swap3A_181], %swap3A_184 {strides = array<i32>} : memref<1x3461x33xf32, #tpu.memory_space<vmem>>, vector<1x136x33xf32>,
    %swap3A_185 = arith.constant 0 : index
    %swap3A_186 = arith.constant 136 : index
    %swap3A_187 = arith.constant 0 : index
    %swap3A_188 = vector.load %arg5[%swap3A_185, %swap3A_186, %swap3A_187] : memref<1x3461x33xf32, #tpu.memory_space<vmem>>, vector<1x3192x33xf32>
    %swap3A_189 = vector.shape_cast %swap3A_188 : vector<1x3192x33xf32> to vector<3192x33xf32>
    %swap3A_190 = vector.shape_cast %max3A_177 : vector<3192x33xf32> to vector<1x3192x33xf32>
    tpu.vector_store %arg5[%swap3A_185, %swap3A_186, %swap3A_187], %swap3A_190 {strides = array<i32>} : memref<1x3461x33xf32, #tpu.memory_space<vmem>>, vector<1x3192x33xf32>,
    %broadcast_in_dim3A_191 = arith.constant 0.000000e+00 : f32
    %broadcast_in_dim3A_192 = vector.broadcast %broadcast_in_dim3A_191 : f32 to vector<133x33xf32>
    %swap3A_193 = arith.constant 0 : index
    %swap3A_194 = arith.constant 3328 : index
    %swap3A_195 = arith.constant 0 : index
    %swap3A_196 = vector.load %arg5[%swap3A_193, %swap3A_194, %swap3A_195] : memref<1x3461x33xf32, #tpu.memory_space<vmem>>, vector<1x133x33xf32>
    %swap3A_197 = vector.shape_cast %swap3A_196 : vector<1x133x33xf32> to vector<133x33xf32>
    %swap3A_198 = vector.shape_cast %broadcast_in_dim3A_192 : vector<133x33xf32> to vector<1x133x33xf32>
    tpu.vector_store %arg5[%swap3A_193, %swap3A_194, %swap3A_195], %swap3A_198 {strides = array<i32>} : memref<1x3461x33xf32, #tpu.memory_space<vmem>>, vector<1x133x33xf32>,
    return
  }
  func.func @transform_0(%arg0: i32) -> (i32, i32, i32) {
    %c0_i32 = arith.constant 0 : i32
    %c0_i32_0 = arith.constant 0 : i32
    %c0_i32_1 = arith.constant 0 : i32
    return %arg0, %c0_i32, %c0_i32_0 : i32, i32, i32
  }
  func.func @transform_1(%arg0: i32) -> (i32, i32, i32) {
    %add3A = arith.constant 4 : i32
    %add3A_0 = arith.addi %arg0, %add3A : i32
    %c0_i32 = arith.constant 0 : i32
    %c0_i32_1 = arith.constant 0 : i32
    %c0_i32_2 = arith.constant 0 : i32
    return %add3A_0, %c0_i32, %c0_i32_1 : i32, i32, i32
  }
  func.func @transform_2(%arg0: i32) -> (i32, i32, i32) {
    %add3A = arith.constant 8 : i32
    %add3A_0 = arith.addi %arg0, %add3A : i32
    %c0_i32 = arith.constant 0 : i32
    %c0_i32_1 = arith.constant 0 : i32
    %c0_i32_2 = arith.constant 0 : i32
    return %add3A_0, %c0_i32, %c0_i32_1 : i32, i32, i32
  }
  func.func @transform_3(%arg0: i32) -> (i32, i32) {
    %c0_i32 = arith.constant 0 : i32
    %c0_i32_0 = arith.constant 0 : i32
    %c0_i32_1 = arith.constant 0 : i32
    return %c0_i32, %c0_i32_0 : i32, i32
  }
  func.func @transform_4(%arg0: i32) -> (i32, i32, i32) {
    %c0_i32 = arith.constant 0 : i32
    %c0_i32_0 = arith.constant 0 : i32
    %c0_i32_1 = arith.constant 0 : i32
    return %arg0, %c0_i32, %c0_i32_0 : i32, i32, i32
  }
}

module attributes {stable_mosaic.version = 14 : i64} {
  func.func @body(%arg0: i32, %arg1: memref<55296x32xf32, #tpu.memory_space<vmem>>, %arg2: memref<864x32xf32, #tpu.memory_space<vmem>>, %arg3: memref<1024x1xf32, #tpu.memory_space<vmem>>, %arg4: memref<1024x32xf32, #tpu.memory_space<vmem>>) attributes {dimension_semantics = [#tpu.dimension_semantics<arbitrary>], iteration_bounds = array<i64: 46>, scalar_prefetch = 0 : i64, scratch_operands = 0 : i64, tpu.core_type = #tpu.core_type<tc>, window_params = [{pipeline_mode = #tpu.pipeline_mode<synchronous>, transform_indices = @transform_0, window_bounds = array<i64: 55296, 32>}, {pipeline_mode = #tpu.pipeline_mode<synchronous>, transform_indices = @transform_1, window_bounds = array<i64: 864, 32>}, {transform_indices = @transform_2, window_bounds = array<i64: 1024, 1>}, {transform_indices = @transform_3, window_bounds = array<i64: 1024, 32>}]} {
    %mul3A = arith.constant 1024 : i32
    %mul3A_0 = arith.muli %arg0, %mul3A : i32
    %add3A = arith.constant 4096 : i32
    %add3A_1 = arith.addi %mul3A_0, %add3A : i32
    %broadcast_in_dim3A = arith.constant 0.000000e+00 : f32
    %broadcast_in_dim3A_2 = vector.broadcast %broadcast_in_dim3A : f32 to vector<1024x32xf32>
    %add3A_3 = arith.constant -3367 : i32
    %add3A_4 = arith.addi %add3A_1, %add3A_3 : i32
    %get3A = arith.index_cast %add3A_4 : i32 to index
    %get3A_5 = arith.constant 0 : index
    %get3A_6 = vector.load %arg1[%get3A, %get3A_5] : memref<55296x32xf32, #tpu.memory_space<vmem>>, vector<1024x32xf32>
    %add3A_7 = arith.constant -3366 : i32
    %add3A_8 = arith.addi %add3A_1, %add3A_7 : i32
    %get3A_9 = arith.index_cast %add3A_8 : i32 to index
    %get3A_10 = arith.constant 0 : index
    %get3A_11 = vector.load %arg1[%get3A_9, %get3A_10] : memref<55296x32xf32, #tpu.memory_space<vmem>>, vector<1024x32xf32>
    %add3A_12 = arith.constant -3365 : i32
    %add3A_13 = arith.addi %add3A_1, %add3A_12 : i32
    %get3A_14 = arith.index_cast %add3A_13 : i32 to index
    %get3A_15 = arith.constant 0 : index
    %get3A_16 = vector.load %arg1[%get3A_14, %get3A_15] : memref<55296x32xf32, #tpu.memory_space<vmem>>, vector<1024x32xf32>
    %add3A_17 = arith.constant -3301 : i32
    %add3A_18 = arith.addi %add3A_1, %add3A_17 : i32
    %get3A_19 = arith.index_cast %add3A_18 : i32 to index
    %get3A_20 = arith.constant 0 : index
    %get3A_21 = vector.load %arg1[%get3A_19, %get3A_20] : memref<55296x32xf32, #tpu.memory_space<vmem>>, vector<1024x32xf32>
    %concatenate3A = tpu.concatenate %get3A_6, %get3A_11, %get3A_16, %get3A_21 in 1 : vector<1024x32xf32>, vector<1024x32xf32>, vector<1024x32xf32>, vector<1024x32xf32> -> vector<1024x128xf32>
    %get3A_22 = arith.constant 0 : index
    %get3A_23 = arith.constant 0 : index
    %get3A_24 = vector.load %arg2[%get3A_22, %get3A_23] : memref<864x32xf32, #tpu.memory_space<vmem>>, vector<128x32xf32>
    %dot_general3A = arith.constant dense<0.000000e+00> : vector<1024x32xf32>
    %dot_general3A_25 = tpu.matmul %concatenate3A, %get3A_24, %dot_general3A {dimension_numbers = #tpu.dot_dimension_numbers<[1], [0], [0], [1], [0, 0, 1, 1], [], []>, transpose_lhs_hint = false} : vector<1024x128xf32>, vector<128x32xf32>, vector<1024x32xf32> -> vector<1024x32xf32>
    %add3A_26 = arith.addf %broadcast_in_dim3A_2, %dot_general3A_25 : vector<1024x32xf32>
    %add3A_27 = arith.constant -3300 : i32
    %add3A_28 = arith.addi %add3A_1, %add3A_27 : i32
    %get3A_29 = arith.index_cast %add3A_28 : i32 to index
    %get3A_30 = arith.constant 0 : index
    %get3A_31 = vector.load %arg1[%get3A_29, %get3A_30] : memref<55296x32xf32, #tpu.memory_space<vmem>>, vector<1024x32xf32>
    %add3A_32 = arith.constant -3299 : i32
    %add3A_33 = arith.addi %add3A_1, %add3A_32 : i32
    %get3A_34 = arith.index_cast %add3A_33 : i32 to index
    %get3A_35 = arith.constant 0 : index
    %get3A_36 = vector.load %arg1[%get3A_34, %get3A_35] : memref<55296x32xf32, #tpu.memory_space<vmem>>, vector<1024x32xf32>
    %add3A_37 = arith.constant -3235 : i32
    %add3A_38 = arith.addi %add3A_1, %add3A_37 : i32
    %get3A_39 = arith.index_cast %add3A_38 : i32 to index
    %get3A_40 = arith.constant 0 : index
    %get3A_41 = vector.load %arg1[%get3A_39, %get3A_40] : memref<55296x32xf32, #tpu.memory_space<vmem>>, vector<1024x32xf32>
    %add3A_42 = arith.constant -3234 : i32
    %add3A_43 = arith.addi %add3A_1, %add3A_42 : i32
    %get3A_44 = arith.index_cast %add3A_43 : i32 to index
    %get3A_45 = arith.constant 0 : index
    %get3A_46 = vector.load %arg1[%get3A_44, %get3A_45] : memref<55296x32xf32, #tpu.memory_space<vmem>>, vector<1024x32xf32>
    %concatenate3A_47 = tpu.concatenate %get3A_31, %get3A_36, %get3A_41, %get3A_46 in 1 : vector<1024x32xf32>, vector<1024x32xf32>, vector<1024x32xf32>, vector<1024x32xf32> -> vector<1024x128xf32>
    %get3A_48 = arith.constant 128 : index
    %get3A_49 = arith.constant 0 : index
    %get3A_50 = vector.load %arg2[%get3A_48, %get3A_49] : memref<864x32xf32, #tpu.memory_space<vmem>>, vector<128x32xf32>
    %dot_general3A_51 = arith.constant dense<0.000000e+00> : vector<1024x32xf32>
    %dot_general3A_52 = tpu.matmul %concatenate3A_47, %get3A_50, %dot_general3A_51 {dimension_numbers = #tpu.dot_dimension_numbers<[1], [0], [0], [1], [0, 0, 1, 1], [], []>, transpose_lhs_hint = false} : vector<1024x128xf32>, vector<128x32xf32>, vector<1024x32xf32> -> vector<1024x32xf32>
    %add3A_53 = arith.addf %add3A_26, %dot_general3A_52 : vector<1024x32xf32>
    %add3A_54 = arith.constant -3233 : i32
    %add3A_55 = arith.addi %add3A_1, %add3A_54 : i32
    %get3A_56 = arith.index_cast %add3A_55 : i32 to index
    %get3A_57 = arith.constant 0 : index
    %get3A_58 = vector.load %arg1[%get3A_56, %get3A_57] : memref<55296x32xf32, #tpu.memory_space<vmem>>, vector<1024x32xf32>
    %add3A_59 = arith.constant -67 : i32
    %add3A_60 = arith.addi %add3A_1, %add3A_59 : i32
    %get3A_61 = arith.index_cast %add3A_60 : i32 to index
    %get3A_62 = arith.constant 0 : index
    %get3A_63 = vector.load %arg1[%get3A_61, %get3A_62] : memref<55296x32xf32, #tpu.memory_space<vmem>>, vector<1024x32xf32>
    %add3A_64 = arith.constant -66 : i32
    %add3A_65 = arith.addi %add3A_1, %add3A_64 : i32
    %get3A_66 = arith.index_cast %add3A_65 : i32 to index
    %get3A_67 = arith.constant 0 : index
    %get3A_68 = vector.load %arg1[%get3A_66, %get3A_67] : memref<55296x32xf32, #tpu.memory_space<vmem>>, vector<1024x32xf32>
    %add3A_69 = arith.constant -65 : i32
    %add3A_70 = arith.addi %add3A_1, %add3A_69 : i32
    %get3A_71 = arith.index_cast %add3A_70 : i32 to index
    %get3A_72 = arith.constant 0 : index
    %get3A_73 = vector.load %arg1[%get3A_71, %get3A_72] : memref<55296x32xf32, #tpu.memory_space<vmem>>, vector<1024x32xf32>
    %concatenate3A_74 = tpu.concatenate %get3A_58, %get3A_63, %get3A_68, %get3A_73 in 1 : vector<1024x32xf32>, vector<1024x32xf32>, vector<1024x32xf32>, vector<1024x32xf32> -> vector<1024x128xf32>
    %get3A_75 = arith.constant 256 : index
    %get3A_76 = arith.constant 0 : index
    %get3A_77 = vector.load %arg2[%get3A_75, %get3A_76] : memref<864x32xf32, #tpu.memory_space<vmem>>, vector<128x32xf32>
    %dot_general3A_78 = arith.constant dense<0.000000e+00> : vector<1024x32xf32>
    %dot_general3A_79 = tpu.matmul %concatenate3A_74, %get3A_77, %dot_general3A_78 {dimension_numbers = #tpu.dot_dimension_numbers<[1], [0], [0], [1], [0, 0, 1, 1], [], []>, transpose_lhs_hint = false} : vector<1024x128xf32>, vector<128x32xf32>, vector<1024x32xf32> -> vector<1024x32xf32>
    %add3A_80 = arith.addf %add3A_53, %dot_general3A_79 : vector<1024x32xf32>
    %add3A_81 = arith.constant -1 : i32
    %add3A_82 = arith.addi %add3A_1, %add3A_81 : i32
    %get3A_83 = arith.index_cast %add3A_82 : i32 to index
    %get3A_84 = arith.constant 0 : index
    %get3A_85 = vector.load %arg1[%get3A_83, %get3A_84] : memref<55296x32xf32, #tpu.memory_space<vmem>>, vector<1024x32xf32>
    %add3A_86 = arith.constant 0 : i32
    %add3A_87 = arith.addi %add3A_1, %add3A_86 : i32
    %get3A_88 = arith.index_cast %add3A_87 : i32 to index
    %get3A_89 = arith.constant 0 : index
    %get3A_90 = vector.load %arg1[%get3A_88, %get3A_89] : memref<55296x32xf32, #tpu.memory_space<vmem>>, vector<1024x32xf32>
    %add3A_91 = arith.constant 1 : i32
    %add3A_92 = arith.addi %add3A_1, %add3A_91 : i32
    %get3A_93 = arith.index_cast %add3A_92 : i32 to index
    %get3A_94 = arith.constant 0 : index
    %get3A_95 = vector.load %arg1[%get3A_93, %get3A_94] : memref<55296x32xf32, #tpu.memory_space<vmem>>, vector<1024x32xf32>
    %add3A_96 = arith.constant 65 : i32
    %add3A_97 = arith.addi %add3A_1, %add3A_96 : i32
    %get3A_98 = arith.index_cast %add3A_97 : i32 to index
    %get3A_99 = arith.constant 0 : index
    %get3A_100 = vector.load %arg1[%get3A_98, %get3A_99] : memref<55296x32xf32, #tpu.memory_space<vmem>>, vector<1024x32xf32>
    %concatenate3A_101 = tpu.concatenate %get3A_85, %get3A_90, %get3A_95, %get3A_100 in 1 : vector<1024x32xf32>, vector<1024x32xf32>, vector<1024x32xf32>, vector<1024x32xf32> -> vector<1024x128xf32>
    %get3A_102 = arith.constant 384 : index
    %get3A_103 = arith.constant 0 : index
    %get3A_104 = vector.load %arg2[%get3A_102, %get3A_103] : memref<864x32xf32, #tpu.memory_space<vmem>>, vector<128x32xf32>
    %dot_general3A_105 = arith.constant dense<0.000000e+00> : vector<1024x32xf32>
    %dot_general3A_106 = tpu.matmul %concatenate3A_101, %get3A_104, %dot_general3A_105 {dimension_numbers = #tpu.dot_dimension_numbers<[1], [0], [0], [1], [0, 0, 1, 1], [], []>, transpose_lhs_hint = false} : vector<1024x128xf32>, vector<128x32xf32>, vector<1024x32xf32> -> vector<1024x32xf32>
    %add3A_107 = arith.addf %add3A_80, %dot_general3A_106 : vector<1024x32xf32>
    %add3A_108 = arith.constant 66 : i32
    %add3A_109 = arith.addi %add3A_1, %add3A_108 : i32
    %get3A_110 = arith.index_cast %add3A_109 : i32 to index
    %get3A_111 = arith.constant 0 : index
    %get3A_112 = vector.load %arg1[%get3A_110, %get3A_111] : memref<55296x32xf32, #tpu.memory_space<vmem>>, vector<1024x32xf32>
    %add3A_113 = arith.constant 67 : i32
    %add3A_114 = arith.addi %add3A_1, %add3A_113 : i32
    %get3A_115 = arith.index_cast %add3A_114 : i32 to index
    %get3A_116 = arith.constant 0 : index
    %get3A_117 = vector.load %arg1[%get3A_115, %get3A_116] : memref<55296x32xf32, #tpu.memory_space<vmem>>, vector<1024x32xf32>
    %add3A_118 = arith.constant 3233 : i32
    %add3A_119 = arith.addi %add3A_1, %add3A_118 : i32
    %get3A_120 = arith.index_cast %add3A_119 : i32 to index
    %get3A_121 = arith.constant 0 : index
    %get3A_122 = vector.load %arg1[%get3A_120, %get3A_121] : memref<55296x32xf32, #tpu.memory_space<vmem>>, vector<1024x32xf32>
    %add3A_123 = arith.constant 3234 : i32
    %add3A_124 = arith.addi %add3A_1, %add3A_123 : i32
    %get3A_125 = arith.index_cast %add3A_124 : i32 to index
    %get3A_126 = arith.constant 0 : index
    %get3A_127 = vector.load %arg1[%get3A_125, %get3A_126] : memref<55296x32xf32, #tpu.memory_space<vmem>>, vector<1024x32xf32>
    %concatenate3A_128 = tpu.concatenate %get3A_112, %get3A_117, %get3A_122, %get3A_127 in 1 : vector<1024x32xf32>, vector<1024x32xf32>, vector<1024x32xf32>, vector<1024x32xf32> -> vector<1024x128xf32>
    %get3A_129 = arith.constant 512 : index
    %get3A_130 = arith.constant 0 : index
    %get3A_131 = vector.load %arg2[%get3A_129, %get3A_130] : memref<864x32xf32, #tpu.memory_space<vmem>>, vector<128x32xf32>
    %dot_general3A_132 = arith.constant dense<0.000000e+00> : vector<1024x32xf32>
    %dot_general3A_133 = tpu.matmul %concatenate3A_128, %get3A_131, %dot_general3A_132 {dimension_numbers = #tpu.dot_dimension_numbers<[1], [0], [0], [1], [0, 0, 1, 1], [], []>, transpose_lhs_hint = false} : vector<1024x128xf32>, vector<128x32xf32>, vector<1024x32xf32> -> vector<1024x32xf32>
    %add3A_134 = arith.addf %add3A_107, %dot_general3A_133 : vector<1024x32xf32>
    %add3A_135 = arith.constant 3235 : i32
    %add3A_136 = arith.addi %add3A_1, %add3A_135 : i32
    %get3A_137 = arith.index_cast %add3A_136 : i32 to index
    %get3A_138 = arith.constant 0 : index
    %get3A_139 = vector.load %arg1[%get3A_137, %get3A_138] : memref<55296x32xf32, #tpu.memory_space<vmem>>, vector<1024x32xf32>
    %add3A_140 = arith.constant 3299 : i32
    %add3A_141 = arith.addi %add3A_1, %add3A_140 : i32
    %get3A_142 = arith.index_cast %add3A_141 : i32 to index
    %get3A_143 = arith.constant 0 : index
    %get3A_144 = vector.load %arg1[%get3A_142, %get3A_143] : memref<55296x32xf32, #tpu.memory_space<vmem>>, vector<1024x32xf32>
    %add3A_145 = arith.constant 3300 : i32
    %add3A_146 = arith.addi %add3A_1, %add3A_145 : i32
    %get3A_147 = arith.index_cast %add3A_146 : i32 to index
    %get3A_148 = arith.constant 0 : index
    %get3A_149 = vector.load %arg1[%get3A_147, %get3A_148] : memref<55296x32xf32, #tpu.memory_space<vmem>>, vector<1024x32xf32>
    %add3A_150 = arith.constant 3301 : i32
    %add3A_151 = arith.addi %add3A_1, %add3A_150 : i32
    %get3A_152 = arith.index_cast %add3A_151 : i32 to index
    %get3A_153 = arith.constant 0 : index
    %get3A_154 = vector.load %arg1[%get3A_152, %get3A_153] : memref<55296x32xf32, #tpu.memory_space<vmem>>, vector<1024x32xf32>
    %concatenate3A_155 = tpu.concatenate %get3A_139, %get3A_144, %get3A_149, %get3A_154 in 1 : vector<1024x32xf32>, vector<1024x32xf32>, vector<1024x32xf32>, vector<1024x32xf32> -> vector<1024x128xf32>
    %get3A_156 = arith.constant 640 : index
    %get3A_157 = arith.constant 0 : index
    %get3A_158 = vector.load %arg2[%get3A_156, %get3A_157] : memref<864x32xf32, #tpu.memory_space<vmem>>, vector<128x32xf32>
    %dot_general3A_159 = arith.constant dense<0.000000e+00> : vector<1024x32xf32>
    %dot_general3A_160 = tpu.matmul %concatenate3A_155, %get3A_158, %dot_general3A_159 {dimension_numbers = #tpu.dot_dimension_numbers<[1], [0], [0], [1], [0, 0, 1, 1], [], []>, transpose_lhs_hint = false} : vector<1024x128xf32>, vector<128x32xf32>, vector<1024x32xf32> -> vector<1024x32xf32>
    %add3A_161 = arith.addf %add3A_134, %dot_general3A_160 : vector<1024x32xf32>
    %add3A_162 = arith.constant 3365 : i32
    %add3A_163 = arith.addi %add3A_1, %add3A_162 : i32
    %get3A_164 = arith.index_cast %add3A_163 : i32 to index
    %get3A_165 = arith.constant 0 : index
    %get3A_166 = vector.load %arg1[%get3A_164, %get3A_165] : memref<55296x32xf32, #tpu.memory_space<vmem>>, vector<1024x32xf32>
    %add3A_167 = arith.constant 3366 : i32
    %add3A_168 = arith.addi %add3A_1, %add3A_167 : i32
    %get3A_169 = arith.index_cast %add3A_168 : i32 to index
    %get3A_170 = arith.constant 0 : index
    %get3A_171 = vector.load %arg1[%get3A_169, %get3A_170] : memref<55296x32xf32, #tpu.memory_space<vmem>>, vector<1024x32xf32>
    %add3A_172 = arith.constant 3367 : i32
    %add3A_173 = arith.addi %add3A_1, %add3A_172 : i32
    %get3A_174 = arith.index_cast %add3A_173 : i32 to index
    %get3A_175 = arith.constant 0 : index
    %get3A_176 = vector.load %arg1[%get3A_174, %get3A_175] : memref<55296x32xf32, #tpu.memory_space<vmem>>, vector<1024x32xf32>
    %concatenate3A_177 = tpu.concatenate %get3A_166, %get3A_171, %get3A_176 in 1 : vector<1024x32xf32>, vector<1024x32xf32>, vector<1024x32xf32> -> vector<1024x96xf32>
    %get3A_178 = arith.constant 768 : index
    %get3A_179 = arith.constant 0 : index
    %get3A_180 = vector.load %arg2[%get3A_178, %get3A_179] : memref<864x32xf32, #tpu.memory_space<vmem>>, vector<96x32xf32>
    %dot_general3A_181 = arith.constant dense<0.000000e+00> : vector<1024x32xf32>
    %dot_general3A_182 = tpu.matmul %concatenate3A_177, %get3A_180, %dot_general3A_181 {dimension_numbers = #tpu.dot_dimension_numbers<[1], [0], [0], [1], [0, 0, 1, 1], [], []>, transpose_lhs_hint = false} : vector<1024x96xf32>, vector<96x32xf32>, vector<1024x32xf32> -> vector<1024x32xf32>
    %add3A_183 = arith.addf %add3A_161, %dot_general3A_182 : vector<1024x32xf32>
    %mul3A_184 = arith.constant 0.999500393 : f32
    %mul3A_185 = vector.broadcast %mul3A_184 : f32 to vector<1024x32xf32>
    %mul3A_186 = arith.mulf %add3A_183, %mul3A_185 : vector<1024x32xf32>
    %max3A = arith.constant 0.000000e+00 : f32
    %max3A_187 = vector.broadcast %max3A : f32 to vector<1024x32xf32>
    %max3A_188 = arith.maximumf %mul3A_186, %max3A_187 : vector<1024x32xf32>
    %get3A_189 = arith.constant 0 : index
    %get3A_190 = arith.constant 0 : index
    %get3A_191 = vector.load %arg3[%get3A_189, %get3A_190] : memref<1024x1xf32, #tpu.memory_space<vmem>>, vector<1024x1xf32>
    %mul3A_192 = vector.broadcast %get3A_191 : vector<1024x1xf32> to vector<1024x32xf32>
    %mul3A_193 = arith.mulf %max3A_188, %mul3A_192 : vector<1024x32xf32>
    %swap3A = arith.constant 0 : index
    %swap3A_194 = arith.constant 0 : index
    %swap3A_195 = vector.load %arg4[%swap3A, %swap3A_194] : memref<1024x32xf32, #tpu.memory_space<vmem>>, vector<1024x32xf32>
    tpu.vector_store %arg4[%swap3A, %swap3A_194], %mul3A_193 {strides = array<i32>} : memref<1024x32xf32, #tpu.memory_space<vmem>>, vector<1024x32xf32>,
    return
  }
  func.func @transform_0(%arg0: i32) -> (i32, i32) {
    %c0_i32 = arith.constant 0 : i32
    %c0_i32_0 = arith.constant 0 : i32
    %c0_i32_1 = arith.constant 0 : i32
    return %c0_i32, %c0_i32_0 : i32, i32
  }
  func.func @transform_1(%arg0: i32) -> (i32, i32) {
    %c0_i32 = arith.constant 0 : i32
    %c0_i32_0 = arith.constant 0 : i32
    %c0_i32_1 = arith.constant 0 : i32
    return %c0_i32, %c0_i32_0 : i32, i32
  }
  func.func @transform_2(%arg0: i32) -> (i32, i32) {
    %c0_i32 = arith.constant 0 : i32
    %c0_i32_0 = arith.constant 0 : i32
    return %arg0, %c0_i32 : i32, i32
  }
  func.func @transform_3(%arg0: i32) -> (i32, i32) {
    %c0_i32 = arith.constant 0 : i32
    %c0_i32_0 = arith.constant 0 : i32
    return %arg0, %c0_i32 : i32, i32
  }
}

module attributes {stable_mosaic.version = 14 : i64} {
  func.func @body(%arg0: i32, %arg1: memref<55296x33xf32, #tpu.memory_space<vmem>>, %arg2: memref<891x65xf32, #tpu.memory_space<vmem>>, %arg3: memref<1024x65xf32, #tpu.memory_space<vmem>>) attributes {dimension_semantics = [#tpu.dimension_semantics<arbitrary>], iteration_bounds = array<i64: 46>, scalar_prefetch = 0 : i64, scratch_operands = 0 : i64, tpu.core_type = #tpu.core_type<tc>, window_params = [{pipeline_mode = #tpu.pipeline_mode<synchronous>, transform_indices = @transform_0, window_bounds = array<i64: 55296, 33>}, {pipeline_mode = #tpu.pipeline_mode<synchronous>, transform_indices = @transform_1, window_bounds = array<i64: 891, 65>}, {transform_indices = @transform_2, window_bounds = array<i64: 1024, 65>}]} {
    %mul3A = arith.constant 1024 : i32
    %mul3A_0 = arith.muli %arg0, %mul3A : i32
    %add3A = arith.constant 4096 : i32
    %add3A_1 = arith.addi %mul3A_0, %add3A : i32
    %broadcast_in_dim3A = arith.constant 0.000000e+00 : f32
    %broadcast_in_dim3A_2 = vector.broadcast %broadcast_in_dim3A : f32 to vector<1024x65xf32>
    %add3A_3 = arith.constant -3367 : i32
    %add3A_4 = arith.addi %add3A_1, %add3A_3 : i32
    %get3A = arith.index_cast %add3A_4 : i32 to index
    %get3A_5 = arith.constant 0 : index
    %get3A_6 = vector.load %arg1[%get3A, %get3A_5] : memref<55296x33xf32, #tpu.memory_space<vmem>>, vector<1024x33xf32>
    %add3A_7 = arith.constant -3366 : i32
    %add3A_8 = arith.addi %add3A_1, %add3A_7 : i32
    %get3A_9 = arith.index_cast %add3A_8 : i32 to index
    %get3A_10 = arith.constant 0 : index
    %get3A_11 = vector.load %arg1[%get3A_9, %get3A_10] : memref<55296x33xf32, #tpu.memory_space<vmem>>, vector<1024x33xf32>
    %add3A_12 = arith.constant -3365 : i32
    %add3A_13 = arith.addi %add3A_1, %add3A_12 : i32
    %get3A_14 = arith.index_cast %add3A_13 : i32 to index
    %get3A_15 = arith.constant 0 : index
    %get3A_16 = vector.load %arg1[%get3A_14, %get3A_15] : memref<55296x33xf32, #tpu.memory_space<vmem>>, vector<1024x33xf32>
    %concatenate3A = tpu.concatenate %get3A_6, %get3A_11, %get3A_16 in 1 : vector<1024x33xf32>, vector<1024x33xf32>, vector<1024x33xf32> -> vector<1024x99xf32>
    %get3A_17 = arith.constant 0 : index
    %get3A_18 = arith.constant 0 : index
    %get3A_19 = vector.load %arg2[%get3A_17, %get3A_18] : memref<891x65xf32, #tpu.memory_space<vmem>>, vector<99x65xf32>
    %dot_general3A = arith.constant dense<0.000000e+00> : vector<1024x65xf32>
    %dot_general3A_20 = tpu.matmul %concatenate3A, %get3A_19, %dot_general3A {dimension_numbers = #tpu.dot_dimension_numbers<[1], [0], [0], [1], [0, 0, 1, 1], [], []>, transpose_lhs_hint = false} : vector<1024x99xf32>, vector<99x65xf32>, vector<1024x65xf32> -> vector<1024x65xf32>
    %add3A_21 = arith.addf %broadcast_in_dim3A_2, %dot_general3A_20 : vector<1024x65xf32>
    %add3A_22 = arith.constant -3301 : i32
    %add3A_23 = arith.addi %add3A_1, %add3A_22 : i32
    %get3A_24 = arith.index_cast %add3A_23 : i32 to index
    %get3A_25 = arith.constant 0 : index
    %get3A_26 = vector.load %arg1[%get3A_24, %get3A_25] : memref<55296x33xf32, #tpu.memory_space<vmem>>, vector<1024x33xf32>
    %add3A_27 = arith.constant -3300 : i32
    %add3A_28 = arith.addi %add3A_1, %add3A_27 : i32
    %get3A_29 = arith.index_cast %add3A_28 : i32 to index
    %get3A_30 = arith.constant 0 : index
    %get3A_31 = vector.load %arg1[%get3A_29, %get3A_30] : memref<55296x33xf32, #tpu.memory_space<vmem>>, vector<1024x33xf32>
    %add3A_32 = arith.constant -3299 : i32
    %add3A_33 = arith.addi %add3A_1, %add3A_32 : i32
    %get3A_34 = arith.index_cast %add3A_33 : i32 to index
    %get3A_35 = arith.constant 0 : index
    %get3A_36 = vector.load %arg1[%get3A_34, %get3A_35] : memref<55296x33xf32, #tpu.memory_space<vmem>>, vector<1024x33xf32>
    %concatenate3A_37 = tpu.concatenate %get3A_26, %get3A_31, %get3A_36 in 1 : vector<1024x33xf32>, vector<1024x33xf32>, vector<1024x33xf32> -> vector<1024x99xf32>
    %get3A_38 = arith.constant 99 : index
    %get3A_39 = arith.constant 0 : index
    %get3A_40 = vector.load %arg2[%get3A_38, %get3A_39] : memref<891x65xf32, #tpu.memory_space<vmem>>, vector<99x65xf32>
    %dot_general3A_41 = arith.constant dense<0.000000e+00> : vector<1024x65xf32>
    %dot_general3A_42 = tpu.matmul %concatenate3A_37, %get3A_40, %dot_general3A_41 {dimension_numbers = #tpu.dot_dimension_numbers<[1], [0], [0], [1], [0, 0, 1, 1], [], []>, transpose_lhs_hint = false} : vector<1024x99xf32>, vector<99x65xf32>, vector<1024x65xf32> -> vector<1024x65xf32>
    %add3A_43 = arith.addf %add3A_21, %dot_general3A_42 : vector<1024x65xf32>
    %add3A_44 = arith.constant -3235 : i32
    %add3A_45 = arith.addi %add3A_1, %add3A_44 : i32
    %get3A_46 = arith.index_cast %add3A_45 : i32 to index
    %get3A_47 = arith.constant 0 : index
    %get3A_48 = vector.load %arg1[%get3A_46, %get3A_47] : memref<55296x33xf32, #tpu.memory_space<vmem>>, vector<1024x33xf32>
    %add3A_49 = arith.constant -3234 : i32
    %add3A_50 = arith.addi %add3A_1, %add3A_49 : i32
    %get3A_51 = arith.index_cast %add3A_50 : i32 to index
    %get3A_52 = arith.constant 0 : index
    %get3A_53 = vector.load %arg1[%get3A_51, %get3A_52] : memref<55296x33xf32, #tpu.memory_space<vmem>>, vector<1024x33xf32>
    %add3A_54 = arith.constant -3233 : i32
    %add3A_55 = arith.addi %add3A_1, %add3A_54 : i32
    %get3A_56 = arith.index_cast %add3A_55 : i32 to index
    %get3A_57 = arith.constant 0 : index
    %get3A_58 = vector.load %arg1[%get3A_56, %get3A_57] : memref<55296x33xf32, #tpu.memory_space<vmem>>, vector<1024x33xf32>
    %concatenate3A_59 = tpu.concatenate %get3A_48, %get3A_53, %get3A_58 in 1 : vector<1024x33xf32>, vector<1024x33xf32>, vector<1024x33xf32> -> vector<1024x99xf32>
    %get3A_60 = arith.constant 198 : index
    %get3A_61 = arith.constant 0 : index
    %get3A_62 = vector.load %arg2[%get3A_60, %get3A_61] : memref<891x65xf32, #tpu.memory_space<vmem>>, vector<99x65xf32>
    %dot_general3A_63 = arith.constant dense<0.000000e+00> : vector<1024x65xf32>
    %dot_general3A_64 = tpu.matmul %concatenate3A_59, %get3A_62, %dot_general3A_63 {dimension_numbers = #tpu.dot_dimension_numbers<[1], [0], [0], [1], [0, 0, 1, 1], [], []>, transpose_lhs_hint = false} : vector<1024x99xf32>, vector<99x65xf32>, vector<1024x65xf32> -> vector<1024x65xf32>
    %add3A_65 = arith.addf %add3A_43, %dot_general3A_64 : vector<1024x65xf32>
    %add3A_66 = arith.constant -67 : i32
    %add3A_67 = arith.addi %add3A_1, %add3A_66 : i32
    %get3A_68 = arith.index_cast %add3A_67 : i32 to index
    %get3A_69 = arith.constant 0 : index
    %get3A_70 = vector.load %arg1[%get3A_68, %get3A_69] : memref<55296x33xf32, #tpu.memory_space<vmem>>, vector<1024x33xf32>
    %add3A_71 = arith.constant -66 : i32
    %add3A_72 = arith.addi %add3A_1, %add3A_71 : i32
    %get3A_73 = arith.index_cast %add3A_72 : i32 to index
    %get3A_74 = arith.constant 0 : index
    %get3A_75 = vector.load %arg1[%get3A_73, %get3A_74] : memref<55296x33xf32, #tpu.memory_space<vmem>>, vector<1024x33xf32>
    %add3A_76 = arith.constant -65 : i32
    %add3A_77 = arith.addi %add3A_1, %add3A_76 : i32
    %get3A_78 = arith.index_cast %add3A_77 : i32 to index
    %get3A_79 = arith.constant 0 : index
    %get3A_80 = vector.load %arg1[%get3A_78, %get3A_79] : memref<55296x33xf32, #tpu.memory_space<vmem>>, vector<1024x33xf32>
    %concatenate3A_81 = tpu.concatenate %get3A_70, %get3A_75, %get3A_80 in 1 : vector<1024x33xf32>, vector<1024x33xf32>, vector<1024x33xf32> -> vector<1024x99xf32>
    %get3A_82 = arith.constant 297 : index
    %get3A_83 = arith.constant 0 : index
    %get3A_84 = vector.load %arg2[%get3A_82, %get3A_83] : memref<891x65xf32, #tpu.memory_space<vmem>>, vector<99x65xf32>
    %dot_general3A_85 = arith.constant dense<0.000000e+00> : vector<1024x65xf32>
    %dot_general3A_86 = tpu.matmul %concatenate3A_81, %get3A_84, %dot_general3A_85 {dimension_numbers = #tpu.dot_dimension_numbers<[1], [0], [0], [1], [0, 0, 1, 1], [], []>, transpose_lhs_hint = false} : vector<1024x99xf32>, vector<99x65xf32>, vector<1024x65xf32> -> vector<1024x65xf32>
    %add3A_87 = arith.addf %add3A_65, %dot_general3A_86 : vector<1024x65xf32>
    %add3A_88 = arith.constant -1 : i32
    %add3A_89 = arith.addi %add3A_1, %add3A_88 : i32
    %get3A_90 = arith.index_cast %add3A_89 : i32 to index
    %get3A_91 = arith.constant 0 : index
    %get3A_92 = vector.load %arg1[%get3A_90, %get3A_91] : memref<55296x33xf32, #tpu.memory_space<vmem>>, vector<1024x33xf32>
    %add3A_93 = arith.constant 0 : i32
    %add3A_94 = arith.addi %add3A_1, %add3A_93 : i32
    %get3A_95 = arith.index_cast %add3A_94 : i32 to index
    %get3A_96 = arith.constant 0 : index
    %get3A_97 = vector.load %arg1[%get3A_95, %get3A_96] : memref<55296x33xf32, #tpu.memory_space<vmem>>, vector<1024x33xf32>
    %add3A_98 = arith.constant 1 : i32
    %add3A_99 = arith.addi %add3A_1, %add3A_98 : i32
    %get3A_100 = arith.index_cast %add3A_99 : i32 to index
    %get3A_101 = arith.constant 0 : index
    %get3A_102 = vector.load %arg1[%get3A_100, %get3A_101] : memref<55296x33xf32, #tpu.memory_space<vmem>>, vector<1024x33xf32>
    %concatenate3A_103 = tpu.concatenate %get3A_92, %get3A_97, %get3A_102 in 1 : vector<1024x33xf32>, vector<1024x33xf32>, vector<1024x33xf32> -> vector<1024x99xf32>
    %get3A_104 = arith.constant 396 : index
    %get3A_105 = arith.constant 0 : index
    %get3A_106 = vector.load %arg2[%get3A_104, %get3A_105] : memref<891x65xf32, #tpu.memory_space<vmem>>, vector<99x65xf32>
    %dot_general3A_107 = arith.constant dense<0.000000e+00> : vector<1024x65xf32>
    %dot_general3A_108 = tpu.matmul %concatenate3A_103, %get3A_106, %dot_general3A_107 {dimension_numbers = #tpu.dot_dimension_numbers<[1], [0], [0], [1], [0, 0, 1, 1], [], []>, transpose_lhs_hint = false} : vector<1024x99xf32>, vector<99x65xf32>, vector<1024x65xf32> -> vector<1024x65xf32>
    %add3A_109 = arith.addf %add3A_87, %dot_general3A_108 : vector<1024x65xf32>
    %add3A_110 = arith.constant 65 : i32
    %add3A_111 = arith.addi %add3A_1, %add3A_110 : i32
    %get3A_112 = arith.index_cast %add3A_111 : i32 to index
    %get3A_113 = arith.constant 0 : index
    %get3A_114 = vector.load %arg1[%get3A_112, %get3A_113] : memref<55296x33xf32, #tpu.memory_space<vmem>>, vector<1024x33xf32>
    %add3A_115 = arith.constant 66 : i32
    %add3A_116 = arith.addi %add3A_1, %add3A_115 : i32
    %get3A_117 = arith.index_cast %add3A_116 : i32 to index
    %get3A_118 = arith.constant 0 : index
    %get3A_119 = vector.load %arg1[%get3A_117, %get3A_118] : memref<55296x33xf32, #tpu.memory_space<vmem>>, vector<1024x33xf32>
    %add3A_120 = arith.constant 67 : i32
    %add3A_121 = arith.addi %add3A_1, %add3A_120 : i32
    %get3A_122 = arith.index_cast %add3A_121 : i32 to index
    %get3A_123 = arith.constant 0 : index
    %get3A_124 = vector.load %arg1[%get3A_122, %get3A_123] : memref<55296x33xf32, #tpu.memory_space<vmem>>, vector<1024x33xf32>
    %concatenate3A_125 = tpu.concatenate %get3A_114, %get3A_119, %get3A_124 in 1 : vector<1024x33xf32>, vector<1024x33xf32>, vector<1024x33xf32> -> vector<1024x99xf32>
    %get3A_126 = arith.constant 495 : index
    %get3A_127 = arith.constant 0 : index
    %get3A_128 = vector.load %arg2[%get3A_126, %get3A_127] : memref<891x65xf32, #tpu.memory_space<vmem>>, vector<99x65xf32>
    %dot_general3A_129 = arith.constant dense<0.000000e+00> : vector<1024x65xf32>
    %dot_general3A_130 = tpu.matmul %concatenate3A_125, %get3A_128, %dot_general3A_129 {dimension_numbers = #tpu.dot_dimension_numbers<[1], [0], [0], [1], [0, 0, 1, 1], [], []>, transpose_lhs_hint = false} : vector<1024x99xf32>, vector<99x65xf32>, vector<1024x65xf32> -> vector<1024x65xf32>
    %add3A_131 = arith.addf %add3A_109, %dot_general3A_130 : vector<1024x65xf32>
    %add3A_132 = arith.constant 3233 : i32
    %add3A_133 = arith.addi %add3A_1, %add3A_132 : i32
    %get3A_134 = arith.index_cast %add3A_133 : i32 to index
    %get3A_135 = arith.constant 0 : index
    %get3A_136 = vector.load %arg1[%get3A_134, %get3A_135] : memref<55296x33xf32, #tpu.memory_space<vmem>>, vector<1024x33xf32>
    %add3A_137 = arith.constant 3234 : i32
    %add3A_138 = arith.addi %add3A_1, %add3A_137 : i32
    %get3A_139 = arith.index_cast %add3A_138 : i32 to index
    %get3A_140 = arith.constant 0 : index
    %get3A_141 = vector.load %arg1[%get3A_139, %get3A_140] : memref<55296x33xf32, #tpu.memory_space<vmem>>, vector<1024x33xf32>
    %add3A_142 = arith.constant 3235 : i32
    %add3A_143 = arith.addi %add3A_1, %add3A_142 : i32
    %get3A_144 = arith.index_cast %add3A_143 : i32 to index
    %get3A_145 = arith.constant 0 : index
    %get3A_146 = vector.load %arg1[%get3A_144, %get3A_145] : memref<55296x33xf32, #tpu.memory_space<vmem>>, vector<1024x33xf32>
    %concatenate3A_147 = tpu.concatenate %get3A_136, %get3A_141, %get3A_146 in 1 : vector<1024x33xf32>, vector<1024x33xf32>, vector<1024x33xf32> -> vector<1024x99xf32>
    %get3A_148 = arith.constant 594 : index
    %get3A_149 = arith.constant 0 : index
    %get3A_150 = vector.load %arg2[%get3A_148, %get3A_149] : memref<891x65xf32, #tpu.memory_space<vmem>>, vector<99x65xf32>
    %dot_general3A_151 = arith.constant dense<0.000000e+00> : vector<1024x65xf32>
    %dot_general3A_152 = tpu.matmul %concatenate3A_147, %get3A_150, %dot_general3A_151 {dimension_numbers = #tpu.dot_dimension_numbers<[1], [0], [0], [1], [0, 0, 1, 1], [], []>, transpose_lhs_hint = false} : vector<1024x99xf32>, vector<99x65xf32>, vector<1024x65xf32> -> vector<1024x65xf32>
    %add3A_153 = arith.addf %add3A_131, %dot_general3A_152 : vector<1024x65xf32>
    %add3A_154 = arith.constant 3299 : i32
    %add3A_155 = arith.addi %add3A_1, %add3A_154 : i32
    %get3A_156 = arith.index_cast %add3A_155 : i32 to index
    %get3A_157 = arith.constant 0 : index
    %get3A_158 = vector.load %arg1[%get3A_156, %get3A_157] : memref<55296x33xf32, #tpu.memory_space<vmem>>, vector<1024x33xf32>
    %add3A_159 = arith.constant 3300 : i32
    %add3A_160 = arith.addi %add3A_1, %add3A_159 : i32
    %get3A_161 = arith.index_cast %add3A_160 : i32 to index
    %get3A_162 = arith.constant 0 : index
    %get3A_163 = vector.load %arg1[%get3A_161, %get3A_162] : memref<55296x33xf32, #tpu.memory_space<vmem>>, vector<1024x33xf32>
    %add3A_164 = arith.constant 3301 : i32
    %add3A_165 = arith.addi %add3A_1, %add3A_164 : i32
    %get3A_166 = arith.index_cast %add3A_165 : i32 to index
    %get3A_167 = arith.constant 0 : index
    %get3A_168 = vector.load %arg1[%get3A_166, %get3A_167] : memref<55296x33xf32, #tpu.memory_space<vmem>>, vector<1024x33xf32>
    %concatenate3A_169 = tpu.concatenate %get3A_158, %get3A_163, %get3A_168 in 1 : vector<1024x33xf32>, vector<1024x33xf32>, vector<1024x33xf32> -> vector<1024x99xf32>
    %get3A_170 = arith.constant 693 : index
    %get3A_171 = arith.constant 0 : index
    %get3A_172 = vector.load %arg2[%get3A_170, %get3A_171] : memref<891x65xf32, #tpu.memory_space<vmem>>, vector<99x65xf32>
    %dot_general3A_173 = arith.constant dense<0.000000e+00> : vector<1024x65xf32>
    %dot_general3A_174 = tpu.matmul %concatenate3A_169, %get3A_172, %dot_general3A_173 {dimension_numbers = #tpu.dot_dimension_numbers<[1], [0], [0], [1], [0, 0, 1, 1], [], []>, transpose_lhs_hint = false} : vector<1024x99xf32>, vector<99x65xf32>, vector<1024x65xf32> -> vector<1024x65xf32>
    %add3A_175 = arith.addf %add3A_153, %dot_general3A_174 : vector<1024x65xf32>
    %add3A_176 = arith.constant 3365 : i32
    %add3A_177 = arith.addi %add3A_1, %add3A_176 : i32
    %get3A_178 = arith.index_cast %add3A_177 : i32 to index
    %get3A_179 = arith.constant 0 : index
    %get3A_180 = vector.load %arg1[%get3A_178, %get3A_179] : memref<55296x33xf32, #tpu.memory_space<vmem>>, vector<1024x33xf32>
    %add3A_181 = arith.constant 3366 : i32
    %add3A_182 = arith.addi %add3A_1, %add3A_181 : i32
    %get3A_183 = arith.index_cast %add3A_182 : i32 to index
    %get3A_184 = arith.constant 0 : index
    %get3A_185 = vector.load %arg1[%get3A_183, %get3A_184] : memref<55296x33xf32, #tpu.memory_space<vmem>>, vector<1024x33xf32>
    %add3A_186 = arith.constant 3367 : i32
    %add3A_187 = arith.addi %add3A_1, %add3A_186 : i32
    %get3A_188 = arith.index_cast %add3A_187 : i32 to index
    %get3A_189 = arith.constant 0 : index
    %get3A_190 = vector.load %arg1[%get3A_188, %get3A_189] : memref<55296x33xf32, #tpu.memory_space<vmem>>, vector<1024x33xf32>
    %concatenate3A_191 = tpu.concatenate %get3A_180, %get3A_185, %get3A_190 in 1 : vector<1024x33xf32>, vector<1024x33xf32>, vector<1024x33xf32> -> vector<1024x99xf32>
    %get3A_192 = arith.constant 792 : index
    %get3A_193 = arith.constant 0 : index
    %get3A_194 = vector.load %arg2[%get3A_192, %get3A_193] : memref<891x65xf32, #tpu.memory_space<vmem>>, vector<99x65xf32>
    %dot_general3A_195 = arith.constant dense<0.000000e+00> : vector<1024x65xf32>
    %dot_general3A_196 = tpu.matmul %concatenate3A_191, %get3A_194, %dot_general3A_195 {dimension_numbers = #tpu.dot_dimension_numbers<[1], [0], [0], [1], [0, 0, 1, 1], [], []>, transpose_lhs_hint = false} : vector<1024x99xf32>, vector<99x65xf32>, vector<1024x65xf32> -> vector<1024x65xf32>
    %add3A_197 = arith.addf %add3A_175, %dot_general3A_196 : vector<1024x65xf32>
    %mul3A_198 = arith.constant 0.999500393 : f32
    %mul3A_199 = vector.broadcast %mul3A_198 : f32 to vector<1024x65xf32>
    %mul3A_200 = arith.mulf %add3A_197, %mul3A_199 : vector<1024x65xf32>
    %max3A = arith.constant 0.000000e+00 : f32
    %max3A_201 = vector.broadcast %max3A : f32 to vector<1024x65xf32>
    %max3A_202 = arith.maximumf %mul3A_200, %max3A_201 : vector<1024x65xf32>
    %swap3A = arith.constant 0 : index
    %swap3A_203 = arith.constant 0 : index
    %swap3A_204 = vector.load %arg3[%swap3A, %swap3A_203] : memref<1024x65xf32, #tpu.memory_space<vmem>>, vector<1024x65xf32>
    tpu.vector_store %arg3[%swap3A, %swap3A_203], %max3A_202 {strides = array<i32>} : memref<1024x65xf32, #tpu.memory_space<vmem>>, vector<1024x65xf32>,
    return
  }
  func.func @transform_0(%arg0: i32) -> (i32, i32) {
    %c0_i32 = arith.constant 0 : i32
    %c0_i32_0 = arith.constant 0 : i32
    %c0_i32_1 = arith.constant 0 : i32
    return %c0_i32, %c0_i32_0 : i32, i32
  }
  func.func @transform_1(%arg0: i32) -> (i32, i32) {
    %c0_i32 = arith.constant 0 : i32
    %c0_i32_0 = arith.constant 0 : i32
    %c0_i32_1 = arith.constant 0 : i32
    return %c0_i32, %c0_i32_0 : i32, i32
  }
  func.func @transform_2(%arg0: i32) -> (i32, i32) {
    %c0_i32 = arith.constant 0 : i32
    %c0_i32_0 = arith.constant 0 : i32
    return %arg0, %c0_i32 : i32, i32
  }
}

module attributes {stable_mosaic.version = 14 : i64} {
  func.func @body(%arg0: i32, %arg1: memref<11264x64xf32, #tpu.memory_space<vmem>>, %arg2: memref<1728x64xf32, #tpu.memory_space<vmem>>, %arg3: memref<1024x1xf32, #tpu.memory_space<vmem>>, %arg4: memref<1024x64xf32, #tpu.memory_space<vmem>>) attributes {dimension_semantics = [#tpu.dimension_semantics<arbitrary>], iteration_bounds = array<i64: 9>, scalar_prefetch = 0 : i64, scratch_operands = 0 : i64, tpu.core_type = #tpu.core_type<tc>, window_params = [{pipeline_mode = #tpu.pipeline_mode<synchronous>, transform_indices = @transform_0, window_bounds = array<i64: 11264, 64>}, {pipeline_mode = #tpu.pipeline_mode<synchronous>, transform_indices = @transform_1, window_bounds = array<i64: 1728, 64>}, {transform_indices = @transform_2, window_bounds = array<i64: 1024, 1>}, {transform_indices = @transform_3, window_bounds = array<i64: 1024, 64>}]} {
    %mul3A = arith.constant 1024 : i32
    %mul3A_0 = arith.muli %arg0, %mul3A : i32
    %add3A = arith.constant 1024 : i32
    %add3A_1 = arith.addi %mul3A_0, %add3A : i32
    %broadcast_in_dim3A = arith.constant 0.000000e+00 : f32
    %broadcast_in_dim3A_2 = vector.broadcast %broadcast_in_dim3A : f32 to vector<1024x64xf32>
    %add3A_3 = arith.constant -919 : i32
    %add3A_4 = arith.addi %add3A_1, %add3A_3 : i32
    %get3A = arith.index_cast %add3A_4 : i32 to index
    %get3A_5 = arith.constant 0 : index
    %get3A_6 = vector.load %arg1[%get3A, %get3A_5] : memref<11264x64xf32, #tpu.memory_space<vmem>>, vector<1024x64xf32>
    %add3A_7 = arith.constant -918 : i32
    %add3A_8 = arith.addi %add3A_1, %add3A_7 : i32
    %get3A_9 = arith.index_cast %add3A_8 : i32 to index
    %get3A_10 = arith.constant 0 : index
    %get3A_11 = vector.load %arg1[%get3A_9, %get3A_10] : memref<11264x64xf32, #tpu.memory_space<vmem>>, vector<1024x64xf32>
    %concatenate3A = tpu.concatenate %get3A_6, %get3A_11 in 1 : vector<1024x64xf32>, vector<1024x64xf32> -> vector<1024x128xf32>
    %get3A_12 = arith.constant 0 : index
    %get3A_13 = arith.constant 0 : index
    %get3A_14 = vector.load %arg2[%get3A_12, %get3A_13] : memref<1728x64xf32, #tpu.memory_space<vmem>>, vector<128x64xf32>
    %dot_general3A = arith.constant dense<0.000000e+00> : vector<1024x64xf32>
    %dot_general3A_15 = tpu.matmul %concatenate3A, %get3A_14, %dot_general3A {dimension_numbers = #tpu.dot_dimension_numbers<[1], [0], [0], [1], [0, 0, 1, 1], [], []>, transpose_lhs_hint = false} : vector<1024x128xf32>, vector<128x64xf32>, vector<1024x64xf32> -> vector<1024x64xf32>
    %add3A_16 = arith.addf %broadcast_in_dim3A_2, %dot_general3A_15 : vector<1024x64xf32>
    %add3A_17 = arith.constant -917 : i32
    %add3A_18 = arith.addi %add3A_1, %add3A_17 : i32
    %get3A_19 = arith.index_cast %add3A_18 : i32 to index
    %get3A_20 = arith.constant 0 : index
    %get3A_21 = vector.load %arg1[%get3A_19, %get3A_20] : memref<11264x64xf32, #tpu.memory_space<vmem>>, vector<1024x64xf32>
    %add3A_22 = arith.constant -885 : i32
    %add3A_23 = arith.addi %add3A_1, %add3A_22 : i32
    %get3A_24 = arith.index_cast %add3A_23 : i32 to index
    %get3A_25 = arith.constant 0 : index
    %get3A_26 = vector.load %arg1[%get3A_24, %get3A_25] : memref<11264x64xf32, #tpu.memory_space<vmem>>, vector<1024x64xf32>
    %concatenate3A_27 = tpu.concatenate %get3A_21, %get3A_26 in 1 : vector<1024x64xf32>, vector<1024x64xf32> -> vector<1024x128xf32>
    %get3A_28 = arith.constant 128 : index
    %get3A_29 = arith.constant 0 : index
    %get3A_30 = vector.load %arg2[%get3A_28, %get3A_29] : memref<1728x64xf32, #tpu.memory_space<vmem>>, vector<128x64xf32>
    %dot_general3A_31 = arith.constant dense<0.000000e+00> : vector<1024x64xf32>
    %dot_general3A_32 = tpu.matmul %concatenate3A_27, %get3A_30, %dot_general3A_31 {dimension_numbers = #tpu.dot_dimension_numbers<[1], [0], [0], [1], [0, 0, 1, 1], [], []>, transpose_lhs_hint = false} : vector<1024x128xf32>, vector<128x64xf32>, vector<1024x64xf32> -> vector<1024x64xf32>
    %add3A_33 = arith.addf %add3A_16, %dot_general3A_32 : vector<1024x64xf32>
    %add3A_34 = arith.constant -884 : i32
    %add3A_35 = arith.addi %add3A_1, %add3A_34 : i32
    %get3A_36 = arith.index_cast %add3A_35 : i32 to index
    %get3A_37 = arith.constant 0 : index
    %get3A_38 = vector.load %arg1[%get3A_36, %get3A_37] : memref<11264x64xf32, #tpu.memory_space<vmem>>, vector<1024x64xf32>
    %add3A_39 = arith.constant -883 : i32
    %add3A_40 = arith.addi %add3A_1, %add3A_39 : i32
    %get3A_41 = arith.index_cast %add3A_40 : i32 to index
    %get3A_42 = arith.constant 0 : index
    %get3A_43 = vector.load %arg1[%get3A_41, %get3A_42] : memref<11264x64xf32, #tpu.memory_space<vmem>>, vector<1024x64xf32>
    %concatenate3A_44 = tpu.concatenate %get3A_38, %get3A_43 in 1 : vector<1024x64xf32>, vector<1024x64xf32> -> vector<1024x128xf32>
    %get3A_45 = arith.constant 256 : index
    %get3A_46 = arith.constant 0 : index
    %get3A_47 = vector.load %arg2[%get3A_45, %get3A_46] : memref<1728x64xf32, #tpu.memory_space<vmem>>, vector<128x64xf32>
    %dot_general3A_48 = arith.constant dense<0.000000e+00> : vector<1024x64xf32>
    %dot_general3A_49 = tpu.matmul %concatenate3A_44, %get3A_47, %dot_general3A_48 {dimension_numbers = #tpu.dot_dimension_numbers<[1], [0], [0], [1], [0, 0, 1, 1], [], []>, transpose_lhs_hint = false} : vector<1024x128xf32>, vector<128x64xf32>, vector<1024x64xf32> -> vector<1024x64xf32>
    %add3A_50 = arith.addf %add3A_33, %dot_general3A_49 : vector<1024x64xf32>
    %add3A_51 = arith.constant -851 : i32
    %add3A_52 = arith.addi %add3A_1, %add3A_51 : i32
    %get3A_53 = arith.index_cast %add3A_52 : i32 to index
    %get3A_54 = arith.constant 0 : index
    %get3A_55 = vector.load %arg1[%get3A_53, %get3A_54] : memref<11264x64xf32, #tpu.memory_space<vmem>>, vector<1024x64xf32>
    %add3A_56 = arith.constant -850 : i32
    %add3A_57 = arith.addi %add3A_1, %add3A_56 : i32
    %get3A_58 = arith.index_cast %add3A_57 : i32 to index
    %get3A_59 = arith.constant 0 : index
    %get3A_60 = vector.load %arg1[%get3A_58, %get3A_59] : memref<11264x64xf32, #tpu.memory_space<vmem>>, vector<1024x64xf32>
    %concatenate3A_61 = tpu.concatenate %get3A_55, %get3A_60 in 1 : vector<1024x64xf32>, vector<1024x64xf32> -> vector<1024x128xf32>
    %get3A_62 = arith.constant 384 : index
    %get3A_63 = arith.constant 0 : index
    %get3A_64 = vector.load %arg2[%get3A_62, %get3A_63] : memref<1728x64xf32, #tpu.memory_space<vmem>>, vector<128x64xf32>
    %dot_general3A_65 = arith.constant dense<0.000000e+00> : vector<1024x64xf32>
    %dot_general3A_66 = tpu.matmul %concatenate3A_61, %get3A_64, %dot_general3A_65 {dimension_numbers = #tpu.dot_dimension_numbers<[1], [0], [0], [1], [0, 0, 1, 1], [], []>, transpose_lhs_hint = false} : vector<1024x128xf32>, vector<128x64xf32>, vector<1024x64xf32> -> vector<1024x64xf32>
    %add3A_67 = arith.addf %add3A_50, %dot_general3A_66 : vector<1024x64xf32>
    %add3A_68 = arith.constant -849 : i32
    %add3A_69 = arith.addi %add3A_1, %add3A_68 : i32
    %get3A_70 = arith.index_cast %add3A_69 : i32 to index
    %get3A_71 = arith.constant 0 : index
    %get3A_72 = vector.load %arg1[%get3A_70, %get3A_71] : memref<11264x64xf32, #tpu.memory_space<vmem>>, vector<1024x64xf32>
    %add3A_73 = arith.constant -35 : i32
    %add3A_74 = arith.addi %add3A_1, %add3A_73 : i32
    %get3A_75 = arith.index_cast %add3A_74 : i32 to index
    %get3A_76 = arith.constant 0 : index
    %get3A_77 = vector.load %arg1[%get3A_75, %get3A_76] : memref<11264x64xf32, #tpu.memory_space<vmem>>, vector<1024x64xf32>
    %concatenate3A_78 = tpu.concatenate %get3A_72, %get3A_77 in 1 : vector<1024x64xf32>, vector<1024x64xf32> -> vector<1024x128xf32>
    %get3A_79 = arith.constant 512 : index
    %get3A_80 = arith.constant 0 : index
    %get3A_81 = vector.load %arg2[%get3A_79, %get3A_80] : memref<1728x64xf32, #tpu.memory_space<vmem>>, vector<128x64xf32>
    %dot_general3A_82 = arith.constant dense<0.000000e+00> : vector<1024x64xf32>
    %dot_general3A_83 = tpu.matmul %concatenate3A_78, %get3A_81, %dot_general3A_82 {dimension_numbers = #tpu.dot_dimension_numbers<[1], [0], [0], [1], [0, 0, 1, 1], [], []>, transpose_lhs_hint = false} : vector<1024x128xf32>, vector<128x64xf32>, vector<1024x64xf32> -> vector<1024x64xf32>
    %add3A_84 = arith.addf %add3A_67, %dot_general3A_83 : vector<1024x64xf32>
    %add3A_85 = arith.constant -34 : i32
    %add3A_86 = arith.addi %add3A_1, %add3A_85 : i32
    %get3A_87 = arith.index_cast %add3A_86 : i32 to index
    %get3A_88 = arith.constant 0 : index
    %get3A_89 = vector.load %arg1[%get3A_87, %get3A_88] : memref<11264x64xf32, #tpu.memory_space<vmem>>, vector<1024x64xf32>
    %add3A_90 = arith.constant -33 : i32
    %add3A_91 = arith.addi %add3A_1, %add3A_90 : i32
    %get3A_92 = arith.index_cast %add3A_91 : i32 to index
    %get3A_93 = arith.constant 0 : index
    %get3A_94 = vector.load %arg1[%get3A_92, %get3A_93] : memref<11264x64xf32, #tpu.memory_space<vmem>>, vector<1024x64xf32>
    %concatenate3A_95 = tpu.concatenate %get3A_89, %get3A_94 in 1 : vector<1024x64xf32>, vector<1024x64xf32> -> vector<1024x128xf32>
    %get3A_96 = arith.constant 640 : index
    %get3A_97 = arith.constant 0 : index
    %get3A_98 = vector.load %arg2[%get3A_96, %get3A_97] : memref<1728x64xf32, #tpu.memory_space<vmem>>, vector<128x64xf32>
    %dot_general3A_99 = arith.constant dense<0.000000e+00> : vector<1024x64xf32>
    %dot_general3A_100 = tpu.matmul %concatenate3A_95, %get3A_98, %dot_general3A_99 {dimension_numbers = #tpu.dot_dimension_numbers<[1], [0], [0], [1], [0, 0, 1, 1], [], []>, transpose_lhs_hint = false} : vector<1024x128xf32>, vector<128x64xf32>, vector<1024x64xf32> -> vector<1024x64xf32>
    %add3A_101 = arith.addf %add3A_84, %dot_general3A_100 : vector<1024x64xf32>
    %add3A_102 = arith.constant -1 : i32
    %add3A_103 = arith.addi %add3A_1, %add3A_102 : i32
    %get3A_104 = arith.index_cast %add3A_103 : i32 to index
    %get3A_105 = arith.constant 0 : index
    %get3A_106 = vector.load %arg1[%get3A_104, %get3A_105] : memref<11264x64xf32, #tpu.memory_space<vmem>>, vector<1024x64xf32>
    %add3A_107 = arith.constant 0 : i32
    %add3A_108 = arith.addi %add3A_1, %add3A_107 : i32
    %get3A_109 = arith.index_cast %add3A_108 : i32 to index
    %get3A_110 = arith.constant 0 : index
    %get3A_111 = vector.load %arg1[%get3A_109, %get3A_110] : memref<11264x64xf32, #tpu.memory_space<vmem>>, vector<1024x64xf32>
    %concatenate3A_112 = tpu.concatenate %get3A_106, %get3A_111 in 1 : vector<1024x64xf32>, vector<1024x64xf32> -> vector<1024x128xf32>
    %get3A_113 = arith.constant 768 : index
    %get3A_114 = arith.constant 0 : index
    %get3A_115 = vector.load %arg2[%get3A_113, %get3A_114] : memref<1728x64xf32, #tpu.memory_space<vmem>>, vector<128x64xf32>
    %dot_general3A_116 = arith.constant dense<0.000000e+00> : vector<1024x64xf32>
    %dot_general3A_117 = tpu.matmul %concatenate3A_112, %get3A_115, %dot_general3A_116 {dimension_numbers = #tpu.dot_dimension_numbers<[1], [0], [0], [1], [0, 0, 1, 1], [], []>, transpose_lhs_hint = false} : vector<1024x128xf32>, vector<128x64xf32>, vector<1024x64xf32> -> vector<1024x64xf32>
    %add3A_118 = arith.addf %add3A_101, %dot_general3A_117 : vector<1024x64xf32>
    %add3A_119 = arith.constant 1 : i32
    %add3A_120 = arith.addi %add3A_1, %add3A_119 : i32
    %get3A_121 = arith.index_cast %add3A_120 : i32 to index
    %get3A_122 = arith.constant 0 : index
    %get3A_123 = vector.load %arg1[%get3A_121, %get3A_122] : memref<11264x64xf32, #tpu.memory_space<vmem>>, vector<1024x64xf32>
    %add3A_124 = arith.constant 33 : i32
    %add3A_125 = arith.addi %add3A_1, %add3A_124 : i32
    %get3A_126 = arith.index_cast %add3A_125 : i32 to index
    %get3A_127 = arith.constant 0 : index
    %get3A_128 = vector.load %arg1[%get3A_126, %get3A_127] : memref<11264x64xf32, #tpu.memory_space<vmem>>, vector<1024x64xf32>
    %concatenate3A_129 = tpu.concatenate %get3A_123, %get3A_128 in 1 : vector<1024x64xf32>, vector<1024x64xf32> -> vector<1024x128xf32>
    %get3A_130 = arith.constant 896 : index
    %get3A_131 = arith.constant 0 : index
    %get3A_132 = vector.load %arg2[%get3A_130, %get3A_131] : memref<1728x64xf32, #tpu.memory_space<vmem>>, vector<128x64xf32>
    %dot_general3A_133 = arith.constant dense<0.000000e+00> : vector<1024x64xf32>
    %dot_general3A_134 = tpu.matmul %concatenate3A_129, %get3A_132, %dot_general3A_133 {dimension_numbers = #tpu.dot_dimension_numbers<[1], [0], [0], [1], [0, 0, 1, 1], [], []>, transpose_lhs_hint = false} : vector<1024x128xf32>, vector<128x64xf32>, vector<1024x64xf32> -> vector<1024x64xf32>
    %add3A_135 = arith.addf %add3A_118, %dot_general3A_134 : vector<1024x64xf32>
    %add3A_136 = arith.constant 34 : i32
    %add3A_137 = arith.addi %add3A_1, %add3A_136 : i32
    %get3A_138 = arith.index_cast %add3A_137 : i32 to index
    %get3A_139 = arith.constant 0 : index
    %get3A_140 = vector.load %arg1[%get3A_138, %get3A_139] : memref<11264x64xf32, #tpu.memory_space<vmem>>, vector<1024x64xf32>
    %add3A_141 = arith.constant 35 : i32
    %add3A_142 = arith.addi %add3A_1, %add3A_141 : i32
    %get3A_143 = arith.index_cast %add3A_142 : i32 to index
    %get3A_144 = arith.constant 0 : index
    %get3A_145 = vector.load %arg1[%get3A_143, %get3A_144] : memref<11264x64xf32, #tpu.memory_space<vmem>>, vector<1024x64xf32>
    %concatenate3A_146 = tpu.concatenate %get3A_140, %get3A_145 in 1 : vector<1024x64xf32>, vector<1024x64xf32> -> vector<1024x128xf32>
    %get3A_147 = arith.constant 1024 : index
    %get3A_148 = arith.constant 0 : index
    %get3A_149 = vector.load %arg2[%get3A_147, %get3A_148] : memref<1728x64xf32, #tpu.memory_space<vmem>>, vector<128x64xf32>
    %dot_general3A_150 = arith.constant dense<0.000000e+00> : vector<1024x64xf32>
    %dot_general3A_151 = tpu.matmul %concatenate3A_146, %get3A_149, %dot_general3A_150 {dimension_numbers = #tpu.dot_dimension_numbers<[1], [0], [0], [1], [0, 0, 1, 1], [], []>, transpose_lhs_hint = false} : vector<1024x128xf32>, vector<128x64xf32>, vector<1024x64xf32> -> vector<1024x64xf32>
    %add3A_152 = arith.addf %add3A_135, %dot_general3A_151 : vector<1024x64xf32>
    %add3A_153 = arith.constant 849 : i32
    %add3A_154 = arith.addi %add3A_1, %add3A_153 : i32
    %get3A_155 = arith.index_cast %add3A_154 : i32 to index
    %get3A_156 = arith.constant 0 : index
    %get3A_157 = vector.load %arg1[%get3A_155, %get3A_156] : memref<11264x64xf32, #tpu.memory_space<vmem>>, vector<1024x64xf32>
    %add3A_158 = arith.constant 850 : i32
    %add3A_159 = arith.addi %add3A_1, %add3A_158 : i32
    %get3A_160 = arith.index_cast %add3A_159 : i32 to index
    %get3A_161 = arith.constant 0 : index
    %get3A_162 = vector.load %arg1[%get3A_160, %get3A_161] : memref<11264x64xf32, #tpu.memory_space<vmem>>, vector<1024x64xf32>
    %concatenate3A_163 = tpu.concatenate %get3A_157, %get3A_162 in 1 : vector<1024x64xf32>, vector<1024x64xf32> -> vector<1024x128xf32>
    %get3A_164 = arith.constant 1152 : index
    %get3A_165 = arith.constant 0 : index
    %get3A_166 = vector.load %arg2[%get3A_164, %get3A_165] : memref<1728x64xf32, #tpu.memory_space<vmem>>, vector<128x64xf32>
    %dot_general3A_167 = arith.constant dense<0.000000e+00> : vector<1024x64xf32>
    %dot_general3A_168 = tpu.matmul %concatenate3A_163, %get3A_166, %dot_general3A_167 {dimension_numbers = #tpu.dot_dimension_numbers<[1], [0], [0], [1], [0, 0, 1, 1], [], []>, transpose_lhs_hint = false} : vector<1024x128xf32>, vector<128x64xf32>, vector<1024x64xf32> -> vector<1024x64xf32>
    %add3A_169 = arith.addf %add3A_152, %dot_general3A_168 : vector<1024x64xf32>
    %add3A_170 = arith.constant 851 : i32
    %add3A_171 = arith.addi %add3A_1, %add3A_170 : i32
    %get3A_172 = arith.index_cast %add3A_171 : i32 to index
    %get3A_173 = arith.constant 0 : index
    %get3A_174 = vector.load %arg1[%get3A_172, %get3A_173] : memref<11264x64xf32, #tpu.memory_space<vmem>>, vector<1024x64xf32>
    %add3A_175 = arith.constant 883 : i32
    %add3A_176 = arith.addi %add3A_1, %add3A_175 : i32
    %get3A_177 = arith.index_cast %add3A_176 : i32 to index
    %get3A_178 = arith.constant 0 : index
    %get3A_179 = vector.load %arg1[%get3A_177, %get3A_178] : memref<11264x64xf32, #tpu.memory_space<vmem>>, vector<1024x64xf32>
    %concatenate3A_180 = tpu.concatenate %get3A_174, %get3A_179 in 1 : vector<1024x64xf32>, vector<1024x64xf32> -> vector<1024x128xf32>
    %get3A_181 = arith.constant 1280 : index
    %get3A_182 = arith.constant 0 : index
    %get3A_183 = vector.load %arg2[%get3A_181, %get3A_182] : memref<1728x64xf32, #tpu.memory_space<vmem>>, vector<128x64xf32>
    %dot_general3A_184 = arith.constant dense<0.000000e+00> : vector<1024x64xf32>
    %dot_general3A_185 = tpu.matmul %concatenate3A_180, %get3A_183, %dot_general3A_184 {dimension_numbers = #tpu.dot_dimension_numbers<[1], [0], [0], [1], [0, 0, 1, 1], [], []>, transpose_lhs_hint = false} : vector<1024x128xf32>, vector<128x64xf32>, vector<1024x64xf32> -> vector<1024x64xf32>
    %add3A_186 = arith.addf %add3A_169, %dot_general3A_185 : vector<1024x64xf32>
    %add3A_187 = arith.constant 884 : i32
    %add3A_188 = arith.addi %add3A_1, %add3A_187 : i32
    %get3A_189 = arith.index_cast %add3A_188 : i32 to index
    %get3A_190 = arith.constant 0 : index
    %get3A_191 = vector.load %arg1[%get3A_189, %get3A_190] : memref<11264x64xf32, #tpu.memory_space<vmem>>, vector<1024x64xf32>
    %add3A_192 = arith.constant 885 : i32
    %add3A_193 = arith.addi %add3A_1, %add3A_192 : i32
    %get3A_194 = arith.index_cast %add3A_193 : i32 to index
    %get3A_195 = arith.constant 0 : index
    %get3A_196 = vector.load %arg1[%get3A_194, %get3A_195] : memref<11264x64xf32, #tpu.memory_space<vmem>>, vector<1024x64xf32>
    %concatenate3A_197 = tpu.concatenate %get3A_191, %get3A_196 in 1 : vector<1024x64xf32>, vector<1024x64xf32> -> vector<1024x128xf32>
    %get3A_198 = arith.constant 1408 : index
    %get3A_199 = arith.constant 0 : index
    %get3A_200 = vector.load %arg2[%get3A_198, %get3A_199] : memref<1728x64xf32, #tpu.memory_space<vmem>>, vector<128x64xf32>
    %dot_general3A_201 = arith.constant dense<0.000000e+00> : vector<1024x64xf32>
    %dot_general3A_202 = tpu.matmul %concatenate3A_197, %get3A_200, %dot_general3A_201 {dimension_numbers = #tpu.dot_dimension_numbers<[1], [0], [0], [1], [0, 0, 1, 1], [], []>, transpose_lhs_hint = false} : vector<1024x128xf32>, vector<128x64xf32>, vector<1024x64xf32> -> vector<1024x64xf32>
    %add3A_203 = arith.addf %add3A_186, %dot_general3A_202 : vector<1024x64xf32>
    %add3A_204 = arith.constant 917 : i32
    %add3A_205 = arith.addi %add3A_1, %add3A_204 : i32
    %get3A_206 = arith.index_cast %add3A_205 : i32 to index
    %get3A_207 = arith.constant 0 : index
    %get3A_208 = vector.load %arg1[%get3A_206, %get3A_207] : memref<11264x64xf32, #tpu.memory_space<vmem>>, vector<1024x64xf32>
    %add3A_209 = arith.constant 918 : i32
    %add3A_210 = arith.addi %add3A_1, %add3A_209 : i32
    %get3A_211 = arith.index_cast %add3A_210 : i32 to index
    %get3A_212 = arith.constant 0 : index
    %get3A_213 = vector.load %arg1[%get3A_211, %get3A_212] : memref<11264x64xf32, #tpu.memory_space<vmem>>, vector<1024x64xf32>
    %concatenate3A_214 = tpu.concatenate %get3A_208, %get3A_213 in 1 : vector<1024x64xf32>, vector<1024x64xf32> -> vector<1024x128xf32>
    %get3A_215 = arith.constant 1536 : index
    %get3A_216 = arith.constant 0 : index
    %get3A_217 = vector.load %arg2[%get3A_215, %get3A_216] : memref<1728x64xf32, #tpu.memory_space<vmem>>, vector<128x64xf32>
    %dot_general3A_218 = arith.constant dense<0.000000e+00> : vector<1024x64xf32>
    %dot_general3A_219 = tpu.matmul %concatenate3A_214, %get3A_217, %dot_general3A_218 {dimension_numbers = #tpu.dot_dimension_numbers<[1], [0], [0], [1], [0, 0, 1, 1], [], []>, transpose_lhs_hint = false} : vector<1024x128xf32>, vector<128x64xf32>, vector<1024x64xf32> -> vector<1024x64xf32>
    %add3A_220 = arith.addf %add3A_203, %dot_general3A_219 : vector<1024x64xf32>
    %add3A_221 = arith.constant 919 : i32
    %add3A_222 = arith.addi %add3A_1, %add3A_221 : i32
    %get3A_223 = arith.index_cast %add3A_222 : i32 to index
    %get3A_224 = arith.constant 0 : index
    %get3A_225 = vector.load %arg1[%get3A_223, %get3A_224] : memref<11264x64xf32, #tpu.memory_space<vmem>>, vector<1024x64xf32>
    %get3A_226 = arith.constant 1664 : index
    %get3A_227 = arith.constant 0 : index
    %get3A_228 = vector.load %arg2[%get3A_226, %get3A_227] : memref<1728x64xf32, #tpu.memory_space<vmem>>, vector<64x64xf32>
    %dot_general3A_229 = arith.constant dense<0.000000e+00> : vector<1024x64xf32>
    %dot_general3A_230 = tpu.matmul %get3A_225, %get3A_228, %dot_general3A_229 {dimension_numbers = #tpu.dot_dimension_numbers<[1], [0], [0], [1], [0, 0, 1, 1], [], []>, transpose_lhs_hint = false} : vector<1024x64xf32>, vector<64x64xf32>, vector<1024x64xf32> -> vector<1024x64xf32>
    %add3A_231 = arith.addf %add3A_220, %dot_general3A_230 : vector<1024x64xf32>
    %mul3A_232 = arith.constant 0.999500393 : f32
    %mul3A_233 = vector.broadcast %mul3A_232 : f32 to vector<1024x64xf32>
    %mul3A_234 = arith.mulf %add3A_231, %mul3A_233 : vector<1024x64xf32>
    %max3A = arith.constant 0.000000e+00 : f32
    %max3A_235 = vector.broadcast %max3A : f32 to vector<1024x64xf32>
    %max3A_236 = arith.maximumf %mul3A_234, %max3A_235 : vector<1024x64xf32>
    %get3A_237 = arith.constant 0 : index
    %get3A_238 = arith.constant 0 : index
    %get3A_239 = vector.load %arg3[%get3A_237, %get3A_238] : memref<1024x1xf32, #tpu.memory_space<vmem>>, vector<1024x1xf32>
    %mul3A_240 = vector.broadcast %get3A_239 : vector<1024x1xf32> to vector<1024x64xf32>
    %mul3A_241 = arith.mulf %max3A_236, %mul3A_240 : vector<1024x64xf32>
    %swap3A = arith.constant 0 : index
    %swap3A_242 = arith.constant 0 : index
    %swap3A_243 = vector.load %arg4[%swap3A, %swap3A_242] : memref<1024x64xf32, #tpu.memory_space<vmem>>, vector<1024x64xf32>
    tpu.vector_store %arg4[%swap3A, %swap3A_242], %mul3A_241 {strides = array<i32>} : memref<1024x64xf32, #tpu.memory_space<vmem>>, vector<1024x64xf32>,
    return
  }
  func.func @transform_0(%arg0: i32) -> (i32, i32) {
    %c0_i32 = arith.constant 0 : i32
    %c0_i32_0 = arith.constant 0 : i32
    %c0_i32_1 = arith.constant 0 : i32
    return %c0_i32, %c0_i32_0 : i32, i32
  }
  func.func @transform_1(%arg0: i32) -> (i32, i32) {
    %c0_i32 = arith.constant 0 : i32
    %c0_i32_0 = arith.constant 0 : i32
    %c0_i32_1 = arith.constant 0 : i32
    return %c0_i32, %c0_i32_0 : i32, i32
  }
  func.func @transform_2(%arg0: i32) -> (i32, i32) {
    %c0_i32 = arith.constant 0 : i32
    %c0_i32_0 = arith.constant 0 : i32
    return %arg0, %c0_i32 : i32, i32
  }
  func.func @transform_3(%arg0: i32) -> (i32, i32) {
    %c0_i32 = arith.constant 0 : i32
    %c0_i32_0 = arith.constant 0 : i32
    return %arg0, %c0_i32 : i32, i32
  }
}

module attributes {stable_mosaic.version = 14 : i64} {
  func.func @body(%arg0: i32, %arg1: memref<11264x65xf32, #tpu.memory_space<vmem>>, %arg2: memref<1755x65xf32, #tpu.memory_space<vmem>>, %arg3: memref<1024x65xf32, #tpu.memory_space<vmem>>) attributes {dimension_semantics = [#tpu.dimension_semantics<arbitrary>], iteration_bounds = array<i64: 9>, scalar_prefetch = 0 : i64, scratch_operands = 0 : i64, tpu.core_type = #tpu.core_type<tc>, window_params = [{pipeline_mode = #tpu.pipeline_mode<synchronous>, transform_indices = @transform_0, window_bounds = array<i64: 11264, 65>}, {pipeline_mode = #tpu.pipeline_mode<synchronous>, transform_indices = @transform_1, window_bounds = array<i64: 1755, 65>}, {transform_indices = @transform_2, window_bounds = array<i64: 1024, 65>}]} {
    %mul3A = arith.constant 1024 : i32
    %mul3A_0 = arith.muli %arg0, %mul3A : i32
    %add3A = arith.constant 1024 : i32
    %add3A_1 = arith.addi %mul3A_0, %add3A : i32
    %broadcast_in_dim3A = arith.constant 0.000000e+00 : f32
    %broadcast_in_dim3A_2 = vector.broadcast %broadcast_in_dim3A : f32 to vector<1024x65xf32>
    %add3A_3 = arith.constant -919 : i32
    %add3A_4 = arith.addi %add3A_1, %add3A_3 : i32
    %get3A = arith.index_cast %add3A_4 : i32 to index
    %get3A_5 = arith.constant 0 : index
    %get3A_6 = vector.load %arg1[%get3A, %get3A_5] : memref<11264x65xf32, #tpu.memory_space<vmem>>, vector<1024x65xf32>
    %get3A_7 = arith.constant 0 : index
    %get3A_8 = arith.constant 0 : index
    %get3A_9 = vector.load %arg2[%get3A_7, %get3A_8] : memref<1755x65xf32, #tpu.memory_space<vmem>>, vector<65x65xf32>
    %dot_general3A = arith.constant dense<0.000000e+00> : vector<1024x65xf32>
    %dot_general3A_10 = tpu.matmul %get3A_6, %get3A_9, %dot_general3A {dimension_numbers = #tpu.dot_dimension_numbers<[1], [0], [0], [1], [0, 0, 1, 1], [], []>, transpose_lhs_hint = false} : vector<1024x65xf32>, vector<65x65xf32>, vector<1024x65xf32> -> vector<1024x65xf32>
    %add3A_11 = arith.addf %broadcast_in_dim3A_2, %dot_general3A_10 : vector<1024x65xf32>
    %add3A_12 = arith.constant -918 : i32
    %add3A_13 = arith.addi %add3A_1, %add3A_12 : i32
    %get3A_14 = arith.index_cast %add3A_13 : i32 to index
    %get3A_15 = arith.constant 0 : index
    %get3A_16 = vector.load %arg1[%get3A_14, %get3A_15] : memref<11264x65xf32, #tpu.memory_space<vmem>>, vector<1024x65xf32>
    %get3A_17 = arith.constant 65 : index
    %get3A_18 = arith.constant 0 : index
    %get3A_19 = vector.load %arg2[%get3A_17, %get3A_18] : memref<1755x65xf32, #tpu.memory_space<vmem>>, vector<65x65xf32>
    %dot_general3A_20 = arith.constant dense<0.000000e+00> : vector<1024x65xf32>
    %dot_general3A_21 = tpu.matmul %get3A_16, %get3A_19, %dot_general3A_20 {dimension_numbers = #tpu.dot_dimension_numbers<[1], [0], [0], [1], [0, 0, 1, 1], [], []>, transpose_lhs_hint = false} : vector<1024x65xf32>, vector<65x65xf32>, vector<1024x65xf32> -> vector<1024x65xf32>
    %add3A_22 = arith.addf %add3A_11, %dot_general3A_21 : vector<1024x65xf32>
    %add3A_23 = arith.constant -917 : i32
    %add3A_24 = arith.addi %add3A_1, %add3A_23 : i32
    %get3A_25 = arith.index_cast %add3A_24 : i32 to index
    %get3A_26 = arith.constant 0 : index
    %get3A_27 = vector.load %arg1[%get3A_25, %get3A_26] : memref<11264x65xf32, #tpu.memory_space<vmem>>, vector<1024x65xf32>
    %get3A_28 = arith.constant 130 : index
    %get3A_29 = arith.constant 0 : index
    %get3A_30 = vector.load %arg2[%get3A_28, %get3A_29] : memref<1755x65xf32, #tpu.memory_space<vmem>>, vector<65x65xf32>
    %dot_general3A_31 = arith.constant dense<0.000000e+00> : vector<1024x65xf32>
    %dot_general3A_32 = tpu.matmul %get3A_27, %get3A_30, %dot_general3A_31 {dimension_numbers = #tpu.dot_dimension_numbers<[1], [0], [0], [1], [0, 0, 1, 1], [], []>, transpose_lhs_hint = false} : vector<1024x65xf32>, vector<65x65xf32>, vector<1024x65xf32> -> vector<1024x65xf32>
    %add3A_33 = arith.addf %add3A_22, %dot_general3A_32 : vector<1024x65xf32>
    %add3A_34 = arith.constant -885 : i32
    %add3A_35 = arith.addi %add3A_1, %add3A_34 : i32
    %get3A_36 = arith.index_cast %add3A_35 : i32 to index
    %get3A_37 = arith.constant 0 : index
    %get3A_38 = vector.load %arg1[%get3A_36, %get3A_37] : memref<11264x65xf32, #tpu.memory_space<vmem>>, vector<1024x65xf32>
    %get3A_39 = arith.constant 195 : index
    %get3A_40 = arith.constant 0 : index
    %get3A_41 = vector.load %arg2[%get3A_39, %get3A_40] : memref<1755x65xf32, #tpu.memory_space<vmem>>, vector<65x65xf32>
    %dot_general3A_42 = arith.constant dense<0.000000e+00> : vector<1024x65xf32>
    %dot_general3A_43 = tpu.matmul %get3A_38, %get3A_41, %dot_general3A_42 {dimension_numbers = #tpu.dot_dimension_numbers<[1], [0], [0], [1], [0, 0, 1, 1], [], []>, transpose_lhs_hint = false} : vector<1024x65xf32>, vector<65x65xf32>, vector<1024x65xf32> -> vector<1024x65xf32>
    %add3A_44 = arith.addf %add3A_33, %dot_general3A_43 : vector<1024x65xf32>
    %add3A_45 = arith.constant -884 : i32
    %add3A_46 = arith.addi %add3A_1, %add3A_45 : i32
    %get3A_47 = arith.index_cast %add3A_46 : i32 to index
    %get3A_48 = arith.constant 0 : index
    %get3A_49 = vector.load %arg1[%get3A_47, %get3A_48] : memref<11264x65xf32, #tpu.memory_space<vmem>>, vector<1024x65xf32>
    %get3A_50 = arith.constant 260 : index
    %get3A_51 = arith.constant 0 : index
    %get3A_52 = vector.load %arg2[%get3A_50, %get3A_51] : memref<1755x65xf32, #tpu.memory_space<vmem>>, vector<65x65xf32>
    %dot_general3A_53 = arith.constant dense<0.000000e+00> : vector<1024x65xf32>
    %dot_general3A_54 = tpu.matmul %get3A_49, %get3A_52, %dot_general3A_53 {dimension_numbers = #tpu.dot_dimension_numbers<[1], [0], [0], [1], [0, 0, 1, 1], [], []>, transpose_lhs_hint = false} : vector<1024x65xf32>, vector<65x65xf32>, vector<1024x65xf32> -> vector<1024x65xf32>
    %add3A_55 = arith.addf %add3A_44, %dot_general3A_54 : vector<1024x65xf32>
    %add3A_56 = arith.constant -883 : i32
    %add3A_57 = arith.addi %add3A_1, %add3A_56 : i32
    %get3A_58 = arith.index_cast %add3A_57 : i32 to index
    %get3A_59 = arith.constant 0 : index
    %get3A_60 = vector.load %arg1[%get3A_58, %get3A_59] : memref<11264x65xf32, #tpu.memory_space<vmem>>, vector<1024x65xf32>
    %get3A_61 = arith.constant 325 : index
    %get3A_62 = arith.constant 0 : index
    %get3A_63 = vector.load %arg2[%get3A_61, %get3A_62] : memref<1755x65xf32, #tpu.memory_space<vmem>>, vector<65x65xf32>
    %dot_general3A_64 = arith.constant dense<0.000000e+00> : vector<1024x65xf32>
    %dot_general3A_65 = tpu.matmul %get3A_60, %get3A_63, %dot_general3A_64 {dimension_numbers = #tpu.dot_dimension_numbers<[1], [0], [0], [1], [0, 0, 1, 1], [], []>, transpose_lhs_hint = false} : vector<1024x65xf32>, vector<65x65xf32>, vector<1024x65xf32> -> vector<1024x65xf32>
    %add3A_66 = arith.addf %add3A_55, %dot_general3A_65 : vector<1024x65xf32>
    %add3A_67 = arith.constant -851 : i32
    %add3A_68 = arith.addi %add3A_1, %add3A_67 : i32
    %get3A_69 = arith.index_cast %add3A_68 : i32 to index
    %get3A_70 = arith.constant 0 : index
    %get3A_71 = vector.load %arg1[%get3A_69, %get3A_70] : memref<11264x65xf32, #tpu.memory_space<vmem>>, vector<1024x65xf32>
    %get3A_72 = arith.constant 390 : index
    %get3A_73 = arith.constant 0 : index
    %get3A_74 = vector.load %arg2[%get3A_72, %get3A_73] : memref<1755x65xf32, #tpu.memory_space<vmem>>, vector<65x65xf32>
    %dot_general3A_75 = arith.constant dense<0.000000e+00> : vector<1024x65xf32>
    %dot_general3A_76 = tpu.matmul %get3A_71, %get3A_74, %dot_general3A_75 {dimension_numbers = #tpu.dot_dimension_numbers<[1], [0], [0], [1], [0, 0, 1, 1], [], []>, transpose_lhs_hint = false} : vector<1024x65xf32>, vector<65x65xf32>, vector<1024x65xf32> -> vector<1024x65xf32>
    %add3A_77 = arith.addf %add3A_66, %dot_general3A_76 : vector<1024x65xf32>
    %add3A_78 = arith.constant -850 : i32
    %add3A_79 = arith.addi %add3A_1, %add3A_78 : i32
    %get3A_80 = arith.index_cast %add3A_79 : i32 to index
    %get3A_81 = arith.constant 0 : index
    %get3A_82 = vector.load %arg1[%get3A_80, %get3A_81] : memref<11264x65xf32, #tpu.memory_space<vmem>>, vector<1024x65xf32>
    %get3A_83 = arith.constant 455 : index
    %get3A_84 = arith.constant 0 : index
    %get3A_85 = vector.load %arg2[%get3A_83, %get3A_84] : memref<1755x65xf32, #tpu.memory_space<vmem>>, vector<65x65xf32>
    %dot_general3A_86 = arith.constant dense<0.000000e+00> : vector<1024x65xf32>
    %dot_general3A_87 = tpu.matmul %get3A_82, %get3A_85, %dot_general3A_86 {dimension_numbers = #tpu.dot_dimension_numbers<[1], [0], [0], [1], [0, 0, 1, 1], [], []>, transpose_lhs_hint = false} : vector<1024x65xf32>, vector<65x65xf32>, vector<1024x65xf32> -> vector<1024x65xf32>
    %add3A_88 = arith.addf %add3A_77, %dot_general3A_87 : vector<1024x65xf32>
    %add3A_89 = arith.constant -849 : i32
    %add3A_90 = arith.addi %add3A_1, %add3A_89 : i32
    %get3A_91 = arith.index_cast %add3A_90 : i32 to index
    %get3A_92 = arith.constant 0 : index
    %get3A_93 = vector.load %arg1[%get3A_91, %get3A_92] : memref<11264x65xf32, #tpu.memory_space<vmem>>, vector<1024x65xf32>
    %get3A_94 = arith.constant 520 : index
    %get3A_95 = arith.constant 0 : index
    %get3A_96 = vector.load %arg2[%get3A_94, %get3A_95] : memref<1755x65xf32, #tpu.memory_space<vmem>>, vector<65x65xf32>
    %dot_general3A_97 = arith.constant dense<0.000000e+00> : vector<1024x65xf32>
    %dot_general3A_98 = tpu.matmul %get3A_93, %get3A_96, %dot_general3A_97 {dimension_numbers = #tpu.dot_dimension_numbers<[1], [0], [0], [1], [0, 0, 1, 1], [], []>, transpose_lhs_hint = false} : vector<1024x65xf32>, vector<65x65xf32>, vector<1024x65xf32> -> vector<1024x65xf32>
    %add3A_99 = arith.addf %add3A_88, %dot_general3A_98 : vector<1024x65xf32>
    %add3A_100 = arith.constant -35 : i32
    %add3A_101 = arith.addi %add3A_1, %add3A_100 : i32
    %get3A_102 = arith.index_cast %add3A_101 : i32 to index
    %get3A_103 = arith.constant 0 : index
    %get3A_104 = vector.load %arg1[%get3A_102, %get3A_103] : memref<11264x65xf32, #tpu.memory_space<vmem>>, vector<1024x65xf32>
    %get3A_105 = arith.constant 585 : index
    %get3A_106 = arith.constant 0 : index
    %get3A_107 = vector.load %arg2[%get3A_105, %get3A_106] : memref<1755x65xf32, #tpu.memory_space<vmem>>, vector<65x65xf32>
    %dot_general3A_108 = arith.constant dense<0.000000e+00> : vector<1024x65xf32>
    %dot_general3A_109 = tpu.matmul %get3A_104, %get3A_107, %dot_general3A_108 {dimension_numbers = #tpu.dot_dimension_numbers<[1], [0], [0], [1], [0, 0, 1, 1], [], []>, transpose_lhs_hint = false} : vector<1024x65xf32>, vector<65x65xf32>, vector<1024x65xf32> -> vector<1024x65xf32>
    %add3A_110 = arith.addf %add3A_99, %dot_general3A_109 : vector<1024x65xf32>
    %add3A_111 = arith.constant -34 : i32
    %add3A_112 = arith.addi %add3A_1, %add3A_111 : i32
    %get3A_113 = arith.index_cast %add3A_112 : i32 to index
    %get3A_114 = arith.constant 0 : index
    %get3A_115 = vector.load %arg1[%get3A_113, %get3A_114] : memref<11264x65xf32, #tpu.memory_space<vmem>>, vector<1024x65xf32>
    %get3A_116 = arith.constant 650 : index
    %get3A_117 = arith.constant 0 : index
    %get3A_118 = vector.load %arg2[%get3A_116, %get3A_117] : memref<1755x65xf32, #tpu.memory_space<vmem>>, vector<65x65xf32>
    %dot_general3A_119 = arith.constant dense<0.000000e+00> : vector<1024x65xf32>
    %dot_general3A_120 = tpu.matmul %get3A_115, %get3A_118, %dot_general3A_119 {dimension_numbers = #tpu.dot_dimension_numbers<[1], [0], [0], [1], [0, 0, 1, 1], [], []>, transpose_lhs_hint = false} : vector<1024x65xf32>, vector<65x65xf32>, vector<1024x65xf32> -> vector<1024x65xf32>
    %add3A_121 = arith.addf %add3A_110, %dot_general3A_120 : vector<1024x65xf32>
    %add3A_122 = arith.constant -33 : i32
    %add3A_123 = arith.addi %add3A_1, %add3A_122 : i32
    %get3A_124 = arith.index_cast %add3A_123 : i32 to index
    %get3A_125 = arith.constant 0 : index
    %get3A_126 = vector.load %arg1[%get3A_124, %get3A_125] : memref<11264x65xf32, #tpu.memory_space<vmem>>, vector<1024x65xf32>
    %get3A_127 = arith.constant 715 : index
    %get3A_128 = arith.constant 0 : index
    %get3A_129 = vector.load %arg2[%get3A_127, %get3A_128] : memref<1755x65xf32, #tpu.memory_space<vmem>>, vector<65x65xf32>
    %dot_general3A_130 = arith.constant dense<0.000000e+00> : vector<1024x65xf32>
    %dot_general3A_131 = tpu.matmul %get3A_126, %get3A_129, %dot_general3A_130 {dimension_numbers = #tpu.dot_dimension_numbers<[1], [0], [0], [1], [0, 0, 1, 1], [], []>, transpose_lhs_hint = false} : vector<1024x65xf32>, vector<65x65xf32>, vector<1024x65xf32> -> vector<1024x65xf32>
    %add3A_132 = arith.addf %add3A_121, %dot_general3A_131 : vector<1024x65xf32>
    %add3A_133 = arith.constant -1 : i32
    %add3A_134 = arith.addi %add3A_1, %add3A_133 : i32
    %get3A_135 = arith.index_cast %add3A_134 : i32 to index
    %get3A_136 = arith.constant 0 : index
    %get3A_137 = vector.load %arg1[%get3A_135, %get3A_136] : memref<11264x65xf32, #tpu.memory_space<vmem>>, vector<1024x65xf32>
    %get3A_138 = arith.constant 780 : index
    %get3A_139 = arith.constant 0 : index
    %get3A_140 = vector.load %arg2[%get3A_138, %get3A_139] : memref<1755x65xf32, #tpu.memory_space<vmem>>, vector<65x65xf32>
    %dot_general3A_141 = arith.constant dense<0.000000e+00> : vector<1024x65xf32>
    %dot_general3A_142 = tpu.matmul %get3A_137, %get3A_140, %dot_general3A_141 {dimension_numbers = #tpu.dot_dimension_numbers<[1], [0], [0], [1], [0, 0, 1, 1], [], []>, transpose_lhs_hint = false} : vector<1024x65xf32>, vector<65x65xf32>, vector<1024x65xf32> -> vector<1024x65xf32>
    %add3A_143 = arith.addf %add3A_132, %dot_general3A_142 : vector<1024x65xf32>
    %add3A_144 = arith.constant 0 : i32
    %add3A_145 = arith.addi %add3A_1, %add3A_144 : i32
    %get3A_146 = arith.index_cast %add3A_145 : i32 to index
    %get3A_147 = arith.constant 0 : index
    %get3A_148 = vector.load %arg1[%get3A_146, %get3A_147] : memref<11264x65xf32, #tpu.memory_space<vmem>>, vector<1024x65xf32>
    %get3A_149 = arith.constant 845 : index
    %get3A_150 = arith.constant 0 : index
    %get3A_151 = vector.load %arg2[%get3A_149, %get3A_150] : memref<1755x65xf32, #tpu.memory_space<vmem>>, vector<65x65xf32>
    %dot_general3A_152 = arith.constant dense<0.000000e+00> : vector<1024x65xf32>
    %dot_general3A_153 = tpu.matmul %get3A_148, %get3A_151, %dot_general3A_152 {dimension_numbers = #tpu.dot_dimension_numbers<[1], [0], [0], [1], [0, 0, 1, 1], [], []>, transpose_lhs_hint = false} : vector<1024x65xf32>, vector<65x65xf32>, vector<1024x65xf32> -> vector<1024x65xf32>
    %add3A_154 = arith.addf %add3A_143, %dot_general3A_153 : vector<1024x65xf32>
    %add3A_155 = arith.constant 1 : i32
    %add3A_156 = arith.addi %add3A_1, %add3A_155 : i32
    %get3A_157 = arith.index_cast %add3A_156 : i32 to index
    %get3A_158 = arith.constant 0 : index
    %get3A_159 = vector.load %arg1[%get3A_157, %get3A_158] : memref<11264x65xf32, #tpu.memory_space<vmem>>, vector<1024x65xf32>
    %get3A_160 = arith.constant 910 : index
    %get3A_161 = arith.constant 0 : index
    %get3A_162 = vector.load %arg2[%get3A_160, %get3A_161] : memref<1755x65xf32, #tpu.memory_space<vmem>>, vector<65x65xf32>
    %dot_general3A_163 = arith.constant dense<0.000000e+00> : vector<1024x65xf32>
    %dot_general3A_164 = tpu.matmul %get3A_159, %get3A_162, %dot_general3A_163 {dimension_numbers = #tpu.dot_dimension_numbers<[1], [0], [0], [1], [0, 0, 1, 1], [], []>, transpose_lhs_hint = false} : vector<1024x65xf32>, vector<65x65xf32>, vector<1024x65xf32> -> vector<1024x65xf32>
    %add3A_165 = arith.addf %add3A_154, %dot_general3A_164 : vector<1024x65xf32>
    %add3A_166 = arith.constant 33 : i32
    %add3A_167 = arith.addi %add3A_1, %add3A_166 : i32
    %get3A_168 = arith.index_cast %add3A_167 : i32 to index
    %get3A_169 = arith.constant 0 : index
    %get3A_170 = vector.load %arg1[%get3A_168, %get3A_169] : memref<11264x65xf32, #tpu.memory_space<vmem>>, vector<1024x65xf32>
    %get3A_171 = arith.constant 975 : index
    %get3A_172 = arith.constant 0 : index
    %get3A_173 = vector.load %arg2[%get3A_171, %get3A_172] : memref<1755x65xf32, #tpu.memory_space<vmem>>, vector<65x65xf32>
    %dot_general3A_174 = arith.constant dense<0.000000e+00> : vector<1024x65xf32>
    %dot_general3A_175 = tpu.matmul %get3A_170, %get3A_173, %dot_general3A_174 {dimension_numbers = #tpu.dot_dimension_numbers<[1], [0], [0], [1], [0, 0, 1, 1], [], []>, transpose_lhs_hint = false} : vector<1024x65xf32>, vector<65x65xf32>, vector<1024x65xf32> -> vector<1024x65xf32>
    %add3A_176 = arith.addf %add3A_165, %dot_general3A_175 : vector<1024x65xf32>
    %add3A_177 = arith.constant 34 : i32
    %add3A_178 = arith.addi %add3A_1, %add3A_177 : i32
    %get3A_179 = arith.index_cast %add3A_178 : i32 to index
    %get3A_180 = arith.constant 0 : index
    %get3A_181 = vector.load %arg1[%get3A_179, %get3A_180] : memref<11264x65xf32, #tpu.memory_space<vmem>>, vector<1024x65xf32>
    %get3A_182 = arith.constant 1040 : index
    %get3A_183 = arith.constant 0 : index
    %get3A_184 = vector.load %arg2[%get3A_182, %get3A_183] : memref<1755x65xf32, #tpu.memory_space<vmem>>, vector<65x65xf32>
    %dot_general3A_185 = arith.constant dense<0.000000e+00> : vector<1024x65xf32>
    %dot_general3A_186 = tpu.matmul %get3A_181, %get3A_184, %dot_general3A_185 {dimension_numbers = #tpu.dot_dimension_numbers<[1], [0], [0], [1], [0, 0, 1, 1], [], []>, transpose_lhs_hint = false} : vector<1024x65xf32>, vector<65x65xf32>, vector<1024x65xf32> -> vector<1024x65xf32>
    %add3A_187 = arith.addf %add3A_176, %dot_general3A_186 : vector<1024x65xf32>
    %add3A_188 = arith.constant 35 : i32
    %add3A_189 = arith.addi %add3A_1, %add3A_188 : i32
    %get3A_190 = arith.index_cast %add3A_189 : i32 to index
    %get3A_191 = arith.constant 0 : index
    %get3A_192 = vector.load %arg1[%get3A_190, %get3A_191] : memref<11264x65xf32, #tpu.memory_space<vmem>>, vector<1024x65xf32>
    %get3A_193 = arith.constant 1105 : index
    %get3A_194 = arith.constant 0 : index
    %get3A_195 = vector.load %arg2[%get3A_193, %get3A_194] : memref<1755x65xf32, #tpu.memory_space<vmem>>, vector<65x65xf32>
    %dot_general3A_196 = arith.constant dense<0.000000e+00> : vector<1024x65xf32>
    %dot_general3A_197 = tpu.matmul %get3A_192, %get3A_195, %dot_general3A_196 {dimension_numbers = #tpu.dot_dimension_numbers<[1], [0], [0], [1], [0, 0, 1, 1], [], []>, transpose_lhs_hint = false} : vector<1024x65xf32>, vector<65x65xf32>, vector<1024x65xf32> -> vector<1024x65xf32>
    %add3A_198 = arith.addf %add3A_187, %dot_general3A_197 : vector<1024x65xf32>
    %add3A_199 = arith.constant 849 : i32
    %add3A_200 = arith.addi %add3A_1, %add3A_199 : i32
    %get3A_201 = arith.index_cast %add3A_200 : i32 to index
    %get3A_202 = arith.constant 0 : index
    %get3A_203 = vector.load %arg1[%get3A_201, %get3A_202] : memref<11264x65xf32, #tpu.memory_space<vmem>>, vector<1024x65xf32>
    %get3A_204 = arith.constant 1170 : index
    %get3A_205 = arith.constant 0 : index
    %get3A_206 = vector.load %arg2[%get3A_204, %get3A_205] : memref<1755x65xf32, #tpu.memory_space<vmem>>, vector<65x65xf32>
    %dot_general3A_207 = arith.constant dense<0.000000e+00> : vector<1024x65xf32>
    %dot_general3A_208 = tpu.matmul %get3A_203, %get3A_206, %dot_general3A_207 {dimension_numbers = #tpu.dot_dimension_numbers<[1], [0], [0], [1], [0, 0, 1, 1], [], []>, transpose_lhs_hint = false} : vector<1024x65xf32>, vector<65x65xf32>, vector<1024x65xf32> -> vector<1024x65xf32>
    %add3A_209 = arith.addf %add3A_198, %dot_general3A_208 : vector<1024x65xf32>
    %add3A_210 = arith.constant 850 : i32
    %add3A_211 = arith.addi %add3A_1, %add3A_210 : i32
    %get3A_212 = arith.index_cast %add3A_211 : i32 to index
    %get3A_213 = arith.constant 0 : index
    %get3A_214 = vector.load %arg1[%get3A_212, %get3A_213] : memref<11264x65xf32, #tpu.memory_space<vmem>>, vector<1024x65xf32>
    %get3A_215 = arith.constant 1235 : index
    %get3A_216 = arith.constant 0 : index
    %get3A_217 = vector.load %arg2[%get3A_215, %get3A_216] : memref<1755x65xf32, #tpu.memory_space<vmem>>, vector<65x65xf32>
    %dot_general3A_218 = arith.constant dense<0.000000e+00> : vector<1024x65xf32>
    %dot_general3A_219 = tpu.matmul %get3A_214, %get3A_217, %dot_general3A_218 {dimension_numbers = #tpu.dot_dimension_numbers<[1], [0], [0], [1], [0, 0, 1, 1], [], []>, transpose_lhs_hint = false} : vector<1024x65xf32>, vector<65x65xf32>, vector<1024x65xf32> -> vector<1024x65xf32>
    %add3A_220 = arith.addf %add3A_209, %dot_general3A_219 : vector<1024x65xf32>
    %add3A_221 = arith.constant 851 : i32
    %add3A_222 = arith.addi %add3A_1, %add3A_221 : i32
    %get3A_223 = arith.index_cast %add3A_222 : i32 to index
    %get3A_224 = arith.constant 0 : index
    %get3A_225 = vector.load %arg1[%get3A_223, %get3A_224] : memref<11264x65xf32, #tpu.memory_space<vmem>>, vector<1024x65xf32>
    %get3A_226 = arith.constant 1300 : index
    %get3A_227 = arith.constant 0 : index
    %get3A_228 = vector.load %arg2[%get3A_226, %get3A_227] : memref<1755x65xf32, #tpu.memory_space<vmem>>, vector<65x65xf32>
    %dot_general3A_229 = arith.constant dense<0.000000e+00> : vector<1024x65xf32>
    %dot_general3A_230 = tpu.matmul %get3A_225, %get3A_228, %dot_general3A_229 {dimension_numbers = #tpu.dot_dimension_numbers<[1], [0], [0], [1], [0, 0, 1, 1], [], []>, transpose_lhs_hint = false} : vector<1024x65xf32>, vector<65x65xf32>, vector<1024x65xf32> -> vector<1024x65xf32>
    %add3A_231 = arith.addf %add3A_220, %dot_general3A_230 : vector<1024x65xf32>
    %add3A_232 = arith.constant 883 : i32
    %add3A_233 = arith.addi %add3A_1, %add3A_232 : i32
    %get3A_234 = arith.index_cast %add3A_233 : i32 to index
    %get3A_235 = arith.constant 0 : index
    %get3A_236 = vector.load %arg1[%get3A_234, %get3A_235] : memref<11264x65xf32, #tpu.memory_space<vmem>>, vector<1024x65xf32>
    %get3A_237 = arith.constant 1365 : index
    %get3A_238 = arith.constant 0 : index
    %get3A_239 = vector.load %arg2[%get3A_237, %get3A_238] : memref<1755x65xf32, #tpu.memory_space<vmem>>, vector<65x65xf32>
    %dot_general3A_240 = arith.constant dense<0.000000e+00> : vector<1024x65xf32>
    %dot_general3A_241 = tpu.matmul %get3A_236, %get3A_239, %dot_general3A_240 {dimension_numbers = #tpu.dot_dimension_numbers<[1], [0], [0], [1], [0, 0, 1, 1], [], []>, transpose_lhs_hint = false} : vector<1024x65xf32>, vector<65x65xf32>, vector<1024x65xf32> -> vector<1024x65xf32>
    %add3A_242 = arith.addf %add3A_231, %dot_general3A_241 : vector<1024x65xf32>
    %add3A_243 = arith.constant 884 : i32
    %add3A_244 = arith.addi %add3A_1, %add3A_243 : i32
    %get3A_245 = arith.index_cast %add3A_244 : i32 to index
    %get3A_246 = arith.constant 0 : index
    %get3A_247 = vector.load %arg1[%get3A_245, %get3A_246] : memref<11264x65xf32, #tpu.memory_space<vmem>>, vector<1024x65xf32>
    %get3A_248 = arith.constant 1430 : index
    %get3A_249 = arith.constant 0 : index
    %get3A_250 = vector.load %arg2[%get3A_248, %get3A_249] : memref<1755x65xf32, #tpu.memory_space<vmem>>, vector<65x65xf32>
    %dot_general3A_251 = arith.constant dense<0.000000e+00> : vector<1024x65xf32>
    %dot_general3A_252 = tpu.matmul %get3A_247, %get3A_250, %dot_general3A_251 {dimension_numbers = #tpu.dot_dimension_numbers<[1], [0], [0], [1], [0, 0, 1, 1], [], []>, transpose_lhs_hint = false} : vector<1024x65xf32>, vector<65x65xf32>, vector<1024x65xf32> -> vector<1024x65xf32>
    %add3A_253 = arith.addf %add3A_242, %dot_general3A_252 : vector<1024x65xf32>
    %add3A_254 = arith.constant 885 : i32
    %add3A_255 = arith.addi %add3A_1, %add3A_254 : i32
    %get3A_256 = arith.index_cast %add3A_255 : i32 to index
    %get3A_257 = arith.constant 0 : index
    %get3A_258 = vector.load %arg1[%get3A_256, %get3A_257] : memref<11264x65xf32, #tpu.memory_space<vmem>>, vector<1024x65xf32>
    %get3A_259 = arith.constant 1495 : index
    %get3A_260 = arith.constant 0 : index
    %get3A_261 = vector.load %arg2[%get3A_259, %get3A_260] : memref<1755x65xf32, #tpu.memory_space<vmem>>, vector<65x65xf32>
    %dot_general3A_262 = arith.constant dense<0.000000e+00> : vector<1024x65xf32>
    %dot_general3A_263 = tpu.matmul %get3A_258, %get3A_261, %dot_general3A_262 {dimension_numbers = #tpu.dot_dimension_numbers<[1], [0], [0], [1], [0, 0, 1, 1], [], []>, transpose_lhs_hint = false} : vector<1024x65xf32>, vector<65x65xf32>, vector<1024x65xf32> -> vector<1024x65xf32>
    %add3A_264 = arith.addf %add3A_253, %dot_general3A_263 : vector<1024x65xf32>
    %add3A_265 = arith.constant 917 : i32
    %add3A_266 = arith.addi %add3A_1, %add3A_265 : i32
    %get3A_267 = arith.index_cast %add3A_266 : i32 to index
    %get3A_268 = arith.constant 0 : index
    %get3A_269 = vector.load %arg1[%get3A_267, %get3A_268] : memref<11264x65xf32, #tpu.memory_space<vmem>>, vector<1024x65xf32>
    %get3A_270 = arith.constant 1560 : index
    %get3A_271 = arith.constant 0 : index
    %get3A_272 = vector.load %arg2[%get3A_270, %get3A_271] : memref<1755x65xf32, #tpu.memory_space<vmem>>, vector<65x65xf32>
    %dot_general3A_273 = arith.constant dense<0.000000e+00> : vector<1024x65xf32>
    %dot_general3A_274 = tpu.matmul %get3A_269, %get3A_272, %dot_general3A_273 {dimension_numbers = #tpu.dot_dimension_numbers<[1], [0], [0], [1], [0, 0, 1, 1], [], []>, transpose_lhs_hint = false} : vector<1024x65xf32>, vector<65x65xf32>, vector<1024x65xf32> -> vector<1024x65xf32>
    %add3A_275 = arith.addf %add3A_264, %dot_general3A_274 : vector<1024x65xf32>
    %add3A_276 = arith.constant 918 : i32
    %add3A_277 = arith.addi %add3A_1, %add3A_276 : i32
    %get3A_278 = arith.index_cast %add3A_277 : i32 to index
    %get3A_279 = arith.constant 0 : index
    %get3A_280 = vector.load %arg1[%get3A_278, %get3A_279] : memref<11264x65xf32, #tpu.memory_space<vmem>>, vector<1024x65xf32>
    %get3A_281 = arith.constant 1625 : index
    %get3A_282 = arith.constant 0 : index
    %get3A_283 = vector.load %arg2[%get3A_281, %get3A_282] : memref<1755x65xf32, #tpu.memory_space<vmem>>, vector<65x65xf32>
    %dot_general3A_284 = arith.constant dense<0.000000e+00> : vector<1024x65xf32>
    %dot_general3A_285 = tpu.matmul %get3A_280, %get3A_283, %dot_general3A_284 {dimension_numbers = #tpu.dot_dimension_numbers<[1], [0], [0], [1], [0, 0, 1, 1], [], []>, transpose_lhs_hint = false} : vector<1024x65xf32>, vector<65x65xf32>, vector<1024x65xf32> -> vector<1024x65xf32>
    %add3A_286 = arith.addf %add3A_275, %dot_general3A_285 : vector<1024x65xf32>
    %add3A_287 = arith.constant 919 : i32
    %add3A_288 = arith.addi %add3A_1, %add3A_287 : i32
    %get3A_289 = arith.index_cast %add3A_288 : i32 to index
    %get3A_290 = arith.constant 0 : index
    %get3A_291 = vector.load %arg1[%get3A_289, %get3A_290] : memref<11264x65xf32, #tpu.memory_space<vmem>>, vector<1024x65xf32>
    %get3A_292 = arith.constant 1690 : index
    %get3A_293 = arith.constant 0 : index
    %get3A_294 = vector.load %arg2[%get3A_292, %get3A_293] : memref<1755x65xf32, #tpu.memory_space<vmem>>, vector<65x65xf32>
    %dot_general3A_295 = arith.constant dense<0.000000e+00> : vector<1024x65xf32>
    %dot_general3A_296 = tpu.matmul %get3A_291, %get3A_294, %dot_general3A_295 {dimension_numbers = #tpu.dot_dimension_numbers<[1], [0], [0], [1], [0, 0, 1, 1], [], []>, transpose_lhs_hint = false} : vector<1024x65xf32>, vector<65x65xf32>, vector<1024x65xf32> -> vector<1024x65xf32>
    %add3A_297 = arith.addf %add3A_286, %dot_general3A_296 : vector<1024x65xf32>
    %mul3A_298 = arith.constant 0.999500393 : f32
    %mul3A_299 = vector.broadcast %mul3A_298 : f32 to vector<1024x65xf32>
    %mul3A_300 = arith.mulf %add3A_297, %mul3A_299 : vector<1024x65xf32>
    %max3A = arith.constant 0.000000e+00 : f32
    %max3A_301 = vector.broadcast %max3A : f32 to vector<1024x65xf32>
    %max3A_302 = arith.maximumf %mul3A_300, %max3A_301 : vector<1024x65xf32>
    %swap3A = arith.constant 0 : index
    %swap3A_303 = arith.constant 0 : index
    %swap3A_304 = vector.load %arg3[%swap3A, %swap3A_303] : memref<1024x65xf32, #tpu.memory_space<vmem>>, vector<1024x65xf32>
    tpu.vector_store %arg3[%swap3A, %swap3A_303], %max3A_302 {strides = array<i32>} : memref<1024x65xf32, #tpu.memory_space<vmem>>, vector<1024x65xf32>,
    return
  }
  func.func @transform_0(%arg0: i32) -> (i32, i32) {
    %c0_i32 = arith.constant 0 : i32
    %c0_i32_0 = arith.constant 0 : i32
    %c0_i32_1 = arith.constant 0 : i32
    return %c0_i32, %c0_i32_0 : i32, i32
  }
  func.func @transform_1(%arg0: i32) -> (i32, i32) {
    %c0_i32 = arith.constant 0 : i32
    %c0_i32_0 = arith.constant 0 : i32
    %c0_i32_1 = arith.constant 0 : i32
    return %c0_i32, %c0_i32_0 : i32, i32
  }
  func.func @transform_2(%arg0: i32) -> (i32, i32) {
    %c0_i32 = arith.constant 0 : i32
    %c0_i32_0 = arith.constant 0 : i32
    return %arg0, %c0_i32 : i32, i32
  }
}

module attributes {stable_mosaic.version = 14 : i64} {
  func.func @body(%arg0: i32, %arg1: memref<4096x64xf32, #tpu.memory_space<vmem>>, %arg2: memref<1728x64xf32, #tpu.memory_space<vmem>>, %arg3: memref<1024x1xf32, #tpu.memory_space<vmem>>, %arg4: memref<1024x64xf32, #tpu.memory_space<vmem>>) attributes {dimension_semantics = [#tpu.dimension_semantics<arbitrary>], iteration_bounds = array<i64: 2>, scalar_prefetch = 0 : i64, scratch_operands = 0 : i64, tpu.core_type = #tpu.core_type<tc>, window_params = [{pipeline_mode = #tpu.pipeline_mode<synchronous>, transform_indices = @transform_0, window_bounds = array<i64: 4096, 64>}, {pipeline_mode = #tpu.pipeline_mode<synchronous>, transform_indices = @transform_1, window_bounds = array<i64: 1728, 64>}, {transform_indices = @transform_2, window_bounds = array<i64: 1024, 1>}, {transform_indices = @transform_3, window_bounds = array<i64: 1024, 64>}]} {
    %mul3A = arith.constant 1024 : i32
    %mul3A_0 = arith.muli %arg0, %mul3A : i32
    %add3A = arith.constant 1024 : i32
    %add3A_1 = arith.addi %mul3A_0, %add3A : i32
    %broadcast_in_dim3A = arith.constant 0.000000e+00 : f32
    %broadcast_in_dim3A_2 = vector.broadcast %broadcast_in_dim3A : f32 to vector<1024x64xf32>
    %add3A_3 = arith.constant -271 : i32
    %add3A_4 = arith.addi %add3A_1, %add3A_3 : i32
    %get3A = arith.index_cast %add3A_4 : i32 to index
    %get3A_5 = arith.constant 0 : index
    %get3A_6 = vector.load %arg1[%get3A, %get3A_5] : memref<4096x64xf32, #tpu.memory_space<vmem>>, vector<1024x64xf32>
    %add3A_7 = arith.constant -270 : i32
    %add3A_8 = arith.addi %add3A_1, %add3A_7 : i32
    %get3A_9 = arith.index_cast %add3A_8 : i32 to index
    %get3A_10 = arith.constant 0 : index
    %get3A_11 = vector.load %arg1[%get3A_9, %get3A_10] : memref<4096x64xf32, #tpu.memory_space<vmem>>, vector<1024x64xf32>
    %concatenate3A = tpu.concatenate %get3A_6, %get3A_11 in 1 : vector<1024x64xf32>, vector<1024x64xf32> -> vector<1024x128xf32>
    %get3A_12 = arith.constant 0 : index
    %get3A_13 = arith.constant 0 : index
    %get3A_14 = vector.load %arg2[%get3A_12, %get3A_13] : memref<1728x64xf32, #tpu.memory_space<vmem>>, vector<128x64xf32>
    %dot_general3A = arith.constant dense<0.000000e+00> : vector<1024x64xf32>
    %dot_general3A_15 = tpu.matmul %concatenate3A, %get3A_14, %dot_general3A {dimension_numbers = #tpu.dot_dimension_numbers<[1], [0], [0], [1], [0, 0, 1, 1], [], []>, transpose_lhs_hint = false} : vector<1024x128xf32>, vector<128x64xf32>, vector<1024x64xf32> -> vector<1024x64xf32>
    %add3A_16 = arith.addf %broadcast_in_dim3A_2, %dot_general3A_15 : vector<1024x64xf32>
    %add3A_17 = arith.constant -269 : i32
    %add3A_18 = arith.addi %add3A_1, %add3A_17 : i32
    %get3A_19 = arith.index_cast %add3A_18 : i32 to index
    %get3A_20 = arith.constant 0 : index
    %get3A_21 = vector.load %arg1[%get3A_19, %get3A_20] : memref<4096x64xf32, #tpu.memory_space<vmem>>, vector<1024x64xf32>
    %add3A_22 = arith.constant -253 : i32
    %add3A_23 = arith.addi %add3A_1, %add3A_22 : i32
    %get3A_24 = arith.index_cast %add3A_23 : i32 to index
    %get3A_25 = arith.constant 0 : index
    %get3A_26 = vector.load %arg1[%get3A_24, %get3A_25] : memref<4096x64xf32, #tpu.memory_space<vmem>>, vector<1024x64xf32>
    %concatenate3A_27 = tpu.concatenate %get3A_21, %get3A_26 in 1 : vector<1024x64xf32>, vector<1024x64xf32> -> vector<1024x128xf32>
    %get3A_28 = arith.constant 128 : index
    %get3A_29 = arith.constant 0 : index
    %get3A_30 = vector.load %arg2[%get3A_28, %get3A_29] : memref<1728x64xf32, #tpu.memory_space<vmem>>, vector<128x64xf32>
    %dot_general3A_31 = arith.constant dense<0.000000e+00> : vector<1024x64xf32>
    %dot_general3A_32 = tpu.matmul %concatenate3A_27, %get3A_30, %dot_general3A_31 {dimension_numbers = #tpu.dot_dimension_numbers<[1], [0], [0], [1], [0, 0, 1, 1], [], []>, transpose_lhs_hint = false} : vector<1024x128xf32>, vector<128x64xf32>, vector<1024x64xf32> -> vector<1024x64xf32>
    %add3A_33 = arith.addf %add3A_16, %dot_general3A_32 : vector<1024x64xf32>
    %add3A_34 = arith.constant -252 : i32
    %add3A_35 = arith.addi %add3A_1, %add3A_34 : i32
    %get3A_36 = arith.index_cast %add3A_35 : i32 to index
    %get3A_37 = arith.constant 0 : index
    %get3A_38 = vector.load %arg1[%get3A_36, %get3A_37] : memref<4096x64xf32, #tpu.memory_space<vmem>>, vector<1024x64xf32>
    %add3A_39 = arith.constant -251 : i32
    %add3A_40 = arith.addi %add3A_1, %add3A_39 : i32
    %get3A_41 = arith.index_cast %add3A_40 : i32 to index
    %get3A_42 = arith.constant 0 : index
    %get3A_43 = vector.load %arg1[%get3A_41, %get3A_42] : memref<4096x64xf32, #tpu.memory_space<vmem>>, vector<1024x64xf32>
    %concatenate3A_44 = tpu.concatenate %get3A_38, %get3A_43 in 1 : vector<1024x64xf32>, vector<1024x64xf32> -> vector<1024x128xf32>
    %get3A_45 = arith.constant 256 : index
    %get3A_46 = arith.constant 0 : index
    %get3A_47 = vector.load %arg2[%get3A_45, %get3A_46] : memref<1728x64xf32, #tpu.memory_space<vmem>>, vector<128x64xf32>
    %dot_general3A_48 = arith.constant dense<0.000000e+00> : vector<1024x64xf32>
    %dot_general3A_49 = tpu.matmul %concatenate3A_44, %get3A_47, %dot_general3A_48 {dimension_numbers = #tpu.dot_dimension_numbers<[1], [0], [0], [1], [0, 0, 1, 1], [], []>, transpose_lhs_hint = false} : vector<1024x128xf32>, vector<128x64xf32>, vector<1024x64xf32> -> vector<1024x64xf32>
    %add3A_50 = arith.addf %add3A_33, %dot_general3A_49 : vector<1024x64xf32>
    %add3A_51 = arith.constant -235 : i32
    %add3A_52 = arith.addi %add3A_1, %add3A_51 : i32
    %get3A_53 = arith.index_cast %add3A_52 : i32 to index
    %get3A_54 = arith.constant 0 : index
    %get3A_55 = vector.load %arg1[%get3A_53, %get3A_54] : memref<4096x64xf32, #tpu.memory_space<vmem>>, vector<1024x64xf32>
    %add3A_56 = arith.constant -234 : i32
    %add3A_57 = arith.addi %add3A_1, %add3A_56 : i32
    %get3A_58 = arith.index_cast %add3A_57 : i32 to index
    %get3A_59 = arith.constant 0 : index
    %get3A_60 = vector.load %arg1[%get3A_58, %get3A_59] : memref<4096x64xf32, #tpu.memory_space<vmem>>, vector<1024x64xf32>
    %concatenate3A_61 = tpu.concatenate %get3A_55, %get3A_60 in 1 : vector<1024x64xf32>, vector<1024x64xf32> -> vector<1024x128xf32>
    %get3A_62 = arith.constant 384 : index
    %get3A_63 = arith.constant 0 : index
    %get3A_64 = vector.load %arg2[%get3A_62, %get3A_63] : memref<1728x64xf32, #tpu.memory_space<vmem>>, vector<128x64xf32>
    %dot_general3A_65 = arith.constant dense<0.000000e+00> : vector<1024x64xf32>
    %dot_general3A_66 = tpu.matmul %concatenate3A_61, %get3A_64, %dot_general3A_65 {dimension_numbers = #tpu.dot_dimension_numbers<[1], [0], [0], [1], [0, 0, 1, 1], [], []>, transpose_lhs_hint = false} : vector<1024x128xf32>, vector<128x64xf32>, vector<1024x64xf32> -> vector<1024x64xf32>
    %add3A_67 = arith.addf %add3A_50, %dot_general3A_66 : vector<1024x64xf32>
    %add3A_68 = arith.constant -233 : i32
    %add3A_69 = arith.addi %add3A_1, %add3A_68 : i32
    %get3A_70 = arith.index_cast %add3A_69 : i32 to index
    %get3A_71 = arith.constant 0 : index
    %get3A_72 = vector.load %arg1[%get3A_70, %get3A_71] : memref<4096x64xf32, #tpu.memory_space<vmem>>, vector<1024x64xf32>
    %add3A_73 = arith.constant -19 : i32
    %add3A_74 = arith.addi %add3A_1, %add3A_73 : i32
    %get3A_75 = arith.index_cast %add3A_74 : i32 to index
    %get3A_76 = arith.constant 0 : index
    %get3A_77 = vector.load %arg1[%get3A_75, %get3A_76] : memref<4096x64xf32, #tpu.memory_space<vmem>>, vector<1024x64xf32>
    %concatenate3A_78 = tpu.concatenate %get3A_72, %get3A_77 in 1 : vector<1024x64xf32>, vector<1024x64xf32> -> vector<1024x128xf32>
    %get3A_79 = arith.constant 512 : index
    %get3A_80 = arith.constant 0 : index
    %get3A_81 = vector.load %arg2[%get3A_79, %get3A_80] : memref<1728x64xf32, #tpu.memory_space<vmem>>, vector<128x64xf32>
    %dot_general3A_82 = arith.constant dense<0.000000e+00> : vector<1024x64xf32>
    %dot_general3A_83 = tpu.matmul %concatenate3A_78, %get3A_81, %dot_general3A_82 {dimension_numbers = #tpu.dot_dimension_numbers<[1], [0], [0], [1], [0, 0, 1, 1], [], []>, transpose_lhs_hint = false} : vector<1024x128xf32>, vector<128x64xf32>, vector<1024x64xf32> -> vector<1024x64xf32>
    %add3A_84 = arith.addf %add3A_67, %dot_general3A_83 : vector<1024x64xf32>
    %add3A_85 = arith.constant -18 : i32
    %add3A_86 = arith.addi %add3A_1, %add3A_85 : i32
    %get3A_87 = arith.index_cast %add3A_86 : i32 to index
    %get3A_88 = arith.constant 0 : index
    %get3A_89 = vector.load %arg1[%get3A_87, %get3A_88] : memref<4096x64xf32, #tpu.memory_space<vmem>>, vector<1024x64xf32>
    %add3A_90 = arith.constant -17 : i32
    %add3A_91 = arith.addi %add3A_1, %add3A_90 : i32
    %get3A_92 = arith.index_cast %add3A_91 : i32 to index
    %get3A_93 = arith.constant 0 : index
    %get3A_94 = vector.load %arg1[%get3A_92, %get3A_93] : memref<4096x64xf32, #tpu.memory_space<vmem>>, vector<1024x64xf32>
    %concatenate3A_95 = tpu.concatenate %get3A_89, %get3A_94 in 1 : vector<1024x64xf32>, vector<1024x64xf32> -> vector<1024x128xf32>
    %get3A_96 = arith.constant 640 : index
    %get3A_97 = arith.constant 0 : index
    %get3A_98 = vector.load %arg2[%get3A_96, %get3A_97] : memref<1728x64xf32, #tpu.memory_space<vmem>>, vector<128x64xf32>
    %dot_general3A_99 = arith.constant dense<0.000000e+00> : vector<1024x64xf32>
    %dot_general3A_100 = tpu.matmul %concatenate3A_95, %get3A_98, %dot_general3A_99 {dimension_numbers = #tpu.dot_dimension_numbers<[1], [0], [0], [1], [0, 0, 1, 1], [], []>, transpose_lhs_hint = false} : vector<1024x128xf32>, vector<128x64xf32>, vector<1024x64xf32> -> vector<1024x64xf32>
    %add3A_101 = arith.addf %add3A_84, %dot_general3A_100 : vector<1024x64xf32>
    %add3A_102 = arith.constant -1 : i32
    %add3A_103 = arith.addi %add3A_1, %add3A_102 : i32
    %get3A_104 = arith.index_cast %add3A_103 : i32 to index
    %get3A_105 = arith.constant 0 : index
    %get3A_106 = vector.load %arg1[%get3A_104, %get3A_105] : memref<4096x64xf32, #tpu.memory_space<vmem>>, vector<1024x64xf32>
    %add3A_107 = arith.constant 0 : i32
    %add3A_108 = arith.addi %add3A_1, %add3A_107 : i32
    %get3A_109 = arith.index_cast %add3A_108 : i32 to index
    %get3A_110 = arith.constant 0 : index
    %get3A_111 = vector.load %arg1[%get3A_109, %get3A_110] : memref<4096x64xf32, #tpu.memory_space<vmem>>, vector<1024x64xf32>
    %concatenate3A_112 = tpu.concatenate %get3A_106, %get3A_111 in 1 : vector<1024x64xf32>, vector<1024x64xf32> -> vector<1024x128xf32>
    %get3A_113 = arith.constant 768 : index
    %get3A_114 = arith.constant 0 : index
    %get3A_115 = vector.load %arg2[%get3A_113, %get3A_114] : memref<1728x64xf32, #tpu.memory_space<vmem>>, vector<128x64xf32>
    %dot_general3A_116 = arith.constant dense<0.000000e+00> : vector<1024x64xf32>
    %dot_general3A_117 = tpu.matmul %concatenate3A_112, %get3A_115, %dot_general3A_116 {dimension_numbers = #tpu.dot_dimension_numbers<[1], [0], [0], [1], [0, 0, 1, 1], [], []>, transpose_lhs_hint = false} : vector<1024x128xf32>, vector<128x64xf32>, vector<1024x64xf32> -> vector<1024x64xf32>
    %add3A_118 = arith.addf %add3A_101, %dot_general3A_117 : vector<1024x64xf32>
    %add3A_119 = arith.constant 1 : i32
    %add3A_120 = arith.addi %add3A_1, %add3A_119 : i32
    %get3A_121 = arith.index_cast %add3A_120 : i32 to index
    %get3A_122 = arith.constant 0 : index
    %get3A_123 = vector.load %arg1[%get3A_121, %get3A_122] : memref<4096x64xf32, #tpu.memory_space<vmem>>, vector<1024x64xf32>
    %add3A_124 = arith.constant 17 : i32
    %add3A_125 = arith.addi %add3A_1, %add3A_124 : i32
    %get3A_126 = arith.index_cast %add3A_125 : i32 to index
    %get3A_127 = arith.constant 0 : index
    %get3A_128 = vector.load %arg1[%get3A_126, %get3A_127] : memref<4096x64xf32, #tpu.memory_space<vmem>>, vector<1024x64xf32>
    %concatenate3A_129 = tpu.concatenate %get3A_123, %get3A_128 in 1 : vector<1024x64xf32>, vector<1024x64xf32> -> vector<1024x128xf32>
    %get3A_130 = arith.constant 896 : index
    %get3A_131 = arith.constant 0 : index
    %get3A_132 = vector.load %arg2[%get3A_130, %get3A_131] : memref<1728x64xf32, #tpu.memory_space<vmem>>, vector<128x64xf32>
    %dot_general3A_133 = arith.constant dense<0.000000e+00> : vector<1024x64xf32>
    %dot_general3A_134 = tpu.matmul %concatenate3A_129, %get3A_132, %dot_general3A_133 {dimension_numbers = #tpu.dot_dimension_numbers<[1], [0], [0], [1], [0, 0, 1, 1], [], []>, transpose_lhs_hint = false} : vector<1024x128xf32>, vector<128x64xf32>, vector<1024x64xf32> -> vector<1024x64xf32>
    %add3A_135 = arith.addf %add3A_118, %dot_general3A_134 : vector<1024x64xf32>
    %add3A_136 = arith.constant 18 : i32
    %add3A_137 = arith.addi %add3A_1, %add3A_136 : i32
    %get3A_138 = arith.index_cast %add3A_137 : i32 to index
    %get3A_139 = arith.constant 0 : index
    %get3A_140 = vector.load %arg1[%get3A_138, %get3A_139] : memref<4096x64xf32, #tpu.memory_space<vmem>>, vector<1024x64xf32>
    %add3A_141 = arith.constant 19 : i32
    %add3A_142 = arith.addi %add3A_1, %add3A_141 : i32
    %get3A_143 = arith.index_cast %add3A_142 : i32 to index
    %get3A_144 = arith.constant 0 : index
    %get3A_145 = vector.load %arg1[%get3A_143, %get3A_144] : memref<4096x64xf32, #tpu.memory_space<vmem>>, vector<1024x64xf32>
    %concatenate3A_146 = tpu.concatenate %get3A_140, %get3A_145 in 1 : vector<1024x64xf32>, vector<1024x64xf32> -> vector<1024x128xf32>
    %get3A_147 = arith.constant 1024 : index
    %get3A_148 = arith.constant 0 : index
    %get3A_149 = vector.load %arg2[%get3A_147, %get3A_148] : memref<1728x64xf32, #tpu.memory_space<vmem>>, vector<128x64xf32>
    %dot_general3A_150 = arith.constant dense<0.000000e+00> : vector<1024x64xf32>
    %dot_general3A_151 = tpu.matmul %concatenate3A_146, %get3A_149, %dot_general3A_150 {dimension_numbers = #tpu.dot_dimension_numbers<[1], [0], [0], [1], [0, 0, 1, 1], [], []>, transpose_lhs_hint = false} : vector<1024x128xf32>, vector<128x64xf32>, vector<1024x64xf32> -> vector<1024x64xf32>
    %add3A_152 = arith.addf %add3A_135, %dot_general3A_151 : vector<1024x64xf32>
    %add3A_153 = arith.constant 233 : i32
    %add3A_154 = arith.addi %add3A_1, %add3A_153 : i32
    %get3A_155 = arith.index_cast %add3A_154 : i32 to index
    %get3A_156 = arith.constant 0 : index
    %get3A_157 = vector.load %arg1[%get3A_155, %get3A_156] : memref<4096x64xf32, #tpu.memory_space<vmem>>, vector<1024x64xf32>
    %add3A_158 = arith.constant 234 : i32
    %add3A_159 = arith.addi %add3A_1, %add3A_158 : i32
    %get3A_160 = arith.index_cast %add3A_159 : i32 to index
    %get3A_161 = arith.constant 0 : index
    %get3A_162 = vector.load %arg1[%get3A_160, %get3A_161] : memref<4096x64xf32, #tpu.memory_space<vmem>>, vector<1024x64xf32>
    %concatenate3A_163 = tpu.concatenate %get3A_157, %get3A_162 in 1 : vector<1024x64xf32>, vector<1024x64xf32> -> vector<1024x128xf32>
    %get3A_164 = arith.constant 1152 : index
    %get3A_165 = arith.constant 0 : index
    %get3A_166 = vector.load %arg2[%get3A_164, %get3A_165] : memref<1728x64xf32, #tpu.memory_space<vmem>>, vector<128x64xf32>
    %dot_general3A_167 = arith.constant dense<0.000000e+00> : vector<1024x64xf32>
    %dot_general3A_168 = tpu.matmul %concatenate3A_163, %get3A_166, %dot_general3A_167 {dimension_numbers = #tpu.dot_dimension_numbers<[1], [0], [0], [1], [0, 0, 1, 1], [], []>, transpose_lhs_hint = false} : vector<1024x128xf32>, vector<128x64xf32>, vector<1024x64xf32> -> vector<1024x64xf32>
    %add3A_169 = arith.addf %add3A_152, %dot_general3A_168 : vector<1024x64xf32>
    %add3A_170 = arith.constant 235 : i32
    %add3A_171 = arith.addi %add3A_1, %add3A_170 : i32
    %get3A_172 = arith.index_cast %add3A_171 : i32 to index
    %get3A_173 = arith.constant 0 : index
    %get3A_174 = vector.load %arg1[%get3A_172, %get3A_173] : memref<4096x64xf32, #tpu.memory_space<vmem>>, vector<1024x64xf32>
    %add3A_175 = arith.constant 251 : i32
    %add3A_176 = arith.addi %add3A_1, %add3A_175 : i32
    %get3A_177 = arith.index_cast %add3A_176 : i32 to index
    %get3A_178 = arith.constant 0 : index
    %get3A_179 = vector.load %arg1[%get3A_177, %get3A_178] : memref<4096x64xf32, #tpu.memory_space<vmem>>, vector<1024x64xf32>
    %concatenate3A_180 = tpu.concatenate %get3A_174, %get3A_179 in 1 : vector<1024x64xf32>, vector<1024x64xf32> -> vector<1024x128xf32>
    %get3A_181 = arith.constant 1280 : index
    %get3A_182 = arith.constant 0 : index
    %get3A_183 = vector.load %arg2[%get3A_181, %get3A_182] : memref<1728x64xf32, #tpu.memory_space<vmem>>, vector<128x64xf32>
    %dot_general3A_184 = arith.constant dense<0.000000e+00> : vector<1024x64xf32>
    %dot_general3A_185 = tpu.matmul %concatenate3A_180, %get3A_183, %dot_general3A_184 {dimension_numbers = #tpu.dot_dimension_numbers<[1], [0], [0], [1], [0, 0, 1, 1], [], []>, transpose_lhs_hint = false} : vector<1024x128xf32>, vector<128x64xf32>, vector<1024x64xf32> -> vector<1024x64xf32>
    %add3A_186 = arith.addf %add3A_169, %dot_general3A_185 : vector<1024x64xf32>
    %add3A_187 = arith.constant 252 : i32
    %add3A_188 = arith.addi %add3A_1, %add3A_187 : i32
    %get3A_189 = arith.index_cast %add3A_188 : i32 to index
    %get3A_190 = arith.constant 0 : index
    %get3A_191 = vector.load %arg1[%get3A_189, %get3A_190] : memref<4096x64xf32, #tpu.memory_space<vmem>>, vector<1024x64xf32>
    %add3A_192 = arith.constant 253 : i32
    %add3A_193 = arith.addi %add3A_1, %add3A_192 : i32
    %get3A_194 = arith.index_cast %add3A_193 : i32 to index
    %get3A_195 = arith.constant 0 : index
    %get3A_196 = vector.load %arg1[%get3A_194, %get3A_195] : memref<4096x64xf32, #tpu.memory_space<vmem>>, vector<1024x64xf32>
    %concatenate3A_197 = tpu.concatenate %get3A_191, %get3A_196 in 1 : vector<1024x64xf32>, vector<1024x64xf32> -> vector<1024x128xf32>
    %get3A_198 = arith.constant 1408 : index
    %get3A_199 = arith.constant 0 : index
    %get3A_200 = vector.load %arg2[%get3A_198, %get3A_199] : memref<1728x64xf32, #tpu.memory_space<vmem>>, vector<128x64xf32>
    %dot_general3A_201 = arith.constant dense<0.000000e+00> : vector<1024x64xf32>
    %dot_general3A_202 = tpu.matmul %concatenate3A_197, %get3A_200, %dot_general3A_201 {dimension_numbers = #tpu.dot_dimension_numbers<[1], [0], [0], [1], [0, 0, 1, 1], [], []>, transpose_lhs_hint = false} : vector<1024x128xf32>, vector<128x64xf32>, vector<1024x64xf32> -> vector<1024x64xf32>
    %add3A_203 = arith.addf %add3A_186, %dot_general3A_202 : vector<1024x64xf32>
    %add3A_204 = arith.constant 269 : i32
    %add3A_205 = arith.addi %add3A_1, %add3A_204 : i32
    %get3A_206 = arith.index_cast %add3A_205 : i32 to index
    %get3A_207 = arith.constant 0 : index
    %get3A_208 = vector.load %arg1[%get3A_206, %get3A_207] : memref<4096x64xf32, #tpu.memory_space<vmem>>, vector<1024x64xf32>
    %add3A_209 = arith.constant 270 : i32
    %add3A_210 = arith.addi %add3A_1, %add3A_209 : i32
    %get3A_211 = arith.index_cast %add3A_210 : i32 to index
    %get3A_212 = arith.constant 0 : index
    %get3A_213 = vector.load %arg1[%get3A_211, %get3A_212] : memref<4096x64xf32, #tpu.memory_space<vmem>>, vector<1024x64xf32>
    %concatenate3A_214 = tpu.concatenate %get3A_208, %get3A_213 in 1 : vector<1024x64xf32>, vector<1024x64xf32> -> vector<1024x128xf32>
    %get3A_215 = arith.constant 1536 : index
    %get3A_216 = arith.constant 0 : index
    %get3A_217 = vector.load %arg2[%get3A_215, %get3A_216] : memref<1728x64xf32, #tpu.memory_space<vmem>>, vector<128x64xf32>
    %dot_general3A_218 = arith.constant dense<0.000000e+00> : vector<1024x64xf32>
    %dot_general3A_219 = tpu.matmul %concatenate3A_214, %get3A_217, %dot_general3A_218 {dimension_numbers = #tpu.dot_dimension_numbers<[1], [0], [0], [1], [0, 0, 1, 1], [], []>, transpose_lhs_hint = false} : vector<1024x128xf32>, vector<128x64xf32>, vector<1024x64xf32> -> vector<1024x64xf32>
    %add3A_220 = arith.addf %add3A_203, %dot_general3A_219 : vector<1024x64xf32>
    %add3A_221 = arith.constant 271 : i32
    %add3A_222 = arith.addi %add3A_1, %add3A_221 : i32
    %get3A_223 = arith.index_cast %add3A_222 : i32 to index
    %get3A_224 = arith.constant 0 : index
    %get3A_225 = vector.load %arg1[%get3A_223, %get3A_224] : memref<4096x64xf32, #tpu.memory_space<vmem>>, vector<1024x64xf32>
    %get3A_226 = arith.constant 1664 : index
    %get3A_227 = arith.constant 0 : index
    %get3A_228 = vector.load %arg2[%get3A_226, %get3A_227] : memref<1728x64xf32, #tpu.memory_space<vmem>>, vector<64x64xf32>
    %dot_general3A_229 = arith.constant dense<0.000000e+00> : vector<1024x64xf32>
    %dot_general3A_230 = tpu.matmul %get3A_225, %get3A_228, %dot_general3A_229 {dimension_numbers = #tpu.dot_dimension_numbers<[1], [0], [0], [1], [0, 0, 1, 1], [], []>, transpose_lhs_hint = false} : vector<1024x64xf32>, vector<64x64xf32>, vector<1024x64xf32> -> vector<1024x64xf32>
    %add3A_231 = arith.addf %add3A_220, %dot_general3A_230 : vector<1024x64xf32>
    %mul3A_232 = arith.constant 0.999500393 : f32
    %mul3A_233 = vector.broadcast %mul3A_232 : f32 to vector<1024x64xf32>
    %mul3A_234 = arith.mulf %add3A_231, %mul3A_233 : vector<1024x64xf32>
    %max3A = arith.constant 0.000000e+00 : f32
    %max3A_235 = vector.broadcast %max3A : f32 to vector<1024x64xf32>
    %max3A_236 = arith.maximumf %mul3A_234, %max3A_235 : vector<1024x64xf32>
    %get3A_237 = arith.constant 0 : index
    %get3A_238 = arith.constant 0 : index
    %get3A_239 = vector.load %arg3[%get3A_237, %get3A_238] : memref<1024x1xf32, #tpu.memory_space<vmem>>, vector<1024x1xf32>
    %mul3A_240 = vector.broadcast %get3A_239 : vector<1024x1xf32> to vector<1024x64xf32>
    %mul3A_241 = arith.mulf %max3A_236, %mul3A_240 : vector<1024x64xf32>
    %swap3A = arith.constant 0 : index
    %swap3A_242 = arith.constant 0 : index
    %swap3A_243 = vector.load %arg4[%swap3A, %swap3A_242] : memref<1024x64xf32, #tpu.memory_space<vmem>>, vector<1024x64xf32>
    tpu.vector_store %arg4[%swap3A, %swap3A_242], %mul3A_241 {strides = array<i32>} : memref<1024x64xf32, #tpu.memory_space<vmem>>, vector<1024x64xf32>,
    return
  }
  func.func @transform_0(%arg0: i32) -> (i32, i32) {
    %c0_i32 = arith.constant 0 : i32
    %c0_i32_0 = arith.constant 0 : i32
    %c0_i32_1 = arith.constant 0 : i32
    return %c0_i32, %c0_i32_0 : i32, i32
  }
  func.func @transform_1(%arg0: i32) -> (i32, i32) {
    %c0_i32 = arith.constant 0 : i32
    %c0_i32_0 = arith.constant 0 : i32
    %c0_i32_1 = arith.constant 0 : i32
    return %c0_i32, %c0_i32_0 : i32, i32
  }
  func.func @transform_2(%arg0: i32) -> (i32, i32) {
    %c0_i32 = arith.constant 0 : i32
    %c0_i32_0 = arith.constant 0 : i32
    return %arg0, %c0_i32 : i32, i32
  }
  func.func @transform_3(%arg0: i32) -> (i32, i32) {
    %c0_i32 = arith.constant 0 : i32
    %c0_i32_0 = arith.constant 0 : i32
    return %arg0, %c0_i32 : i32, i32
  }
}

module attributes {stable_mosaic.version = 14 : i64} {
  func.func @body(%arg0: i32, %arg1: memref<4096x64xf32, #tpu.memory_space<vmem>>, %arg2: memref<64x64xf32, #tpu.memory_space<vmem>>, %arg3: memref<1024x1xf32, #tpu.memory_space<vmem>>, %arg4: memref<1024x64xf32, #tpu.memory_space<vmem>>) attributes {dimension_semantics = [#tpu.dimension_semantics<arbitrary>], iteration_bounds = array<i64: 2>, scalar_prefetch = 0 : i64, scratch_operands = 0 : i64, tpu.core_type = #tpu.core_type<tc>, window_params = [{pipeline_mode = #tpu.pipeline_mode<synchronous>, transform_indices = @transform_0, window_bounds = array<i64: 4096, 64>}, {pipeline_mode = #tpu.pipeline_mode<synchronous>, transform_indices = @transform_1, window_bounds = array<i64: 64, 64>}, {transform_indices = @transform_2, window_bounds = array<i64: 1024, 1>}, {transform_indices = @transform_3, window_bounds = array<i64: 1024, 64>}]} {
    %mul3A = arith.constant 1024 : i32
    %mul3A_0 = arith.muli %arg0, %mul3A : i32
    %add3A = arith.constant 1024 : i32
    %add3A_1 = arith.addi %mul3A_0, %add3A : i32
    %broadcast_in_dim3A = arith.constant 0.000000e+00 : f32
    %broadcast_in_dim3A_2 = vector.broadcast %broadcast_in_dim3A : f32 to vector<1024x64xf32>
    %add3A_3 = arith.constant 0 : i32
    %add3A_4 = arith.addi %add3A_1, %add3A_3 : i32
    %get3A = arith.index_cast %add3A_4 : i32 to index
    %get3A_5 = arith.constant 0 : index
    %get3A_6 = vector.load %arg1[%get3A, %get3A_5] : memref<4096x64xf32, #tpu.memory_space<vmem>>, vector<1024x64xf32>
    %get3A_7 = arith.constant 0 : index
    %get3A_8 = arith.constant 0 : index
    %get3A_9 = vector.load %arg2[%get3A_7, %get3A_8] : memref<64x64xf32, #tpu.memory_space<vmem>>, vector<64x64xf32>
    %dot_general3A = arith.constant dense<0.000000e+00> : vector<1024x64xf32>
    %dot_general3A_10 = tpu.matmul %get3A_6, %get3A_9, %dot_general3A {dimension_numbers = #tpu.dot_dimension_numbers<[1], [0], [0], [1], [0, 0, 1, 1], [], []>, transpose_lhs_hint = false} : vector<1024x64xf32>, vector<64x64xf32>, vector<1024x64xf32> -> vector<1024x64xf32>
    %add3A_11 = arith.addf %broadcast_in_dim3A_2, %dot_general3A_10 : vector<1024x64xf32>
    %mul3A_12 = arith.constant 0.999500393 : f32
    %mul3A_13 = vector.broadcast %mul3A_12 : f32 to vector<1024x64xf32>
    %mul3A_14 = arith.mulf %add3A_11, %mul3A_13 : vector<1024x64xf32>
    %max3A = arith.constant 0.000000e+00 : f32
    %max3A_15 = vector.broadcast %max3A : f32 to vector<1024x64xf32>
    %max3A_16 = arith.maximumf %mul3A_14, %max3A_15 : vector<1024x64xf32>
    %get3A_17 = arith.constant 0 : index
    %get3A_18 = arith.constant 0 : index
    %get3A_19 = vector.load %arg3[%get3A_17, %get3A_18] : memref<1024x1xf32, #tpu.memory_space<vmem>>, vector<1024x1xf32>
    %mul3A_20 = vector.broadcast %get3A_19 : vector<1024x1xf32> to vector<1024x64xf32>
    %mul3A_21 = arith.mulf %max3A_16, %mul3A_20 : vector<1024x64xf32>
    %swap3A = arith.constant 0 : index
    %swap3A_22 = arith.constant 0 : index
    %swap3A_23 = vector.load %arg4[%swap3A, %swap3A_22] : memref<1024x64xf32, #tpu.memory_space<vmem>>, vector<1024x64xf32>
    tpu.vector_store %arg4[%swap3A, %swap3A_22], %mul3A_21 {strides = array<i32>} : memref<1024x64xf32, #tpu.memory_space<vmem>>, vector<1024x64xf32>,
    return
  }
  func.func @transform_0(%arg0: i32) -> (i32, i32) {
    %c0_i32 = arith.constant 0 : i32
    %c0_i32_0 = arith.constant 0 : i32
    %c0_i32_1 = arith.constant 0 : i32
    return %c0_i32, %c0_i32_0 : i32, i32
  }
  func.func @transform_1(%arg0: i32) -> (i32, i32) {
    %c0_i32 = arith.constant 0 : i32
    %c0_i32_0 = arith.constant 0 : i32
    %c0_i32_1 = arith.constant 0 : i32
    return %c0_i32, %c0_i32_0 : i32, i32
  }
  func.func @transform_2(%arg0: i32) -> (i32, i32) {
    %c0_i32 = arith.constant 0 : i32
    %c0_i32_0 = arith.constant 0 : i32
    return %arg0, %c0_i32 : i32, i32
  }
  func.func @transform_3(%arg0: i32) -> (i32, i32) {
    %c0_i32 = arith.constant 0 : i32
    %c0_i32_0 = arith.constant 0 : i32
    return %arg0, %c0_i32 : i32, i32
  }
}

module attributes {stable_mosaic.version = 14 : i64} {
  func.func @_heads_body(%arg0: memref<6000x160xf32, #tpu.memory_space<vmem>>, %arg1: memref<160x64xf32, #tpu.memory_space<vmem>>, %arg2: memref<64x1xf32, #tpu.memory_space<vmem>>, %arg3: memref<64x3xf32, #tpu.memory_space<vmem>>, %arg4: memref<6000x1xf32, #tpu.memory_space<vmem>>, %arg5: memref<6000x3xf32, #tpu.memory_space<vmem>>) attributes {dimension_semantics = [], scalar_prefetch = 0 : i64, scratch_operands = 0 : i64, tpu.core_type = #tpu.core_type<tc>} {
    %get3A = arith.constant 0 : index
    %get3A_0 = arith.constant 0 : index
    %get3A_1 = vector.load %arg0[%get3A, %get3A_0] : memref<6000x160xf32, #tpu.memory_space<vmem>>, vector<6000x160xf32>
    %get3A_2 = arith.constant 0 : index
    %get3A_3 = arith.constant 0 : index
    %get3A_4 = vector.load %arg1[%get3A_2, %get3A_3] : memref<160x64xf32, #tpu.memory_space<vmem>>, vector<160x64xf32>
    %dot_general3A = arith.constant dense<0.000000e+00> : vector<6000x64xf32>
    %dot_general3A_5 = tpu.matmul %get3A_1, %get3A_4, %dot_general3A {dimension_numbers = #tpu.dot_dimension_numbers<[1], [0], [0], [1], [0, 0, 1, 1], [], []>, transpose_lhs_hint = false} : vector<6000x160xf32>, vector<160x64xf32>, vector<6000x64xf32> -> vector<6000x64xf32>
    %get3A_6 = arith.constant 0 : index
    %get3A_7 = arith.constant 0 : index
    %get3A_8 = vector.load %arg2[%get3A_6, %get3A_7] : memref<64x1xf32, #tpu.memory_space<vmem>>, vector<64x1xf32>
    %dot_general3A_9 = arith.constant dense<0.000000e+00> : vector<6000x1xf32>
    %dot_general3A_10 = tpu.matmul %dot_general3A_5, %get3A_8, %dot_general3A_9 {dimension_numbers = #tpu.dot_dimension_numbers<[1], [0], [0], [1], [0, 0, 1, 1], [], []>, transpose_lhs_hint = false} : vector<6000x64xf32>, vector<64x1xf32>, vector<6000x1xf32> -> vector<6000x1xf32>
    %swap3A = arith.constant 0 : index
    %swap3A_11 = arith.constant 0 : index
    %swap3A_12 = vector.load %arg4[%swap3A, %swap3A_11] : memref<6000x1xf32, #tpu.memory_space<vmem>>, vector<6000x1xf32>
    tpu.vector_store %arg4[%swap3A, %swap3A_11], %dot_general3A_10 {strides = array<i32>} : memref<6000x1xf32, #tpu.memory_space<vmem>>, vector<6000x1xf32>,
    %get3A_13 = arith.constant 0 : index
    %get3A_14 = arith.constant 0 : index
    %get3A_15 = vector.load %arg3[%get3A_13, %get3A_14] : memref<64x3xf32, #tpu.memory_space<vmem>>, vector<64x3xf32>
    %dot_general3A_16 = arith.constant dense<0.000000e+00> : vector<6000x3xf32>
    %dot_general3A_17 = tpu.matmul %dot_general3A_5, %get3A_15, %dot_general3A_16 {dimension_numbers = #tpu.dot_dimension_numbers<[1], [0], [0], [1], [0, 0, 1, 1], [], []>, transpose_lhs_hint = false} : vector<6000x64xf32>, vector<64x3xf32>, vector<6000x3xf32> -> vector<6000x3xf32>
    %swap3A_18 = arith.constant 0 : index
    %swap3A_19 = arith.constant 0 : index
    %swap3A_20 = vector.load %arg5[%swap3A_18, %swap3A_19] : memref<6000x3xf32, #tpu.memory_space<vmem>>, vector<6000x3xf32>
    tpu.vector_store %arg5[%swap3A_18, %swap3A_19], %dot_general3A_17 {strides = array<i32>} : memref<6000x3xf32, #tpu.memory_space<vmem>>, vector<6000x3xf32>,
    return
  }
}

</mosaic_0001>

<sc_bundles>
// kernel: gather_offload_async_start.10
scs
__scs_entry_jumppad:
0x0: {  	(pc) =	sbr.rel $0x88, $3  }
0x1: {  	(tag) =	ssettag $0x0;
	lr =	simm.s32 $0x1  }
0x2: {  	[smem:$0x3F8E] =	sst lr;
	_ =	strace $0xD0000000  }
0x3: {  	_ = 	snop  }
0x4: {  	_ = 	snop  }
0x5: {  	_ = 	snop  }
0x6: {  	_ = 	snop  }
0x7: {  	_ = 	snop  }
__scs_overlays_trampoline_lowered:
0x8: {  	[smem:$0x3F9D] =	sst s0  }
0x9: {  	[smem:$0x3F9E] =	sst s1  }
0xa: {  	[smem:$0x3F9F] =	sst s2  }
0xb: {  	[smem:$0x3FA0] =	sst s3  }
0xc: {  	[smem:$0x3FA1] =	sst s4  }
0xd: {  	[smem:$0x3FA2] =	sst s5  }
0xe: {  	[smem:$0x3FA3] =	sst s6  }
0xf: {  	[smem:$0x3FA4] =	sst s7  }
0x10: {  	[smem:$0x3FA5] =	sst s8  }
0x11: {  	[smem:$0x3FA6] =	sst s9;
	s0 =	simm.s32 @!p0 $0x0  }
0x12: {  	s1 =	sld [smem:$0x3F8C];
	s0 =	simm.s32 @p0 $0x1  }
0x13: {  	[smem:$0x3FA7] =	sst s0;
	s0 =	simm.s32 @!p1 $0x0  }
0x14: {  	s2 =	sld [smem:$0x3F8B];
	s0 =	simm.s32 @p1 $0x1  }
0x15: {  	[smem:$0x3FA8] =	sst s0;
	s0 =	simm.s32 @!p2 $0x0  }
0x16: {  	s3 =	sld [smem:$0x3FDB];
	s0 =	simm.s32 @p2 $0x1  }
0x17: {  	s4 =	simm.s32 $0x1BF5;
	[smem:$0x3FAA] =	sst s0  }
0x18: {  	s0 =	sld [smem:$0x3F8D];
	_ =	swait.ge [sflag:s4], $0x0  }
0x19: {  	s7 =	sld [smem:$0x3F8E]  }
0x1a: {  	s8 =	sadd.s32 $0xFFFFE003, lr  }
0x1b: {  	s9 =	sadd.s32 $0xFFFFFEF7, lr;
	s5 =	simm.s32 $0xFFFFFFFF;
	p2 =	slt.u32 s8, $0xFFFFF086  }
0x1c: {  	p1 =	slt.u32 s9, $0xF7A;
	s5 =	simm.s32 @!p2 $0x0  }
0x1d: {  	s5 =	simm.s32 @p1 $0x1;
	p0 =	seq.s32 s7, s2  }
0x1e: {  	s7 =	smul.u32 @!p0 $0xF7A, s2;
	p2 =	seq.s32 @!p0 s5, $0x0  }
0x1f: {  	s9 =	smul.u32 $0xF7A, s1;
	s8 =	simm.s32 @!p0 $0x1BF5;
	p2 =	por !p2, p0  }
0x20: {  	[sflag:s8] =	ssyncset.s32 @!p0 $0xFFFFF086;
	s6 =	sadd.s32 @!p0 s3, s7;
	s7 =	simm.s32 @!p0 $0x108  }
0x21: {  	s3 =	sadd.s32 s3, s9;
	s6 =	sadd.s32 @!p0 $0x88, s6;
	s7 =	simm.s32 @p2 $0x1082  }
0x22: {  	[simem:s7], [sflag:s8] =	dma.local @!p0 [hbm:s6], $0xF7A  }
0x23: {  	s9 =	sor.u32 $0xD0000000, s2;
	s6 =	simm.s32 $0x108;
	_ =	swait.ge @!p0 [sflag:s8], $0x0  }
0x24: {  	s3 =	sadd.s32 $0x88, s3;
	s6 =	simm.s32 @!p1 $0x1082;
	[sflag:s4] =	ssyncset.s32 $0xFFFFF086  }
0x25: {  	[simem:s6], [sflag:s4] =	dma.local [hbm:s3], $0xF7A  }
0x26: {  	[smem:$0x3F8E] =	sst s1;
	(tag) =	ssettag s2;
	_ =	strace s9  }
0x27: {  	s1 =	sld [smem:$0x3F9E]  }
0x28: {  	s2 =	sld [smem:$0x3F9F]  }
0x29: {  	s4 =	sld [smem:$0x3FA1]  }
0x2a: {  	p0 =	seq.s32 s5, $0x0;
	s5 =	sld [smem:$0x3FA2]  }
0x2b: {  	s6 =	sld [smem:$0x3FA3]  }
0x2c: {  	s7 =	sld [smem:$0x3FA4]  }
0x2d: {  	s3 =	simm.s32 $0x108;
	s8 =	sld [smem:$0x3FA5]  }
0x2e: {  	s3 =	simm.s32 @!p0 $0x1082;
	s9 =	sld [smem:$0x3FA6]  }
0x2f: {  	lr =	sadd.s32 s0, s3;
	s0 =	sld [smem:$0x3F9D]  }
0x30: {  	s3 =	sld [smem:$0x3FA0]  }
0x31: {  	[smem:$0x3FA9] =	sst s10  }
0x32: {  	s10 =	sld [smem:$0x3FA7];
	_ =	sdelay $0x3  }
0x33: {  	p0 =	seq.s32 s10, $0x1;
	s10 =	sld [smem:$0x3FA9];
	_ =	sdelay $0x3  }
0x34: {  	[smem:$0x3FA9] =	sst s10  }
0x35: {  	s10 =	sld [smem:$0x3FA8];
	_ =	sdelay $0x3  }
0x36: {  	p1 =	seq.s32 s10, $0x1;
	s10 =	sld [smem:$0x3FA9];
	_ =	sdelay $0x3  }
0x37: {  	[smem:$0x3FA9] =	sst s10  }
0x38: {  	s10 =	sld [smem:$0x3FAA]  }
0x39: {  	_ = 	snop;
	(pc) =	sbr.ind lr, $3  }
0x3a: {  	_ = 	snop  }
0x3b: {  	_ = 	snop  }
0x3c: {  	p2 =	seq.s32 s10, $0x1;
	s10 =	sld [smem:$0x3FA9]  }
0x3d: {  	_ =	shalt  }
0x3e: {  	_ =	shalt  }
0x3f: {  	_ =	shalt  }
0x40: {  	_ =	shalt  }
0x41: {  	_ =	shalt  }
0x42: {  	_ =	shalt  }
0x43: {  	_ =	shalt  }
0x44: {  	_ =	shalt  }
0x45: {  	_ =	shalt  }
0x46: {  	_ =	shalt  }
0x47: {  	_ =	shalt  }
0x48: {  	_ =	shalt  }
0x49: {  	_ =	shalt  }
0x4a: {  	_ =	shalt  }
0x4b: {  	_ =	shalt  }
0x4c: {  	_ =	shalt  }
0x4d: {  	_ =	shalt  }
0x4e: {  	_ =	shalt  }
0x4f: {  	_ =	shalt  }
0x50: {  	_ =	shalt  }
0x51: {  	_ =	shalt  }
0x52: {  	_ =	shalt  }
0x53: {  	_ =	shalt  }
0x54: {  	_ =	shalt  }
0x55: {  	_ =	shalt  }
0x56: {  	_ =	shalt  }
0x57: {  	_ =	shalt  }
0x58: {  	_ =	shalt  }
0x59: {  	_ =	shalt  }
0x5a: {  	_ =	shalt  }
0x5b: {  	_ =	shalt  }
0x5c: {  	_ =	shalt  }
0x5d: {  	_ =	shalt  }
0x5e: {  	_ =	shalt  }
0x5f: {  	_ =	shalt  }
0x60: {  	_ =	shalt  }
0x61: {  	_ =	shalt  }
0x62: {  	_ =	shalt  }
0x63: {  	_ =	shalt  }
0x64: {  	_ =	shalt  }
0x65: {  	_ =	shalt  }
0x66: {  	_ =	shalt  }
0x67: {  	_ =	shalt  }
0x68: {  	_ =	shalt  }
0x69: {  	_ =	shalt  }
0x6a: {  	_ =	shalt  }
0x6b: {  	_ =	shalt  }
0x6c: {  	_ =	shalt  }
0x6d: {  	_ =	shalt  }
0x6e: {  	_ =	shalt  }
0x6f: {  	_ =	shalt  }
0x70: {  	_ =	shalt  }
0x71: {  	_ =	shalt  }
0x72: {  	_ =	shalt  }
0x73: {  	_ =	shalt  }
0x74: {  	_ =	shalt  }
0x75: {  	_ =	shalt  }
0x76: {  	_ =	shalt  }
0x77: {  	_ =	shalt  }
0x78: {  	_ =	shalt  }
0x79: {  	_ =	shalt  }
0x7a: {  	_ =	shalt  }
0x7b: {  	_ =	shalt  }
0x7c: {  	_ =	shalt  }
0x7d: {  	_ =	shalt  }
0x7e: {  	_ =	shalt  }
0x7f: {  	_ =	shalt  }
0x80: {  	_ =	shalt  }
0x81: {  	_ =	shalt  }
0x82: {  	_ =	shalt  }
0x83: {  	_ =	shalt  }
0x84: {  	_ =	shalt  }
0x85: {  	_ =	shalt  }
0x86: {  	_ =	shalt  }
0x87: {  	_ =	shalt  }
.Lfunc_end0:
.L_simem_size_0:
called_computation.11_lowered:
.L_overlay_start_0:
0x88: {  	s2 =	sld [smem:$0x3FD9]  }
0x89: {  	s3 =	sld [smem:$0x3FFE];
	_ =	sdelay $0x1  }
0x8a: {  	s1 =	srdreg.scid  }
0x8b: {  	s0 =	sand.u32 $0x1, s1  }
0x8c: {  	s16 =	sshll.u32 s0, $0xA;
	s2 =	sadd.s32 s3, s2  }
0x8d: {  	s2 =	sadd.s32 s2, s16  }
0x8e: {  	[smem:$0x3FB5] =	sst s2  }
0x8f: {  	_ = 	snop  }
0x90: {  	(tm) =	ssettm $0x1  }
0x91: {  	s17 =	sld [smem:$0x3FFB];
	_ =	sdelay $0x3  }
0x92: {  	_ =	strace s17  }
0x93: {  	s2 =	sld [smem:$0x3FFC];
	_ =	sdelay $0x3  }
0x94: {  	_ =	strace s2  }
0x95: {  	s2 =	sld [smem:$0x3FFD];
	_ =	sdelay $0x3  }
0x96: {  	_ =	strace s2  }
0x97: {  	_ =	strace $0x8FFFFFFF  }
0x98: {  	s18 =	sld [smem:$0x3FDB];
	_ =	sdelay $0x1  }
0x99: {  	s19 =	simm.s32 $_scs_section_size  }
0x9a: {  	s4 =	simm.s32 $_size__tile_overlayer_lowered;
	s5 =	simm.s32 $_tile_overlayer_lowered  }
0x9b: {  	s22 =	simm.s32 $0x1BFF;
	s21 =	sshll.u32 s5, $0x1;
	s2 =	sadd.s32 s19, s18  }
0x9c: {  	s6 =	simm.s32 $0x0;
	s20 =	sshll.u32 s4, $0x1;
	s4 =	sadd.s32 s21, s2  }
0x9d: {  	[timem:s6], [sflag:s22] =	dma.local [hbm:s4], s20  }
0x9e: {  	_ =	swait.ge [sflag:s22], s20  }
0x9f: {  	s3 =	ssub.s32 $0x0, s20;
	[sflag:s22] =	ssyncset.done $0x0  }
0xa0: {  	[sflag:s22] =	ssyncadd.s32 s3;
	_ =	sdelay $0x1  }
0xa1: {  	s23 =	simm.s32 $0x1B8B  }
0xa2: {  	_ =	swait.ge [sflag:s23], $0x1  }
0xa3: {  	[sflag:s23] =	ssyncset.done $0x0  }
0xa4: {  	s25 =	simm.s32 $0x1B8E;
	s24 =	sld [smem:$0x3FFE];
	[sflag:s23] =	ssyncadd.s32 $0xFFFFFFFF  }
0xa5: {  	s26 =	simm.s32 $execute0_lowered;
	[smem:$0x3FD2] =	sst s25  }
0xa6: {  	s4 =	sshll.u32 s26, $0x1;
	_ =	strace $0x8000005B;
	[dreg:$0x1] =	wrdreg $0xFFFFFFFF  }
0xa7: {  	s28 =	simm.s32 $_size_execute0_lowered;
	s2 =	sadd.s32 s2, s4;
	[dreg:$0x0] =	wrdreg $0x0  }
0xa8: {  	s4 =	sshll.u32 s28, $0x1;
	[dreg:$0x2] =	wrdreg s2  }
0xa9: {  	[dreg:$0x3] =	wrdreg s4  }
0xaa: {  	[dreg:$0x4] =	wrdreg $0xC0  }
0xab: {  	_ =	task [dreg:s6], $0x5FFFF  }
0xac: {  	[dreg:$0x1] =	wrdreg $0xFFFFFFFF  }
0xad: {  	[dreg:$0x0] =	wrdreg $0x60  }
0xae: {  	[dreg:$0x2] =	wrdreg s24  }
0xaf: {  	[dreg:$0x3] =	wrdreg $0x9  }
0xb0: {  	_ =	task.clear_ibuf [dreg:s6], $0x4FFFF;
	_ =	strace $0x9000005B  }
0xb1: {  	s29 =	simm.s32 $0x9;
	_ =	strace $0x8000005D  }
0xb2: {  	_ =	swait.ge [sflag:s29], $0x1  }
0xb3: {  	[sflag:s29] =	ssyncadd.s32 $0xFFFFFFFF  }
0xb4: {  	_ =	strace $0x9000005D  }
0xb5: {  	_ =	sfence  }
0xb6: {  	s30 =	sld [smem:$0x0];
	_ =	sdelay $0x2  }
0xb7: {  	s31 =	sshll.u32 s1, $0xD;
	s1 =	sshrl.u32 s1, $0x2  }
0xb8: {  	s3 =	sand.u32 $0x4000, s31;
	s1 =	sadd.s32 s1, s30  }
0xb9: {  	s0 =	sor.u32 s3, s0;
	s1 =	sshll.u32 s1, $0x11  }
0xba: {  	s0 =	sor.u32 s1, s0  }
0xbb: {  	s0 =	sadd.s32 $0x8F2B, s0  }
0xbc: {  	[sflag:s0] =	ssyncadd.remote.s32 $0x1  }
0xbd: {  	_ =	sfence.sel $0xFFFF  }
0xbe: {  	[dreg:$0x0] =	wrdreg $0xFFFFFFFF;
	(pc) =	sbr.abs _section_cstart, $3  }
0xbf: {  	[dreg:$0x1] =	wrdreg $0xFFFFFFFF  }
0xc0: {  	_ =	task.clear_ibuf [dreg:s6], $0x2FFFF;
	_ =	strace $0x9FFFFFFF  }
0xc1: {  	(tm) =	ssettm $0x7FFFFFFF  }
tec
execute0_lowered:
.L_overlay_start_1:
0x0: {  	(tag) =	ssettag $0x1  }
0x1: {  	s7 =	rddreg [dreg:$0x0]  }
0x2: {  	s1 =	srdreg.scid;
	s0 =	rddreg [dreg:$0x1]  }
0x3: {  	_ =	strace $0x8000005C;
	s3 =	simm.s32 $0x1;
	s5 =	simm.s32 $0x2  }
0x4: {  	s9 =	simm.s32 $0x3;
	s12 =	simm.s32 $0x0;
	s2 =	sshll.u32 s1, $0x4  }
.Ltmp0:
0x5: {  	s1 =	stileid.u32;
	s4 =	sand.u32 $0x10, s2;
	(pc) =	sbr.rel .LBB2_1-.Ltmp0, $4  }
0x6: {  	s10 =	simm.s32 $0x0;
	[sflag:s3] =	ssyncpa.u1 $0x0;
	s4 =	sor.u32 s1, s4  }
0x7: {  	s6 =	sadd.s32 $0x566000, s7;
	[sflag:s5] =	ssyncpa.u1 $0x0;
	s4 =	smul.u32 $0x60, s4  }
0x8: {  	s2 =	sadd.s32 $0x1CA6A00, s7;
	s7 =	sadd.s32 $0x1C77200, s7;
	[sflag:s9] =	ssyncpa.u1 $0x0  }
0x9: {  	vm0 =	vmmov $0xff;
	vm1 =	vcmask $0x3F20;
	s9 =	simm.s32 $0x60;
	s8 =	sadd.s32 $0x60, s4;
	s11 =	smov.u32 s4  }
.LBB2_10:
0xa: {  	s12 =	sshrl.u32 s11, $0x3  }
0xb: {  	s13 =	sand.u32 $0x7, s11;
	s12 =	sadd.s32 s6, s12  }
0xc: {  	[tilespmem:s9], [sflag:$0x2] =	stream.linear.gather [hbm4b:s12+s13], $0x60, $0x38;
	[tilespmem:$0x60C0] =	vst v63  }
.LBB2_8:
0xd: {  	s12 =	sadd.s32 $0x60, s11  }
0xe: {  	s13 =	smov.u32 s4;
	p0 =	slt.s32 s12, s8  }
0xf: {  	s13 =	smov.u32 @p0 s12  }
0x10: {  	s10 =	sadd.s32 $0x1, s10;
	s12 =	smov.u32 s11;
	s11 =	smov.u32 s13  }
.LBB2_1:
0x11: {  	p0 =	seq.s32 s10, $0x0  }
.Ltmp1:
0x12: {  	_ = 	snop;
	(pc) =	sbr.rel @p0 .LBB2_10-.Ltmp1, $1  }
0x13: {  	_ =	sdelay $0x3  }
0x14: {  	p0 =	seq.s32 s10, $0x1  }
.Ltmp2:
0x15: {  	_ = 	snop;
	(pc) =	sbr.rel @!p0 .LBB2_9-.Ltmp2, $1  }
0x16: {  	_ =	sdelay $0x3  }
0x17: {  	_ =	swait.ge [sflag:s5], $0x60  }
0x18: {  	[sflag:s5] =	ssyncset.done $0x0  }
0x19: {  	s13 =	simm.s32 $0x0;
	[sflag:s5] =	ssyncadd.s32 $0xFFFFFFA0  }
0x1a: {  	v0 =	vld.msk [tilespmem:s13+$0x60 ss:$0x1], $0xffff;
	_ =	sdelay $0x4  }
0x1b: {  	vm2 =	vgt.s32 v0, $0x0  }
0x1c: {  	v0 =	vnsel vm2, $0x0, v0  }
0x1d: {  	v0 =	vmin.u32 v0, $0x11FF  }
0x1e: {  	v0 =	vshll.u32 v0, $0x4;
	_ =	sdelay $0x3  }
0x1f: {  	s13 =	simm.s32 $0x30C0  }
0x20: {  	[tilespmem:s13], [sflag:$0x1] =	stream.indirect_vreg.gather [hbm:s2], $0x80, v0, vm0, $0x38;
	[tilespmem:$0x60C0] =	vst v63  }
0x21: {  	s14 =	simm.s32 $0x34C0;
	s31 =	simm.s32 $0x10  }
0x22: {  	[tilespmem:s14], [sflag:$0x1] =	stream.indirect_vreg.gather [hbm:s2], $0x80, v0, vm1, $0x38;
	[tilespmem:$0x60C0] =	vst v63  }
0x23: {  	s14 =	simm.s32 $0x80;
	v0 =	vld.msk [tilespmem:s31+$0x60 ss:$0x1], $0xffff  }
.LBB2_4:
0x24: {  	p0 =	sne.s32 s14, $0x140;
	_ =	sdelay $0x4  }
0x25: {  	vm2 =	vgt.s32 v0, $0x0  }
0x26: {  	v0 =	vnsel vm2, $0x0, v0  }
0x27: {  	v0 =	vmin.u32 v0, $0x11FF  }
0x28: {  	v0 =	vshll.u32 v0, $0x4;
	_ =	sdelay $0x3  }
.Ltmp3:
0x29: {  	s13 =	sadd.s32 $0x800, s13;
	(pc) =	sbr.rel @p0 .LBB2_4-.Ltmp3, $4  }
0x2a: {  	[tilespmem:s13], [sflag:$0x1] =	stream.indirect_vreg.gather [hbm:s2], $0x80, v0, vm0, $0x38;
	[tilespmem:$0x60C0] =	vst v63  }
0x2b: {  	s15 =	sshra.s32 s14, $0x2;
	s16 =	sadd.s32 $0x400, s13  }
0x2c: {  	[tilespmem:s16], [sflag:$0x1] =	stream.indirect_vreg.gather [hbm:s2], $0x80, v0, vm1, $0x38;
	[tilespmem:$0x60C0] =	vst v63  }
0x2d: {  	s14 =	sadd.s32 $0x40, s14;
	v0 =	vld.msk [tilespmem:s15+$0x60 ss:$0x1], $0xffff  }
0x2e: {  	_ =	sdelay $0x3  }
0x2f: {  	vm2 =	vgt.s32 v0, $0x0  }
0x30: {  	v0 =	vnsel vm2, $0x0, v0  }
0x31: {  	v0 =	vmin.u32 v0, $0x11FF  }
0x32: {  	v0 =	vshll.u32 v0, $0x4;
	_ =	sdelay $0x3  }
0x33: {  	s13 =	sadd.s32 $0x800, s13  }
0x34: {  	[tilespmem:s13], [sflag:$0x1] =	stream.indirect_vreg.gather [hbm:s2], $0x80, v0, vm0, $0x38;
	[tilespmem:$0x60C0] =	vst v63  }
0x35: {  	s13 =	sadd.s32 $0x400, s13  }
0x36: {  	[tilespmem:s13], [sflag:$0x1] =	stream.indirect_vreg.gather [hbm:s2], $0x80, v0, vm1, $0x38;
	[tilespmem:$0x60C0] =	vst v63  }
0x37: {  	s12 =	sshll.u32 s12, $0x4;
	s14 =	simm.s32 $0x80;
	_ =	swait.ge [sflag:s3], $0x3000  }
0x38: {  	s15 =	simm.s32 $0x34C0;
	s12 =	sadd.s32 s12, s7;
	[sflag:s3] =	ssyncset.done $0x0  }
0x39: {  	s16 =	sadd.s32 $0x0, s12;
	s13 =	simm.s32 $0x30C0;
	[sflag:s3] =	ssyncadd.s32 $0xFFFFD000  }
.LBB2_6:
0x3a: {  	[hbm:s16] =	stream.linear.scatter [tilespmem:s13], [sflag:$0x3], $0x400, $0x38;
	[tilespmem:$0x60C0] =	vst v63  }
0x3b: {  	s16 =	smov.u32 s14;
	s13 =	smov.u32 s15;
	p0 =	seq.s32 s14, $0x580  }
.Ltmp4:
0x3c: {  	s14 =	sadd.s32 $0x80, s14;
	(pc) =	sbr.rel @!p0 .LBB2_6-.Ltmp4, $2  }
0x3d: {  	_ =	sdelay $0x2  }
0x3e: {  	s15 =	sadd.s32 $0x400, s15;
	s16 =	sadd.s32 s16, s12  }
.Ltmp5:
0x3f: {  	(pc) =	sbr.rel .LBB2_8-.Ltmp5, $2  }
0x40: {  	_ =	sdelay $0x2  }
0x41: {  	[hbm:s16] =	stream.linear.scatter [tilespmem:s13], [sflag:$0x3], $0x400, $0x38;
	[tilespmem:$0x60C0] =	vst v63  }
.LBB2_9:
0x42: {  	s2 =	simm.s32 $0x3  }
0x43: {  	_ =	swait.ge [sflag:s2], $0x3000  }
0x44: {  	[sflag:s2] =	ssyncset.done $0x0  }
0x45: {  	[sflag:s2] =	ssyncadd.s32 $0xFFFFD000  }
0x46: {  	_ =	sfence.sel $0x180000  }
0x47: {  	s3 =	simm.s32 $0x2;
	[bflag:$0x0] =	sbarrier.arrive $0xFFFF  }
0x48: {  	[sflag:s3] =	ssyncpa.u1 $0x1  }
0x49: {  	s31 =	simm.s32 $0x1;
	[sflag:s2] =	ssyncpa.u1 $0x1  }
0x4a: {  	[sflag:s31] =	ssyncpa.u1 $0x1  }
0x4b: {  	p0 =	sne.s32 s1, $0x0;
	_ =	strace $0x9000005C  }
0x4c: {  	s0 =	sadd.s32 @!p0 $0x100000, s0;
	[bflag:$0x2] =	sbarrier.arrive $0xFFFF  }
0x4d: {  	[sflag:s0] =	ssyncadd.tile.s32 @!p0 $0x1;
	_ =	shalt  }
.Lfunc_end2:
_tile_overlayer_lowered:
.L_overlay_start_2:
0x4e: {  	(tag) =	ssettag $0x2  }
0x4f: {  	s0 =	rddreg [dreg:$0x0];
	s2 =	stileid.u32  }
0x50: {  	s1 =	rddreg [dreg:$0x1];
	p0 =	sne.s32 s2, $0x0  }
0x51: {  	s3 =	rddreg [dreg:$0x2];
	[bflag:$0x3] =	sbarrier.arrive $0xFFFF;
	s2 =	simm.s32 @!p0 $0x1C01  }
0x52: {  	[timem:s3], [sflag:s2] =	dma.local @!p0 [hbm:s0], s1  }
0x53: {  	s0 =	simm.s32 @!p0 $0x1  }
0x54: {  	_ =	swait.ge @!p0 [sflag:s0], s1  }
0x55: {  	s1 =	ssub.s32 @!p0 $0x0, s1;
	[sflag:s0] =	ssyncset.done @!p0 $0x0  }
0x56: {  	[sflag:s0] =	ssyncadd.s32 @!p0 s1  }
0x57: {  	[bflag:$0x3] =	sbarrier.arrive $0xFFFF  }
0x58: {  	_ =	shalt  }

// kernel: gather_offload_async_start.11
scs
__scs_entry_jumppad:
0x0: {  	(pc) =	sbr.rel $0x88, $3  }
0x1: {  	(tag) =	ssettag $0x0;
	lr =	simm.s32 $0x1  }
0x2: {  	[smem:$0x3F8E] =	sst lr;
	_ =	strace $0xD0000000  }
0x3: {  	_ = 	snop  }
0x4: {  	_ = 	snop  }
0x5: {  	_ = 	snop  }
0x6: {  	_ = 	snop  }
0x7: {  	_ = 	snop  }
__scs_overlays_trampoline_lowered:
0x8: {  	[smem:$0x3F9D] =	sst s0  }
0x9: {  	[smem:$0x3F9E] =	sst s1  }
0xa: {  	[smem:$0x3F9F] =	sst s2  }
0xb: {  	[smem:$0x3FA0] =	sst s3  }
0xc: {  	[smem:$0x3FA1] =	sst s4  }
0xd: {  	[smem:$0x3FA2] =	sst s5  }
0xe: {  	[smem:$0x3FA3] =	sst s6  }
0xf: {  	[smem:$0x3FA4] =	sst s7  }
0x10: {  	[smem:$0x3FA5] =	sst s8  }
0x11: {  	[smem:$0x3FA6] =	sst s9;
	s0 =	simm.s32 @!p0 $0x0  }
0x12: {  	s1 =	sld [smem:$0x3F8C];
	s0 =	simm.s32 @p0 $0x1  }
0x13: {  	[smem:$0x3FA7] =	sst s0;
	s0 =	simm.s32 @!p1 $0x0  }
0x14: {  	s2 =	sld [smem:$0x3F8B];
	s0 =	simm.s32 @p1 $0x1  }
0x15: {  	[smem:$0x3FA8] =	sst s0;
	s0 =	simm.s32 @!p2 $0x0  }
0x16: {  	s3 =	sld [smem:$0x3FDB];
	s0 =	simm.s32 @p2 $0x1  }
0x17: {  	s4 =	simm.s32 $0x1BF5;
	[smem:$0x3FAA] =	sst s0  }
0x18: {  	s0 =	sld [smem:$0x3F8D];
	_ =	swait.ge [sflag:s4], $0x0  }
0x19: {  	s7 =	sld [smem:$0x3F8E]  }
0x1a: {  	s8 =	sadd.s32 $0xFFFFE003, lr  }
0x1b: {  	s9 =	sadd.s32 $0xFFFFFEF7, lr;
	s5 =	simm.s32 $0xFFFFFFFF;
	p2 =	slt.u32 s8, $0xFFFFF086  }
0x1c: {  	p1 =	slt.u32 s9, $0xF7A;
	s5 =	simm.s32 @!p2 $0x0  }
0x1d: {  	s5 =	simm.s32 @p1 $0x1;
	p0 =	seq.s32 s7, s2  }
0x1e: {  	s7 =	smul.u32 @!p0 $0xF7A, s2;
	p2 =	seq.s32 @!p0 s5, $0x0  }
0x1f: {  	s9 =	smul.u32 $0xF7A, s1;
	s8 =	simm.s32 @!p0 $0x1BF5;
	p2 =	por !p2, p0  }
0x20: {  	[sflag:s8] =	ssyncset.s32 @!p0 $0xFFFFF086;
	s6 =	sadd.s32 @!p0 s3, s7;
	s7 =	simm.s32 @!p0 $0x108  }
0x21: {  	s3 =	sadd.s32 s3, s9;
	s6 =	sadd.s32 @!p0 $0x88, s6;
	s7 =	simm.s32 @p2 $0x1082  }
0x22: {  	[simem:s7], [sflag:s8] =	dma.local @!p0 [hbm:s6], $0xF7A  }
0x23: {  	s9 =	sor.u32 $0xD0000000, s2;
	s6 =	simm.s32 $0x108;
	_ =	swait.ge @!p0 [sflag:s8], $0x0  }
0x24: {  	s3 =	sadd.s32 $0x88, s3;
	s6 =	simm.s32 @!p1 $0x1082;
	[sflag:s4] =	ssyncset.s32 $0xFFFFF086  }
0x25: {  	[simem:s6], [sflag:s4] =	dma.local [hbm:s3], $0xF7A  }
0x26: {  	[smem:$0x3F8E] =	sst s1;
	(tag) =	ssettag s2;
	_ =	strace s9  }
0x27: {  	s1 =	sld [smem:$0x3F9E]  }
0x28: {  	s2 =	sld [smem:$0x3F9F]  }
0x29: {  	s4 =	sld [smem:$0x3FA1]  }
0x2a: {  	p0 =	seq.s32 s5, $0x0;
	s5 =	sld [smem:$0x3FA2]  }
0x2b: {  	s6 =	sld [smem:$0x3FA3]  }
0x2c: {  	s7 =	sld [smem:$0x3FA4]  }
0x2d: {  	s3 =	simm.s32 $0x108;
	s8 =	sld [smem:$0x3FA5]  }
0x2e: {  	s3 =	simm.s32 @!p0 $0x1082;
	s9 =	sld [smem:$0x3FA6]  }
0x2f: {  	lr =	sadd.s32 s0, s3;
	s0 =	sld [smem:$0x3F9D]  }
0x30: {  	s3 =	sld [smem:$0x3FA0]  }
0x31: {  	[smem:$0x3FA9] =	sst s10  }
0x32: {  	s10 =	sld [smem:$0x3FA7];
	_ =	sdelay $0x3  }
0x33: {  	p0 =	seq.s32 s10, $0x1;
	s10 =	sld [smem:$0x3FA9];
	_ =	sdelay $0x3  }
0x34: {  	[smem:$0x3FA9] =	sst s10  }
0x35: {  	s10 =	sld [smem:$0x3FA8];
	_ =	sdelay $0x3  }
0x36: {  	p1 =	seq.s32 s10, $0x1;
	s10 =	sld [smem:$0x3FA9];
	_ =	sdelay $0x3  }
0x37: {  	[smem:$0x3FA9] =	sst s10  }
0x38: {  	s10 =	sld [smem:$0x3FAA]  }
0x39: {  	_ = 	snop;
	(pc) =	sbr.ind lr, $3  }
0x3a: {  	_ = 	snop  }
0x3b: {  	_ = 	snop  }
0x3c: {  	p2 =	seq.s32 s10, $0x1;
	s10 =	sld [smem:$0x3FA9]  }
0x3d: {  	_ =	shalt  }
0x3e: {  	_ =	shalt  }
0x3f: {  	_ =	shalt  }
0x40: {  	_ =	shalt  }
0x41: {  	_ =	shalt  }
0x42: {  	_ =	shalt  }
0x43: {  	_ =	shalt  }
0x44: {  	_ =	shalt  }
0x45: {  	_ =	shalt  }
0x46: {  	_ =	shalt  }
0x47: {  	_ =	shalt  }
0x48: {  	_ =	shalt  }
0x49: {  	_ =	shalt  }
0x4a: {  	_ =	shalt  }
0x4b: {  	_ =	shalt  }
0x4c: {  	_ =	shalt  }
0x4d: {  	_ =	shalt  }
0x4e: {  	_ =	shalt  }
0x4f: {  	_ =	shalt  }
0x50: {  	_ =	shalt  }
0x51: {  	_ =	shalt  }
0x52: {  	_ =	shalt  }
0x53: {  	_ =	shalt  }
0x54: {  	_ =	shalt  }
0x55: {  	_ =	shalt  }
0x56: {  	_ =	shalt  }
0x57: {  	_ =	shalt  }
0x58: {  	_ =	shalt  }
0x59: {  	_ =	shalt  }
0x5a: {  	_ =	shalt  }
0x5b: {  	_ =	shalt  }
0x5c: {  	_ =	shalt  }
0x5d: {  	_ =	shalt  }
0x5e: {  	_ =	shalt  }
0x5f: {  	_ =	shalt  }
0x60: {  	_ =	shalt  }
0x61: {  	_ =	shalt  }
0x62: {  	_ =	shalt  }
0x63: {  	_ =	shalt  }
0x64: {  	_ =	shalt  }
0x65: {  	_ =	shalt  }
0x66: {  	_ =	shalt  }
0x67: {  	_ =	shalt  }
0x68: {  	_ =	shalt  }
0x69: {  	_ =	shalt  }
0x6a: {  	_ =	shalt  }
0x6b: {  	_ =	shalt  }
0x6c: {  	_ =	shalt  }
0x6d: {  	_ =	shalt  }
0x6e: {  	_ =	shalt  }
0x6f: {  	_ =	shalt  }
0x70: {  	_ =	shalt  }
0x71: {  	_ =	shalt  }
0x72: {  	_ =	shalt  }
0x73: {  	_ =	shalt  }
0x74: {  	_ =	shalt  }
0x75: {  	_ =	shalt  }
0x76: {  	_ =	shalt  }
0x77: {  	_ =	shalt  }
0x78: {  	_ =	shalt  }
0x79: {  	_ =	shalt  }
0x7a: {  	_ =	shalt  }
0x7b: {  	_ =	shalt  }
0x7c: {  	_ =	shalt  }
0x7d: {  	_ =	shalt  }
0x7e: {  	_ =	shalt  }
0x7f: {  	_ =	shalt  }
0x80: {  	_ =	shalt  }
0x81: {  	_ =	shalt  }
0x82: {  	_ =	shalt  }
0x83: {  	_ =	shalt  }
0x84: {  	_ =	shalt  }
0x85: {  	_ =	shalt  }
0x86: {  	_ =	shalt  }
0x87: {  	_ =	shalt  }
.Lfunc_end0:
.L_simem_size_0:
called_computation.12_lowered:
.L_overlay_start_0:
0x88: {  	s0 =	sld [smem:$0x3FD9]  }
0x89: {  	s1 =	sld [smem:$0x3FFE];
	_ =	sdelay $0x3  }
0x8a: {  	s0 =	sadd.s32 s1, s0  }
0x8b: {  	[smem:$0x3FB5] =	sst s0  }
0x8c: {  	_ = 	snop  }
0x8d: {  	(tm) =	ssettm $0x1  }
0x8e: {  	s15 =	sld [smem:$0x3FFB];
	_ =	sdelay $0x3  }
0x8f: {  	_ =	strace s15  }
0x90: {  	s0 =	sld [smem:$0x3FFC];
	_ =	sdelay $0x3  }
0x91: {  	_ =	strace s0  }
0x92: {  	s0 =	sld [smem:$0x3FFD];
	_ =	sdelay $0x3  }
0x93: {  	_ =	strace s0  }
0x94: {  	_ =	strace $0x8FFFFFFF  }
0x95: {  	s16 =	sld [smem:$0x3FDB];
	_ =	sdelay $0x1  }
0x96: {  	s17 =	simm.s32 $_scs_section_size  }
0x97: {  	s2 =	simm.s32 $_size__tile_overlayer_lowered;
	s3 =	simm.s32 $_tile_overlayer_lowered  }
0x98: {  	s20 =	simm.s32 $0x1BFF;
	s19 =	sshll.u32 s3, $0x1;
	s0 =	sadd.s32 s17, s16  }
0x99: {  	s4 =	simm.s32 $0x0;
	s18 =	sshll.u32 s2, $0x1;
	s2 =	sadd.s32 s19, s0  }
0x9a: {  	[timem:s4], [sflag:s20] =	dma.local [hbm:s2], s18  }
0x9b: {  	_ =	swait.ge [sflag:s20], s18  }
0x9c: {  	s1 =	ssub.s32 $0x0, s18;
	[sflag:s20] =	ssyncset.done $0x0  }
0x9d: {  	[sflag:s20] =	ssyncadd.s32 s1;
	_ =	sdelay $0x1  }
0x9e: {  	s21 =	simm.s32 $0x1B8B  }
0x9f: {  	_ =	swait.ge [sflag:s21], $0x1  }
0xa0: {  	[sflag:s21] =	ssyncset.done $0x0  }
0xa1: {  	s23 =	simm.s32 $0x1B8E;
	s22 =	sld [smem:$0x3FFE];
	[sflag:s21] =	ssyncadd.s32 $0xFFFFFFFF  }
0xa2: {  	s24 =	simm.s32 $execute0_lowered;
	[smem:$0x3FD2] =	sst s23  }
0xa3: {  	s2 =	sshll.u32 s24, $0x1;
	_ =	strace $0x8000006A;
	[dreg:$0x1] =	wrdreg $0xFFFFFFFF  }
0xa4: {  	s25 =	simm.s32 $_size_execute0_lowered;
	s0 =	sadd.s32 s0, s2;
	[dreg:$0x0] =	wrdreg $0x0  }
0xa5: {  	s2 =	sshll.u32 s25, $0x1;
	[dreg:$0x2] =	wrdreg s0  }
0xa6: {  	[dreg:$0x3] =	wrdreg s2  }
0xa7: {  	[dreg:$0x4] =	wrdreg $0xC0  }
0xa8: {  	_ =	task [dreg:s4], $0x5FFFF  }
0xa9: {  	[dreg:$0x1] =	wrdreg $0xFFFFFFFF  }
0xaa: {  	[dreg:$0x0] =	wrdreg $0x60  }
0xab: {  	[dreg:$0x2] =	wrdreg s22  }
0xac: {  	[dreg:$0x3] =	wrdreg $0x9  }
0xad: {  	_ =	task.clear_ibuf [dreg:s4], $0x4FFFF;
	_ =	strace $0x9000006A  }
0xae: {  	s26 =	simm.s32 $0x9;
	_ =	strace $0x8000006C  }
0xaf: {  	_ =	swait.ge [sflag:s26], $0x1  }
0xb0: {  	[sflag:s26] =	ssyncadd.s32 $0xFFFFFFFF  }
0xb1: {  	_ =	strace $0x9000006C  }
0xb2: {  	_ =	sfence  }
0xb3: {  	s28 =	sld [smem:$0x0];
	_ =	sdelay $0x1  }
0xb4: {  	s29 =	srdreg.scid  }
0xb5: {  	s30 =	sshll.u32 s29, $0xD;
	s31 =	sshrl.u32 s29, $0x2  }
0xb6: {  	s1 =	sand.u32 $0x1, s29;
	s2 =	sand.u32 $0x4000, s30;
	s0 =	sadd.s32 s31, s28  }
0xb7: {  	s1 =	sor.u32 s2, s1;
	s0 =	sshll.u32 s0, $0x11  }
0xb8: {  	s0 =	sor.u32 s0, s1  }
0xb9: {  	s0 =	sadd.s32 $0x8F2B, s0  }
0xba: {  	[sflag:s0] =	ssyncadd.remote.s32 $0x1  }
0xbb: {  	_ =	sfence.sel $0xFFFF  }
0xbc: {  	[dreg:$0x0] =	wrdreg $0xFFFFFFFF;
	(pc) =	sbr.abs _section_cstart, $3  }
0xbd: {  	[dreg:$0x1] =	wrdreg $0xFFFFFFFF  }
0xbe: {  	_ =	task.clear_ibuf [dreg:s4], $0x2FFFF;
	_ =	strace $0x9FFFFFFF  }
0xbf: {  	(tm) =	ssettm $0x7FFFFFFF  }
tec
execute0_lowered:
.L_overlay_start_1:
0x0: {  	(tag) =	ssettag $0x1  }
0x1: {  	s0 =	stileid.u32  }
0x2: {  	s1 =	smin.u32 s0, $0x6  }
0x3: {  	s1 =	sadd.s32 s0, s1  }
0x4: {  	p0 =	slt.u32 s0, $0x6;
	s2 =	smul.u32 $0x78, s1;
	s1 =	simm.s32 $0xF0  }
0x5: {  	s1 =	simm.s32 @!p0 $0x78  }
0x6: {  	s1 =	sadd.s32 s1, s2  }
0x7: {  	s3 =	smin.u32 s1, $0xA50  }
0x8: {  	s7 =	ssub.s32 s3, s2  }
0x9: {  	p0 =	sgt.s32 s7, $0x0  }
0xa: {  	s7 =	simm.s32 @!p0 $0x0  }
0xb: {  	s4 =	smul.u32 $0x8889, s7  }
0xc: {  	s9 =	rddreg [dreg:$0x0];
	s6 =	simm.s32 $0x1;
	s11 =	simm.s32 $0x3  }
0xd: {  	s13 =	simm.s32 $0x0;
	s12 =	simm.s32 $0x0;
	s8 =	sshrl.u32 s4, $0x16  }
0xe: {  	s1 =	rddreg [dreg:$0x1];
	_ =	strace $0x8000006B;
	s10 =	smul.u32 $0x78, s8  }
.Ltmp0:
0xf: {  	s5 =	sadd.s32 $0x565200, s9;
	[sflag:s6] =	ssyncpa.u1 $0x0;
	(pc) =	sbr.rel .LBB2_1-.Ltmp0, $4  }
0x10: {  	s4 =	sadd.s32 $0x1CA6A00, s9;
	p0 =	sne.s32 s7, s10;
	s10 =	simm.s32 $0x1  }
0x11: {  	s9 =	sadd.s32 $0x1EC3800, s9;
	s7 =	simm.s32 $0x2;
	s10 =	simm.s32 @!p0 $0x0  }
0x12: {  	[sflag:s7] =	ssyncpa.u1 $0x0;
	p0 =	por $0x0, $0x0;
	s8 =	sadd.s32 s8, s10  }
0x13: {  	vm0 =	vmmov $0xff;
	vm1 =	vcmask $0x3F20;
	[sflag:s11] =	ssyncpa.u1 $0x0;
	s11 =	smov.u32 s2;
	s10 =	sadd.s32 $0x1, s8  }
.LBB2_6:
0x14: {  	[hbm:s17] =	stream.linear.scatter [tilespmem:s14], [sflag:$0x3], $0x400, $0x38;
	[tilespmem:$0x78F0] =	vst v63  }
.LBB2_7:
0x15: {  	s13 =	sadd.s32 $0x78, s11  }
0x16: {  	s15 =	smov.u32 s2;
	p2 =	slt.s32 s13, s3  }
0x17: {  	s15 =	smov.u32 @p2 s13;
	p2 =	sne.s32 s12, s10  }
.Ltmp1:
0x18: {  	p1 =	slt.u32 s12, $0x2;
	(pc) =	sbr.rel @!p2 .LBB2_8-.Ltmp1, $4  }
0x19: {  	s14 =	simm.s32 @!p1 $0x3  }
0x1a: {  	s16 =	sadd.s32 $0x1, s12;
	_ =	swait.ge @!p1 [sflag:s14], $0x3C00  }
0x1b: {  	p0 =	por !p0, !p0;
	s13 =	smov.u32 s11;
	[sflag:s14] =	ssyncset.done @!p1 $0x0  }
0x1c: {  	s12 =	smov.u32 s16;
	s11 =	smov.u32 s15;
	[sflag:s14] =	ssyncadd.s32 @!p1 $0xFFFFC400  }
.LBB2_1:
0x1d: {  	p1 =	sge.u32 s12, s8  }
0x1e: {  	s14 =	sxor.u32 @!p1 $0xFFFFFFFF, s12  }
0x1f: {  	s14 =	sand.u32 @!p1 $0x1, s14  }
0x20: {  	s14 =	smul.u32 @!p1 $0x1E0, s14  }
0x21: {  	s31 =	sadd.s32 $0xFFFFFFFF, s12;
	s15 =	sshrl.u32 @!p1 s11, $0x3  }
0x22: {  	s16 =	sand.u32 @!p1 $0x7, s11;
	s15 =	sadd.s32 @!p1 s5, s15;
	s14 =	sshrl.u32 @!p1 s14, $0x2  }
0x23: {  	[tilespmem:s14], [sflag:$0x2] =	stream.linear.gather @!p1 [hbm4b:s15+s16], $0x78, $0x38;
	[tilespmem:$0x78F0] =	vst v63  }
0x24: {  	p1 =	sge.u32 s31, s8  }
.Ltmp2:
0x25: {  	_ = 	snop;
	(pc) =	sbr.rel @p1 .LBB2_7-.Ltmp2, $1  }
0x26: {  	_ =	sdelay $0x3  }
0x27: {  	s14 =	simm.s32 $0x1  }
0x28: {  	s14 =	simm.s32 @!p0 $0x0  }
0x29: {  	s15 =	smul.u32 $0x1E0, s14  }
0x2a: {  	_ =	swait.ge [sflag:s7], $0x78  }
0x2b: {  	[sflag:s7] =	ssyncset.done $0x0;
	s16 =	sshrl.u32 s15, $0x2  }
0x2c: {  	[sflag:s7] =	ssyncadd.s32 $0xFFFFFF88;
	s15 =	sadd.s32 $0x0, s16  }
0x2d: {  	v0 =	vld.msk [tilespmem:s15+$0x0 ss:$0x1], $0xffff;
	_ =	sdelay $0x4  }
0x2e: {  	vm2 =	vgt.s32 v0, $0x0  }
0x2f: {  	v0 =	vnsel vm2, $0x0, v0  }
0x30: {  	v0 =	vmin.u32 v0, $0x11FF  }
0x31: {  	v0 =	vshll.u32 v0, $0x4  }
0x32: {  	s14 =	smul.u32 $0xF000, s14  }
0x33: {  	s31 =	sand.u32 $0x1, s12  }
0x34: {  	s17 =	smul.u32 $0x1E0, s31;
	s14 =	sshrl.u32 s14, $0x2  }
0x35: {  	s19 =	smul.u32 $0xF000, s31;
	s14 =	sor.u32 $0xF0, s14  }
0x36: {  	[tilespmem:s14], [sflag:$0x1] =	stream.indirect_vreg.gather [hbm:s4], $0x80, v0, vm0, $0x38;
	[tilespmem:$0x78F0] =	vst v63  }
0x37: {  	s18 =	sshrl.u32 s17, $0x2;
	s20 =	sadd.s32 $0x10, s16;
	s15 =	sadd.s32 $0x400, s14  }
0x38: {  	[tilespmem:s15], [sflag:$0x1] =	stream.indirect_vreg.gather [hbm:s4], $0x80, v0, vm1, $0x38;
	[tilespmem:$0x78F0] =	vst v63  }
0x39: {  	s17 =	sshrl.u32 s19, $0x2;
	s19 =	smov.u32 s14;
	v0 =	vld.msk [tilespmem:s20+$0x0 ss:$0x1], $0xffff;
	s20 =	simm.s32 $0x80  }
.LBB2_3:
0x3a: {  	p1 =	sne.s32 s20, $0x180;
	_ =	sdelay $0x4  }
0x3b: {  	vm2 =	vgt.s32 v0, $0x0  }
0x3c: {  	v0 =	vnsel vm2, $0x0, v0  }
0x3d: {  	v0 =	vmin.u32 v0, $0x11FF  }
0x3e: {  	v0 =	vshll.u32 v0, $0x4;
	_ =	sdelay $0x3  }
.Ltmp3:
0x3f: {  	s21 =	sshra.s32 s20, $0x2;
	s19 =	sadd.s32 $0x800, s19;
	(pc) =	sbr.rel @p1 .LBB2_3-.Ltmp3, $4  }
0x40: {  	[tilespmem:s19], [sflag:$0x1] =	stream.indirect_vreg.gather [hbm:s4], $0x80, v0, vm0, $0x38;
	[tilespmem:$0x78F0] =	vst v63  }
0x41: {  	s21 =	sadd.s32 s21, s16;
	s22 =	sadd.s32 $0x400, s19  }
0x42: {  	[tilespmem:s22], [sflag:$0x1] =	stream.indirect_vreg.gather [hbm:s4], $0x80, v0, vm1, $0x38;
	[tilespmem:$0x78F0] =	vst v63  }
0x43: {  	s20 =	sadd.s32 $0x40, s20;
	v0 =	vld.msk [tilespmem:s21+$0x0 ss:$0x1], $0xffff  }
0x44: {  	_ =	sdelay $0x3  }
0x45: {  	vm2 =	vgt.s32 v0, $0x0  }
0x46: {  	v0 =	vnsel vm2, $0x0, v0  }
0x47: {  	v0 =	vmin.u32 v0, $0x11FF  }
0x48: {  	v0 =	vshll.u32 v0, $0x4;
	_ =	sdelay $0x3  }
0x49: {  	s16 =	sadd.s32 $0x800, s19  }
0x4a: {  	[tilespmem:s16], [sflag:$0x1] =	stream.indirect_vreg.gather [hbm:s4], $0x80, v0, vm0, $0x38;
	[tilespmem:$0x78F0] =	vst v63  }
0x4b: {  	s16 =	sadd.s32 $0x400, s16  }
0x4c: {  	[tilespmem:s16], [sflag:$0x1] =	stream.indirect_vreg.gather [hbm:s4], $0x80, v0, vm1, $0x38;
	[tilespmem:$0x78F0] =	vst v63  }
0x4d: {  	v0 =	vld.msk [tilespmem:s18+$0x70 ss:$0x1], $0xff;
	_ =	sdelay $0x4  }
0x4e: {  	vm2 =	vgt.s32 v0, $0x0  }
0x4f: {  	v0 =	vnsel vm2, $0x0, v0  }
0x50: {  	v0 =	vmin.u32 v0, $0x11FF  }
0x51: {  	v0 =	vshll.u32 v0, $0x4;
	_ =	sdelay $0x3  }
0x52: {  	s31 =	sadd.s32 $0x38F0, s17  }
0x53: {  	[tilespmem:s31], [sflag:$0x1] =	stream.indirect_vreg.gather [hbm:s4], $0x80, v0, vm0, $0x38;
	[tilespmem:$0x78F0] =	vst v63  }
0x54: {  	s13 =	sshll.u32 s13, $0x4;
	_ =	swait.ge [sflag:s6], $0x3C00  }
0x55: {  	s13 =	sadd.s32 s13, s9;
	[sflag:s6] =	ssyncset.done $0x0  }
0x56: {  	s17 =	sadd.s32 $0x0, s13;
	s16 =	simm.s32 $0x80;
	[sflag:s6] =	ssyncadd.s32 $0xFFFFC400  }
.LBB2_5:
0x57: {  	[hbm:s17] =	stream.linear.scatter [tilespmem:s14], [sflag:$0x3], $0x400, $0x38;
	[tilespmem:$0x78F0] =	vst v63  }
0x58: {  	s17 =	smov.u32 s16;
	s14 =	smov.u32 s15;
	p1 =	sne.s32 s16, $0x700  }
.Ltmp4:
0x59: {  	s16 =	sadd.s32 $0x80, s16;
	(pc) =	sbr.rel @p1 .LBB2_5-.Ltmp4, $2  }
0x5a: {  	_ =	sdelay $0x2  }
0x5b: {  	s15 =	sadd.s32 $0x400, s15;
	s17 =	sadd.s32 s17, s13  }
.Ltmp5:
0x5c: {  	_ = 	snop;
	(pc) =	sbr.rel .LBB2_6-.Ltmp5, $1  }
0x5d: {  	_ =	sdelay $0x3  }
.LBB2_8:
0x5e: {  	_ =	sfence.sel $0x180000  }
0x5f: {  	s2 =	simm.s32 $0x2;
	[bflag:$0x0] =	sbarrier.arrive $0xFFFF  }
0x60: {  	s30 =	simm.s32 $0x3;
	[sflag:s2] =	ssyncpa.u1 $0x1  }
0x61: {  	s31 =	simm.s32 $0x1;
	[sflag:s30] =	ssyncpa.u1 $0x1  }
0x62: {  	[sflag:s31] =	ssyncpa.u1 $0x1  }
0x63: {  	p0 =	sne.s32 s0, $0x0;
	_ =	strace $0x9000006B  }
0x64: {  	s0 =	sadd.s32 @!p0 $0x100000, s1;
	[bflag:$0x2] =	sbarrier.arrive $0xFFFF  }
0x65: {  	[sflag:s0] =	ssyncadd.tile.s32 @!p0 $0x1;
	_ =	shalt  }
.Lfunc_end2:
_tile_overlayer_lowered:
.L_overlay_start_2:
0x66: {  	(tag) =	ssettag $0x2  }
0x67: {  	s0 =	rddreg [dreg:$0x0];
	s2 =	stileid.u32  }
0x68: {  	s1 =	rddreg [dreg:$0x1];
	p0 =	sne.s32 s2, $0x0  }
0x69: {  	s3 =	rddreg [dreg:$0x2];
	[bflag:$0x3] =	sbarrier.arrive $0xFFFF;
	s2 =	simm.s32 @!p0 $0x1C01  }
0x6a: {  	[timem:s3], [sflag:s2] =	dma.local @!p0 [hbm:s0], s1  }
0x6b: {  	s0 =	simm.s32 @!p0 $0x1  }
0x6c: {  	_ =	swait.ge @!p0 [sflag:s0], s1  }
0x6d: {  	s1 =	ssub.s32 @!p0 $0x0, s1;
	[sflag:s0] =	ssyncset.done @!p0 $0x0  }
0x6e: {  	[sflag:s0] =	ssyncadd.s32 @!p0 s1  }
0x6f: {  	[bflag:$0x3] =	sbarrier.arrive $0xFFFF  }
0x70: {  	_ =	shalt  }

// kernel: gather_offload_async_start.1
scs
__scs_entry_jumppad:
0x0: {  	(pc) =	sbr.rel $0x88, $3  }
0x1: {  	(tag) =	ssettag $0x0;
	lr =	simm.s32 $0x1  }
0x2: {  	[smem:$0x3F8E] =	sst lr;
	_ =	strace $0xD0000000  }
0x3: {  	_ = 	snop  }
0x4: {  	_ = 	snop  }
0x5: {  	_ = 	snop  }
0x6: {  	_ = 	snop  }
0x7: {  	_ = 	snop  }
__scs_overlays_trampoline_lowered:
0x8: {  	[smem:$0x3F9D] =	sst s0  }
0x9: {  	[smem:$0x3F9E] =	sst s1  }
0xa: {  	[smem:$0x3F9F] =	sst s2  }
0xb: {  	[smem:$0x3FA0] =	sst s3  }
0xc: {  	[smem:$0x3FA1] =	sst s4  }
0xd: {  	[smem:$0x3FA2] =	sst s5  }
0xe: {  	[smem:$0x3FA3] =	sst s6  }
0xf: {  	[smem:$0x3FA4] =	sst s7  }
0x10: {  	[smem:$0x3FA5] =	sst s8  }
0x11: {  	[smem:$0x3FA6] =	sst s9;
	s0 =	simm.s32 @!p0 $0x0  }
0x12: {  	s1 =	sld [smem:$0x3F8C];
	s0 =	simm.s32 @p0 $0x1  }
0x13: {  	[smem:$0x3FA7] =	sst s0;
	s0 =	simm.s32 @!p1 $0x0  }
0x14: {  	s2 =	sld [smem:$0x3F8B];
	s0 =	simm.s32 @p1 $0x1  }
0x15: {  	[smem:$0x3FA8] =	sst s0;
	s0 =	simm.s32 @!p2 $0x0  }
0x16: {  	s3 =	sld [smem:$0x3FDB];
	s0 =	simm.s32 @p2 $0x1  }
0x17: {  	s4 =	simm.s32 $0x1BF5;
	[smem:$0x3FAA] =	sst s0  }
0x18: {  	s0 =	sld [smem:$0x3F8D];
	_ =	swait.ge [sflag:s4], $0x0  }
0x19: {  	s7 =	sld [smem:$0x3F8E]  }
0x1a: {  	s8 =	sadd.s32 $0xFFFFE003, lr  }
0x1b: {  	s9 =	sadd.s32 $0xFFFFFEF7, lr;
	s5 =	simm.s32 $0xFFFFFFFF;
	p2 =	slt.u32 s8, $0xFFFFF086  }
0x1c: {  	p1 =	slt.u32 s9, $0xF7A;
	s5 =	simm.s32 @!p2 $0x0  }
0x1d: {  	s5 =	simm.s32 @p1 $0x1;
	p0 =	seq.s32 s7, s2  }
0x1e: {  	s7 =	smul.u32 @!p0 $0xF7A, s2;
	p2 =	seq.s32 @!p0 s5, $0x0  }
0x1f: {  	s9 =	smul.u32 $0xF7A, s1;
	s8 =	simm.s32 @!p0 $0x1BF5;
	p2 =	por !p2, p0  }
0x20: {  	[sflag:s8] =	ssyncset.s32 @!p0 $0xFFFFF086;
	s6 =	sadd.s32 @!p0 s3, s7;
	s7 =	simm.s32 @!p0 $0x108  }
0x21: {  	s3 =	sadd.s32 s3, s9;
	s6 =	sadd.s32 @!p0 $0x88, s6;
	s7 =	simm.s32 @p2 $0x1082  }
0x22: {  	[simem:s7], [sflag:s8] =	dma.local @!p0 [hbm:s6], $0xF7A  }
0x23: {  	s9 =	sor.u32 $0xD0000000, s2;
	s6 =	simm.s32 $0x108;
	_ =	swait.ge @!p0 [sflag:s8], $0x0  }
0x24: {  	s3 =	sadd.s32 $0x88, s3;
	s6 =	simm.s32 @!p1 $0x1082;
	[sflag:s4] =	ssyncset.s32 $0xFFFFF086  }
0x25: {  	[simem:s6], [sflag:s4] =	dma.local [hbm:s3], $0xF7A  }
0x26: {  	[smem:$0x3F8E] =	sst s1;
	(tag) =	ssettag s2;
	_ =	strace s9  }
0x27: {  	s1 =	sld [smem:$0x3F9E]  }
0x28: {  	s2 =	sld [smem:$0x3F9F]  }
0x29: {  	s4 =	sld [smem:$0x3FA1]  }
0x2a: {  	p0 =	seq.s32 s5, $0x0;
	s5 =	sld [smem:$0x3FA2]  }
0x2b: {  	s6 =	sld [smem:$0x3FA3]  }
0x2c: {  	s7 =	sld [smem:$0x3FA4]  }
0x2d: {  	s3 =	simm.s32 $0x108;
	s8 =	sld [smem:$0x3FA5]  }
0x2e: {  	s3 =	simm.s32 @!p0 $0x1082;
	s9 =	sld [smem:$0x3FA6]  }
0x2f: {  	lr =	sadd.s32 s0, s3;
	s0 =	sld [smem:$0x3F9D]  }
0x30: {  	s3 =	sld [smem:$0x3FA0]  }
0x31: {  	[smem:$0x3FA9] =	sst s10  }
0x32: {  	s10 =	sld [smem:$0x3FA7];
	_ =	sdelay $0x3  }
0x33: {  	p0 =	seq.s32 s10, $0x1;
	s10 =	sld [smem:$0x3FA9];
	_ =	sdelay $0x3  }
0x34: {  	[smem:$0x3FA9] =	sst s10  }
0x35: {  	s10 =	sld [smem:$0x3FA8];
	_ =	sdelay $0x3  }
0x36: {  	p1 =	seq.s32 s10, $0x1;
	s10 =	sld [smem:$0x3FA9];
	_ =	sdelay $0x3  }
0x37: {  	[smem:$0x3FA9] =	sst s10  }
0x38: {  	s10 =	sld [smem:$0x3FAA]  }
0x39: {  	_ = 	snop;
	(pc) =	sbr.ind lr, $3  }
0x3a: {  	_ = 	snop  }
0x3b: {  	_ = 	snop  }
0x3c: {  	p2 =	seq.s32 s10, $0x1;
	s10 =	sld [smem:$0x3FA9]  }
0x3d: {  	_ =	shalt  }
0x3e: {  	_ =	shalt  }
0x3f: {  	_ =	shalt  }
0x40: {  	_ =	shalt  }
0x41: {  	_ =	shalt  }
0x42: {  	_ =	shalt  }
0x43: {  	_ =	shalt  }
0x44: {  	_ =	shalt  }
0x45: {  	_ =	shalt  }
0x46: {  	_ =	shalt  }
0x47: {  	_ =	shalt  }
0x48: {  	_ =	shalt  }
0x49: {  	_ =	shalt  }
0x4a: {  	_ =	shalt  }
0x4b: {  	_ =	shalt  }
0x4c: {  	_ =	shalt  }
0x4d: {  	_ =	shalt  }
0x4e: {  	_ =	shalt  }
0x4f: {  	_ =	shalt  }
0x50: {  	_ =	shalt  }
0x51: {  	_ =	shalt  }
0x52: {  	_ =	shalt  }
0x53: {  	_ =	shalt  }
0x54: {  	_ =	shalt  }
0x55: {  	_ =	shalt  }
0x56: {  	_ =	shalt  }
0x57: {  	_ =	shalt  }
0x58: {  	_ =	shalt  }
0x59: {  	_ =	shalt  }
0x5a: {  	_ =	shalt  }
0x5b: {  	_ =	shalt  }
0x5c: {  	_ =	shalt  }
0x5d: {  	_ =	shalt  }
0x5e: {  	_ =	shalt  }
0x5f: {  	_ =	shalt  }
0x60: {  	_ =	shalt  }
0x61: {  	_ =	shalt  }
0x62: {  	_ =	shalt  }
0x63: {  	_ =	shalt  }
0x64: {  	_ =	shalt  }
0x65: {  	_ =	shalt  }
0x66: {  	_ =	shalt  }
0x67: {  	_ =	shalt  }
0x68: {  	_ =	shalt  }
0x69: {  	_ =	shalt  }
0x6a: {  	_ =	shalt  }
0x6b: {  	_ =	shalt  }
0x6c: {  	_ =	shalt  }
0x6d: {  	_ =	shalt  }
0x6e: {  	_ =	shalt  }
0x6f: {  	_ =	shalt  }
0x70: {  	_ =	shalt  }
0x71: {  	_ =	shalt  }
0x72: {  	_ =	shalt  }
0x73: {  	_ =	shalt  }
0x74: {  	_ =	shalt  }
0x75: {  	_ =	shalt  }
0x76: {  	_ =	shalt  }
0x77: {  	_ =	shalt  }
0x78: {  	_ =	shalt  }
0x79: {  	_ =	shalt  }
0x7a: {  	_ =	shalt  }
0x7b: {  	_ =	shalt  }
0x7c: {  	_ =	shalt  }
0x7d: {  	_ =	shalt  }
0x7e: {  	_ =	shalt  }
0x7f: {  	_ =	shalt  }
0x80: {  	_ =	shalt  }
0x81: {  	_ =	shalt  }
0x82: {  	_ =	shalt  }
0x83: {  	_ =	shalt  }
0x84: {  	_ =	shalt  }
0x85: {  	_ =	shalt  }
0x86: {  	_ =	shalt  }
0x87: {  	_ =	shalt  }
.Lfunc_end0:
.L_simem_size_0:
called_computation.2_lowered:
.L_overlay_start_0:
0x88: {  	s2 =	sld [smem:$0x3FD9]  }
0x89: {  	s3 =	sld [smem:$0x3FFE];
	_ =	sdelay $0x1  }
0x8a: {  	s1 =	srdreg.scid  }
0x8b: {  	s0 =	sand.u32 $0x1, s1  }
0x8c: {  	s16 =	sshll.u32 s0, $0xA;
	s2 =	sadd.s32 s3, s2  }
0x8d: {  	s2 =	sadd.s32 s2, s16  }
0x8e: {  	[smem:$0x3FB5] =	sst s2  }
0x8f: {  	_ = 	snop  }
0x90: {  	(tm) =	ssettm $0x1  }
0x91: {  	s17 =	sld [smem:$0x3FFB];
	_ =	sdelay $0x3  }
0x92: {  	_ =	strace s17  }
0x93: {  	s2 =	sld [smem:$0x3FFC];
	_ =	sdelay $0x3  }
0x94: {  	_ =	strace s2  }
0x95: {  	s2 =	sld [smem:$0x3FFD];
	_ =	sdelay $0x3  }
0x96: {  	_ =	strace s2  }
0x97: {  	_ =	strace $0x8FFFFFFF  }
0x98: {  	s18 =	sld [smem:$0x3FDB];
	_ =	sdelay $0x1  }
0x99: {  	s19 =	simm.s32 $_scs_section_size  }
0x9a: {  	s4 =	simm.s32 $_size__tile_overlayer_lowered;
	s5 =	simm.s32 $_tile_overlayer_lowered  }
0x9b: {  	s22 =	simm.s32 $0x1BFF;
	s21 =	sshll.u32 s5, $0x1;
	s2 =	sadd.s32 s19, s18  }
0x9c: {  	s6 =	simm.s32 $0x0;
	s20 =	sshll.u32 s4, $0x1;
	s4 =	sadd.s32 s21, s2  }
0x9d: {  	[timem:s6], [sflag:s22] =	dma.local [hbm:s4], s20  }
0x9e: {  	_ =	swait.ge [sflag:s22], s20  }
0x9f: {  	s3 =	ssub.s32 $0x0, s20;
	[sflag:s22] =	ssyncset.done $0x0  }
0xa0: {  	[sflag:s22] =	ssyncadd.s32 s3;
	_ =	sdelay $0x1  }
0xa1: {  	s23 =	simm.s32 $0x1B8B  }
0xa2: {  	_ =	swait.ge [sflag:s23], $0x1  }
0xa3: {  	[sflag:s23] =	ssyncset.done $0x0  }
0xa4: {  	s25 =	simm.s32 $0x1B8E;
	s24 =	sld [smem:$0x3FFE];
	[sflag:s23] =	ssyncadd.s32 $0xFFFFFFFF  }
0xa5: {  	s26 =	simm.s32 $execute0_lowered;
	[smem:$0x3FD2] =	sst s25  }
0xa6: {  	s4 =	sshll.u32 s26, $0x1;
	_ =	strace $0x80000055;
	[dreg:$0x1] =	wrdreg $0xFFFFFFFF  }
0xa7: {  	s28 =	simm.s32 $_size_execute0_lowered;
	s2 =	sadd.s32 s2, s4;
	[dreg:$0x0] =	wrdreg $0x0  }
0xa8: {  	s4 =	sshll.u32 s28, $0x1;
	[dreg:$0x2] =	wrdreg s2  }
0xa9: {  	[dreg:$0x3] =	wrdreg s4  }
0xaa: {  	[dreg:$0x4] =	wrdreg $0xC0  }
0xab: {  	_ =	task [dreg:s6], $0x5FFFF  }
0xac: {  	[dreg:$0x1] =	wrdreg $0xFFFFFFFF  }
0xad: {  	[dreg:$0x0] =	wrdreg $0x60  }
0xae: {  	[dreg:$0x2] =	wrdreg s24  }
0xaf: {  	[dreg:$0x3] =	wrdreg $0x9  }
0xb0: {  	_ =	task.clear_ibuf [dreg:s6], $0x4FFFF;
	_ =	strace $0x90000055  }
0xb1: {  	s29 =	simm.s32 $0x9;
	_ =	strace $0x80000057  }
0xb2: {  	_ =	swait.ge [sflag:s29], $0x1  }
0xb3: {  	[sflag:s29] =	ssyncadd.s32 $0xFFFFFFFF  }
0xb4: {  	_ =	strace $0x90000057  }
0xb5: {  	_ =	sfence  }
0xb6: {  	s30 =	sld [smem:$0x0];
	_ =	sdelay $0x2  }
0xb7: {  	s31 =	sshll.u32 s1, $0xD;
	s1 =	sshrl.u32 s1, $0x2  }
0xb8: {  	s3 =	sand.u32 $0x4000, s31;
	s1 =	sadd.s32 s1, s30  }
0xb9: {  	s0 =	sor.u32 s3, s0;
	s1 =	sshll.u32 s1, $0x11  }
0xba: {  	s0 =	sor.u32 s1, s0  }
0xbb: {  	s0 =	sadd.s32 $0x8F2B, s0  }
0xbc: {  	[sflag:s0] =	ssyncadd.remote.s32 $0x1  }
0xbd: {  	_ =	sfence.sel $0xFFFF  }
0xbe: {  	[dreg:$0x0] =	wrdreg $0xFFFFFFFF;
	(pc) =	sbr.abs _section_cstart, $3  }
0xbf: {  	[dreg:$0x1] =	wrdreg $0xFFFFFFFF  }
0xc0: {  	_ =	task.clear_ibuf [dreg:s6], $0x2FFFF;
	_ =	strace $0x9FFFFFFF  }
0xc1: {  	(tm) =	ssettm $0x7FFFFFFF  }
tec
execute0_lowered:
.L_overlay_start_1:
0x0: {  	(tag) =	ssettag $0x1  }
0x1: {  	s7 =	rddreg [dreg:$0x0]  }
0x2: {  	s1 =	srdreg.scid;
	s0 =	rddreg [dreg:$0x1]  }
0x3: {  	_ =	strace $0x80000056;
	s3 =	simm.s32 $0x1;
	s5 =	simm.s32 $0x2  }
0x4: {  	s9 =	simm.s32 $0x3;
	s12 =	simm.s32 $0x0;
	s2 =	sshll.u32 s1, $0x4  }
.Ltmp0:
0x5: {  	s1 =	stileid.u32;
	s4 =	sand.u32 $0x10, s2;
	(pc) =	sbr.rel .LBB2_1-.Ltmp0, $4  }
0x6: {  	s10 =	simm.s32 $0x0;
	[sflag:s3] =	ssyncpa.u1 $0x0;
	s4 =	sor.u32 s1, s4  }
0x7: {  	s6 =	sadd.s32 $0x565E00, s7;
	[sflag:s5] =	ssyncpa.u1 $0x0;
	s4 =	smul.u32 $0x60, s4  }
0x8: {  	s2 =	sadd.s32 $0x566600, s7;
	s7 =	sadd.s32 $0x1C83200, s7;
	[sflag:s9] =	ssyncpa.u1 $0x0  }
0x9: {  	vm0 =	vmmov $0xff;
	vm1 =	vcmask $0x3F20;
	s9 =	simm.s32 $0x60;
	s8 =	sadd.s32 $0x60, s4;
	s11 =	smov.u32 s4  }
.LBB2_10:
0xa: {  	s12 =	sshrl.u32 s11, $0x3  }
0xb: {  	s13 =	sand.u32 $0x7, s11;
	s12 =	sadd.s32 s6, s12  }
0xc: {  	[tilespmem:s9], [sflag:$0x2] =	stream.linear.gather [hbm4b:s12+s13], $0x60, $0x38;
	[tilespmem:$0x60C0] =	vst v63  }
.LBB2_8:
0xd: {  	s12 =	sadd.s32 $0x60, s11  }
0xe: {  	s13 =	smov.u32 s4;
	p0 =	slt.s32 s12, s8  }
0xf: {  	s13 =	smov.u32 @p0 s12  }
0x10: {  	s10 =	sadd.s32 $0x1, s10;
	s12 =	smov.u32 s11;
	s11 =	smov.u32 s13  }
.LBB2_1:
0x11: {  	p0 =	seq.s32 s10, $0x0  }
.Ltmp1:
0x12: {  	_ = 	snop;
	(pc) =	sbr.rel @p0 .LBB2_10-.Ltmp1, $1  }
0x13: {  	_ =	sdelay $0x3  }
0x14: {  	p0 =	seq.s32 s10, $0x1  }
.Ltmp2:
0x15: {  	_ = 	snop;
	(pc) =	sbr.rel @!p0 .LBB2_9-.Ltmp2, $1  }
0x16: {  	_ =	sdelay $0x3  }
0x17: {  	_ =	swait.ge [sflag:s5], $0x60  }
0x18: {  	[sflag:s5] =	ssyncset.done $0x0  }
0x19: {  	s13 =	simm.s32 $0x0;
	[sflag:s5] =	ssyncadd.s32 $0xFFFFFFA0  }
0x1a: {  	v0 =	vld.msk [tilespmem:s13+$0x60 ss:$0x1], $0xffff;
	_ =	sdelay $0x4  }
0x1b: {  	vm2 =	vgt.s32 v0, $0x0  }
0x1c: {  	v0 =	vnsel vm2, $0x0, v0  }
0x1d: {  	v0 =	vmin.u32 v0, $0x77FF  }
0x1e: {  	v0 =	vshll.u32 v0, $0x4;
	_ =	sdelay $0x3  }
0x1f: {  	s13 =	simm.s32 $0x30C0  }
0x20: {  	[tilespmem:s13], [sflag:$0x1] =	stream.indirect_vreg.gather [hbm:s2], $0x80, v0, vm0, $0x38;
	[tilespmem:$0x60C0] =	vst v63  }
0x21: {  	s14 =	simm.s32 $0x34C0;
	s31 =	simm.s32 $0x10  }
0x22: {  	[tilespmem:s14], [sflag:$0x1] =	stream.indirect_vreg.gather [hbm:s2], $0x80, v0, vm1, $0x38;
	[tilespmem:$0x60C0] =	vst v63  }
0x23: {  	s14 =	simm.s32 $0x80;
	v0 =	vld.msk [tilespmem:s31+$0x60 ss:$0x1], $0xffff  }
.LBB2_4:
0x24: {  	p0 =	sne.s32 s14, $0x140;
	_ =	sdelay $0x4  }
0x25: {  	vm2 =	vgt.s32 v0, $0x0  }
0x26: {  	v0 =	vnsel vm2, $0x0, v0  }
0x27: {  	v0 =	vmin.u32 v0, $0x77FF  }
0x28: {  	v0 =	vshll.u32 v0, $0x4;
	_ =	sdelay $0x3  }
.Ltmp3:
0x29: {  	s13 =	sadd.s32 $0x800, s13;
	(pc) =	sbr.rel @p0 .LBB2_4-.Ltmp3, $4  }
0x2a: {  	[tilespmem:s13], [sflag:$0x1] =	stream.indirect_vreg.gather [hbm:s2], $0x80, v0, vm0, $0x38;
	[tilespmem:$0x60C0] =	vst v63  }
0x2b: {  	s15 =	sshra.s32 s14, $0x2;
	s16 =	sadd.s32 $0x400, s13  }
0x2c: {  	[tilespmem:s16], [sflag:$0x1] =	stream.indirect_vreg.gather [hbm:s2], $0x80, v0, vm1, $0x38;
	[tilespmem:$0x60C0] =	vst v63  }
0x2d: {  	s14 =	sadd.s32 $0x40, s14;
	v0 =	vld.msk [tilespmem:s15+$0x60 ss:$0x1], $0xffff  }
0x2e: {  	_ =	sdelay $0x3  }
0x2f: {  	vm2 =	vgt.s32 v0, $0x0  }
0x30: {  	v0 =	vnsel vm2, $0x0, v0  }
0x31: {  	v0 =	vmin.u32 v0, $0x77FF  }
0x32: {  	v0 =	vshll.u32 v0, $0x4;
	_ =	sdelay $0x3  }
0x33: {  	s13 =	sadd.s32 $0x800, s13  }
0x34: {  	[tilespmem:s13], [sflag:$0x1] =	stream.indirect_vreg.gather [hbm:s2], $0x80, v0, vm0, $0x38;
	[tilespmem:$0x60C0] =	vst v63  }
0x35: {  	s13 =	sadd.s32 $0x400, s13  }
0x36: {  	[tilespmem:s13], [sflag:$0x1] =	stream.indirect_vreg.gather [hbm:s2], $0x80, v0, vm1, $0x38;
	[tilespmem:$0x60C0] =	vst v63  }
0x37: {  	s12 =	sshll.u32 s12, $0x4;
	s14 =	simm.s32 $0x80;
	_ =	swait.ge [sflag:s3], $0x3000  }
0x38: {  	s15 =	simm.s32 $0x34C0;
	s12 =	sadd.s32 s12, s7;
	[sflag:s3] =	ssyncset.done $0x0  }
0x39: {  	s16 =	sadd.s32 $0x0, s12;
	s13 =	simm.s32 $0x30C0;
	[sflag:s3] =	ssyncadd.s32 $0xFFFFD000  }
.LBB2_6:
0x3a: {  	[hbm:s16] =	stream.linear.scatter [tilespmem:s13], [sflag:$0x3], $0x400, $0x38;
	[tilespmem:$0x60C0] =	vst v63  }
0x3b: {  	s16 =	smov.u32 s14;
	s13 =	smov.u32 s15;
	p0 =	seq.s32 s14, $0x580  }
.Ltmp4:
0x3c: {  	s14 =	sadd.s32 $0x80, s14;
	(pc) =	sbr.rel @!p0 .LBB2_6-.Ltmp4, $2  }
0x3d: {  	_ =	sdelay $0x2  }
0x3e: {  	s15 =	sadd.s32 $0x400, s15;
	s16 =	sadd.s32 s16, s12  }
.Ltmp5:
0x3f: {  	(pc) =	sbr.rel .LBB2_8-.Ltmp5, $2  }
0x40: {  	_ =	sdelay $0x2  }
0x41: {  	[hbm:s16] =	stream.linear.scatter [tilespmem:s13], [sflag:$0x3], $0x400, $0x38;
	[tilespmem:$0x60C0] =	vst v63  }
.LBB2_9:
0x42: {  	s2 =	simm.s32 $0x3  }
0x43: {  	_ =	swait.ge [sflag:s2], $0x3000  }
0x44: {  	[sflag:s2] =	ssyncset.done $0x0  }
0x45: {  	[sflag:s2] =	ssyncadd.s32 $0xFFFFD000  }
0x46: {  	_ =	sfence.sel $0x180000  }
0x47: {  	s3 =	simm.s32 $0x2;
	[bflag:$0x0] =	sbarrier.arrive $0xFFFF  }
0x48: {  	[sflag:s3] =	ssyncpa.u1 $0x1  }
0x49: {  	s31 =	simm.s32 $0x1;
	[sflag:s2] =	ssyncpa.u1 $0x1  }
0x4a: {  	[sflag:s31] =	ssyncpa.u1 $0x1  }
0x4b: {  	p0 =	sne.s32 s1, $0x0;
	_ =	strace $0x90000056  }
0x4c: {  	s0 =	sadd.s32 @!p0 $0x100000, s0;
	[bflag:$0x2] =	sbarrier.arrive $0xFFFF  }
0x4d: {  	[sflag:s0] =	ssyncadd.tile.s32 @!p0 $0x1;
	_ =	shalt  }
.Lfunc_end2:
_tile_overlayer_lowered:
.L_overlay_start_2:
0x4e: {  	(tag) =	ssettag $0x2  }
0x4f: {  	s0 =	rddreg [dreg:$0x0];
	s2 =	stileid.u32  }
0x50: {  	s1 =	rddreg [dreg:$0x1];
	p0 =	sne.s32 s2, $0x0  }
0x51: {  	s3 =	rddreg [dreg:$0x2];
	[bflag:$0x3] =	sbarrier.arrive $0xFFFF;
	s2 =	simm.s32 @!p0 $0x1C01  }
0x52: {  	[timem:s3], [sflag:s2] =	dma.local @!p0 [hbm:s0], s1  }
0x53: {  	s0 =	simm.s32 @!p0 $0x1  }
0x54: {  	_ =	swait.ge @!p0 [sflag:s0], s1  }
0x55: {  	s1 =	ssub.s32 @!p0 $0x0, s1;
	[sflag:s0] =	ssyncset.done @!p0 $0x0  }
0x56: {  	[sflag:s0] =	ssyncadd.s32 @!p0 s1  }
0x57: {  	[bflag:$0x3] =	sbarrier.arrive $0xFFFF  }
0x58: {  	_ =	shalt  }

// kernel: gather_offload_async_start.2
scs
__scs_entry_jumppad:
0x0: {  	(pc) =	sbr.rel $0x88, $3  }
0x1: {  	(tag) =	ssettag $0x0;
	lr =	simm.s32 $0x1  }
0x2: {  	[smem:$0x3F8E] =	sst lr;
	_ =	strace $0xD0000000  }
0x3: {  	_ = 	snop  }
0x4: {  	_ = 	snop  }
0x5: {  	_ = 	snop  }
0x6: {  	_ = 	snop  }
0x7: {  	_ = 	snop  }
__scs_overlays_trampoline_lowered:
0x8: {  	[smem:$0x3F9D] =	sst s0  }
0x9: {  	[smem:$0x3F9E] =	sst s1  }
0xa: {  	[smem:$0x3F9F] =	sst s2  }
0xb: {  	[smem:$0x3FA0] =	sst s3  }
0xc: {  	[smem:$0x3FA1] =	sst s4  }
0xd: {  	[smem:$0x3FA2] =	sst s5  }
0xe: {  	[smem:$0x3FA3] =	sst s6  }
0xf: {  	[smem:$0x3FA4] =	sst s7  }
0x10: {  	[smem:$0x3FA5] =	sst s8  }
0x11: {  	[smem:$0x3FA6] =	sst s9;
	s0 =	simm.s32 @!p0 $0x0  }
0x12: {  	s1 =	sld [smem:$0x3F8C];
	s0 =	simm.s32 @p0 $0x1  }
0x13: {  	[smem:$0x3FA7] =	sst s0;
	s0 =	simm.s32 @!p1 $0x0  }
0x14: {  	s2 =	sld [smem:$0x3F8B];
	s0 =	simm.s32 @p1 $0x1  }
0x15: {  	[smem:$0x3FA8] =	sst s0;
	s0 =	simm.s32 @!p2 $0x0  }
0x16: {  	s3 =	sld [smem:$0x3FDB];
	s0 =	simm.s32 @p2 $0x1  }
0x17: {  	s4 =	simm.s32 $0x1BF5;
	[smem:$0x3FAA] =	sst s0  }
0x18: {  	s0 =	sld [smem:$0x3F8D];
	_ =	swait.ge [sflag:s4], $0x0  }
0x19: {  	s7 =	sld [smem:$0x3F8E]  }
0x1a: {  	s8 =	sadd.s32 $0xFFFFE003, lr  }
0x1b: {  	s9 =	sadd.s32 $0xFFFFFEF7, lr;
	s5 =	simm.s32 $0xFFFFFFFF;
	p2 =	slt.u32 s8, $0xFFFFF086  }
0x1c: {  	p1 =	slt.u32 s9, $0xF7A;
	s5 =	simm.s32 @!p2 $0x0  }
0x1d: {  	s5 =	simm.s32 @p1 $0x1;
	p0 =	seq.s32 s7, s2  }
0x1e: {  	s7 =	smul.u32 @!p0 $0xF7A, s2;
	p2 =	seq.s32 @!p0 s5, $0x0  }
0x1f: {  	s9 =	smul.u32 $0xF7A, s1;
	s8 =	simm.s32 @!p0 $0x1BF5;
	p2 =	por !p2, p0  }
0x20: {  	[sflag:s8] =	ssyncset.s32 @!p0 $0xFFFFF086;
	s6 =	sadd.s32 @!p0 s3, s7;
	s7 =	simm.s32 @!p0 $0x108  }
0x21: {  	s3 =	sadd.s32 s3, s9;
	s6 =	sadd.s32 @!p0 $0x88, s6;
	s7 =	simm.s32 @p2 $0x1082  }
0x22: {  	[simem:s7], [sflag:s8] =	dma.local @!p0 [hbm:s6], $0xF7A  }
0x23: {  	s9 =	sor.u32 $0xD0000000, s2;
	s6 =	simm.s32 $0x108;
	_ =	swait.ge @!p0 [sflag:s8], $0x0  }
0x24: {  	s3 =	sadd.s32 $0x88, s3;
	s6 =	simm.s32 @!p1 $0x1082;
	[sflag:s4] =	ssyncset.s32 $0xFFFFF086  }
0x25: {  	[simem:s6], [sflag:s4] =	dma.local [hbm:s3], $0xF7A  }
0x26: {  	[smem:$0x3F8E] =	sst s1;
	(tag) =	ssettag s2;
	_ =	strace s9  }
0x27: {  	s1 =	sld [smem:$0x3F9E]  }
0x28: {  	s2 =	sld [smem:$0x3F9F]  }
0x29: {  	s4 =	sld [smem:$0x3FA1]  }
0x2a: {  	p0 =	seq.s32 s5, $0x0;
	s5 =	sld [smem:$0x3FA2]  }
0x2b: {  	s6 =	sld [smem:$0x3FA3]  }
0x2c: {  	s7 =	sld [smem:$0x3FA4]  }
0x2d: {  	s3 =	simm.s32 $0x108;
	s8 =	sld [smem:$0x3FA5]  }
0x2e: {  	s3 =	simm.s32 @!p0 $0x1082;
	s9 =	sld [smem:$0x3FA6]  }
0x2f: {  	lr =	sadd.s32 s0, s3;
	s0 =	sld [smem:$0x3F9D]  }
0x30: {  	s3 =	sld [smem:$0x3FA0]  }
0x31: {  	[smem:$0x3FA9] =	sst s10  }
0x32: {  	s10 =	sld [smem:$0x3FA7];
	_ =	sdelay $0x3  }
0x33: {  	p0 =	seq.s32 s10, $0x1;
	s10 =	sld [smem:$0x3FA9];
	_ =	sdelay $0x3  }
0x34: {  	[smem:$0x3FA9] =	sst s10  }
0x35: {  	s10 =	sld [smem:$0x3FA8];
	_ =	sdelay $0x3  }
0x36: {  	p1 =	seq.s32 s10, $0x1;
	s10 =	sld [smem:$0x3FA9];
	_ =	sdelay $0x3  }
0x37: {  	[smem:$0x3FA9] =	sst s10  }
0x38: {  	s10 =	sld [smem:$0x3FAA]  }
0x39: {  	_ = 	snop;
	(pc) =	sbr.ind lr, $3  }
0x3a: {  	_ = 	snop  }
0x3b: {  	_ = 	snop  }
0x3c: {  	p2 =	seq.s32 s10, $0x1;
	s10 =	sld [smem:$0x3FA9]  }
0x3d: {  	_ =	shalt  }
0x3e: {  	_ =	shalt  }
0x3f: {  	_ =	shalt  }
0x40: {  	_ =	shalt  }
0x41: {  	_ =	shalt  }
0x42: {  	_ =	shalt  }
0x43: {  	_ =	shalt  }
0x44: {  	_ =	shalt  }
0x45: {  	_ =	shalt  }
0x46: {  	_ =	shalt  }
0x47: {  	_ =	shalt  }
0x48: {  	_ =	shalt  }
0x49: {  	_ =	shalt  }
0x4a: {  	_ =	shalt  }
0x4b: {  	_ =	shalt  }
0x4c: {  	_ =	shalt  }
0x4d: {  	_ =	shalt  }
0x4e: {  	_ =	shalt  }
0x4f: {  	_ =	shalt  }
0x50: {  	_ =	shalt  }
0x51: {  	_ =	shalt  }
0x52: {  	_ =	shalt  }
0x53: {  	_ =	shalt  }
0x54: {  	_ =	shalt  }
0x55: {  	_ =	shalt  }
0x56: {  	_ =	shalt  }
0x57: {  	_ =	shalt  }
0x58: {  	_ =	shalt  }
0x59: {  	_ =	shalt  }
0x5a: {  	_ =	shalt  }
0x5b: {  	_ =	shalt  }
0x5c: {  	_ =	shalt  }
0x5d: {  	_ =	shalt  }
0x5e: {  	_ =	shalt  }
0x5f: {  	_ =	shalt  }
0x60: {  	_ =	shalt  }
0x61: {  	_ =	shalt  }
0x62: {  	_ =	shalt  }
0x63: {  	_ =	shalt  }
0x64: {  	_ =	shalt  }
0x65: {  	_ =	shalt  }
0x66: {  	_ =	shalt  }
0x67: {  	_ =	shalt  }
0x68: {  	_ =	shalt  }
0x69: {  	_ =	shalt  }
0x6a: {  	_ =	shalt  }
0x6b: {  	_ =	shalt  }
0x6c: {  	_ =	shalt  }
0x6d: {  	_ =	shalt  }
0x6e: {  	_ =	shalt  }
0x6f: {  	_ =	shalt  }
0x70: {  	_ =	shalt  }
0x71: {  	_ =	shalt  }
0x72: {  	_ =	shalt  }
0x73: {  	_ =	shalt  }
0x74: {  	_ =	shalt  }
0x75: {  	_ =	shalt  }
0x76: {  	_ =	shalt  }
0x77: {  	_ =	shalt  }
0x78: {  	_ =	shalt  }
0x79: {  	_ =	shalt  }
0x7a: {  	_ =	shalt  }
0x7b: {  	_ =	shalt  }
0x7c: {  	_ =	shalt  }
0x7d: {  	_ =	shalt  }
0x7e: {  	_ =	shalt  }
0x7f: {  	_ =	shalt  }
0x80: {  	_ =	shalt  }
0x81: {  	_ =	shalt  }
0x82: {  	_ =	shalt  }
0x83: {  	_ =	shalt  }
0x84: {  	_ =	shalt  }
0x85: {  	_ =	shalt  }
0x86: {  	_ =	shalt  }
0x87: {  	_ =	shalt  }
.Lfunc_end0:
.L_simem_size_0:
called_computation.3_lowered:
.L_overlay_start_0:
0x88: {  	s2 =	sld [smem:$0x3FD9]  }
0x89: {  	s3 =	sld [smem:$0x3FFE];
	_ =	sdelay $0x1  }
0x8a: {  	s1 =	srdreg.scid  }
0x8b: {  	s0 =	sand.u32 $0x1, s1  }
0x8c: {  	s16 =	sshll.u32 s0, $0xA;
	s2 =	sadd.s32 s3, s2  }
0x8d: {  	s2 =	sadd.s32 s2, s16  }
0x8e: {  	[smem:$0x3FB5] =	sst s2  }
0x8f: {  	_ = 	snop  }
0x90: {  	(tm) =	ssettm $0x1  }
0x91: {  	s17 =	sld [smem:$0x3FFB];
	_ =	sdelay $0x3  }
0x92: {  	_ =	strace s17  }
0x93: {  	s2 =	sld [smem:$0x3FFC];
	_ =	sdelay $0x3  }
0x94: {  	_ =	strace s2  }
0x95: {  	s2 =	sld [smem:$0x3FFD];
	_ =	sdelay $0x3  }
0x96: {  	_ =	strace s2  }
0x97: {  	_ =	strace $0x8FFFFFFF  }
0x98: {  	s18 =	sld [smem:$0x3FDB];
	_ =	sdelay $0x1  }
0x99: {  	s19 =	simm.s32 $_scs_section_size  }
0x9a: {  	s4 =	simm.s32 $_size__tile_overlayer_lowered;
	s5 =	simm.s32 $_tile_overlayer_lowered  }
0x9b: {  	s22 =	simm.s32 $0x1BFF;
	s21 =	sshll.u32 s5, $0x1;
	s2 =	sadd.s32 s19, s18  }
0x9c: {  	s6 =	simm.s32 $0x0;
	s20 =	sshll.u32 s4, $0x1;
	s4 =	sadd.s32 s21, s2  }
0x9d: {  	[timem:s6], [sflag:s22] =	dma.local [hbm:s4], s20  }
0x9e: {  	_ =	swait.ge [sflag:s22], s20  }
0x9f: {  	s3 =	ssub.s32 $0x0, s20;
	[sflag:s22] =	ssyncset.done $0x0  }
0xa0: {  	[sflag:s22] =	ssyncadd.s32 s3;
	_ =	sdelay $0x1  }
0xa1: {  	s23 =	simm.s32 $0x1B8B  }
0xa2: {  	_ =	swait.ge [sflag:s23], $0x1  }
0xa3: {  	[sflag:s23] =	ssyncset.done $0x0  }
0xa4: {  	s25 =	simm.s32 $0x1B8E;
	s24 =	sld [smem:$0x3FFE];
	[sflag:s23] =	ssyncadd.s32 $0xFFFFFFFF  }
0xa5: {  	s26 =	simm.s32 $execute0_lowered;
	[smem:$0x3FD2] =	sst s25  }
0xa6: {  	s4 =	sshll.u32 s26, $0x1;
	_ =	strace $0x8000004F;
	[dreg:$0x1] =	wrdreg $0xFFFFFFFF  }
0xa7: {  	s28 =	simm.s32 $_size_execute0_lowered;
	s2 =	sadd.s32 s2, s4;
	[dreg:$0x0] =	wrdreg $0x0  }
0xa8: {  	s4 =	sshll.u32 s28, $0x1;
	[dreg:$0x2] =	wrdreg s2  }
0xa9: {  	[dreg:$0x3] =	wrdreg s4  }
0xaa: {  	[dreg:$0x4] =	wrdreg $0xC0  }
0xab: {  	_ =	task [dreg:s6], $0x5FFFF  }
0xac: {  	[dreg:$0x1] =	wrdreg $0xFFFFFFFF  }
0xad: {  	[dreg:$0x0] =	wrdreg $0x60  }
0xae: {  	[dreg:$0x2] =	wrdreg s24  }
0xaf: {  	[dreg:$0x3] =	wrdreg $0x9  }
0xb0: {  	_ =	task.clear_ibuf [dreg:s6], $0x4FFFF;
	_ =	strace $0x9000004F  }
0xb1: {  	s29 =	simm.s32 $0x9;
	_ =	strace $0x80000051  }
0xb2: {  	_ =	swait.ge [sflag:s29], $0x1  }
0xb3: {  	[sflag:s29] =	ssyncadd.s32 $0xFFFFFFFF  }
0xb4: {  	_ =	strace $0x90000051  }
0xb5: {  	_ =	sfence  }
0xb6: {  	s30 =	sld [smem:$0x0];
	_ =	sdelay $0x2  }
0xb7: {  	s31 =	sshll.u32 s1, $0xD;
	s1 =	sshrl.u32 s1, $0x2  }
0xb8: {  	s3 =	sand.u32 $0x4000, s31;
	s1 =	sadd.s32 s1, s30  }
0xb9: {  	s0 =	sor.u32 s3, s0;
	s1 =	sshll.u32 s1, $0x11  }
0xba: {  	s0 =	sor.u32 s1, s0  }
0xbb: {  	s0 =	sadd.s32 $0x8F2B, s0  }
0xbc: {  	[sflag:s0] =	ssyncadd.remote.s32 $0x1  }
0xbd: {  	_ =	sfence.sel $0xFFFF  }
0xbe: {  	[dreg:$0x0] =	wrdreg $0xFFFFFFFF;
	(pc) =	sbr.abs _section_cstart, $3  }
0xbf: {  	[dreg:$0x1] =	wrdreg $0xFFFFFFFF  }
0xc0: {  	_ =	task.clear_ibuf [dreg:s6], $0x2FFFF;
	_ =	strace $0x9FFFFFFF  }
0xc1: {  	(tm) =	ssettm $0x7FFFFFFF  }
tec
execute0_lowered:
.L_overlay_start_1:
0x0: {  	(tag) =	ssettag $0x1  }
0x1: {  	s7 =	rddreg [dreg:$0x0]  }
0x2: {  	s1 =	srdreg.scid;
	s0 =	rddreg [dreg:$0x1]  }
0x3: {  	_ =	strace $0x80000050;
	s3 =	simm.s32 $0x1;
	s5 =	simm.s32 $0x2  }
0x4: {  	s9 =	simm.s32 $0x3;
	s12 =	simm.s32 $0x0;
	s2 =	sshll.u32 s1, $0x4  }
.Ltmp0:
0x5: {  	s1 =	stileid.u32;
	s4 =	sand.u32 $0x10, s2;
	(pc) =	sbr.rel .LBB2_1-.Ltmp0, $4  }
0x6: {  	s10 =	simm.s32 $0x0;
	[sflag:s3] =	ssyncpa.u1 $0x0;
	s4 =	sor.u32 s1, s4  }
0x7: {  	s6 =	sadd.s32 $0x565600, s7;
	[sflag:s5] =	ssyncpa.u1 $0x0;
	s4 =	smul.u32 $0x60, s4  }
0x8: {  	s2 =	sadd.s32 $0x566600, s7;
	s7 =	sadd.s32 $0x1C83200, s7;
	[sflag:s9] =	ssyncpa.u1 $0x0  }
0x9: {  	vm0 =	vmmov $0xff;
	vm1 =	vcmask $0x3F20;
	s9 =	simm.s32 $0x60;
	s8 =	sadd.s32 $0x60, s4;
	s11 =	smov.u32 s4  }
.LBB2_10:
0xa: {  	s12 =	sshrl.u32 s11, $0x3  }
0xb: {  	s13 =	sand.u32 $0x7, s11;
	s12 =	sadd.s32 s6, s12  }
0xc: {  	[tilespmem:s9], [sflag:$0x2] =	stream.linear.gather [hbm4b:s12+s13], $0x60, $0x38;
	[tilespmem:$0x60C0] =	vst v63  }
.LBB2_8:
0xd: {  	s12 =	sadd.s32 $0x60, s11  }
0xe: {  	s13 =	smov.u32 s4;
	p0 =	slt.s32 s12, s8  }
0xf: {  	s13 =	smov.u32 @p0 s12  }
0x10: {  	s10 =	sadd.s32 $0x1, s10;
	s12 =	smov.u32 s11;
	s11 =	smov.u32 s13  }
.LBB2_1:
0x11: {  	p0 =	seq.s32 s10, $0x0  }
.Ltmp1:
0x12: {  	_ = 	snop;
	(pc) =	sbr.rel @p0 .LBB2_10-.Ltmp1, $1  }
0x13: {  	_ =	sdelay $0x3  }
0x14: {  	p0 =	seq.s32 s10, $0x1  }
.Ltmp2:
0x15: {  	_ = 	snop;
	(pc) =	sbr.rel @!p0 .LBB2_9-.Ltmp2, $1  }
0x16: {  	_ =	sdelay $0x3  }
0x17: {  	_ =	swait.ge [sflag:s5], $0x60  }
0x18: {  	[sflag:s5] =	ssyncset.done $0x0  }
0x19: {  	s13 =	simm.s32 $0x0;
	[sflag:s5] =	ssyncadd.s32 $0xFFFFFFA0  }
0x1a: {  	v0 =	vld.msk [tilespmem:s13+$0x60 ss:$0x1], $0xffff;
	_ =	sdelay $0x4  }
0x1b: {  	vm2 =	vgt.s32 v0, $0x0  }
0x1c: {  	v0 =	vnsel vm2, $0x0, v0  }
0x1d: {  	v0 =	vmin.u32 v0, $0x77FF  }
0x1e: {  	v0 =	vshll.u32 v0, $0x4;
	_ =	sdelay $0x3  }
0x1f: {  	s13 =	simm.s32 $0x30C0  }
0x20: {  	[tilespmem:s13], [sflag:$0x1] =	stream.indirect_vreg.gather [hbm:s2], $0x80, v0, vm0, $0x38;
	[tilespmem:$0x60C0] =	vst v63  }
0x21: {  	s14 =	simm.s32 $0x34C0;
	s31 =	simm.s32 $0x10  }
0x22: {  	[tilespmem:s14], [sflag:$0x1] =	stream.indirect_vreg.gather [hbm:s2], $0x80, v0, vm1, $0x38;
	[tilespmem:$0x60C0] =	vst v63  }
0x23: {  	s14 =	simm.s32 $0x80;
	v0 =	vld.msk [tilespmem:s31+$0x60 ss:$0x1], $0xffff  }
.LBB2_4:
0x24: {  	p0 =	sne.s32 s14, $0x140;
	_ =	sdelay $0x4  }
0x25: {  	vm2 =	vgt.s32 v0, $0x0  }
0x26: {  	v0 =	vnsel vm2, $0x0, v0  }
0x27: {  	v0 =	vmin.u32 v0, $0x77FF  }
0x28: {  	v0 =	vshll.u32 v0, $0x4;
	_ =	sdelay $0x3  }
.Ltmp3:
0x29: {  	s13 =	sadd.s32 $0x800, s13;
	(pc) =	sbr.rel @p0 .LBB2_4-.Ltmp3, $4  }
0x2a: {  	[tilespmem:s13], [sflag:$0x1] =	stream.indirect_vreg.gather [hbm:s2], $0x80, v0, vm0, $0x38;
	[tilespmem:$0x60C0] =	vst v63  }
0x2b: {  	s15 =	sshra.s32 s14, $0x2;
	s16 =	sadd.s32 $0x400, s13  }
0x2c: {  	[tilespmem:s16], [sflag:$0x1] =	stream.indirect_vreg.gather [hbm:s2], $0x80, v0, vm1, $0x38;
	[tilespmem:$0x60C0] =	vst v63  }
0x2d: {  	s14 =	sadd.s32 $0x40, s14;
	v0 =	vld.msk [tilespmem:s15+$0x60 ss:$0x1], $0xffff  }
0x2e: {  	_ =	sdelay $0x3  }
0x2f: {  	vm2 =	vgt.s32 v0, $0x0  }
0x30: {  	v0 =	vnsel vm2, $0x0, v0  }
0x31: {  	v0 =	vmin.u32 v0, $0x77FF  }
0x32: {  	v0 =	vshll.u32 v0, $0x4;
	_ =	sdelay $0x3  }
0x33: {  	s13 =	sadd.s32 $0x800, s13  }
0x34: {  	[tilespmem:s13], [sflag:$0x1] =	stream.indirect_vreg.gather [hbm:s2], $0x80, v0, vm0, $0x38;
	[tilespmem:$0x60C0] =	vst v63  }
0x35: {  	s13 =	sadd.s32 $0x400, s13  }
0x36: {  	[tilespmem:s13], [sflag:$0x1] =	stream.indirect_vreg.gather [hbm:s2], $0x80, v0, vm1, $0x38;
	[tilespmem:$0x60C0] =	vst v63  }
0x37: {  	s12 =	sshll.u32 s12, $0x4;
	s14 =	simm.s32 $0x80;
	_ =	swait.ge [sflag:s3], $0x3000  }
0x38: {  	s15 =	simm.s32 $0x34C0;
	s12 =	sadd.s32 s12, s7;
	[sflag:s3] =	ssyncset.done $0x0  }
0x39: {  	s16 =	sadd.s32 $0x0, s12;
	s13 =	simm.s32 $0x30C0;
	[sflag:s3] =	ssyncadd.s32 $0xFFFFD000  }
.LBB2_6:
0x3a: {  	[hbm:s16] =	stream.linear.scatter [tilespmem:s13], [sflag:$0x3], $0x400, $0x38;
	[tilespmem:$0x60C0] =	vst v63  }
0x3b: {  	s16 =	smov.u32 s14;
	s13 =	smov.u32 s15;
	p0 =	seq.s32 s14, $0x580  }
.Ltmp4:
0x3c: {  	s14 =	sadd.s32 $0x80, s14;
	(pc) =	sbr.rel @!p0 .LBB2_6-.Ltmp4, $2  }
0x3d: {  	_ =	sdelay $0x2  }
0x3e: {  	s15 =	sadd.s32 $0x400, s15;
	s16 =	sadd.s32 s16, s12  }
.Ltmp5:
0x3f: {  	(pc) =	sbr.rel .LBB2_8-.Ltmp5, $2  }
0x40: {  	_ =	sdelay $0x2  }
0x41: {  	[hbm:s16] =	stream.linear.scatter [tilespmem:s13], [sflag:$0x3], $0x400, $0x38;
	[tilespmem:$0x60C0] =	vst v63  }
.LBB2_9:
0x42: {  	s2 =	simm.s32 $0x3  }
0x43: {  	_ =	swait.ge [sflag:s2], $0x3000  }
0x44: {  	[sflag:s2] =	ssyncset.done $0x0  }
0x45: {  	[sflag:s2] =	ssyncadd.s32 $0xFFFFD000  }
0x46: {  	_ =	sfence.sel $0x180000  }
0x47: {  	s3 =	simm.s32 $0x2;
	[bflag:$0x0] =	sbarrier.arrive $0xFFFF  }
0x48: {  	[sflag:s3] =	ssyncpa.u1 $0x1  }
0x49: {  	s31 =	simm.s32 $0x1;
	[sflag:s2] =	ssyncpa.u1 $0x1  }
0x4a: {  	[sflag:s31] =	ssyncpa.u1 $0x1  }
0x4b: {  	p0 =	sne.s32 s1, $0x0;
	_ =	strace $0x90000050  }
0x4c: {  	s0 =	sadd.s32 @!p0 $0x100000, s0;
	[bflag:$0x2] =	sbarrier.arrive $0xFFFF  }
0x4d: {  	[sflag:s0] =	ssyncadd.tile.s32 @!p0 $0x1;
	_ =	shalt  }
.Lfunc_end2:
_tile_overlayer_lowered:
.L_overlay_start_2:
0x4e: {  	(tag) =	ssettag $0x2  }
0x4f: {  	s0 =	rddreg [dreg:$0x0];
	s2 =	stileid.u32  }
0x50: {  	s1 =	rddreg [dreg:$0x1];
	p0 =	sne.s32 s2, $0x0  }
0x51: {  	s3 =	rddreg [dreg:$0x2];
	[bflag:$0x3] =	sbarrier.arrive $0xFFFF;
	s2 =	simm.s32 @!p0 $0x1C01  }
0x52: {  	[timem:s3], [sflag:s2] =	dma.local @!p0 [hbm:s0], s1  }
0x53: {  	s0 =	simm.s32 @!p0 $0x1  }
0x54: {  	_ =	swait.ge @!p0 [sflag:s0], s1  }
0x55: {  	s1 =	ssub.s32 @!p0 $0x0, s1;
	[sflag:s0] =	ssyncset.done @!p0 $0x0  }
0x56: {  	[sflag:s0] =	ssyncadd.s32 @!p0 s1  }
0x57: {  	[bflag:$0x3] =	sbarrier.arrive $0xFFFF  }
0x58: {  	_ =	shalt  }

// kernel: gather_offload_async_start.3
scs
__scs_entry_jumppad:
0x0: {  	(pc) =	sbr.rel $0x88, $3  }
0x1: {  	(tag) =	ssettag $0x0;
	lr =	simm.s32 $0x1  }
0x2: {  	[smem:$0x3F8E] =	sst lr;
	_ =	strace $0xD0000000  }
0x3: {  	_ = 	snop  }
0x4: {  	_ = 	snop  }
0x5: {  	_ = 	snop  }
0x6: {  	_ = 	snop  }
0x7: {  	_ = 	snop  }
__scs_overlays_trampoline_lowered:
0x8: {  	[smem:$0x3F9D] =	sst s0  }
0x9: {  	[smem:$0x3F9E] =	sst s1  }
0xa: {  	[smem:$0x3F9F] =	sst s2  }
0xb: {  	[smem:$0x3FA0] =	sst s3  }
0xc: {  	[smem:$0x3FA1] =	sst s4  }
0xd: {  	[smem:$0x3FA2] =	sst s5  }
0xe: {  	[smem:$0x3FA3] =	sst s6  }
0xf: {  	[smem:$0x3FA4] =	sst s7  }
0x10: {  	[smem:$0x3FA5] =	sst s8  }
0x11: {  	[smem:$0x3FA6] =	sst s9;
	s0 =	simm.s32 @!p0 $0x0  }
0x12: {  	s1 =	sld [smem:$0x3F8C];
	s0 =	simm.s32 @p0 $0x1  }
0x13: {  	[smem:$0x3FA7] =	sst s0;
	s0 =	simm.s32 @!p1 $0x0  }
0x14: {  	s2 =	sld [smem:$0x3F8B];
	s0 =	simm.s32 @p1 $0x1  }
0x15: {  	[smem:$0x3FA8] =	sst s0;
	s0 =	simm.s32 @!p2 $0x0  }
0x16: {  	s3 =	sld [smem:$0x3FDB];
	s0 =	simm.s32 @p2 $0x1  }
0x17: {  	s4 =	simm.s32 $0x1BF5;
	[smem:$0x3FAA] =	sst s0  }
0x18: {  	s0 =	sld [smem:$0x3F8D];
	_ =	swait.ge [sflag:s4], $0x0  }
0x19: {  	s7 =	sld [smem:$0x3F8E]  }
0x1a: {  	s8 =	sadd.s32 $0xFFFFE003, lr  }
0x1b: {  	s9 =	sadd.s32 $0xFFFFFEF7, lr;
	s5 =	simm.s32 $0xFFFFFFFF;
	p2 =	slt.u32 s8, $0xFFFFF086  }
0x1c: {  	p1 =	slt.u32 s9, $0xF7A;
	s5 =	simm.s32 @!p2 $0x0  }
0x1d: {  	s5 =	simm.s32 @p1 $0x1;
	p0 =	seq.s32 s7, s2  }
0x1e: {  	s7 =	smul.u32 @!p0 $0xF7A, s2;
	p2 =	seq.s32 @!p0 s5, $0x0  }
0x1f: {  	s9 =	smul.u32 $0xF7A, s1;
	s8 =	simm.s32 @!p0 $0x1BF5;
	p2 =	por !p2, p0  }
0x20: {  	[sflag:s8] =	ssyncset.s32 @!p0 $0xFFFFF086;
	s6 =	sadd.s32 @!p0 s3, s7;
	s7 =	simm.s32 @!p0 $0x108  }
0x21: {  	s3 =	sadd.s32 s3, s9;
	s6 =	sadd.s32 @!p0 $0x88, s6;
	s7 =	simm.s32 @p2 $0x1082  }
0x22: {  	[simem:s7], [sflag:s8] =	dma.local @!p0 [hbm:s6], $0xF7A  }
0x23: {  	s9 =	sor.u32 $0xD0000000, s2;
	s6 =	simm.s32 $0x108;
	_ =	swait.ge @!p0 [sflag:s8], $0x0  }
0x24: {  	s3 =	sadd.s32 $0x88, s3;
	s6 =	simm.s32 @!p1 $0x1082;
	[sflag:s4] =	ssyncset.s32 $0xFFFFF086  }
0x25: {  	[simem:s6], [sflag:s4] =	dma.local [hbm:s3], $0xF7A  }
0x26: {  	[smem:$0x3F8E] =	sst s1;
	(tag) =	ssettag s2;
	_ =	strace s9  }
0x27: {  	s1 =	sld [smem:$0x3F9E]  }
0x28: {  	s2 =	sld [smem:$0x3F9F]  }
0x29: {  	s4 =	sld [smem:$0x3FA1]  }
0x2a: {  	p0 =	seq.s32 s5, $0x0;
	s5 =	sld [smem:$0x3FA2]  }
0x2b: {  	s6 =	sld [smem:$0x3FA3]  }
0x2c: {  	s7 =	sld [smem:$0x3FA4]  }
0x2d: {  	s3 =	simm.s32 $0x108;
	s8 =	sld [smem:$0x3FA5]  }
0x2e: {  	s3 =	simm.s32 @!p0 $0x1082;
	s9 =	sld [smem:$0x3FA6]  }
0x2f: {  	lr =	sadd.s32 s0, s3;
	s0 =	sld [smem:$0x3F9D]  }
0x30: {  	s3 =	sld [smem:$0x3FA0]  }
0x31: {  	[smem:$0x3FA9] =	sst s10  }
0x32: {  	s10 =	sld [smem:$0x3FA7];
	_ =	sdelay $0x3  }
0x33: {  	p0 =	seq.s32 s10, $0x1;
	s10 =	sld [smem:$0x3FA9];
	_ =	sdelay $0x3  }
0x34: {  	[smem:$0x3FA9] =	sst s10  }
0x35: {  	s10 =	sld [smem:$0x3FA8];
	_ =	sdelay $0x3  }
0x36: {  	p1 =	seq.s32 s10, $0x1;
	s10 =	sld [smem:$0x3FA9];
	_ =	sdelay $0x3  }
0x37: {  	[smem:$0x3FA9] =	sst s10  }
0x38: {  	s10 =	sld [smem:$0x3FAA]  }
0x39: {  	_ = 	snop;
	(pc) =	sbr.ind lr, $3  }
0x3a: {  	_ = 	snop  }
0x3b: {  	_ = 	snop  }
0x3c: {  	p2 =	seq.s32 s10, $0x1;
	s10 =	sld [smem:$0x3FA9]  }
0x3d: {  	_ =	shalt  }
0x3e: {  	_ =	shalt  }
0x3f: {  	_ =	shalt  }
0x40: {  	_ =	shalt  }
0x41: {  	_ =	shalt  }
0x42: {  	_ =	shalt  }
0x43: {  	_ =	shalt  }
0x44: {  	_ =	shalt  }
0x45: {  	_ =	shalt  }
0x46: {  	_ =	shalt  }
0x47: {  	_ =	shalt  }
0x48: {  	_ =	shalt  }
0x49: {  	_ =	shalt  }
0x4a: {  	_ =	shalt  }
0x4b: {  	_ =	shalt  }
0x4c: {  	_ =	shalt  }
0x4d: {  	_ =	shalt  }
0x4e: {  	_ =	shalt  }
0x4f: {  	_ =	shalt  }
0x50: {  	_ =	shalt  }
0x51: {  	_ =	shalt  }
0x52: {  	_ =	shalt  }
0x53: {  	_ =	shalt  }
0x54: {  	_ =	shalt  }
0x55: {  	_ =	shalt  }
0x56: {  	_ =	shalt  }
0x57: {  	_ =	shalt  }
0x58: {  	_ =	shalt  }
0x59: {  	_ =	shalt  }
0x5a: {  	_ =	shalt  }
0x5b: {  	_ =	shalt  }
0x5c: {  	_ =	shalt  }
0x5d: {  	_ =	shalt  }
0x5e: {  	_ =	shalt  }
0x5f: {  	_ =	shalt  }
0x60: {  	_ =	shalt  }
0x61: {  	_ =	shalt  }
0x62: {  	_ =	shalt  }
0x63: {  	_ =	shalt  }
0x64: {  	_ =	shalt  }
0x65: {  	_ =	shalt  }
0x66: {  	_ =	shalt  }
0x67: {  	_ =	shalt  }
0x68: {  	_ =	shalt  }
0x69: {  	_ =	shalt  }
0x6a: {  	_ =	shalt  }
0x6b: {  	_ =	shalt  }
0x6c: {  	_ =	shalt  }
0x6d: {  	_ =	shalt  }
0x6e: {  	_ =	shalt  }
0x6f: {  	_ =	shalt  }
0x70: {  	_ =	shalt  }
0x71: {  	_ =	shalt  }
0x72: {  	_ =	shalt  }
0x73: {  	_ =	shalt  }
0x74: {  	_ =	shalt  }
0x75: {  	_ =	shalt  }
0x76: {  	_ =	shalt  }
0x77: {  	_ =	shalt  }
0x78: {  	_ =	shalt  }
0x79: {  	_ =	shalt  }
0x7a: {  	_ =	shalt  }
0x7b: {  	_ =	shalt  }
0x7c: {  	_ =	shalt  }
0x7d: {  	_ =	shalt  }
0x7e: {  	_ =	shalt  }
0x7f: {  	_ =	shalt  }
0x80: {  	_ =	shalt  }
0x81: {  	_ =	shalt  }
0x82: {  	_ =	shalt  }
0x83: {  	_ =	shalt  }
0x84: {  	_ =	shalt  }
0x85: {  	_ =	shalt  }
0x86: {  	_ =	shalt  }
0x87: {  	_ =	shalt  }
.Lfunc_end0:
.L_simem_size_0:
called_computation.4_lowered:
.L_overlay_start_0:
0x88: {  	s2 =	sld [smem:$0x3FD9]  }
0x89: {  	s3 =	sld [smem:$0x3FFE];
	_ =	sdelay $0x1  }
0x8a: {  	s1 =	srdreg.scid  }
0x8b: {  	s0 =	sand.u32 $0x1, s1  }
0x8c: {  	s16 =	sshll.u32 s0, $0xA;
	s2 =	sadd.s32 s3, s2  }
0x8d: {  	s2 =	sadd.s32 s2, s16  }
0x8e: {  	[smem:$0x3FB5] =	sst s2  }
0x8f: {  	_ = 	snop  }
0x90: {  	(tm) =	ssettm $0x1  }
0x91: {  	s17 =	sld [smem:$0x3FFB];
	_ =	sdelay $0x3  }
0x92: {  	_ =	strace s17  }
0x93: {  	s2 =	sld [smem:$0x3FFC];
	_ =	sdelay $0x3  }
0x94: {  	_ =	strace s2  }
0x95: {  	s2 =	sld [smem:$0x3FFD];
	_ =	sdelay $0x3  }
0x96: {  	_ =	strace s2  }
0x97: {  	_ =	strace $0x8FFFFFFF  }
0x98: {  	s18 =	sld [smem:$0x3FDB];
	_ =	sdelay $0x1  }
0x99: {  	s19 =	simm.s32 $_scs_section_size  }
0x9a: {  	s4 =	simm.s32 $_size__tile_overlayer_lowered;
	s5 =	simm.s32 $_tile_overlayer_lowered  }
0x9b: {  	s22 =	simm.s32 $0x1BFF;
	s21 =	sshll.u32 s5, $0x1;
	s2 =	sadd.s32 s19, s18  }
0x9c: {  	s6 =	simm.s32 $0x0;
	s20 =	sshll.u32 s4, $0x1;
	s4 =	sadd.s32 s21, s2  }
0x9d: {  	[timem:s6], [sflag:s22] =	dma.local [hbm:s4], s20  }
0x9e: {  	_ =	swait.ge [sflag:s22], s20  }
0x9f: {  	s3 =	ssub.s32 $0x0, s20;
	[sflag:s22] =	ssyncset.done $0x0  }
0xa0: {  	[sflag:s22] =	ssyncadd.s32 s3;
	_ =	sdelay $0x1  }
0xa1: {  	s23 =	simm.s32 $0x1B8B  }
0xa2: {  	_ =	swait.ge [sflag:s23], $0x1  }
0xa3: {  	[sflag:s23] =	ssyncset.done $0x0  }
0xa4: {  	s25 =	simm.s32 $0x1B8E;
	s24 =	sld [smem:$0x3FFE];
	[sflag:s23] =	ssyncadd.s32 $0xFFFFFFFF  }
0xa5: {  	s26 =	simm.s32 $execute0_lowered;
	[smem:$0x3FD2] =	sst s25  }
0xa6: {  	s4 =	sshll.u32 s26, $0x1;
	_ =	strace $0x8000004C;
	[dreg:$0x1] =	wrdreg $0xFFFFFFFF  }
0xa7: {  	s28 =	simm.s32 $_size_execute0_lowered;
	s2 =	sadd.s32 s2, s4;
	[dreg:$0x0] =	wrdreg $0x0  }
0xa8: {  	s4 =	sshll.u32 s28, $0x1;
	[dreg:$0x2] =	wrdreg s2  }
0xa9: {  	[dreg:$0x3] =	wrdreg s4  }
0xaa: {  	[dreg:$0x4] =	wrdreg $0xC0  }
0xab: {  	_ =	task [dreg:s6], $0x5FFFF  }
0xac: {  	[dreg:$0x1] =	wrdreg $0xFFFFFFFF  }
0xad: {  	[dreg:$0x0] =	wrdreg $0x60  }
0xae: {  	[dreg:$0x2] =	wrdreg s24  }
0xaf: {  	[dreg:$0x3] =	wrdreg $0x9  }
0xb0: {  	_ =	task.clear_ibuf [dreg:s6], $0x4FFFF;
	_ =	strace $0x9000004C  }
0xb1: {  	s29 =	simm.s32 $0x9;
	_ =	strace $0x8000004E  }
0xb2: {  	_ =	swait.ge [sflag:s29], $0x1  }
0xb3: {  	[sflag:s29] =	ssyncadd.s32 $0xFFFFFFFF  }
0xb4: {  	_ =	strace $0x9000004E  }
0xb5: {  	_ =	sfence  }
0xb6: {  	s30 =	sld [smem:$0x0];
	_ =	sdelay $0x2  }
0xb7: {  	s31 =	sshll.u32 s1, $0xD;
	s1 =	sshrl.u32 s1, $0x2  }
0xb8: {  	s3 =	sand.u32 $0x4000, s31;
	s1 =	sadd.s32 s1, s30  }
0xb9: {  	s0 =	sor.u32 s3, s0;
	s1 =	sshll.u32 s1, $0x11  }
0xba: {  	s0 =	sor.u32 s1, s0  }
0xbb: {  	s0 =	sadd.s32 $0x8F2B, s0  }
0xbc: {  	[sflag:s0] =	ssyncadd.remote.s32 $0x1  }
0xbd: {  	_ =	sfence.sel $0xFFFF  }
0xbe: {  	[dreg:$0x0] =	wrdreg $0xFFFFFFFF;
	(pc) =	sbr.abs _section_cstart, $3  }
0xbf: {  	[dreg:$0x1] =	wrdreg $0xFFFFFFFF  }
0xc0: {  	_ =	task.clear_ibuf [dreg:s6], $0x2FFFF;
	_ =	strace $0x9FFFFFFF  }
0xc1: {  	(tm) =	ssettm $0x7FFFFFFF  }
tec
execute0_lowered:
.L_overlay_start_1:
0x0: {  	(tag) =	ssettag $0x1  }
0x1: {  	s7 =	rddreg [dreg:$0x0]  }
0x2: {  	s1 =	srdreg.scid;
	s0 =	rddreg [dreg:$0x1]  }
0x3: {  	_ =	strace $0x8000004D;
	s3 =	simm.s32 $0x1;
	s5 =	simm.s32 $0x2  }
0x4: {  	s9 =	simm.s32 $0x3;
	s12 =	simm.s32 $0x0;
	s2 =	sshll.u32 s1, $0x4  }
.Ltmp0:
0x5: {  	s1 =	stileid.u32;
	s4 =	sand.u32 $0x10, s2;
	(pc) =	sbr.rel .LBB2_1-.Ltmp0, $4  }
0x6: {  	s10 =	simm.s32 $0x0;
	[sflag:s3] =	ssyncpa.u1 $0x0;
	s4 =	sor.u32 s1, s4  }
0x7: {  	s6 =	sadd.s32 $0x565400, s7;
	[sflag:s5] =	ssyncpa.u1 $0x0;
	s4 =	smul.u32 $0x60, s4  }
0x8: {  	s2 =	sadd.s32 $0x566600, s7;
	s7 =	sadd.s32 $0x1C83200, s7;
	[sflag:s9] =	ssyncpa.u1 $0x0  }
0x9: {  	vm0 =	vmmov $0xff;
	vm1 =	vcmask $0x3F20;
	s9 =	simm.s32 $0x60;
	s8 =	sadd.s32 $0x60, s4;
	s11 =	smov.u32 s4  }
.LBB2_10:
0xa: {  	s12 =	sshrl.u32 s11, $0x3  }
0xb: {  	s13 =	sand.u32 $0x7, s11;
	s12 =	sadd.s32 s6, s12  }
0xc: {  	[tilespmem:s9], [sflag:$0x2] =	stream.linear.gather [hbm4b:s12+s13], $0x60, $0x38;
	[tilespmem:$0x60C0] =	vst v63  }
.LBB2_8:
0xd: {  	s12 =	sadd.s32 $0x60, s11  }
0xe: {  	s13 =	smov.u32 s4;
	p0 =	slt.s32 s12, s8  }
0xf: {  	s13 =	smov.u32 @p0 s12  }
0x10: {  	s10 =	sadd.s32 $0x1, s10;
	s12 =	smov.u32 s11;
	s11 =	smov.u32 s13  }
.LBB2_1:
0x11: {  	p0 =	seq.s32 s10, $0x0  }
.Ltmp1:
0x12: {  	_ = 	snop;
	(pc) =	sbr.rel @p0 .LBB2_10-.Ltmp1, $1  }
0x13: {  	_ =	sdelay $0x3  }
0x14: {  	p0 =	seq.s32 s10, $0x1  }
.Ltmp2:
0x15: {  	_ = 	snop;
	(pc) =	sbr.rel @!p0 .LBB2_9-.Ltmp2, $1  }
0x16: {  	_ =	sdelay $0x3  }
0x17: {  	_ =	swait.ge [sflag:s5], $0x60  }
0x18: {  	[sflag:s5] =	ssyncset.done $0x0  }
0x19: {  	s13 =	simm.s32 $0x0;
	[sflag:s5] =	ssyncadd.s32 $0xFFFFFFA0  }
0x1a: {  	v0 =	vld.msk [tilespmem:s13+$0x60 ss:$0x1], $0xffff;
	_ =	sdelay $0x4  }
0x1b: {  	vm2 =	vgt.s32 v0, $0x0  }
0x1c: {  	v0 =	vnsel vm2, $0x0, v0  }
0x1d: {  	v0 =	vmin.u32 v0, $0x77FF  }
0x1e: {  	v0 =	vshll.u32 v0, $0x4;
	_ =	sdelay $0x3  }
0x1f: {  	s13 =	simm.s32 $0x30C0  }
0x20: {  	[tilespmem:s13], [sflag:$0x1] =	stream.indirect_vreg.gather [hbm:s2], $0x80, v0, vm0, $0x38;
	[tilespmem:$0x60C0] =	vst v63  }
0x21: {  	s14 =	simm.s32 $0x34C0;
	s31 =	simm.s32 $0x10  }
0x22: {  	[tilespmem:s14], [sflag:$0x1] =	stream.indirect_vreg.gather [hbm:s2], $0x80, v0, vm1, $0x38;
	[tilespmem:$0x60C0] =	vst v63  }
0x23: {  	s14 =	simm.s32 $0x80;
	v0 =	vld.msk [tilespmem:s31+$0x60 ss:$0x1], $0xffff  }
.LBB2_4:
0x24: {  	p0 =	sne.s32 s14, $0x140;
	_ =	sdelay $0x4  }
0x25: {  	vm2 =	vgt.s32 v0, $0x0  }
0x26: {  	v0 =	vnsel vm2, $0x0, v0  }
0x27: {  	v0 =	vmin.u32 v0, $0x77FF  }
0x28: {  	v0 =	vshll.u32 v0, $0x4;
	_ =	sdelay $0x3  }
.Ltmp3:
0x29: {  	s13 =	sadd.s32 $0x800, s13;
	(pc) =	sbr.rel @p0 .LBB2_4-.Ltmp3, $4  }
0x2a: {  	[tilespmem:s13], [sflag:$0x1] =	stream.indirect_vreg.gather [hbm:s2], $0x80, v0, vm0, $0x38;
	[tilespmem:$0x60C0] =	vst v63  }
0x2b: {  	s15 =	sshra.s32 s14, $0x2;
	s16 =	sadd.s32 $0x400, s13  }
0x2c: {  	[tilespmem:s16], [sflag:$0x1] =	stream.indirect_vreg.gather [hbm:s2], $0x80, v0, vm1, $0x38;
	[tilespmem:$0x60C0] =	vst v63  }
0x2d: {  	s14 =	sadd.s32 $0x40, s14;
	v0 =	vld.msk [tilespmem:s15+$0x60 ss:$0x1], $0xffff  }
0x2e: {  	_ =	sdelay $0x3  }
0x2f: {  	vm2 =	vgt.s32 v0, $0x0  }
0x30: {  	v0 =	vnsel vm2, $0x0, v0  }
0x31: {  	v0 =	vmin.u32 v0, $0x77FF  }
0x32: {  	v0 =	vshll.u32 v0, $0x4;
	_ =	sdelay $0x3  }
0x33: {  	s13 =	sadd.s32 $0x800, s13  }
0x34: {  	[tilespmem:s13], [sflag:$0x1] =	stream.indirect_vreg.gather [hbm:s2], $0x80, v0, vm0, $0x38;
	[tilespmem:$0x60C0] =	vst v63  }
0x35: {  	s13 =	sadd.s32 $0x400, s13  }
0x36: {  	[tilespmem:s13], [sflag:$0x1] =	stream.indirect_vreg.gather [hbm:s2], $0x80, v0, vm1, $0x38;
	[tilespmem:$0x60C0] =	vst v63  }
0x37: {  	s12 =	sshll.u32 s12, $0x4;
	s14 =	simm.s32 $0x80;
	_ =	swait.ge [sflag:s3], $0x3000  }
0x38: {  	s15 =	simm.s32 $0x34C0;
	s12 =	sadd.s32 s12, s7;
	[sflag:s3] =	ssyncset.done $0x0  }
0x39: {  	s16 =	sadd.s32 $0x0, s12;
	s13 =	simm.s32 $0x30C0;
	[sflag:s3] =	ssyncadd.s32 $0xFFFFD000  }
.LBB2_6:
0x3a: {  	[hbm:s16] =	stream.linear.scatter [tilespmem:s13], [sflag:$0x3], $0x400, $0x38;
	[tilespmem:$0x60C0] =	vst v63  }
0x3b: {  	s16 =	smov.u32 s14;
	s13 =	smov.u32 s15;
	p0 =	seq.s32 s14, $0x580  }
.Ltmp4:
0x3c: {  	s14 =	sadd.s32 $0x80, s14;
	(pc) =	sbr.rel @!p0 .LBB2_6-.Ltmp4, $2  }
0x3d: {  	_ =	sdelay $0x2  }
0x3e: {  	s15 =	sadd.s32 $0x400, s15;
	s16 =	sadd.s32 s16, s12  }
.Ltmp5:
0x3f: {  	(pc) =	sbr.rel .LBB2_8-.Ltmp5, $2  }
0x40: {  	_ =	sdelay $0x2  }
0x41: {  	[hbm:s16] =	stream.linear.scatter [tilespmem:s13], [sflag:$0x3], $0x400, $0x38;
	[tilespmem:$0x60C0] =	vst v63  }
.LBB2_9:
0x42: {  	s2 =	simm.s32 $0x3  }
0x43: {  	_ =	swait.ge [sflag:s2], $0x3000  }
0x44: {  	[sflag:s2] =	ssyncset.done $0x0  }
0x45: {  	[sflag:s2] =	ssyncadd.s32 $0xFFFFD000  }
0x46: {  	_ =	sfence.sel $0x180000  }
0x47: {  	s3 =	simm.s32 $0x2;
	[bflag:$0x0] =	sbarrier.arrive $0xFFFF  }
0x48: {  	[sflag:s3] =	ssyncpa.u1 $0x1  }
0x49: {  	s31 =	simm.s32 $0x1;
	[sflag:s2] =	ssyncpa.u1 $0x1  }
0x4a: {  	[sflag:s31] =	ssyncpa.u1 $0x1  }
0x4b: {  	p0 =	sne.s32 s1, $0x0;
	_ =	strace $0x9000004D  }
0x4c: {  	s0 =	sadd.s32 @!p0 $0x100000, s0;
	[bflag:$0x2] =	sbarrier.arrive $0xFFFF  }
0x4d: {  	[sflag:s0] =	ssyncadd.tile.s32 @!p0 $0x1;
	_ =	shalt  }
.Lfunc_end2:
_tile_overlayer_lowered:
.L_overlay_start_2:
0x4e: {  	(tag) =	ssettag $0x2  }
0x4f: {  	s0 =	rddreg [dreg:$0x0];
	s2 =	stileid.u32  }
0x50: {  	s1 =	rddreg [dreg:$0x1];
	p0 =	sne.s32 s2, $0x0  }
0x51: {  	s3 =	rddreg [dreg:$0x2];
	[bflag:$0x3] =	sbarrier.arrive $0xFFFF;
	s2 =	simm.s32 @!p0 $0x1C01  }
0x52: {  	[timem:s3], [sflag:s2] =	dma.local @!p0 [hbm:s0], s1  }
0x53: {  	s0 =	simm.s32 @!p0 $0x1  }
0x54: {  	_ =	swait.ge @!p0 [sflag:s0], s1  }
0x55: {  	s1 =	ssub.s32 @!p0 $0x0, s1;
	[sflag:s0] =	ssyncset.done @!p0 $0x0  }
0x56: {  	[sflag:s0] =	ssyncadd.s32 @!p0 s1  }
0x57: {  	[bflag:$0x3] =	sbarrier.arrive $0xFFFF  }
0x58: {  	_ =	shalt  }

// kernel: gather_offload_async_start.4
scs
__scs_entry_jumppad:
0x0: {  	(pc) =	sbr.rel $0x88, $3  }
0x1: {  	(tag) =	ssettag $0x0;
	lr =	simm.s32 $0x1  }
0x2: {  	[smem:$0x3F8E] =	sst lr;
	_ =	strace $0xD0000000  }
0x3: {  	_ = 	snop  }
0x4: {  	_ = 	snop  }
0x5: {  	_ = 	snop  }
0x6: {  	_ = 	snop  }
0x7: {  	_ = 	snop  }
__scs_overlays_trampoline_lowered:
0x8: {  	[smem:$0x3F9D] =	sst s0  }
0x9: {  	[smem:$0x3F9E] =	sst s1  }
0xa: {  	[smem:$0x3F9F] =	sst s2  }
0xb: {  	[smem:$0x3FA0] =	sst s3  }
0xc: {  	[smem:$0x3FA1] =	sst s4  }
0xd: {  	[smem:$0x3FA2] =	sst s5  }
0xe: {  	[smem:$0x3FA3] =	sst s6  }
0xf: {  	[smem:$0x3FA4] =	sst s7  }
0x10: {  	[smem:$0x3FA5] =	sst s8  }
0x11: {  	[smem:$0x3FA6] =	sst s9;
	s0 =	simm.s32 @!p0 $0x0  }
0x12: {  	s1 =	sld [smem:$0x3F8C];
	s0 =	simm.s32 @p0 $0x1  }
0x13: {  	[smem:$0x3FA7] =	sst s0;
	s0 =	simm.s32 @!p1 $0x0  }
0x14: {  	s2 =	sld [smem:$0x3F8B];
	s0 =	simm.s32 @p1 $0x1  }
0x15: {  	[smem:$0x3FA8] =	sst s0;
	s0 =	simm.s32 @!p2 $0x0  }
0x16: {  	s3 =	sld [smem:$0x3FDB];
	s0 =	simm.s32 @p2 $0x1  }
0x17: {  	s4 =	simm.s32 $0x1BF5;
	[smem:$0x3FAA] =	sst s0  }
0x18: {  	s0 =	sld [smem:$0x3F8D];
	_ =	swait.ge [sflag:s4], $0x0  }
0x19: {  	s7 =	sld [smem:$0x3F8E]  }
0x1a: {  	s8 =	sadd.s32 $0xFFFFE003, lr  }
0x1b: {  	s9 =	sadd.s32 $0xFFFFFEF7, lr;
	s5 =	simm.s32 $0xFFFFFFFF;
	p2 =	slt.u32 s8, $0xFFFFF086  }
0x1c: {  	p1 =	slt.u32 s9, $0xF7A;
	s5 =	simm.s32 @!p2 $0x0  }
0x1d: {  	s5 =	simm.s32 @p1 $0x1;
	p0 =	seq.s32 s7, s2  }
0x1e: {  	s7 =	smul.u32 @!p0 $0xF7A, s2;
	p2 =	seq.s32 @!p0 s5, $0x0  }
0x1f: {  	s9 =	smul.u32 $0xF7A, s1;
	s8 =	simm.s32 @!p0 $0x1BF5;
	p2 =	por !p2, p0  }
0x20: {  	[sflag:s8] =	ssyncset.s32 @!p0 $0xFFFFF086;
	s6 =	sadd.s32 @!p0 s3, s7;
	s7 =	simm.s32 @!p0 $0x108  }
0x21: {  	s3 =	sadd.s32 s3, s9;
	s6 =	sadd.s32 @!p0 $0x88, s6;
	s7 =	simm.s32 @p2 $0x1082  }
0x22: {  	[simem:s7], [sflag:s8] =	dma.local @!p0 [hbm:s6], $0xF7A  }
0x23: {  	s9 =	sor.u32 $0xD0000000, s2;
	s6 =	simm.s32 $0x108;
	_ =	swait.ge @!p0 [sflag:s8], $0x0  }
0x24: {  	s3 =	sadd.s32 $0x88, s3;
	s6 =	simm.s32 @!p1 $0x1082;
	[sflag:s4] =	ssyncset.s32 $0xFFFFF086  }
0x25: {  	[simem:s6], [sflag:s4] =	dma.local [hbm:s3], $0xF7A  }
0x26: {  	[smem:$0x3F8E] =	sst s1;
	(tag) =	ssettag s2;
	_ =	strace s9  }
0x27: {  	s1 =	sld [smem:$0x3F9E]  }
0x28: {  	s2 =	sld [smem:$0x3F9F]  }
0x29: {  	s4 =	sld [smem:$0x3FA1]  }
0x2a: {  	p0 =	seq.s32 s5, $0x0;
	s5 =	sld [smem:$0x3FA2]  }
0x2b: {  	s6 =	sld [smem:$0x3FA3]  }
0x2c: {  	s7 =	sld [smem:$0x3FA4]  }
0x2d: {  	s3 =	simm.s32 $0x108;
	s8 =	sld [smem:$0x3FA5]  }
0x2e: {  	s3 =	simm.s32 @!p0 $0x1082;
	s9 =	sld [smem:$0x3FA6]  }
0x2f: {  	lr =	sadd.s32 s0, s3;
	s0 =	sld [smem:$0x3F9D]  }
0x30: {  	s3 =	sld [smem:$0x3FA0]  }
0x31: {  	[smem:$0x3FA9] =	sst s10  }
0x32: {  	s10 =	sld [smem:$0x3FA7];
	_ =	sdelay $0x3  }
0x33: {  	p0 =	seq.s32 s10, $0x1;
	s10 =	sld [smem:$0x3FA9];
	_ =	sdelay $0x3  }
0x34: {  	[smem:$0x3FA9] =	sst s10  }
0x35: {  	s10 =	sld [smem:$0x3FA8];
	_ =	sdelay $0x3  }
0x36: {  	p1 =	seq.s32 s10, $0x1;
	s10 =	sld [smem:$0x3FA9];
	_ =	sdelay $0x3  }
0x37: {  	[smem:$0x3FA9] =	sst s10  }
0x38: {  	s10 =	sld [smem:$0x3FAA]  }
0x39: {  	_ = 	snop;
	(pc) =	sbr.ind lr, $3  }
0x3a: {  	_ = 	snop  }
0x3b: {  	_ = 	snop  }
0x3c: {  	p2 =	seq.s32 s10, $0x1;
	s10 =	sld [smem:$0x3FA9]  }
0x3d: {  	_ =	shalt  }
0x3e: {  	_ =	shalt  }
0x3f: {  	_ =	shalt  }
0x40: {  	_ =	shalt  }
0x41: {  	_ =	shalt  }
0x42: {  	_ =	shalt  }
0x43: {  	_ =	shalt  }
0x44: {  	_ =	shalt  }
0x45: {  	_ =	shalt  }
0x46: {  	_ =	shalt  }
0x47: {  	_ =	shalt  }
0x48: {  	_ =	shalt  }
0x49: {  	_ =	shalt  }
0x4a: {  	_ =	shalt  }
0x4b: {  	_ =	shalt  }
0x4c: {  	_ =	shalt  }
0x4d: {  	_ =	shalt  }
0x4e: {  	_ =	shalt  }
0x4f: {  	_ =	shalt  }
0x50: {  	_ =	shalt  }
0x51: {  	_ =	shalt  }
0x52: {  	_ =	shalt  }
0x53: {  	_ =	shalt  }
0x54: {  	_ =	shalt  }
0x55: {  	_ =	shalt  }
0x56: {  	_ =	shalt  }
0x57: {  	_ =	shalt  }
0x58: {  	_ =	shalt  }
0x59: {  	_ =	shalt  }
0x5a: {  	_ =	shalt  }
0x5b: {  	_ =	shalt  }
0x5c: {  	_ =	shalt  }
0x5d: {  	_ =	shalt  }
0x5e: {  	_ =	shalt  }
0x5f: {  	_ =	shalt  }
0x60: {  	_ =	shalt  }
0x61: {  	_ =	shalt  }
0x62: {  	_ =	shalt  }
0x63: {  	_ =	shalt  }
0x64: {  	_ =	shalt  }
0x65: {  	_ =	shalt  }
0x66: {  	_ =	shalt  }
0x67: {  	_ =	shalt  }
0x68: {  	_ =	shalt  }
0x69: {  	_ =	shalt  }
0x6a: {  	_ =	shalt  }
0x6b: {  	_ =	shalt  }
0x6c: {  	_ =	shalt  }
0x6d: {  	_ =	shalt  }
0x6e: {  	_ =	shalt  }
0x6f: {  	_ =	shalt  }
0x70: {  	_ =	shalt  }
0x71: {  	_ =	shalt  }
0x72: {  	_ =	shalt  }
0x73: {  	_ =	shalt  }
0x74: {  	_ =	shalt  }
0x75: {  	_ =	shalt  }
0x76: {  	_ =	shalt  }
0x77: {  	_ =	shalt  }
0x78: {  	_ =	shalt  }
0x79: {  	_ =	shalt  }
0x7a: {  	_ =	shalt  }
0x7b: {  	_ =	shalt  }
0x7c: {  	_ =	shalt  }
0x7d: {  	_ =	shalt  }
0x7e: {  	_ =	shalt  }
0x7f: {  	_ =	shalt  }
0x80: {  	_ =	shalt  }
0x81: {  	_ =	shalt  }
0x82: {  	_ =	shalt  }
0x83: {  	_ =	shalt  }
0x84: {  	_ =	shalt  }
0x85: {  	_ =	shalt  }
0x86: {  	_ =	shalt  }
0x87: {  	_ =	shalt  }
.Lfunc_end0:
.L_simem_size_0:
called_computation.5_lowered:
.L_overlay_start_0:
0x88: {  	s2 =	sld [smem:$0x3FD9]  }
0x89: {  	s3 =	sld [smem:$0x3FFE];
	_ =	sdelay $0x1  }
0x8a: {  	s1 =	srdreg.scid  }
0x8b: {  	s0 =	sand.u32 $0x1, s1  }
0x8c: {  	s16 =	sshll.u32 s0, $0xA;
	s2 =	sadd.s32 s3, s2  }
0x8d: {  	s2 =	sadd.s32 s2, s16  }
0x8e: {  	[smem:$0x3FB5] =	sst s2  }
0x8f: {  	_ = 	snop  }
0x90: {  	(tm) =	ssettm $0x1  }
0x91: {  	s17 =	sld [smem:$0x3FFB];
	_ =	sdelay $0x3  }
0x92: {  	_ =	strace s17  }
0x93: {  	s2 =	sld [smem:$0x3FFC];
	_ =	sdelay $0x3  }
0x94: {  	_ =	strace s2  }
0x95: {  	s2 =	sld [smem:$0x3FFD];
	_ =	sdelay $0x3  }
0x96: {  	_ =	strace s2  }
0x97: {  	_ =	strace $0x8FFFFFFF  }
0x98: {  	s18 =	sld [smem:$0x3FDB];
	_ =	sdelay $0x1  }
0x99: {  	s19 =	simm.s32 $_scs_section_size  }
0x9a: {  	s4 =	simm.s32 $_size__tile_overlayer_lowered;
	s5 =	simm.s32 $_tile_overlayer_lowered  }
0x9b: {  	s22 =	simm.s32 $0x1BFF;
	s21 =	sshll.u32 s5, $0x1;
	s2 =	sadd.s32 s19, s18  }
0x9c: {  	s6 =	simm.s32 $0x0;
	s20 =	sshll.u32 s4, $0x1;
	s4 =	sadd.s32 s21, s2  }
0x9d: {  	[timem:s6], [sflag:s22] =	dma.local [hbm:s4], s20  }
0x9e: {  	_ =	swait.ge [sflag:s22], s20  }
0x9f: {  	s3 =	ssub.s32 $0x0, s20;
	[sflag:s22] =	ssyncset.done $0x0  }
0xa0: {  	[sflag:s22] =	ssyncadd.s32 s3;
	_ =	sdelay $0x1  }
0xa1: {  	s23 =	simm.s32 $0x1B8B  }
0xa2: {  	_ =	swait.ge [sflag:s23], $0x1  }
0xa3: {  	[sflag:s23] =	ssyncset.done $0x0  }
0xa4: {  	s25 =	simm.s32 $0x1B8E;
	s24 =	sld [smem:$0x3FFE];
	[sflag:s23] =	ssyncadd.s32 $0xFFFFFFFF  }
0xa5: {  	s26 =	simm.s32 $execute0_lowered;
	[smem:$0x3FD2] =	sst s25  }
0xa6: {  	s4 =	sshll.u32 s26, $0x1;
	_ =	strace $0x80000049;
	[dreg:$0x1] =	wrdreg $0xFFFFFFFF  }
0xa7: {  	s28 =	simm.s32 $_size_execute0_lowered;
	s2 =	sadd.s32 s2, s4;
	[dreg:$0x0] =	wrdreg $0x0  }
0xa8: {  	s4 =	sshll.u32 s28, $0x1;
	[dreg:$0x2] =	wrdreg s2  }
0xa9: {  	[dreg:$0x3] =	wrdreg s4  }
0xaa: {  	[dreg:$0x4] =	wrdreg $0xC0  }
0xab: {  	_ =	task [dreg:s6], $0x5FFFF  }
0xac: {  	[dreg:$0x1] =	wrdreg $0xFFFFFFFF  }
0xad: {  	[dreg:$0x0] =	wrdreg $0x60  }
0xae: {  	[dreg:$0x2] =	wrdreg s24  }
0xaf: {  	[dreg:$0x3] =	wrdreg $0x9  }
0xb0: {  	_ =	task.clear_ibuf [dreg:s6], $0x4FFFF;
	_ =	strace $0x90000049  }
0xb1: {  	s29 =	simm.s32 $0x9;
	_ =	strace $0x8000004B  }
0xb2: {  	_ =	swait.ge [sflag:s29], $0x1  }
0xb3: {  	[sflag:s29] =	ssyncadd.s32 $0xFFFFFFFF  }
0xb4: {  	_ =	strace $0x9000004B  }
0xb5: {  	_ =	sfence  }
0xb6: {  	s30 =	sld [smem:$0x0];
	_ =	sdelay $0x2  }
0xb7: {  	s31 =	sshll.u32 s1, $0xD;
	s1 =	sshrl.u32 s1, $0x2  }
0xb8: {  	s3 =	sand.u32 $0x4000, s31;
	s1 =	sadd.s32 s1, s30  }
0xb9: {  	s0 =	sor.u32 s3, s0;
	s1 =	sshll.u32 s1, $0x11  }
0xba: {  	s0 =	sor.u32 s1, s0  }
0xbb: {  	s0 =	sadd.s32 $0x8F2B, s0  }
0xbc: {  	[sflag:s0] =	ssyncadd.remote.s32 $0x1  }
0xbd: {  	_ =	sfence.sel $0xFFFF  }
0xbe: {  	[dreg:$0x0] =	wrdreg $0xFFFFFFFF;
	(pc) =	sbr.abs _section_cstart, $3  }
0xbf: {  	[dreg:$0x1] =	wrdreg $0xFFFFFFFF  }
0xc0: {  	_ =	task.clear_ibuf [dreg:s6], $0x2FFFF;
	_ =	strace $0x9FFFFFFF  }
0xc1: {  	(tm) =	ssettm $0x7FFFFFFF  }
tec
execute0_lowered:
.L_overlay_start_1:
0x0: {  	(tag) =	ssettag $0x1  }
0x1: {  	s7 =	rddreg [dreg:$0x0]  }
0x2: {  	s1 =	srdreg.scid;
	s0 =	rddreg [dreg:$0x1]  }
0x3: {  	_ =	strace $0x8000004A;
	s3 =	simm.s32 $0x1;
	s5 =	simm.s32 $0x2  }
0x4: {  	s9 =	simm.s32 $0x3;
	s12 =	simm.s32 $0x0;
	s2 =	sshll.u32 s1, $0x4  }
.Ltmp0:
0x5: {  	s1 =	stileid.u32;
	s4 =	sand.u32 $0x10, s2;
	(pc) =	sbr.rel .LBB2_1-.Ltmp0, $4  }
0x6: {  	s10 =	simm.s32 $0x0;
	[sflag:s3] =	ssyncpa.u1 $0x0;
	s4 =	sor.u32 s1, s4  }
0x7: {  	s6 =	sadd.s32 $0x565A00, s7;
	[sflag:s5] =	ssyncpa.u1 $0x0;
	s4 =	smul.u32 $0x60, s4  }
0x8: {  	s2 =	sadd.s32 $0x566600, s7;
	s7 =	sadd.s32 $0x1C83200, s7;
	[sflag:s9] =	ssyncpa.u1 $0x0  }
0x9: {  	vm0 =	vmmov $0xff;
	vm1 =	vcmask $0x3F20;
	s9 =	simm.s32 $0x60;
	s8 =	sadd.s32 $0x60, s4;
	s11 =	smov.u32 s4  }
.LBB2_10:
0xa: {  	s12 =	sshrl.u32 s11, $0x3  }
0xb: {  	s13 =	sand.u32 $0x7, s11;
	s12 =	sadd.s32 s6, s12  }
0xc: {  	[tilespmem:s9], [sflag:$0x2] =	stream.linear.gather [hbm4b:s12+s13], $0x60, $0x38;
	[tilespmem:$0x60C0] =	vst v63  }
.LBB2_8:
0xd: {  	s12 =	sadd.s32 $0x60, s11  }
0xe: {  	s13 =	smov.u32 s4;
	p0 =	slt.s32 s12, s8  }
0xf: {  	s13 =	smov.u32 @p0 s12  }
0x10: {  	s10 =	sadd.s32 $0x1, s10;
	s12 =	smov.u32 s11;
	s11 =	smov.u32 s13  }
.LBB2_1:
0x11: {  	p0 =	seq.s32 s10, $0x0  }
.Ltmp1:
0x12: {  	_ = 	snop;
	(pc) =	sbr.rel @p0 .LBB2_10-.Ltmp1, $1  }
0x13: {  	_ =	sdelay $0x3  }
0x14: {  	p0 =	seq.s32 s10, $0x1  }
.Ltmp2:
0x15: {  	_ = 	snop;
	(pc) =	sbr.rel @!p0 .LBB2_9-.Ltmp2, $1  }
0x16: {  	_ =	sdelay $0x3  }
0x17: {  	_ =	swait.ge [sflag:s5], $0x60  }
0x18: {  	[sflag:s5] =	ssyncset.done $0x0  }
0x19: {  	s13 =	simm.s32 $0x0;
	[sflag:s5] =	ssyncadd.s32 $0xFFFFFFA0  }
0x1a: {  	v0 =	vld.msk [tilespmem:s13+$0x60 ss:$0x1], $0xffff;
	_ =	sdelay $0x4  }
0x1b: {  	vm2 =	vgt.s32 v0, $0x0  }
0x1c: {  	v0 =	vnsel vm2, $0x0, v0  }
0x1d: {  	v0 =	vmin.u32 v0, $0x77FF  }
0x1e: {  	v0 =	vshll.u32 v0, $0x4;
	_ =	sdelay $0x3  }
0x1f: {  	s13 =	simm.s32 $0x30C0  }
0x20: {  	[tilespmem:s13], [sflag:$0x1] =	stream.indirect_vreg.gather [hbm:s2], $0x80, v0, vm0, $0x38;
	[tilespmem:$0x60C0] =	vst v63  }
0x21: {  	s14 =	simm.s32 $0x34C0;
	s31 =	simm.s32 $0x10  }
0x22: {  	[tilespmem:s14], [sflag:$0x1] =	stream.indirect_vreg.gather [hbm:s2], $0x80, v0, vm1, $0x38;
	[tilespmem:$0x60C0] =	vst v63  }
0x23: {  	s14 =	simm.s32 $0x80;
	v0 =	vld.msk [tilespmem:s31+$0x60 ss:$0x1], $0xffff  }
.LBB2_4:
0x24: {  	p0 =	sne.s32 s14, $0x140;
	_ =	sdelay $0x4  }
0x25: {  	vm2 =	vgt.s32 v0, $0x0  }
0x26: {  	v0 =	vnsel vm2, $0x0, v0  }
0x27: {  	v0 =	vmin.u32 v0, $0x77FF  }
0x28: {  	v0 =	vshll.u32 v0, $0x4;
	_ =	sdelay $0x3  }
.Ltmp3:
0x29: {  	s13 =	sadd.s32 $0x800, s13;
	(pc) =	sbr.rel @p0 .LBB2_4-.Ltmp3, $4  }
0x2a: {  	[tilespmem:s13], [sflag:$0x1] =	stream.indirect_vreg.gather [hbm:s2], $0x80, v0, vm0, $0x38;
	[tilespmem:$0x60C0] =	vst v63  }
0x2b: {  	s15 =	sshra.s32 s14, $0x2;
	s16 =	sadd.s32 $0x400, s13  }
0x2c: {  	[tilespmem:s16], [sflag:$0x1] =	stream.indirect_vreg.gather [hbm:s2], $0x80, v0, vm1, $0x38;
	[tilespmem:$0x60C0] =	vst v63  }
0x2d: {  	s14 =	sadd.s32 $0x40, s14;
	v0 =	vld.msk [tilespmem:s15+$0x60 ss:$0x1], $0xffff  }
0x2e: {  	_ =	sdelay $0x3  }
0x2f: {  	vm2 =	vgt.s32 v0, $0x0  }
0x30: {  	v0 =	vnsel vm2, $0x0, v0  }
0x31: {  	v0 =	vmin.u32 v0, $0x77FF  }
0x32: {  	v0 =	vshll.u32 v0, $0x4;
	_ =	sdelay $0x3  }
0x33: {  	s13 =	sadd.s32 $0x800, s13  }
0x34: {  	[tilespmem:s13], [sflag:$0x1] =	stream.indirect_vreg.gather [hbm:s2], $0x80, v0, vm0, $0x38;
	[tilespmem:$0x60C0] =	vst v63  }
0x35: {  	s13 =	sadd.s32 $0x400, s13  }
0x36: {  	[tilespmem:s13], [sflag:$0x1] =	stream.indirect_vreg.gather [hbm:s2], $0x80, v0, vm1, $0x38;
	[tilespmem:$0x60C0] =	vst v63  }
0x37: {  	s12 =	sshll.u32 s12, $0x4;
	s14 =	simm.s32 $0x80;
	_ =	swait.ge [sflag:s3], $0x3000  }
0x38: {  	s15 =	simm.s32 $0x34C0;
	s12 =	sadd.s32 s12, s7;
	[sflag:s3] =	ssyncset.done $0x0  }
0x39: {  	s16 =	sadd.s32 $0x0, s12;
	s13 =	simm.s32 $0x30C0;
	[sflag:s3] =	ssyncadd.s32 $0xFFFFD000  }
.LBB2_6:
0x3a: {  	[hbm:s16] =	stream.linear.scatter [tilespmem:s13], [sflag:$0x3], $0x400, $0x38;
	[tilespmem:$0x60C0] =	vst v63  }
0x3b: {  	s16 =	smov.u32 s14;
	s13 =	smov.u32 s15;
	p0 =	seq.s32 s14, $0x580  }
.Ltmp4:
0x3c: {  	s14 =	sadd.s32 $0x80, s14;
	(pc) =	sbr.rel @!p0 .LBB2_6-.Ltmp4, $2  }
0x3d: {  	_ =	sdelay $0x2  }
0x3e: {  	s15 =	sadd.s32 $0x400, s15;
	s16 =	sadd.s32 s16, s12  }
.Ltmp5:
0x3f: {  	(pc) =	sbr.rel .LBB2_8-.Ltmp5, $2  }
0x40: {  	_ =	sdelay $0x2  }
0x41: {  	[hbm:s16] =	stream.linear.scatter [tilespmem:s13], [sflag:$0x3], $0x400, $0x38;
	[tilespmem:$0x60C0] =	vst v63  }
.LBB2_9:
0x42: {  	s2 =	simm.s32 $0x3  }
0x43: {  	_ =	swait.ge [sflag:s2], $0x3000  }
0x44: {  	[sflag:s2] =	ssyncset.done $0x0  }
0x45: {  	[sflag:s2] =	ssyncadd.s32 $0xFFFFD000  }
0x46: {  	_ =	sfence.sel $0x180000  }
0x47: {  	s3 =	simm.s32 $0x2;
	[bflag:$0x0] =	sbarrier.arrive $0xFFFF  }
0x48: {  	[sflag:s3] =	ssyncpa.u1 $0x1  }
0x49: {  	s31 =	simm.s32 $0x1;
	[sflag:s2] =	ssyncpa.u1 $0x1  }
0x4a: {  	[sflag:s31] =	ssyncpa.u1 $0x1  }
0x4b: {  	p0 =	sne.s32 s1, $0x0;
	_ =	strace $0x9000004A  }
0x4c: {  	s0 =	sadd.s32 @!p0 $0x100000, s0;
	[bflag:$0x2] =	sbarrier.arrive $0xFFFF  }
0x4d: {  	[sflag:s0] =	ssyncadd.tile.s32 @!p0 $0x1;
	_ =	shalt  }
.Lfunc_end2:
_tile_overlayer_lowered:
.L_overlay_start_2:
0x4e: {  	(tag) =	ssettag $0x2  }
0x4f: {  	s0 =	rddreg [dreg:$0x0];
	s2 =	stileid.u32  }
0x50: {  	s1 =	rddreg [dreg:$0x1];
	p0 =	sne.s32 s2, $0x0  }
0x51: {  	s3 =	rddreg [dreg:$0x2];
	[bflag:$0x3] =	sbarrier.arrive $0xFFFF;
	s2 =	simm.s32 @!p0 $0x1C01  }
0x52: {  	[timem:s3], [sflag:s2] =	dma.local @!p0 [hbm:s0], s1  }
0x53: {  	s0 =	simm.s32 @!p0 $0x1  }
0x54: {  	_ =	swait.ge @!p0 [sflag:s0], s1  }
0x55: {  	s1 =	ssub.s32 @!p0 $0x0, s1;
	[sflag:s0] =	ssyncset.done @!p0 $0x0  }
0x56: {  	[sflag:s0] =	ssyncadd.s32 @!p0 s1  }
0x57: {  	[bflag:$0x3] =	sbarrier.arrive $0xFFFF  }
0x58: {  	_ =	shalt  }

// kernel: gather_offload_async_start.5
scs
__scs_entry_jumppad:
0x0: {  	(pc) =	sbr.rel $0x88, $3  }
0x1: {  	(tag) =	ssettag $0x0;
	lr =	simm.s32 $0x1  }
0x2: {  	[smem:$0x3F8E] =	sst lr;
	_ =	strace $0xD0000000  }
0x3: {  	_ = 	snop  }
0x4: {  	_ = 	snop  }
0x5: {  	_ = 	snop  }
0x6: {  	_ = 	snop  }
0x7: {  	_ = 	snop  }
__scs_overlays_trampoline_lowered:
0x8: {  	[smem:$0x3F9D] =	sst s0  }
0x9: {  	[smem:$0x3F9E] =	sst s1  }
0xa: {  	[smem:$0x3F9F] =	sst s2  }
0xb: {  	[smem:$0x3FA0] =	sst s3  }
0xc: {  	[smem:$0x3FA1] =	sst s4  }
0xd: {  	[smem:$0x3FA2] =	sst s5  }
0xe: {  	[smem:$0x3FA3] =	sst s6  }
0xf: {  	[smem:$0x3FA4] =	sst s7  }
0x10: {  	[smem:$0x3FA5] =	sst s8  }
0x11: {  	[smem:$0x3FA6] =	sst s9;
	s0 =	simm.s32 @!p0 $0x0  }
0x12: {  	s1 =	sld [smem:$0x3F8C];
	s0 =	simm.s32 @p0 $0x1  }
0x13: {  	[smem:$0x3FA7] =	sst s0;
	s0 =	simm.s32 @!p1 $0x0  }
0x14: {  	s2 =	sld [smem:$0x3F8B];
	s0 =	simm.s32 @p1 $0x1  }
0x15: {  	[smem:$0x3FA8] =	sst s0;
	s0 =	simm.s32 @!p2 $0x0  }
0x16: {  	s3 =	sld [smem:$0x3FDB];
	s0 =	simm.s32 @p2 $0x1  }
0x17: {  	s4 =	simm.s32 $0x1BF5;
	[smem:$0x3FAA] =	sst s0  }
0x18: {  	s0 =	sld [smem:$0x3F8D];
	_ =	swait.ge [sflag:s4], $0x0  }
0x19: {  	s7 =	sld [smem:$0x3F8E]  }
0x1a: {  	s8 =	sadd.s32 $0xFFFFE003, lr  }
0x1b: {  	s9 =	sadd.s32 $0xFFFFFEF7, lr;
	s5 =	simm.s32 $0xFFFFFFFF;
	p2 =	slt.u32 s8, $0xFFFFF086  }
0x1c: {  	p1 =	slt.u32 s9, $0xF7A;
	s5 =	simm.s32 @!p2 $0x0  }
0x1d: {  	s5 =	simm.s32 @p1 $0x1;
	p0 =	seq.s32 s7, s2  }
0x1e: {  	s7 =	smul.u32 @!p0 $0xF7A, s2;
	p2 =	seq.s32 @!p0 s5, $0x0  }
0x1f: {  	s9 =	smul.u32 $0xF7A, s1;
	s8 =	simm.s32 @!p0 $0x1BF5;
	p2 =	por !p2, p0  }
0x20: {  	[sflag:s8] =	ssyncset.s32 @!p0 $0xFFFFF086;
	s6 =	sadd.s32 @!p0 s3, s7;
	s7 =	simm.s32 @!p0 $0x108  }
0x21: {  	s3 =	sadd.s32 s3, s9;
	s6 =	sadd.s32 @!p0 $0x88, s6;
	s7 =	simm.s32 @p2 $0x1082  }
0x22: {  	[simem:s7], [sflag:s8] =	dma.local @!p0 [hbm:s6], $0xF7A  }
0x23: {  	s9 =	sor.u32 $0xD0000000, s2;
	s6 =	simm.s32 $0x108;
	_ =	swait.ge @!p0 [sflag:s8], $0x0  }
0x24: {  	s3 =	sadd.s32 $0x88, s3;
	s6 =	simm.s32 @!p1 $0x1082;
	[sflag:s4] =	ssyncset.s32 $0xFFFFF086  }
0x25: {  	[simem:s6], [sflag:s4] =	dma.local [hbm:s3], $0xF7A  }
0x26: {  	[smem:$0x3F8E] =	sst s1;
	(tag) =	ssettag s2;
	_ =	strace s9  }
0x27: {  	s1 =	sld [smem:$0x3F9E]  }
0x28: {  	s2 =	sld [smem:$0x3F9F]  }
0x29: {  	s4 =	sld [smem:$0x3FA1]  }
0x2a: {  	p0 =	seq.s32 s5, $0x0;
	s5 =	sld [smem:$0x3FA2]  }
0x2b: {  	s6 =	sld [smem:$0x3FA3]  }
0x2c: {  	s7 =	sld [smem:$0x3FA4]  }
0x2d: {  	s3 =	simm.s32 $0x108;
	s8 =	sld [smem:$0x3FA5]  }
0x2e: {  	s3 =	simm.s32 @!p0 $0x1082;
	s9 =	sld [smem:$0x3FA6]  }
0x2f: {  	lr =	sadd.s32 s0, s3;
	s0 =	sld [smem:$0x3F9D]  }
0x30: {  	s3 =	sld [smem:$0x3FA0]  }
0x31: {  	[smem:$0x3FA9] =	sst s10  }
0x32: {  	s10 =	sld [smem:$0x3FA7];
	_ =	sdelay $0x3  }
0x33: {  	p0 =	seq.s32 s10, $0x1;
	s10 =	sld [smem:$0x3FA9];
	_ =	sdelay $0x3  }
0x34: {  	[smem:$0x3FA9] =	sst s10  }
0x35: {  	s10 =	sld [smem:$0x3FA8];
	_ =	sdelay $0x3  }
0x36: {  	p1 =	seq.s32 s10, $0x1;
	s10 =	sld [smem:$0x3FA9];
	_ =	sdelay $0x3  }
0x37: {  	[smem:$0x3FA9] =	sst s10  }
0x38: {  	s10 =	sld [smem:$0x3FAA]  }
0x39: {  	_ = 	snop;
	(pc) =	sbr.ind lr, $3  }
0x3a: {  	_ = 	snop  }
0x3b: {  	_ = 	snop  }
0x3c: {  	p2 =	seq.s32 s10, $0x1;
	s10 =	sld [smem:$0x3FA9]  }
0x3d: {  	_ =	shalt  }
0x3e: {  	_ =	shalt  }
0x3f: {  	_ =	shalt  }
0x40: {  	_ =	shalt  }
0x41: {  	_ =	shalt  }
0x42: {  	_ =	shalt  }
0x43: {  	_ =	shalt  }
0x44: {  	_ =	shalt  }
0x45: {  	_ =	shalt  }
0x46: {  	_ =	shalt  }
0x47: {  	_ =	shalt  }
0x48: {  	_ =	shalt  }
0x49: {  	_ =	shalt  }
0x4a: {  	_ =	shalt  }
0x4b: {  	_ =	shalt  }
0x4c: {  	_ =	shalt  }
0x4d: {  	_ =	shalt  }
0x4e: {  	_ =	shalt  }
0x4f: {  	_ =	shalt  }
0x50: {  	_ =	shalt  }
0x51: {  	_ =	shalt  }
0x52: {  	_ =	shalt  }
0x53: {  	_ =	shalt  }
0x54: {  	_ =	shalt  }
0x55: {  	_ =	shalt  }
0x56: {  	_ =	shalt  }
0x57: {  	_ =	shalt  }
0x58: {  	_ =	shalt  }
0x59: {  	_ =	shalt  }
0x5a: {  	_ =	shalt  }
0x5b: {  	_ =	shalt  }
0x5c: {  	_ =	shalt  }
0x5d: {  	_ =	shalt  }
0x5e: {  	_ =	shalt  }
0x5f: {  	_ =	shalt  }
0x60: {  	_ =	shalt  }
0x61: {  	_ =	shalt  }
0x62: {  	_ =	shalt  }
0x63: {  	_ =	shalt  }
0x64: {  	_ =	shalt  }
0x65: {  	_ =	shalt  }
0x66: {  	_ =	shalt  }
0x67: {  	_ =	shalt  }
0x68: {  	_ =	shalt  }
0x69: {  	_ =	shalt  }
0x6a: {  	_ =	shalt  }
0x6b: {  	_ =	shalt  }
0x6c: {  	_ =	shalt  }
0x6d: {  	_ =	shalt  }
0x6e: {  	_ =	shalt  }
0x6f: {  	_ =	shalt  }
0x70: {  	_ =	shalt  }
0x71: {  	_ =	shalt  }
0x72: {  	_ =	shalt  }
0x73: {  	_ =	shalt  }
0x74: {  	_ =	shalt  }
0x75: {  	_ =	shalt  }
0x76: {  	_ =	shalt  }
0x77: {  	_ =	shalt  }
0x78: {  	_ =	shalt  }
0x79: {  	_ =	shalt  }
0x7a: {  	_ =	shalt  }
0x7b: {  	_ =	shalt  }
0x7c: {  	_ =	shalt  }
0x7d: {  	_ =	shalt  }
0x7e: {  	_ =	shalt  }
0x7f: {  	_ =	shalt  }
0x80: {  	_ =	shalt  }
0x81: {  	_ =	shalt  }
0x82: {  	_ =	shalt  }
0x83: {  	_ =	shalt  }
0x84: {  	_ =	shalt  }
0x85: {  	_ =	shalt  }
0x86: {  	_ =	shalt  }
0x87: {  	_ =	shalt  }
.Lfunc_end0:
.L_simem_size_0:
called_computation.6_lowered:
.L_overlay_start_0:
0x88: {  	s0 =	sld [smem:$0x3FD9]  }
0x89: {  	s1 =	sld [smem:$0x3FFE];
	_ =	sdelay $0x3  }
0x8a: {  	s0 =	sadd.s32 s1, s0  }
0x8b: {  	[smem:$0x3FB5] =	sst s0  }
0x8c: {  	_ = 	snop  }
0x8d: {  	s0 =	sld [smem:$0x3FD0];
	_ =	sdelay $0x2  }
0x8e: {  	s13 =	simm.s32 $0xA;
	s2 =	simm.s32 $0x10  }
0x8f: {  	[smem:s2], [sflag:s13] =	dma.local [hbm:s0], $0x1  }
0x90: {  	_ =	swait.eq [sflag:s13], $0x1  }
0x91: {  	[sflag:s13] =	ssyncset.done $0x0  }
0x92: {  	[sflag:s13] =	ssyncadd.s32 $0xFFFFFFFF  }
0x93: {  	s14 =	sld [smem:$0x12];
	(tm) =	ssettm $0x1  }
0x94: {  	s15 =	sld [smem:$0x3FFB];
	_ =	sdelay $0x3  }
0x95: {  	_ =	strace s15  }
0x96: {  	s1 =	sld [smem:$0x3FFC];
	_ =	sdelay $0x3  }
0x97: {  	_ =	strace s1  }
0x98: {  	s1 =	sld [smem:$0x3FFD];
	_ =	sdelay $0x3  }
0x99: {  	_ =	strace s1  }
0x9a: {  	_ =	strace $0x8FFFFFFF  }
0x9b: {  	s16 =	sld [smem:$0x3FDB];
	_ =	sdelay $0x1  }
0x9c: {  	s17 =	simm.s32 $_scs_section_size  }
0x9d: {  	s3 =	simm.s32 $_size__tile_overlayer_lowered;
	s4 =	simm.s32 $_tile_overlayer_lowered  }
0x9e: {  	s20 =	simm.s32 $0x1BFF;
	s19 =	sshll.u32 s4, $0x1;
	s1 =	sadd.s32 s17, s16  }
0x9f: {  	s5 =	simm.s32 $0x0;
	s18 =	sshll.u32 s3, $0x1;
	s3 =	sadd.s32 s19, s1  }
0xa0: {  	[timem:s5], [sflag:s20] =	dma.local [hbm:s3], s18  }
0xa1: {  	_ =	swait.ge [sflag:s20], s18  }
0xa2: {  	s2 =	ssub.s32 $0x0, s18;
	[sflag:s20] =	ssyncset.done $0x0  }
0xa3: {  	[sflag:s20] =	ssyncadd.s32 s2;
	_ =	sdelay $0x1  }
0xa4: {  	s21 =	simm.s32 $0x1B8B  }
0xa5: {  	_ =	swait.ge [sflag:s21], $0x1  }
0xa6: {  	[sflag:s21] =	ssyncset.done $0x0  }
0xa7: {  	s23 =	simm.s32 $0x1B8E;
	s22 =	sld [smem:$0x3FFE];
	[sflag:s21] =	ssyncadd.s32 $0xFFFFFFFF  }
0xa8: {  	s24 =	simm.s32 $execute0_lowered;
	[smem:$0x3FD2] =	sst s23  }
0xa9: {  	s3 =	sshll.u32 s24, $0x1;
	_ =	strace $0x80000058;
	[dreg:$0x1] =	wrdreg $0xFFFFFFFF  }
0xaa: {  	s25 =	simm.s32 $_size_execute0_lowered;
	s1 =	sadd.s32 s1, s3;
	[dreg:$0x0] =	wrdreg $0x0  }
0xab: {  	s3 =	sshll.u32 s25, $0x1;
	[dreg:$0x2] =	wrdreg s1  }
0xac: {  	[dreg:$0x3] =	wrdreg s3  }
0xad: {  	[dreg:$0x4] =	wrdreg $0xC0  }
0xae: {  	_ =	task [dreg:s5], $0x5FFFF  }
0xaf: {  	[dreg:$0x1] =	wrdreg $0xFFFFFFFF  }
0xb0: {  	[dreg:$0x0] =	wrdreg $0x60  }
0xb1: {  	[dreg:$0x2] =	wrdreg s22  }
0xb2: {  	[dreg:$0x3] =	wrdreg s14  }
0xb3: {  	[dreg:$0x4] =	wrdreg $0x9  }
0xb4: {  	_ =	task.clear_ibuf [dreg:s5], $0x5FFFF;
	_ =	strace $0x90000058  }
0xb5: {  	s26 =	simm.s32 $0x9;
	_ =	strace $0x8000005A  }
0xb6: {  	_ =	swait.ge [sflag:s26], $0x1  }
0xb7: {  	[sflag:s26] =	ssyncadd.s32 $0xFFFFFFFF  }
0xb8: {  	_ =	strace $0x9000005A  }
0xb9: {  	_ =	sfence  }
0xba: {  	s28 =	sld [smem:$0x0];
	_ =	sdelay $0x1  }
0xbb: {  	s29 =	srdreg.scid  }
0xbc: {  	s30 =	sshll.u32 s29, $0xD;
	s31 =	sshrl.u32 s29, $0x2  }
0xbd: {  	s2 =	sand.u32 $0x4000, s30;
	s1 =	sand.u32 $0x1, s29;
	s0 =	sadd.s32 s31, s28  }
0xbe: {  	s1 =	sor.u32 s2, s1;
	s0 =	sshll.u32 s0, $0x11  }
0xbf: {  	s0 =	sor.u32 s0, s1  }
0xc0: {  	s0 =	sadd.s32 $0x8F2B, s0  }
0xc1: {  	[sflag:s0] =	ssyncadd.remote.s32 $0x1  }
0xc2: {  	_ =	sfence.sel $0xFFFF  }
0xc3: {  	[dreg:$0x0] =	wrdreg $0xFFFFFFFF;
	(pc) =	sbr.abs _section_cstart, $3  }
0xc4: {  	[dreg:$0x1] =	wrdreg $0xFFFFFFFF  }
0xc5: {  	_ =	task.clear_ibuf [dreg:s5], $0x2FFFF;
	_ =	strace $0x9FFFFFFF  }
0xc6: {  	(tm) =	ssettm $0x7FFFFFFF  }
0xc7: {  	_ =	shalt  }
tec
execute0_lowered:
.L_overlay_start_1:
0x0: {  	(tag) =	ssettag $0x1  }
0x1: {  	s0 =	stileid.u32  }
0x2: {  	s1 =	smin.u32 s0, $0x6  }
0x3: {  	s1 =	sadd.s32 s0, s1  }
0x4: {  	s2 =	simm.s32 $0xF0;
	p0 =	slt.u32 s0, $0x6;
	s1 =	smul.u32 $0x78, s1  }
0x5: {  	s2 =	simm.s32 @!p0 $0x78  }
0x6: {  	s2 =	sadd.s32 s2, s1  }
0x7: {  	s3 =	smin.u32 s2, $0xA50  }
0x8: {  	s7 =	ssub.s32 s3, s1  }
0x9: {  	p0 =	sgt.s32 s7, $0x0  }
0xa: {  	s7 =	simm.s32 @!p0 $0x0  }
0xb: {  	s9 =	rddreg [dreg:$0x0];
	s31 =	smul.u32 $0x8889, s7  }
0xc: {  	s4 =	rddreg [dreg:$0x1];
	s6 =	simm.s32 $0x1  }
0xd: {  	s11 =	simm.s32 $0x3;
	s13 =	simm.s32 $0x0;
	s8 =	sshrl.u32 s31, $0x16  }
0xe: {  	s12 =	simm.s32 $0x0;
	s5 =	sadd.s32 $0x566600, s9;
	s10 =	smul.u32 $0x78, s8  }
.Ltmp0:
0xf: {  	s9 =	sadd.s32 $0x1C77200, s9;
	s2 =	rddreg [dreg:$0x2];
	(pc) =	sbr.rel .LBB2_1-.Ltmp0, $4  }
0x10: {  	_ =	strace $0x80000059;
	p0 =	sne.s32 s7, s10;
	s10 =	simm.s32 $0x1  }
0x11: {  	[sflag:s6] =	ssyncpa.u1 $0x0;
	s7 =	simm.s32 $0x2;
	s10 =	simm.s32 @!p0 $0x0  }
0x12: {  	[sflag:s7] =	ssyncpa.u1 $0x0;
	p0 =	por $0x0, $0x0;
	s8 =	sadd.s32 s8, s10  }
0x13: {  	vm0 =	vmmov $0xff;
	vm1 =	vcmask $0x3F20;
	[sflag:s11] =	ssyncpa.u1 $0x0;
	s11 =	smov.u32 s1;
	s10 =	sadd.s32 $0x1, s8  }
.LBB2_6:
0x14: {  	[hbm:s17] =	stream.linear.scatter [tilespmem:s14], [sflag:$0x3], $0x400, $0x38;
	[tilespmem:$0x78F0] =	vst v63  }
.LBB2_7:
0x15: {  	s13 =	sadd.s32 $0x78, s11  }
0x16: {  	s15 =	smov.u32 s1;
	p2 =	slt.s32 s13, s3  }
0x17: {  	s15 =	smov.u32 @p2 s13;
	p2 =	sne.s32 s12, s10  }
.Ltmp1:
0x18: {  	p1 =	slt.u32 s12, $0x2;
	(pc) =	sbr.rel @!p2 .LBB2_8-.Ltmp1, $4  }
0x19: {  	s14 =	simm.s32 @!p1 $0x3  }
0x1a: {  	s16 =	sadd.s32 $0x1, s12;
	_ =	swait.ge @!p1 [sflag:s14], $0x3C00  }
0x1b: {  	p0 =	por !p0, !p0;
	s13 =	smov.u32 s11;
	[sflag:s14] =	ssyncset.done @!p1 $0x0  }
0x1c: {  	s12 =	smov.u32 s16;
	s11 =	smov.u32 s15;
	[sflag:s14] =	ssyncadd.s32 @!p1 $0xFFFFC400  }
.LBB2_1:
0x1d: {  	p1 =	sge.u32 s12, s8  }
0x1e: {  	s14 =	sxor.u32 @!p1 $0xFFFFFFFF, s12  }
0x1f: {  	s14 =	sand.u32 @!p1 $0x1, s14  }
0x20: {  	s14 =	smul.u32 @!p1 $0x1E0, s14  }
0x21: {  	s31 =	sadd.s32 $0xFFFFFFFF, s12;
	s15 =	sshrl.u32 @!p1 s11, $0x3  }
0x22: {  	s16 =	sand.u32 @!p1 $0x7, s11;
	s15 =	sadd.s32 @!p1 s4, s15;
	s14 =	sshrl.u32 @!p1 s14, $0x2  }
0x23: {  	[tilespmem:s14], [sflag:$0x2] =	stream.linear.gather @!p1 [hbm4b:s15+s16], $0x78, $0x38;
	[tilespmem:$0x78F0] =	vst v63  }
0x24: {  	p1 =	sge.u32 s31, s8  }
.Ltmp2:
0x25: {  	_ = 	snop;
	(pc) =	sbr.rel @p1 .LBB2_7-.Ltmp2, $1  }
0x26: {  	_ =	sdelay $0x3  }
0x27: {  	s14 =	simm.s32 $0x1  }
0x28: {  	s14 =	simm.s32 @!p0 $0x0  }
0x29: {  	s15 =	smul.u32 $0x1E0, s14  }
0x2a: {  	_ =	swait.ge [sflag:s7], $0x78  }
0x2b: {  	[sflag:s7] =	ssyncset.done $0x0;
	s16 =	sshrl.u32 s15, $0x2  }
0x2c: {  	[sflag:s7] =	ssyncadd.s32 $0xFFFFFF88;
	s15 =	sadd.s32 $0x0, s16  }
0x2d: {  	v0 =	vld.msk [tilespmem:s15+$0x0 ss:$0x1], $0xffff;
	_ =	sdelay $0x4  }
0x2e: {  	vm2 =	vgt.s32 v0, $0x0  }
0x2f: {  	v0 =	vnsel vm2, $0x0, v0  }
0x30: {  	v0 =	vmin.u32 v0, $0x77FF  }
0x31: {  	v0 =	vshll.u32 v0, $0x4  }
0x32: {  	s14 =	smul.u32 $0xF000, s14  }
0x33: {  	s31 =	sand.u32 $0x1, s12  }
0x34: {  	s17 =	smul.u32 $0x1E0, s31;
	s14 =	sshrl.u32 s14, $0x2  }
0x35: {  	s19 =	smul.u32 $0xF000, s31;
	s14 =	sor.u32 $0xF0, s14  }
0x36: {  	[tilespmem:s14], [sflag:$0x1] =	stream.indirect_vreg.gather [hbm:s5], $0x80, v0, vm0, $0x38;
	[tilespmem:$0x78F0] =	vst v63  }
0x37: {  	s18 =	sshrl.u32 s17, $0x2;
	s20 =	sadd.s32 $0x10, s16;
	s15 =	sadd.s32 $0x400, s14  }
0x38: {  	[tilespmem:s15], [sflag:$0x1] =	stream.indirect_vreg.gather [hbm:s5], $0x80, v0, vm1, $0x38;
	[tilespmem:$0x78F0] =	vst v63  }
0x39: {  	s17 =	sshrl.u32 s19, $0x2;
	s19 =	smov.u32 s14;
	v0 =	vld.msk [tilespmem:s20+$0x0 ss:$0x1], $0xffff;
	s20 =	simm.s32 $0x80  }
.LBB2_3:
0x3a: {  	p1 =	sne.s32 s20, $0x180;
	_ =	sdelay $0x4  }
0x3b: {  	vm2 =	vgt.s32 v0, $0x0  }
0x3c: {  	v0 =	vnsel vm2, $0x0, v0  }
0x3d: {  	v0 =	vmin.u32 v0, $0x77FF  }
0x3e: {  	v0 =	vshll.u32 v0, $0x4;
	_ =	sdelay $0x3  }
.Ltmp3:
0x3f: {  	s21 =	sshra.s32 s20, $0x2;
	s19 =	sadd.s32 $0x800, s19;
	(pc) =	sbr.rel @p1 .LBB2_3-.Ltmp3, $4  }
0x40: {  	[tilespmem:s19], [sflag:$0x1] =	stream.indirect_vreg.gather [hbm:s5], $0x80, v0, vm0, $0x38;
	[tilespmem:$0x78F0] =	vst v63  }
0x41: {  	s21 =	sadd.s32 s21, s16;
	s22 =	sadd.s32 $0x400, s19  }
0x42: {  	[tilespmem:s22], [sflag:$0x1] =	stream.indirect_vreg.gather [hbm:s5], $0x80, v0, vm1, $0x38;
	[tilespmem:$0x78F0] =	vst v63  }
0x43: {  	s20 =	sadd.s32 $0x40, s20;
	v0 =	vld.msk [tilespmem:s21+$0x0 ss:$0x1], $0xffff  }
0x44: {  	_ =	sdelay $0x3  }
0x45: {  	vm2 =	vgt.s32 v0, $0x0  }
0x46: {  	v0 =	vnsel vm2, $0x0, v0  }
0x47: {  	v0 =	vmin.u32 v0, $0x77FF  }
0x48: {  	v0 =	vshll.u32 v0, $0x4;
	_ =	sdelay $0x3  }
0x49: {  	s16 =	sadd.s32 $0x800, s19  }
0x4a: {  	[tilespmem:s16], [sflag:$0x1] =	stream.indirect_vreg.gather [hbm:s5], $0x80, v0, vm0, $0x38;
	[tilespmem:$0x78F0] =	vst v63  }
0x4b: {  	s16 =	sadd.s32 $0x400, s16  }
0x4c: {  	[tilespmem:s16], [sflag:$0x1] =	stream.indirect_vreg.gather [hbm:s5], $0x80, v0, vm1, $0x38;
	[tilespmem:$0x78F0] =	vst v63  }
0x4d: {  	v0 =	vld.msk [tilespmem:s18+$0x70 ss:$0x1], $0xff;
	_ =	sdelay $0x4  }
0x4e: {  	vm2 =	vgt.s32 v0, $0x0  }
0x4f: {  	v0 =	vnsel vm2, $0x0, v0  }
0x50: {  	v0 =	vmin.u32 v0, $0x77FF  }
0x51: {  	v0 =	vshll.u32 v0, $0x4;
	_ =	sdelay $0x3  }
0x52: {  	s31 =	sadd.s32 $0x38F0, s17  }
0x53: {  	[tilespmem:s31], [sflag:$0x1] =	stream.indirect_vreg.gather [hbm:s5], $0x80, v0, vm0, $0x38;
	[tilespmem:$0x78F0] =	vst v63  }
0x54: {  	s13 =	sshll.u32 s13, $0x4;
	_ =	swait.ge [sflag:s6], $0x3C00  }
0x55: {  	s13 =	sadd.s32 s13, s9;
	[sflag:s6] =	ssyncset.done $0x0  }
0x56: {  	s17 =	sadd.s32 $0x0, s13;
	s16 =	simm.s32 $0x80;
	[sflag:s6] =	ssyncadd.s32 $0xFFFFC400  }
.LBB2_5:
0x57: {  	[hbm:s17] =	stream.linear.scatter [tilespmem:s14], [sflag:$0x3], $0x400, $0x38;
	[tilespmem:$0x78F0] =	vst v63  }
0x58: {  	s17 =	smov.u32 s16;
	s14 =	smov.u32 s15;
	p1 =	sne.s32 s16, $0x700  }
.Ltmp4:
0x59: {  	s16 =	sadd.s32 $0x80, s16;
	(pc) =	sbr.rel @p1 .LBB2_5-.Ltmp4, $2  }
0x5a: {  	_ =	sdelay $0x2  }
0x5b: {  	s15 =	sadd.s32 $0x400, s15;
	s17 =	sadd.s32 s17, s13  }
.Ltmp5:
0x5c: {  	_ = 	snop;
	(pc) =	sbr.rel .LBB2_6-.Ltmp5, $1  }
0x5d: {  	_ =	sdelay $0x3  }
.LBB2_8:
0x5e: {  	_ =	sfence.sel $0x180000  }
0x5f: {  	s1 =	simm.s32 $0x2;
	[bflag:$0x0] =	sbarrier.arrive $0xFFFF  }
0x60: {  	s30 =	simm.s32 $0x3;
	[sflag:s1] =	ssyncpa.u1 $0x1  }
0x61: {  	s31 =	simm.s32 $0x1;
	[sflag:s30] =	ssyncpa.u1 $0x1  }
0x62: {  	[sflag:s31] =	ssyncpa.u1 $0x1  }
0x63: {  	p0 =	sne.s32 s0, $0x0;
	_ =	strace $0x90000059  }
0x64: {  	s0 =	sadd.s32 @!p0 $0x100000, s2;
	[bflag:$0x2] =	sbarrier.arrive $0xFFFF  }
0x65: {  	[sflag:s0] =	ssyncadd.tile.s32 @!p0 $0x1;
	_ =	shalt  }
.Lfunc_end2:
_tile_overlayer_lowered:
.L_overlay_start_2:
0x66: {  	(tag) =	ssettag $0x2  }
0x67: {  	s0 =	rddreg [dreg:$0x0];
	s2 =	stileid.u32  }
0x68: {  	s1 =	rddreg [dreg:$0x1];
	p0 =	sne.s32 s2, $0x0  }
0x69: {  	s3 =	rddreg [dreg:$0x2];
	[bflag:$0x3] =	sbarrier.arrive $0xFFFF;
	s2 =	simm.s32 @!p0 $0x1C01  }
0x6a: {  	[timem:s3], [sflag:s2] =	dma.local @!p0 [hbm:s0], s1  }
0x6b: {  	s0 =	simm.s32 @!p0 $0x1  }
0x6c: {  	_ =	swait.ge @!p0 [sflag:s0], s1  }
0x6d: {  	s1 =	ssub.s32 @!p0 $0x0, s1;
	[sflag:s0] =	ssyncset.done @!p0 $0x0  }
0x6e: {  	[sflag:s0] =	ssyncadd.s32 @!p0 s1  }
0x6f: {  	[bflag:$0x3] =	sbarrier.arrive $0xFFFF  }
0x70: {  	_ =	shalt  }

// kernel: gather_offload_async_start.6
scs
__scs_entry_jumppad:
0x0: {  	(pc) =	sbr.rel $0x88, $3  }
0x1: {  	(tag) =	ssettag $0x0;
	lr =	simm.s32 $0x1  }
0x2: {  	[smem:$0x3F8E] =	sst lr;
	_ =	strace $0xD0000000  }
0x3: {  	_ = 	snop  }
0x4: {  	_ = 	snop  }
0x5: {  	_ = 	snop  }
0x6: {  	_ = 	snop  }
0x7: {  	_ = 	snop  }
__scs_overlays_trampoline_lowered:
0x8: {  	[smem:$0x3F9D] =	sst s0  }
0x9: {  	[smem:$0x3F9E] =	sst s1  }
0xa: {  	[smem:$0x3F9F] =	sst s2  }
0xb: {  	[smem:$0x3FA0] =	sst s3  }
0xc: {  	[smem:$0x3FA1] =	sst s4  }
0xd: {  	[smem:$0x3FA2] =	sst s5  }
0xe: {  	[smem:$0x3FA3] =	sst s6  }
0xf: {  	[smem:$0x3FA4] =	sst s7  }
0x10: {  	[smem:$0x3FA5] =	sst s8  }
0x11: {  	[smem:$0x3FA6] =	sst s9;
	s0 =	simm.s32 @!p0 $0x0  }
0x12: {  	s1 =	sld [smem:$0x3F8C];
	s0 =	simm.s32 @p0 $0x1  }
0x13: {  	[smem:$0x3FA7] =	sst s0;
	s0 =	simm.s32 @!p1 $0x0  }
0x14: {  	s2 =	sld [smem:$0x3F8B];
	s0 =	simm.s32 @p1 $0x1  }
0x15: {  	[smem:$0x3FA8] =	sst s0;
	s0 =	simm.s32 @!p2 $0x0  }
0x16: {  	s3 =	sld [smem:$0x3FDB];
	s0 =	simm.s32 @p2 $0x1  }
0x17: {  	s4 =	simm.s32 $0x1BF5;
	[smem:$0x3FAA] =	sst s0  }
0x18: {  	s0 =	sld [smem:$0x3F8D];
	_ =	swait.ge [sflag:s4], $0x0  }
0x19: {  	s7 =	sld [smem:$0x3F8E]  }
0x1a: {  	s8 =	sadd.s32 $0xFFFFE003, lr  }
0x1b: {  	s9 =	sadd.s32 $0xFFFFFEF7, lr;
	s5 =	simm.s32 $0xFFFFFFFF;
	p2 =	slt.u32 s8, $0xFFFFF086  }
0x1c: {  	p1 =	slt.u32 s9, $0xF7A;
	s5 =	simm.s32 @!p2 $0x0  }
0x1d: {  	s5 =	simm.s32 @p1 $0x1;
	p0 =	seq.s32 s7, s2  }
0x1e: {  	s7 =	smul.u32 @!p0 $0xF7A, s2;
	p2 =	seq.s32 @!p0 s5, $0x0  }
0x1f: {  	s9 =	smul.u32 $0xF7A, s1;
	s8 =	simm.s32 @!p0 $0x1BF5;
	p2 =	por !p2, p0  }
0x20: {  	[sflag:s8] =	ssyncset.s32 @!p0 $0xFFFFF086;
	s6 =	sadd.s32 @!p0 s3, s7;
	s7 =	simm.s32 @!p0 $0x108  }
0x21: {  	s3 =	sadd.s32 s3, s9;
	s6 =	sadd.s32 @!p0 $0x88, s6;
	s7 =	simm.s32 @p2 $0x1082  }
0x22: {  	[simem:s7], [sflag:s8] =	dma.local @!p0 [hbm:s6], $0xF7A  }
0x23: {  	s9 =	sor.u32 $0xD0000000, s2;
	s6 =	simm.s32 $0x108;
	_ =	swait.ge @!p0 [sflag:s8], $0x0  }
0x24: {  	s3 =	sadd.s32 $0x88, s3;
	s6 =	simm.s32 @!p1 $0x1082;
	[sflag:s4] =	ssyncset.s32 $0xFFFFF086  }
0x25: {  	[simem:s6], [sflag:s4] =	dma.local [hbm:s3], $0xF7A  }
0x26: {  	[smem:$0x3F8E] =	sst s1;
	(tag) =	ssettag s2;
	_ =	strace s9  }
0x27: {  	s1 =	sld [smem:$0x3F9E]  }
0x28: {  	s2 =	sld [smem:$0x3F9F]  }
0x29: {  	s4 =	sld [smem:$0x3FA1]  }
0x2a: {  	p0 =	seq.s32 s5, $0x0;
	s5 =	sld [smem:$0x3FA2]  }
0x2b: {  	s6 =	sld [smem:$0x3FA3]  }
0x2c: {  	s7 =	sld [smem:$0x3FA4]  }
0x2d: {  	s3 =	simm.s32 $0x108;
	s8 =	sld [smem:$0x3FA5]  }
0x2e: {  	s3 =	simm.s32 @!p0 $0x1082;
	s9 =	sld [smem:$0x3FA6]  }
0x2f: {  	lr =	sadd.s32 s0, s3;
	s0 =	sld [smem:$0x3F9D]  }
0x30: {  	s3 =	sld [smem:$0x3FA0]  }
0x31: {  	[smem:$0x3FA9] =	sst s10  }
0x32: {  	s10 =	sld [smem:$0x3FA7];
	_ =	sdelay $0x3  }
0x33: {  	p0 =	seq.s32 s10, $0x1;
	s10 =	sld [smem:$0x3FA9];
	_ =	sdelay $0x3  }
0x34: {  	[smem:$0x3FA9] =	sst s10  }
0x35: {  	s10 =	sld [smem:$0x3FA8];
	_ =	sdelay $0x3  }
0x36: {  	p1 =	seq.s32 s10, $0x1;
	s10 =	sld [smem:$0x3FA9];
	_ =	sdelay $0x3  }
0x37: {  	[smem:$0x3FA9] =	sst s10  }
0x38: {  	s10 =	sld [smem:$0x3FAA]  }
0x39: {  	_ = 	snop;
	(pc) =	sbr.ind lr, $3  }
0x3a: {  	_ = 	snop  }
0x3b: {  	_ = 	snop  }
0x3c: {  	p2 =	seq.s32 s10, $0x1;
	s10 =	sld [smem:$0x3FA9]  }
0x3d: {  	_ =	shalt  }
0x3e: {  	_ =	shalt  }
0x3f: {  	_ =	shalt  }
0x40: {  	_ =	shalt  }
0x41: {  	_ =	shalt  }
0x42: {  	_ =	shalt  }
0x43: {  	_ =	shalt  }
0x44: {  	_ =	shalt  }
0x45: {  	_ =	shalt  }
0x46: {  	_ =	shalt  }
0x47: {  	_ =	shalt  }
0x48: {  	_ =	shalt  }
0x49: {  	_ =	shalt  }
0x4a: {  	_ =	shalt  }
0x4b: {  	_ =	shalt  }
0x4c: {  	_ =	shalt  }
0x4d: {  	_ =	shalt  }
0x4e: {  	_ =	shalt  }
0x4f: {  	_ =	shalt  }
0x50: {  	_ =	shalt  }
0x51: {  	_ =	shalt  }
0x52: {  	_ =	shalt  }
0x53: {  	_ =	shalt  }
0x54: {  	_ =	shalt  }
0x55: {  	_ =	shalt  }
0x56: {  	_ =	shalt  }
0x57: {  	_ =	shalt  }
0x58: {  	_ =	shalt  }
0x59: {  	_ =	shalt  }
0x5a: {  	_ =	shalt  }
0x5b: {  	_ =	shalt  }
0x5c: {  	_ =	shalt  }
0x5d: {  	_ =	shalt  }
0x5e: {  	_ =	shalt  }
0x5f: {  	_ =	shalt  }
0x60: {  	_ =	shalt  }
0x61: {  	_ =	shalt  }
0x62: {  	_ =	shalt  }
0x63: {  	_ =	shalt  }
0x64: {  	_ =	shalt  }
0x65: {  	_ =	shalt  }
0x66: {  	_ =	shalt  }
0x67: {  	_ =	shalt  }
0x68: {  	_ =	shalt  }
0x69: {  	_ =	shalt  }
0x6a: {  	_ =	shalt  }
0x6b: {  	_ =	shalt  }
0x6c: {  	_ =	shalt  }
0x6d: {  	_ =	shalt  }
0x6e: {  	_ =	shalt  }
0x6f: {  	_ =	shalt  }
0x70: {  	_ =	shalt  }
0x71: {  	_ =	shalt  }
0x72: {  	_ =	shalt  }
0x73: {  	_ =	shalt  }
0x74: {  	_ =	shalt  }
0x75: {  	_ =	shalt  }
0x76: {  	_ =	shalt  }
0x77: {  	_ =	shalt  }
0x78: {  	_ =	shalt  }
0x79: {  	_ =	shalt  }
0x7a: {  	_ =	shalt  }
0x7b: {  	_ =	shalt  }
0x7c: {  	_ =	shalt  }
0x7d: {  	_ =	shalt  }
0x7e: {  	_ =	shalt  }
0x7f: {  	_ =	shalt  }
0x80: {  	_ =	shalt  }
0x81: {  	_ =	shalt  }
0x82: {  	_ =	shalt  }
0x83: {  	_ =	shalt  }
0x84: {  	_ =	shalt  }
0x85: {  	_ =	shalt  }
0x86: {  	_ =	shalt  }
0x87: {  	_ =	shalt  }
.Lfunc_end0:
.L_simem_size_0:
called_computation.7_lowered:
.L_overlay_start_0:
0x88: {  	s2 =	sld [smem:$0x3FD9]  }
0x89: {  	s3 =	sld [smem:$0x3FFE];
	_ =	sdelay $0x1  }
0x8a: {  	s1 =	srdreg.scid  }
0x8b: {  	s0 =	sand.u32 $0x1, s1  }
0x8c: {  	s16 =	sshll.u32 s0, $0xA;
	s2 =	sadd.s32 s3, s2  }
0x8d: {  	s2 =	sadd.s32 s2, s16  }
0x8e: {  	[smem:$0x3FB5] =	sst s2  }
0x8f: {  	_ = 	snop  }
0x90: {  	(tm) =	ssettm $0x1  }
0x91: {  	s17 =	sld [smem:$0x3FFB];
	_ =	sdelay $0x3  }
0x92: {  	_ =	strace s17  }
0x93: {  	s2 =	sld [smem:$0x3FFC];
	_ =	sdelay $0x3  }
0x94: {  	_ =	strace s2  }
0x95: {  	s2 =	sld [smem:$0x3FFD];
	_ =	sdelay $0x3  }
0x96: {  	_ =	strace s2  }
0x97: {  	_ =	strace $0x8FFFFFFF  }
0x98: {  	s18 =	sld [smem:$0x3FDB];
	_ =	sdelay $0x1  }
0x99: {  	s19 =	simm.s32 $_scs_section_size  }
0x9a: {  	s4 =	simm.s32 $_size__tile_overlayer_lowered;
	s5 =	simm.s32 $_tile_overlayer_lowered  }
0x9b: {  	s22 =	simm.s32 $0x1BFF;
	s21 =	sshll.u32 s5, $0x1;
	s2 =	sadd.s32 s19, s18  }
0x9c: {  	s6 =	simm.s32 $0x0;
	s20 =	sshll.u32 s4, $0x1;
	s4 =	sadd.s32 s21, s2  }
0x9d: {  	[timem:s6], [sflag:s22] =	dma.local [hbm:s4], s20  }
0x9e: {  	_ =	swait.ge [sflag:s22], s20  }
0x9f: {  	s3 =	ssub.s32 $0x0, s20;
	[sflag:s22] =	ssyncset.done $0x0  }
0xa0: {  	[sflag:s22] =	ssyncadd.s32 s3;
	_ =	sdelay $0x1  }
0xa1: {  	s23 =	simm.s32 $0x1B8B  }
0xa2: {  	_ =	swait.ge [sflag:s23], $0x1  }
0xa3: {  	[sflag:s23] =	ssyncset.done $0x0  }
0xa4: {  	s25 =	simm.s32 $0x1B8E;
	s24 =	sld [smem:$0x3FFE];
	[sflag:s23] =	ssyncadd.s32 $0xFFFFFFFF  }
0xa5: {  	s26 =	simm.s32 $execute0_lowered;
	[smem:$0x3FD2] =	sst s25  }
0xa6: {  	s4 =	sshll.u32 s26, $0x1;
	_ =	strace $0x80000064;
	[dreg:$0x1] =	wrdreg $0xFFFFFFFF  }
0xa7: {  	s28 =	simm.s32 $_size_execute0_lowered;
	s2 =	sadd.s32 s2, s4;
	[dreg:$0x0] =	wrdreg $0x0  }
0xa8: {  	s4 =	sshll.u32 s28, $0x1;
	[dreg:$0x2] =	wrdreg s2  }
0xa9: {  	[dreg:$0x3] =	wrdreg s4  }
0xaa: {  	[dreg:$0x4] =	wrdreg $0xC0  }
0xab: {  	_ =	task [dreg:s6], $0x5FFFF  }
0xac: {  	[dreg:$0x1] =	wrdreg $0xFFFFFFFF  }
0xad: {  	[dreg:$0x0] =	wrdreg $0x60  }
0xae: {  	[dreg:$0x2] =	wrdreg s24  }
0xaf: {  	[dreg:$0x3] =	wrdreg $0x9  }
0xb0: {  	_ =	task.clear_ibuf [dreg:s6], $0x4FFFF;
	_ =	strace $0x90000064  }
0xb1: {  	s29 =	simm.s32 $0x9;
	_ =	strace $0x80000066  }
0xb2: {  	_ =	swait.ge [sflag:s29], $0x1  }
0xb3: {  	[sflag:s29] =	ssyncadd.s32 $0xFFFFFFFF  }
0xb4: {  	_ =	strace $0x90000066  }
0xb5: {  	_ =	sfence  }
0xb6: {  	s30 =	sld [smem:$0x0];
	_ =	sdelay $0x2  }
0xb7: {  	s31 =	sshll.u32 s1, $0xD;
	s1 =	sshrl.u32 s1, $0x2  }
0xb8: {  	s3 =	sand.u32 $0x4000, s31;
	s1 =	sadd.s32 s1, s30  }
0xb9: {  	s0 =	sor.u32 s3, s0;
	s1 =	sshll.u32 s1, $0x11  }
0xba: {  	s0 =	sor.u32 s1, s0  }
0xbb: {  	s0 =	sadd.s32 $0x8F2B, s0  }
0xbc: {  	[sflag:s0] =	ssyncadd.remote.s32 $0x1  }
0xbd: {  	_ =	sfence.sel $0xFFFF  }
0xbe: {  	[dreg:$0x0] =	wrdreg $0xFFFFFFFF;
	(pc) =	sbr.abs _section_cstart, $3  }
0xbf: {  	[dreg:$0x1] =	wrdreg $0xFFFFFFFF  }
0xc0: {  	_ =	task.clear_ibuf [dreg:s6], $0x2FFFF;
	_ =	strace $0x9FFFFFFF  }
0xc1: {  	(tm) =	ssettm $0x7FFFFFFF  }
tec
execute0_lowered:
.L_overlay_start_1:
0x0: {  	(tag) =	ssettag $0x1  }
0x1: {  	s7 =	rddreg [dreg:$0x0]  }
0x2: {  	s1 =	srdreg.scid;
	s0 =	rddreg [dreg:$0x1]  }
0x3: {  	_ =	strace $0x80000065;
	s3 =	simm.s32 $0x1;
	s5 =	simm.s32 $0x2  }
0x4: {  	s9 =	simm.s32 $0x3;
	s12 =	simm.s32 $0x0;
	s2 =	sshll.u32 s1, $0x4  }
.Ltmp0:
0x5: {  	s1 =	stileid.u32;
	s4 =	sand.u32 $0x10, s2;
	(pc) =	sbr.rel .LBB2_1-.Ltmp0, $4  }
0x6: {  	s10 =	simm.s32 $0x0;
	[sflag:s3] =	ssyncpa.u1 $0x0;
	s4 =	sor.u32 s1, s4  }
0x7: {  	s6 =	sadd.s32 $0x565C00, s7;
	[sflag:s5] =	ssyncpa.u1 $0x0;
	s4 =	smul.u32 $0x60, s4  }
0x8: {  	s2 =	sadd.s32 $0x1CA6A00, s7;
	s7 =	sadd.s32 $0x1C77200, s7;
	[sflag:s9] =	ssyncpa.u1 $0x0  }
0x9: {  	vm0 =	vmmov $0xff;
	vm1 =	vcmask $0x3F20;
	s9 =	simm.s32 $0x60;
	s8 =	sadd.s32 $0x60, s4;
	s11 =	smov.u32 s4  }
.LBB2_10:
0xa: {  	s12 =	sshrl.u32 s11, $0x3  }
0xb: {  	s13 =	sand.u32 $0x7, s11;
	s12 =	sadd.s32 s6, s12  }
0xc: {  	[tilespmem:s9], [sflag:$0x2] =	stream.linear.gather [hbm4b:s12+s13], $0x60, $0x38;
	[tilespmem:$0x60C0] =	vst v63  }
.LBB2_8:
0xd: {  	s12 =	sadd.s32 $0x60, s11  }
0xe: {  	s13 =	smov.u32 s4;
	p0 =	slt.s32 s12, s8  }
0xf: {  	s13 =	smov.u32 @p0 s12  }
0x10: {  	s10 =	sadd.s32 $0x1, s10;
	s12 =	smov.u32 s11;
	s11 =	smov.u32 s13  }
.LBB2_1:
0x11: {  	p0 =	seq.s32 s10, $0x0  }
.Ltmp1:
0x12: {  	_ = 	snop;
	(pc) =	sbr.rel @p0 .LBB2_10-.Ltmp1, $1  }
0x13: {  	_ =	sdelay $0x3  }
0x14: {  	p0 =	seq.s32 s10, $0x1  }
.Ltmp2:
0x15: {  	_ = 	snop;
	(pc) =	sbr.rel @!p0 .LBB2_9-.Ltmp2, $1  }
0x16: {  	_ =	sdelay $0x3  }
0x17: {  	_ =	swait.ge [sflag:s5], $0x60  }
0x18: {  	[sflag:s5] =	ssyncset.done $0x0  }
0x19: {  	s13 =	simm.s32 $0x0;
	[sflag:s5] =	ssyncadd.s32 $0xFFFFFFA0  }
0x1a: {  	v0 =	vld.msk [tilespmem:s13+$0x60 ss:$0x1], $0xffff;
	_ =	sdelay $0x4  }
0x1b: {  	vm2 =	vgt.s32 v0, $0x0  }
0x1c: {  	v0 =	vnsel vm2, $0x0, v0  }
0x1d: {  	v0 =	vmin.u32 v0, $0x11FF  }
0x1e: {  	v0 =	vshll.u32 v0, $0x4;
	_ =	sdelay $0x3  }
0x1f: {  	s13 =	simm.s32 $0x30C0  }
0x20: {  	[tilespmem:s13], [sflag:$0x1] =	stream.indirect_vreg.gather [hbm:s2], $0x80, v0, vm0, $0x38;
	[tilespmem:$0x60C0] =	vst v63  }
0x21: {  	s14 =	simm.s32 $0x34C0;
	s31 =	simm.s32 $0x10  }
0x22: {  	[tilespmem:s14], [sflag:$0x1] =	stream.indirect_vreg.gather [hbm:s2], $0x80, v0, vm1, $0x38;
	[tilespmem:$0x60C0] =	vst v63  }
0x23: {  	s14 =	simm.s32 $0x80;
	v0 =	vld.msk [tilespmem:s31+$0x60 ss:$0x1], $0xffff  }
.LBB2_4:
0x24: {  	p0 =	sne.s32 s14, $0x140;
	_ =	sdelay $0x4  }
0x25: {  	vm2 =	vgt.s32 v0, $0x0  }
0x26: {  	v0 =	vnsel vm2, $0x0, v0  }
0x27: {  	v0 =	vmin.u32 v0, $0x11FF  }
0x28: {  	v0 =	vshll.u32 v0, $0x4;
	_ =	sdelay $0x3  }
.Ltmp3:
0x29: {  	s13 =	sadd.s32 $0x800, s13;
	(pc) =	sbr.rel @p0 .LBB2_4-.Ltmp3, $4  }
0x2a: {  	[tilespmem:s13], [sflag:$0x1] =	stream.indirect_vreg.gather [hbm:s2], $0x80, v0, vm0, $0x38;
	[tilespmem:$0x60C0] =	vst v63  }
0x2b: {  	s15 =	sshra.s32 s14, $0x2;
	s16 =	sadd.s32 $0x400, s13  }
0x2c: {  	[tilespmem:s16], [sflag:$0x1] =	stream.indirect_vreg.gather [hbm:s2], $0x80, v0, vm1, $0x38;
	[tilespmem:$0x60C0] =	vst v63  }
0x2d: {  	s14 =	sadd.s32 $0x40, s14;
	v0 =	vld.msk [tilespmem:s15+$0x60 ss:$0x1], $0xffff  }
0x2e: {  	_ =	sdelay $0x3  }
0x2f: {  	vm2 =	vgt.s32 v0, $0x0  }
0x30: {  	v0 =	vnsel vm2, $0x0, v0  }
0x31: {  	v0 =	vmin.u32 v0, $0x11FF  }
0x32: {  	v0 =	vshll.u32 v0, $0x4;
	_ =	sdelay $0x3  }
0x33: {  	s13 =	sadd.s32 $0x800, s13  }
0x34: {  	[tilespmem:s13], [sflag:$0x1] =	stream.indirect_vreg.gather [hbm:s2], $0x80, v0, vm0, $0x38;
	[tilespmem:$0x60C0] =	vst v63  }
0x35: {  	s13 =	sadd.s32 $0x400, s13  }
0x36: {  	[tilespmem:s13], [sflag:$0x1] =	stream.indirect_vreg.gather [hbm:s2], $0x80, v0, vm1, $0x38;
	[tilespmem:$0x60C0] =	vst v63  }
0x37: {  	s12 =	sshll.u32 s12, $0x4;
	s14 =	simm.s32 $0x80;
	_ =	swait.ge [sflag:s3], $0x3000  }
0x38: {  	s15 =	simm.s32 $0x34C0;
	s12 =	sadd.s32 s12, s7;
	[sflag:s3] =	ssyncset.done $0x0  }
0x39: {  	s16 =	sadd.s32 $0x0, s12;
	s13 =	simm.s32 $0x30C0;
	[sflag:s3] =	ssyncadd.s32 $0xFFFFD000  }
.LBB2_6:
0x3a: {  	[hbm:s16] =	stream.linear.scatter [tilespmem:s13], [sflag:$0x3], $0x400, $0x38;
	[tilespmem:$0x60C0] =	vst v63  }
0x3b: {  	s16 =	smov.u32 s14;
	s13 =	smov.u32 s15;
	p0 =	seq.s32 s14, $0x580  }
.Ltmp4:
0x3c: {  	s14 =	sadd.s32 $0x80, s14;
	(pc) =	sbr.rel @!p0 .LBB2_6-.Ltmp4, $2  }
0x3d: {  	_ =	sdelay $0x2  }
0x3e: {  	s15 =	sadd.s32 $0x400, s15;
	s16 =	sadd.s32 s16, s12  }
.Ltmp5:
0x3f: {  	(pc) =	sbr.rel .LBB2_8-.Ltmp5, $2  }
0x40: {  	_ =	sdelay $0x2  }
0x41: {  	[hbm:s16] =	stream.linear.scatter [tilespmem:s13], [sflag:$0x3], $0x400, $0x38;
	[tilespmem:$0x60C0] =	vst v63  }
.LBB2_9:
0x42: {  	s2 =	simm.s32 $0x3  }
0x43: {  	_ =	swait.ge [sflag:s2], $0x3000  }
0x44: {  	[sflag:s2] =	ssyncset.done $0x0  }
0x45: {  	[sflag:s2] =	ssyncadd.s32 $0xFFFFD000  }
0x46: {  	_ =	sfence.sel $0x180000  }
0x47: {  	s3 =	simm.s32 $0x2;
	[bflag:$0x0] =	sbarrier.arrive $0xFFFF  }
0x48: {  	[sflag:s3] =	ssyncpa.u1 $0x1  }
0x49: {  	s31 =	simm.s32 $0x1;
	[sflag:s2] =	ssyncpa.u1 $0x1  }
0x4a: {  	[sflag:s31] =	ssyncpa.u1 $0x1  }
0x4b: {  	p0 =	sne.s32 s1, $0x0;
	_ =	strace $0x90000065  }
0x4c: {  	s0 =	sadd.s32 @!p0 $0x100000, s0;
	[bflag:$0x2] =	sbarrier.arrive $0xFFFF  }
0x4d: {  	[sflag:s0] =	ssyncadd.tile.s32 @!p0 $0x1;
	_ =	shalt  }
.Lfunc_end2:
_tile_overlayer_lowered:
.L_overlay_start_2:
0x4e: {  	(tag) =	ssettag $0x2  }
0x4f: {  	s0 =	rddreg [dreg:$0x0];
	s2 =	stileid.u32  }
0x50: {  	s1 =	rddreg [dreg:$0x1];
	p0 =	sne.s32 s2, $0x0  }
0x51: {  	s3 =	rddreg [dreg:$0x2];
	[bflag:$0x3] =	sbarrier.arrive $0xFFFF;
	s2 =	simm.s32 @!p0 $0x1C01  }
0x52: {  	[timem:s3], [sflag:s2] =	dma.local @!p0 [hbm:s0], s1  }
0x53: {  	s0 =	simm.s32 @!p0 $0x1  }
0x54: {  	_ =	swait.ge @!p0 [sflag:s0], s1  }
0x55: {  	s1 =	ssub.s32 @!p0 $0x0, s1;
	[sflag:s0] =	ssyncset.done @!p0 $0x0  }
0x56: {  	[sflag:s0] =	ssyncadd.s32 @!p0 s1  }
0x57: {  	[bflag:$0x3] =	sbarrier.arrive $0xFFFF  }
0x58: {  	_ =	shalt  }

// kernel: gather_offload_async_start.7
scs
__scs_entry_jumppad:
0x0: {  	(pc) =	sbr.rel $0x88, $3  }
0x1: {  	(tag) =	ssettag $0x0;
	lr =	simm.s32 $0x1  }
0x2: {  	[smem:$0x3F8E] =	sst lr;
	_ =	strace $0xD0000000  }
0x3: {  	_ = 	snop  }
0x4: {  	_ = 	snop  }
0x5: {  	_ = 	snop  }
0x6: {  	_ = 	snop  }
0x7: {  	_ = 	snop  }
__scs_overlays_trampoline_lowered:
0x8: {  	[smem:$0x3F9D] =	sst s0  }
0x9: {  	[smem:$0x3F9E] =	sst s1  }
0xa: {  	[smem:$0x3F9F] =	sst s2  }
0xb: {  	[smem:$0x3FA0] =	sst s3  }
0xc: {  	[smem:$0x3FA1] =	sst s4  }
0xd: {  	[smem:$0x3FA2] =	sst s5  }
0xe: {  	[smem:$0x3FA3] =	sst s6  }
0xf: {  	[smem:$0x3FA4] =	sst s7  }
0x10: {  	[smem:$0x3FA5] =	sst s8  }
0x11: {  	[smem:$0x3FA6] =	sst s9;
	s0 =	simm.s32 @!p0 $0x0  }
0x12: {  	s1 =	sld [smem:$0x3F8C];
	s0 =	simm.s32 @p0 $0x1  }
0x13: {  	[smem:$0x3FA7] =	sst s0;
	s0 =	simm.s32 @!p1 $0x0  }
0x14: {  	s2 =	sld [smem:$0x3F8B];
	s0 =	simm.s32 @p1 $0x1  }
0x15: {  	[smem:$0x3FA8] =	sst s0;
	s0 =	simm.s32 @!p2 $0x0  }
0x16: {  	s3 =	sld [smem:$0x3FDB];
	s0 =	simm.s32 @p2 $0x1  }
0x17: {  	s4 =	simm.s32 $0x1BF5;
	[smem:$0x3FAA] =	sst s0  }
0x18: {  	s0 =	sld [smem:$0x3F8D];
	_ =	swait.ge [sflag:s4], $0x0  }
0x19: {  	s7 =	sld [smem:$0x3F8E]  }
0x1a: {  	s8 =	sadd.s32 $0xFFFFE003, lr  }
0x1b: {  	s9 =	sadd.s32 $0xFFFFFEF7, lr;
	s5 =	simm.s32 $0xFFFFFFFF;
	p2 =	slt.u32 s8, $0xFFFFF086  }
0x1c: {  	p1 =	slt.u32 s9, $0xF7A;
	s5 =	simm.s32 @!p2 $0x0  }
0x1d: {  	s5 =	simm.s32 @p1 $0x1;
	p0 =	seq.s32 s7, s2  }
0x1e: {  	s7 =	smul.u32 @!p0 $0xF7A, s2;
	p2 =	seq.s32 @!p0 s5, $0x0  }
0x1f: {  	s9 =	smul.u32 $0xF7A, s1;
	s8 =	simm.s32 @!p0 $0x1BF5;
	p2 =	por !p2, p0  }
0x20: {  	[sflag:s8] =	ssyncset.s32 @!p0 $0xFFFFF086;
	s6 =	sadd.s32 @!p0 s3, s7;
	s7 =	simm.s32 @!p0 $0x108  }
0x21: {  	s3 =	sadd.s32 s3, s9;
	s6 =	sadd.s32 @!p0 $0x88, s6;
	s7 =	simm.s32 @p2 $0x1082  }
0x22: {  	[simem:s7], [sflag:s8] =	dma.local @!p0 [hbm:s6], $0xF7A  }
0x23: {  	s9 =	sor.u32 $0xD0000000, s2;
	s6 =	simm.s32 $0x108;
	_ =	swait.ge @!p0 [sflag:s8], $0x0  }
0x24: {  	s3 =	sadd.s32 $0x88, s3;
	s6 =	simm.s32 @!p1 $0x1082;
	[sflag:s4] =	ssyncset.s32 $0xFFFFF086  }
0x25: {  	[simem:s6], [sflag:s4] =	dma.local [hbm:s3], $0xF7A  }
0x26: {  	[smem:$0x3F8E] =	sst s1;
	(tag) =	ssettag s2;
	_ =	strace s9  }
0x27: {  	s1 =	sld [smem:$0x3F9E]  }
0x28: {  	s2 =	sld [smem:$0x3F9F]  }
0x29: {  	s4 =	sld [smem:$0x3FA1]  }
0x2a: {  	p0 =	seq.s32 s5, $0x0;
	s5 =	sld [smem:$0x3FA2]  }
0x2b: {  	s6 =	sld [smem:$0x3FA3]  }
0x2c: {  	s7 =	sld [smem:$0x3FA4]  }
0x2d: {  	s3 =	simm.s32 $0x108;
	s8 =	sld [smem:$0x3FA5]  }
0x2e: {  	s3 =	simm.s32 @!p0 $0x1082;
	s9 =	sld [smem:$0x3FA6]  }
0x2f: {  	lr =	sadd.s32 s0, s3;
	s0 =	sld [smem:$0x3F9D]  }
0x30: {  	s3 =	sld [smem:$0x3FA0]  }
0x31: {  	[smem:$0x3FA9] =	sst s10  }
0x32: {  	s10 =	sld [smem:$0x3FA7];
	_ =	sdelay $0x3  }
0x33: {  	p0 =	seq.s32 s10, $0x1;
	s10 =	sld [smem:$0x3FA9];
	_ =	sdelay $0x3  }
0x34: {  	[smem:$0x3FA9] =	sst s10  }
0x35: {  	s10 =	sld [smem:$0x3FA8];
	_ =	sdelay $0x3  }
0x36: {  	p1 =	seq.s32 s10, $0x1;
	s10 =	sld [smem:$0x3FA9];
	_ =	sdelay $0x3  }
0x37: {  	[smem:$0x3FA9] =	sst s10  }
0x38: {  	s10 =	sld [smem:$0x3FAA]  }
0x39: {  	_ = 	snop;
	(pc) =	sbr.ind lr, $3  }
0x3a: {  	_ = 	snop  }
0x3b: {  	_ = 	snop  }
0x3c: {  	p2 =	seq.s32 s10, $0x1;
	s10 =	sld [smem:$0x3FA9]  }
0x3d: {  	_ =	shalt  }
0x3e: {  	_ =	shalt  }
0x3f: {  	_ =	shalt  }
0x40: {  	_ =	shalt  }
0x41: {  	_ =	shalt  }
0x42: {  	_ =	shalt  }
0x43: {  	_ =	shalt  }
0x44: {  	_ =	shalt  }
0x45: {  	_ =	shalt  }
0x46: {  	_ =	shalt  }
0x47: {  	_ =	shalt  }
0x48: {  	_ =	shalt  }
0x49: {  	_ =	shalt  }
0x4a: {  	_ =	shalt  }
0x4b: {  	_ =	shalt  }
0x4c: {  	_ =	shalt  }
0x4d: {  	_ =	shalt  }
0x4e: {  	_ =	shalt  }
0x4f: {  	_ =	shalt  }
0x50: {  	_ =	shalt  }
0x51: {  	_ =	shalt  }
0x52: {  	_ =	shalt  }
0x53: {  	_ =	shalt  }
0x54: {  	_ =	shalt  }
0x55: {  	_ =	shalt  }
0x56: {  	_ =	shalt  }
0x57: {  	_ =	shalt  }
0x58: {  	_ =	shalt  }
0x59: {  	_ =	shalt  }
0x5a: {  	_ =	shalt  }
0x5b: {  	_ =	shalt  }
0x5c: {  	_ =	shalt  }
0x5d: {  	_ =	shalt  }
0x5e: {  	_ =	shalt  }
0x5f: {  	_ =	shalt  }
0x60: {  	_ =	shalt  }
0x61: {  	_ =	shalt  }
0x62: {  	_ =	shalt  }
0x63: {  	_ =	shalt  }
0x64: {  	_ =	shalt  }
0x65: {  	_ =	shalt  }
0x66: {  	_ =	shalt  }
0x67: {  	_ =	shalt  }
0x68: {  	_ =	shalt  }
0x69: {  	_ =	shalt  }
0x6a: {  	_ =	shalt  }
0x6b: {  	_ =	shalt  }
0x6c: {  	_ =	shalt  }
0x6d: {  	_ =	shalt  }
0x6e: {  	_ =	shalt  }
0x6f: {  	_ =	shalt  }
0x70: {  	_ =	shalt  }
0x71: {  	_ =	shalt  }
0x72: {  	_ =	shalt  }
0x73: {  	_ =	shalt  }
0x74: {  	_ =	shalt  }
0x75: {  	_ =	shalt  }
0x76: {  	_ =	shalt  }
0x77: {  	_ =	shalt  }
0x78: {  	_ =	shalt  }
0x79: {  	_ =	shalt  }
0x7a: {  	_ =	shalt  }
0x7b: {  	_ =	shalt  }
0x7c: {  	_ =	shalt  }
0x7d: {  	_ =	shalt  }
0x7e: {  	_ =	shalt  }
0x7f: {  	_ =	shalt  }
0x80: {  	_ =	shalt  }
0x81: {  	_ =	shalt  }
0x82: {  	_ =	shalt  }
0x83: {  	_ =	shalt  }
0x84: {  	_ =	shalt  }
0x85: {  	_ =	shalt  }
0x86: {  	_ =	shalt  }
0x87: {  	_ =	shalt  }
.Lfunc_end0:
.L_simem_size_0:
called_computation.8_lowered:
.L_overlay_start_0:
0x88: {  	s2 =	sld [smem:$0x3FD9]  }
0x89: {  	s3 =	sld [smem:$0x3FFE];
	_ =	sdelay $0x1  }
0x8a: {  	s1 =	srdreg.scid  }
0x8b: {  	s0 =	sand.u32 $0x1, s1  }
0x8c: {  	s16 =	sshll.u32 s0, $0xA;
	s2 =	sadd.s32 s3, s2  }
0x8d: {  	s2 =	sadd.s32 s2, s16  }
0x8e: {  	[smem:$0x3FB5] =	sst s2  }
0x8f: {  	_ = 	snop  }
0x90: {  	(tm) =	ssettm $0x1  }
0x91: {  	s17 =	sld [smem:$0x3FFB];
	_ =	sdelay $0x3  }
0x92: {  	_ =	strace s17  }
0x93: {  	s2 =	sld [smem:$0x3FFC];
	_ =	sdelay $0x3  }
0x94: {  	_ =	strace s2  }
0x95: {  	s2 =	sld [smem:$0x3FFD];
	_ =	sdelay $0x3  }
0x96: {  	_ =	strace s2  }
0x97: {  	_ =	strace $0x8FFFFFFF  }
0x98: {  	s18 =	sld [smem:$0x3FDB];
	_ =	sdelay $0x1  }
0x99: {  	s19 =	simm.s32 $_scs_section_size  }
0x9a: {  	s4 =	simm.s32 $_size__tile_overlayer_lowered;
	s5 =	simm.s32 $_tile_overlayer_lowered  }
0x9b: {  	s22 =	simm.s32 $0x1BFF;
	s21 =	sshll.u32 s5, $0x1;
	s2 =	sadd.s32 s19, s18  }
0x9c: {  	s6 =	simm.s32 $0x0;
	s20 =	sshll.u32 s4, $0x1;
	s4 =	sadd.s32 s21, s2  }
0x9d: {  	[timem:s6], [sflag:s22] =	dma.local [hbm:s4], s20  }
0x9e: {  	_ =	swait.ge [sflag:s22], s20  }
0x9f: {  	s3 =	ssub.s32 $0x0, s20;
	[sflag:s22] =	ssyncset.done $0x0  }
0xa0: {  	[sflag:s22] =	ssyncadd.s32 s3;
	_ =	sdelay $0x1  }
0xa1: {  	s23 =	simm.s32 $0x1B8B  }
0xa2: {  	_ =	swait.ge [sflag:s23], $0x1  }
0xa3: {  	[sflag:s23] =	ssyncset.done $0x0  }
0xa4: {  	s25 =	simm.s32 $0x1B8E;
	s24 =	sld [smem:$0x3FFE];
	[sflag:s23] =	ssyncadd.s32 $0xFFFFFFFF  }
0xa5: {  	s26 =	simm.s32 $execute0_lowered;
	[smem:$0x3FD2] =	sst s25  }
0xa6: {  	s4 =	sshll.u32 s26, $0x1;
	_ =	strace $0x80000067;
	[dreg:$0x1] =	wrdreg $0xFFFFFFFF  }
0xa7: {  	s28 =	simm.s32 $_size_execute0_lowered;
	s2 =	sadd.s32 s2, s4;
	[dreg:$0x0] =	wrdreg $0x0  }
0xa8: {  	s4 =	sshll.u32 s28, $0x1;
	[dreg:$0x2] =	wrdreg s2  }
0xa9: {  	[dreg:$0x3] =	wrdreg s4  }
0xaa: {  	[dreg:$0x4] =	wrdreg $0xC0  }
0xab: {  	_ =	task [dreg:s6], $0x5FFFF  }
0xac: {  	[dreg:$0x1] =	wrdreg $0xFFFFFFFF  }
0xad: {  	[dreg:$0x0] =	wrdreg $0x60  }
0xae: {  	[dreg:$0x2] =	wrdreg s24  }
0xaf: {  	[dreg:$0x3] =	wrdreg $0x9  }
0xb0: {  	_ =	task.clear_ibuf [dreg:s6], $0x4FFFF;
	_ =	strace $0x90000067  }
0xb1: {  	s29 =	simm.s32 $0x9;
	_ =	strace $0x80000069  }
0xb2: {  	_ =	swait.ge [sflag:s29], $0x1  }
0xb3: {  	[sflag:s29] =	ssyncadd.s32 $0xFFFFFFFF  }
0xb4: {  	_ =	strace $0x90000069  }
0xb5: {  	_ =	sfence  }
0xb6: {  	s30 =	sld [smem:$0x0];
	_ =	sdelay $0x2  }
0xb7: {  	s31 =	sshll.u32 s1, $0xD;
	s1 =	sshrl.u32 s1, $0x2  }
0xb8: {  	s3 =	sand.u32 $0x4000, s31;
	s1 =	sadd.s32 s1, s30  }
0xb9: {  	s0 =	sor.u32 s3, s0;
	s1 =	sshll.u32 s1, $0x11  }
0xba: {  	s0 =	sor.u32 s1, s0  }
0xbb: {  	s0 =	sadd.s32 $0x8F2B, s0  }
0xbc: {  	[sflag:s0] =	ssyncadd.remote.s32 $0x1  }
0xbd: {  	_ =	sfence.sel $0xFFFF  }
0xbe: {  	[dreg:$0x0] =	wrdreg $0xFFFFFFFF;
	(pc) =	sbr.abs _section_cstart, $3  }
0xbf: {  	[dreg:$0x1] =	wrdreg $0xFFFFFFFF  }
0xc0: {  	_ =	task.clear_ibuf [dreg:s6], $0x2FFFF;
	_ =	strace $0x9FFFFFFF  }
0xc1: {  	(tm) =	ssettm $0x7FFFFFFF  }
tec
execute0_lowered:
.L_overlay_start_1:
0x0: {  	(tag) =	ssettag $0x1  }
0x1: {  	s7 =	rddreg [dreg:$0x0]  }
0x2: {  	s1 =	srdreg.scid;
	s0 =	rddreg [dreg:$0x1]  }
0x3: {  	_ =	strace $0x80000068;
	s3 =	simm.s32 $0x1;
	s5 =	simm.s32 $0x2  }
0x4: {  	s9 =	simm.s32 $0x3;
	s12 =	simm.s32 $0x0;
	s2 =	sshll.u32 s1, $0x4  }
.Ltmp0:
0x5: {  	s1 =	stileid.u32;
	s4 =	sand.u32 $0x10, s2;
	(pc) =	sbr.rel .LBB2_1-.Ltmp0, $4  }
0x6: {  	s10 =	simm.s32 $0x0;
	[sflag:s3] =	ssyncpa.u1 $0x0;
	s4 =	sor.u32 s1, s4  }
0x7: {  	s6 =	sadd.s32 $0x1ED3A00, s7;
	[sflag:s5] =	ssyncpa.u1 $0x0;
	s4 =	smul.u32 $0x60, s4  }
0x8: {  	s2 =	sadd.s32 $0x1CA6A00, s7;
	s7 =	sadd.s32 $0x1EC3800, s7;
	[sflag:s9] =	ssyncpa.u1 $0x0  }
0x9: {  	vm0 =	vmmov $0xff;
	vm1 =	vcmask $0x3F20;
	s9 =	simm.s32 $0x60;
	s8 =	sadd.s32 $0x60, s4;
	s11 =	smov.u32 s4  }
.LBB2_10:
0xa: {  	s12 =	sshrl.u32 s11, $0x3  }
0xb: {  	s13 =	sand.u32 $0x7, s11;
	s12 =	sadd.s32 s6, s12  }
0xc: {  	[tilespmem:s9], [sflag:$0x2] =	stream.linear.gather [hbm4b:s12+s13], $0x60, $0x38;
	[tilespmem:$0x60C0] =	vst v63  }
.LBB2_8:
0xd: {  	s12 =	sadd.s32 $0x60, s11  }
0xe: {  	s13 =	smov.u32 s4;
	p0 =	slt.s32 s12, s8  }
0xf: {  	s13 =	smov.u32 @p0 s12  }
0x10: {  	s10 =	sadd.s32 $0x1, s10;
	s12 =	smov.u32 s11;
	s11 =	smov.u32 s13  }
.LBB2_1:
0x11: {  	p0 =	seq.s32 s10, $0x0  }
.Ltmp1:
0x12: {  	_ = 	snop;
	(pc) =	sbr.rel @p0 .LBB2_10-.Ltmp1, $1  }
0x13: {  	_ =	sdelay $0x3  }
0x14: {  	p0 =	seq.s32 s10, $0x1  }
.Ltmp2:
0x15: {  	_ = 	snop;
	(pc) =	sbr.rel @!p0 .LBB2_9-.Ltmp2, $1  }
0x16: {  	_ =	sdelay $0x3  }
0x17: {  	_ =	swait.ge [sflag:s5], $0x60  }
0x18: {  	[sflag:s5] =	ssyncset.done $0x0  }
0x19: {  	s13 =	simm.s32 $0x0;
	[sflag:s5] =	ssyncadd.s32 $0xFFFFFFA0  }
0x1a: {  	v0 =	vld.msk [tilespmem:s13+$0x60 ss:$0x1], $0xffff;
	_ =	sdelay $0x4  }
0x1b: {  	vm2 =	vgt.s32 v0, $0x0  }
0x1c: {  	v0 =	vnsel vm2, $0x0, v0  }
0x1d: {  	v0 =	vmin.u32 v0, $0x11FF  }
0x1e: {  	v0 =	vshll.u32 v0, $0x4;
	_ =	sdelay $0x3  }
0x1f: {  	s13 =	simm.s32 $0x30C0  }
0x20: {  	[tilespmem:s13], [sflag:$0x1] =	stream.indirect_vreg.gather [hbm:s2], $0x80, v0, vm0, $0x38;
	[tilespmem:$0x60C0] =	vst v63  }
0x21: {  	s14 =	simm.s32 $0x34C0;
	s31 =	simm.s32 $0x10  }
0x22: {  	[tilespmem:s14], [sflag:$0x1] =	stream.indirect_vreg.gather [hbm:s2], $0x80, v0, vm1, $0x38;
	[tilespmem:$0x60C0] =	vst v63  }
0x23: {  	s14 =	simm.s32 $0x80;
	v0 =	vld.msk [tilespmem:s31+$0x60 ss:$0x1], $0xffff  }
.LBB2_4:
0x24: {  	p0 =	sne.s32 s14, $0x140;
	_ =	sdelay $0x4  }
0x25: {  	vm2 =	vgt.s32 v0, $0x0  }
0x26: {  	v0 =	vnsel vm2, $0x0, v0  }
0x27: {  	v0 =	vmin.u32 v0, $0x11FF  }
0x28: {  	v0 =	vshll.u32 v0, $0x4;
	_ =	sdelay $0x3  }
.Ltmp3:
0x29: {  	s13 =	sadd.s32 $0x800, s13;
	(pc) =	sbr.rel @p0 .LBB2_4-.Ltmp3, $4  }
0x2a: {  	[tilespmem:s13], [sflag:$0x1] =	stream.indirect_vreg.gather [hbm:s2], $0x80, v0, vm0, $0x38;
	[tilespmem:$0x60C0] =	vst v63  }
0x2b: {  	s15 =	sshra.s32 s14, $0x2;
	s16 =	sadd.s32 $0x400, s13  }
0x2c: {  	[tilespmem:s16], [sflag:$0x1] =	stream.indirect_vreg.gather [hbm:s2], $0x80, v0, vm1, $0x38;
	[tilespmem:$0x60C0] =	vst v63  }
0x2d: {  	s14 =	sadd.s32 $0x40, s14;
	v0 =	vld.msk [tilespmem:s15+$0x60 ss:$0x1], $0xffff  }
0x2e: {  	_ =	sdelay $0x3  }
0x2f: {  	vm2 =	vgt.s32 v0, $0x0  }
0x30: {  	v0 =	vnsel vm2, $0x0, v0  }
0x31: {  	v0 =	vmin.u32 v0, $0x11FF  }
0x32: {  	v0 =	vshll.u32 v0, $0x4;
	_ =	sdelay $0x3  }
0x33: {  	s13 =	sadd.s32 $0x800, s13  }
0x34: {  	[tilespmem:s13], [sflag:$0x1] =	stream.indirect_vreg.gather [hbm:s2], $0x80, v0, vm0, $0x38;
	[tilespmem:$0x60C0] =	vst v63  }
0x35: {  	s13 =	sadd.s32 $0x400, s13  }
0x36: {  	[tilespmem:s13], [sflag:$0x1] =	stream.indirect_vreg.gather [hbm:s2], $0x80, v0, vm1, $0x38;
	[tilespmem:$0x60C0] =	vst v63  }
0x37: {  	s12 =	sshll.u32 s12, $0x4;
	s14 =	simm.s32 $0x80;
	_ =	swait.ge [sflag:s3], $0x3000  }
0x38: {  	s15 =	simm.s32 $0x34C0;
	s12 =	sadd.s32 s12, s7;
	[sflag:s3] =	ssyncset.done $0x0  }
0x39: {  	s16 =	sadd.s32 $0x0, s12;
	s13 =	simm.s32 $0x30C0;
	[sflag:s3] =	ssyncadd.s32 $0xFFFFD000  }
.LBB2_6:
0x3a: {  	[hbm:s16] =	stream.linear.scatter [tilespmem:s13], [sflag:$0x3], $0x400, $0x38;
	[tilespmem:$0x60C0] =	vst v63  }
0x3b: {  	s16 =	smov.u32 s14;
	s13 =	smov.u32 s15;
	p0 =	seq.s32 s14, $0x580  }
.Ltmp4:
0x3c: {  	s14 =	sadd.s32 $0x80, s14;
	(pc) =	sbr.rel @!p0 .LBB2_6-.Ltmp4, $2  }
0x3d: {  	_ =	sdelay $0x2  }
0x3e: {  	s15 =	sadd.s32 $0x400, s15;
	s16 =	sadd.s32 s16, s12  }
.Ltmp5:
0x3f: {  	(pc) =	sbr.rel .LBB2_8-.Ltmp5, $2  }
0x40: {  	_ =	sdelay $0x2  }
0x41: {  	[hbm:s16] =	stream.linear.scatter [tilespmem:s13], [sflag:$0x3], $0x400, $0x38;
	[tilespmem:$0x60C0] =	vst v63  }
.LBB2_9:
0x42: {  	s2 =	simm.s32 $0x3  }
0x43: {  	_ =	swait.ge [sflag:s2], $0x3000  }
0x44: {  	[sflag:s2] =	ssyncset.done $0x0  }
0x45: {  	[sflag:s2] =	ssyncadd.s32 $0xFFFFD000  }
0x46: {  	_ =	sfence.sel $0x180000  }
0x47: {  	s3 =	simm.s32 $0x2;
	[bflag:$0x0] =	sbarrier.arrive $0xFFFF  }
0x48: {  	[sflag:s3] =	ssyncpa.u1 $0x1  }
0x49: {  	s31 =	simm.s32 $0x1;
	[sflag:s2] =	ssyncpa.u1 $0x1  }
0x4a: {  	[sflag:s31] =	ssyncpa.u1 $0x1  }
0x4b: {  	p0 =	sne.s32 s1, $0x0;
	_ =	strace $0x90000068  }
0x4c: {  	s0 =	sadd.s32 @!p0 $0x100000, s0;
	[bflag:$0x2] =	sbarrier.arrive $0xFFFF  }
0x4d: {  	[sflag:s0] =	ssyncadd.tile.s32 @!p0 $0x1;
	_ =	shalt  }
.Lfunc_end2:
_tile_overlayer_lowered:
.L_overlay_start_2:
0x4e: {  	(tag) =	ssettag $0x2  }
0x4f: {  	s0 =	rddreg [dreg:$0x0];
	s2 =	stileid.u32  }
0x50: {  	s1 =	rddreg [dreg:$0x1];
	p0 =	sne.s32 s2, $0x0  }
0x51: {  	s3 =	rddreg [dreg:$0x2];
	[bflag:$0x3] =	sbarrier.arrive $0xFFFF;
	s2 =	simm.s32 @!p0 $0x1C01  }
0x52: {  	[timem:s3], [sflag:s2] =	dma.local @!p0 [hbm:s0], s1  }
0x53: {  	s0 =	simm.s32 @!p0 $0x1  }
0x54: {  	_ =	swait.ge @!p0 [sflag:s0], s1  }
0x55: {  	s1 =	ssub.s32 @!p0 $0x0, s1;
	[sflag:s0] =	ssyncset.done @!p0 $0x0  }
0x56: {  	[sflag:s0] =	ssyncadd.s32 @!p0 s1  }
0x57: {  	[bflag:$0x3] =	sbarrier.arrive $0xFFFF  }
0x58: {  	_ =	shalt  }

// kernel: gather_offload_async_start.8
scs
__scs_entry_jumppad:
0x0: {  	(pc) =	sbr.rel $0x88, $3  }
0x1: {  	(tag) =	ssettag $0x0;
	lr =	simm.s32 $0x1  }
0x2: {  	[smem:$0x3F8E] =	sst lr;
	_ =	strace $0xD0000000  }
0x3: {  	_ = 	snop  }
0x4: {  	_ = 	snop  }
0x5: {  	_ = 	snop  }
0x6: {  	_ = 	snop  }
0x7: {  	_ = 	snop  }
__scs_overlays_trampoline_lowered:
0x8: {  	[smem:$0x3F9D] =	sst s0  }
0x9: {  	[smem:$0x3F9E] =	sst s1  }
0xa: {  	[smem:$0x3F9F] =	sst s2  }
0xb: {  	[smem:$0x3FA0] =	sst s3  }
0xc: {  	[smem:$0x3FA1] =	sst s4  }
0xd: {  	[smem:$0x3FA2] =	sst s5  }
0xe: {  	[smem:$0x3FA3] =	sst s6  }
0xf: {  	[smem:$0x3FA4] =	sst s7  }
0x10: {  	[smem:$0x3FA5] =	sst s8  }
0x11: {  	[smem:$0x3FA6] =	sst s9;
	s0 =	simm.s32 @!p0 $0x0  }
0x12: {  	s1 =	sld [smem:$0x3F8C];
	s0 =	simm.s32 @p0 $0x1  }
0x13: {  	[smem:$0x3FA7] =	sst s0;
	s0 =	simm.s32 @!p1 $0x0  }
0x14: {  	s2 =	sld [smem:$0x3F8B];
	s0 =	simm.s32 @p1 $0x1  }
0x15: {  	[smem:$0x3FA8] =	sst s0;
	s0 =	simm.s32 @!p2 $0x0  }
0x16: {  	s3 =	sld [smem:$0x3FDB];
	s0 =	simm.s32 @p2 $0x1  }
0x17: {  	s4 =	simm.s32 $0x1BF5;
	[smem:$0x3FAA] =	sst s0  }
0x18: {  	s0 =	sld [smem:$0x3F8D];
	_ =	swait.ge [sflag:s4], $0x0  }
0x19: {  	s7 =	sld [smem:$0x3F8E]  }
0x1a: {  	s8 =	sadd.s32 $0xFFFFE003, lr  }
0x1b: {  	s9 =	sadd.s32 $0xFFFFFEF7, lr;
	s5 =	simm.s32 $0xFFFFFFFF;
	p2 =	slt.u32 s8, $0xFFFFF086  }
0x1c: {  	p1 =	slt.u32 s9, $0xF7A;
	s5 =	simm.s32 @!p2 $0x0  }
0x1d: {  	s5 =	simm.s32 @p1 $0x1;
	p0 =	seq.s32 s7, s2  }
0x1e: {  	s7 =	smul.u32 @!p0 $0xF7A, s2;
	p2 =	seq.s32 @!p0 s5, $0x0  }
0x1f: {  	s9 =	smul.u32 $0xF7A, s1;
	s8 =	simm.s32 @!p0 $0x1BF5;
	p2 =	por !p2, p0  }
0x20: {  	[sflag:s8] =	ssyncset.s32 @!p0 $0xFFFFF086;
	s6 =	sadd.s32 @!p0 s3, s7;
	s7 =	simm.s32 @!p0 $0x108  }
0x21: {  	s3 =	sadd.s32 s3, s9;
	s6 =	sadd.s32 @!p0 $0x88, s6;
	s7 =	simm.s32 @p2 $0x1082  }
0x22: {  	[simem:s7], [sflag:s8] =	dma.local @!p0 [hbm:s6], $0xF7A  }
0x23: {  	s9 =	sor.u32 $0xD0000000, s2;
	s6 =	simm.s32 $0x108;
	_ =	swait.ge @!p0 [sflag:s8], $0x0  }
0x24: {  	s3 =	sadd.s32 $0x88, s3;
	s6 =	simm.s32 @!p1 $0x1082;
	[sflag:s4] =	ssyncset.s32 $0xFFFFF086  }
0x25: {  	[simem:s6], [sflag:s4] =	dma.local [hbm:s3], $0xF7A  }
0x26: {  	[smem:$0x3F8E] =	sst s1;
	(tag) =	ssettag s2;
	_ =	strace s9  }
0x27: {  	s1 =	sld [smem:$0x3F9E]  }
0x28: {  	s2 =	sld [smem:$0x3F9F]  }
0x29: {  	s4 =	sld [smem:$0x3FA1]  }
0x2a: {  	p0 =	seq.s32 s5, $0x0;
	s5 =	sld [smem:$0x3FA2]  }
0x2b: {  	s6 =	sld [smem:$0x3FA3]  }
0x2c: {  	s7 =	sld [smem:$0x3FA4]  }
0x2d: {  	s3 =	simm.s32 $0x108;
	s8 =	sld [smem:$0x3FA5]  }
0x2e: {  	s3 =	simm.s32 @!p0 $0x1082;
	s9 =	sld [smem:$0x3FA6]  }
0x2f: {  	lr =	sadd.s32 s0, s3;
	s0 =	sld [smem:$0x3F9D]  }
0x30: {  	s3 =	sld [smem:$0x3FA0]  }
0x31: {  	[smem:$0x3FA9] =	sst s10  }
0x32: {  	s10 =	sld [smem:$0x3FA7];
	_ =	sdelay $0x3  }
0x33: {  	p0 =	seq.s32 s10, $0x1;
	s10 =	sld [smem:$0x3FA9];
	_ =	sdelay $0x3  }
0x34: {  	[smem:$0x3FA9] =	sst s10  }
0x35: {  	s10 =	sld [smem:$0x3FA8];
	_ =	sdelay $0x3  }
0x36: {  	p1 =	seq.s32 s10, $0x1;
	s10 =	sld [smem:$0x3FA9];
	_ =	sdelay $0x3  }
0x37: {  	[smem:$0x3FA9] =	sst s10  }
0x38: {  	s10 =	sld [smem:$0x3FAA]  }
0x39: {  	_ = 	snop;
	(pc) =	sbr.ind lr, $3  }
0x3a: {  	_ = 	snop  }
0x3b: {  	_ = 	snop  }
0x3c: {  	p2 =	seq.s32 s10, $0x1;
	s10 =	sld [smem:$0x3FA9]  }
0x3d: {  	_ =	shalt  }
0x3e: {  	_ =	shalt  }
0x3f: {  	_ =	shalt  }
0x40: {  	_ =	shalt  }
0x41: {  	_ =	shalt  }
0x42: {  	_ =	shalt  }
0x43: {  	_ =	shalt  }
0x44: {  	_ =	shalt  }
0x45: {  	_ =	shalt  }
0x46: {  	_ =	shalt  }
0x47: {  	_ =	shalt  }
0x48: {  	_ =	shalt  }
0x49: {  	_ =	shalt  }
0x4a: {  	_ =	shalt  }
0x4b: {  	_ =	shalt  }
0x4c: {  	_ =	shalt  }
0x4d: {  	_ =	shalt  }
0x4e: {  	_ =	shalt  }
0x4f: {  	_ =	shalt  }
0x50: {  	_ =	shalt  }
0x51: {  	_ =	shalt  }
0x52: {  	_ =	shalt  }
0x53: {  	_ =	shalt  }
0x54: {  	_ =	shalt  }
0x55: {  	_ =	shalt  }
0x56: {  	_ =	shalt  }
0x57: {  	_ =	shalt  }
0x58: {  	_ =	shalt  }
0x59: {  	_ =	shalt  }
0x5a: {  	_ =	shalt  }
0x5b: {  	_ =	shalt  }
0x5c: {  	_ =	shalt  }
0x5d: {  	_ =	shalt  }
0x5e: {  	_ =	shalt  }
0x5f: {  	_ =	shalt  }
0x60: {  	_ =	shalt  }
0x61: {  	_ =	shalt  }
0x62: {  	_ =	shalt  }
0x63: {  	_ =	shalt  }
0x64: {  	_ =	shalt  }
0x65: {  	_ =	shalt  }
0x66: {  	_ =	shalt  }
0x67: {  	_ =	shalt  }
0x68: {  	_ =	shalt  }
0x69: {  	_ =	shalt  }
0x6a: {  	_ =	shalt  }
0x6b: {  	_ =	shalt  }
0x6c: {  	_ =	shalt  }
0x6d: {  	_ =	shalt  }
0x6e: {  	_ =	shalt  }
0x6f: {  	_ =	shalt  }
0x70: {  	_ =	shalt  }
0x71: {  	_ =	shalt  }
0x72: {  	_ =	shalt  }
0x73: {  	_ =	shalt  }
0x74: {  	_ =	shalt  }
0x75: {  	_ =	shalt  }
0x76: {  	_ =	shalt  }
0x77: {  	_ =	shalt  }
0x78: {  	_ =	shalt  }
0x79: {  	_ =	shalt  }
0x7a: {  	_ =	shalt  }
0x7b: {  	_ =	shalt  }
0x7c: {  	_ =	shalt  }
0x7d: {  	_ =	shalt  }
0x7e: {  	_ =	shalt  }
0x7f: {  	_ =	shalt  }
0x80: {  	_ =	shalt  }
0x81: {  	_ =	shalt  }
0x82: {  	_ =	shalt  }
0x83: {  	_ =	shalt  }
0x84: {  	_ =	shalt  }
0x85: {  	_ =	shalt  }
0x86: {  	_ =	shalt  }
0x87: {  	_ =	shalt  }
.Lfunc_end0:
.L_simem_size_0:
called_computation.9_lowered:
.L_overlay_start_0:
0x88: {  	s2 =	sld [smem:$0x3FD9]  }
0x89: {  	s3 =	sld [smem:$0x3FFE];
	_ =	sdelay $0x1  }
0x8a: {  	s1 =	srdreg.scid  }
0x8b: {  	s0 =	sand.u32 $0x1, s1  }
0x8c: {  	s16 =	sshll.u32 s0, $0xA;
	s2 =	sadd.s32 s3, s2  }
0x8d: {  	s2 =	sadd.s32 s2, s16  }
0x8e: {  	[smem:$0x3FB5] =	sst s2  }
0x8f: {  	_ = 	snop  }
0x90: {  	(tm) =	ssettm $0x1  }
0x91: {  	s17 =	sld [smem:$0x3FFB];
	_ =	sdelay $0x3  }
0x92: {  	_ =	strace s17  }
0x93: {  	s2 =	sld [smem:$0x3FFC];
	_ =	sdelay $0x3  }
0x94: {  	_ =	strace s2  }
0x95: {  	s2 =	sld [smem:$0x3FFD];
	_ =	sdelay $0x3  }
0x96: {  	_ =	strace s2  }
0x97: {  	_ =	strace $0x8FFFFFFF  }
0x98: {  	s18 =	sld [smem:$0x3FDB];
	_ =	sdelay $0x1  }
0x99: {  	s19 =	simm.s32 $_scs_section_size  }
0x9a: {  	s4 =	simm.s32 $_size__tile_overlayer_lowered;
	s5 =	simm.s32 $_tile_overlayer_lowered  }
0x9b: {  	s22 =	simm.s32 $0x1BFF;
	s21 =	sshll.u32 s5, $0x1;
	s2 =	sadd.s32 s19, s18  }
0x9c: {  	s6 =	simm.s32 $0x0;
	s20 =	sshll.u32 s4, $0x1;
	s4 =	sadd.s32 s21, s2  }
0x9d: {  	[timem:s6], [sflag:s22] =	dma.local [hbm:s4], s20  }
0x9e: {  	_ =	swait.ge [sflag:s22], s20  }
0x9f: {  	s3 =	ssub.s32 $0x0, s20;
	[sflag:s22] =	ssyncset.done $0x0  }
0xa0: {  	[sflag:s22] =	ssyncadd.s32 s3;
	_ =	sdelay $0x1  }
0xa1: {  	s23 =	simm.s32 $0x1B8B  }
0xa2: {  	_ =	swait.ge [sflag:s23], $0x1  }
0xa3: {  	[sflag:s23] =	ssyncset.done $0x0  }
0xa4: {  	s25 =	simm.s32 $0x1B8E;
	s24 =	sld [smem:$0x3FFE];
	[sflag:s23] =	ssyncadd.s32 $0xFFFFFFFF  }
0xa5: {  	s26 =	simm.s32 $execute0_lowered;
	[smem:$0x3FD2] =	sst s25  }
0xa6: {  	s4 =	sshll.u32 s26, $0x1;
	_ =	strace $0x80000061;
	[dreg:$0x1] =	wrdreg $0xFFFFFFFF  }
0xa7: {  	s28 =	simm.s32 $_size_execute0_lowered;
	s2 =	sadd.s32 s2, s4;
	[dreg:$0x0] =	wrdreg $0x0  }
0xa8: {  	s4 =	sshll.u32 s28, $0x1;
	[dreg:$0x2] =	wrdreg s2  }
0xa9: {  	[dreg:$0x3] =	wrdreg s4  }
0xaa: {  	[dreg:$0x4] =	wrdreg $0xC0  }
0xab: {  	_ =	task [dreg:s6], $0x5FFFF  }
0xac: {  	[dreg:$0x1] =	wrdreg $0xFFFFFFFF  }
0xad: {  	[dreg:$0x0] =	wrdreg $0x60  }
0xae: {  	[dreg:$0x2] =	wrdreg s24  }
0xaf: {  	[dreg:$0x3] =	wrdreg $0x9  }
0xb0: {  	_ =	task.clear_ibuf [dreg:s6], $0x4FFFF;
	_ =	strace $0x90000061  }
0xb1: {  	s29 =	simm.s32 $0x9;
	_ =	strace $0x80000063  }
0xb2: {  	_ =	swait.ge [sflag:s29], $0x1  }
0xb3: {  	[sflag:s29] =	ssyncadd.s32 $0xFFFFFFFF  }
0xb4: {  	_ =	strace $0x90000063  }
0xb5: {  	_ =	sfence  }
0xb6: {  	s30 =	sld [smem:$0x0];
	_ =	sdelay $0x2  }
0xb7: {  	s31 =	sshll.u32 s1, $0xD;
	s1 =	sshrl.u32 s1, $0x2  }
0xb8: {  	s3 =	sand.u32 $0x4000, s31;
	s1 =	sadd.s32 s1, s30  }
0xb9: {  	s0 =	sor.u32 s3, s0;
	s1 =	sshll.u32 s1, $0x11  }
0xba: {  	s0 =	sor.u32 s1, s0  }
0xbb: {  	s0 =	sadd.s32 $0x8F2B, s0  }
0xbc: {  	[sflag:s0] =	ssyncadd.remote.s32 $0x1  }
0xbd: {  	_ =	sfence.sel $0xFFFF  }
0xbe: {  	[dreg:$0x0] =	wrdreg $0xFFFFFFFF;
	(pc) =	sbr.abs _section_cstart, $3  }
0xbf: {  	[dreg:$0x1] =	wrdreg $0xFFFFFFFF  }
0xc0: {  	_ =	task.clear_ibuf [dreg:s6], $0x2FFFF;
	_ =	strace $0x9FFFFFFF  }
0xc1: {  	(tm) =	ssettm $0x7FFFFFFF  }
tec
execute0_lowered:
.L_overlay_start_1:
0x0: {  	(tag) =	ssettag $0x1  }
0x1: {  	s7 =	rddreg [dreg:$0x0]  }
0x2: {  	s1 =	srdreg.scid;
	s0 =	rddreg [dreg:$0x1]  }
0x3: {  	_ =	strace $0x80000062;
	s3 =	simm.s32 $0x1;
	s5 =	simm.s32 $0x2  }
0x4: {  	s9 =	simm.s32 $0x3;
	s12 =	simm.s32 $0x0;
	s2 =	sshll.u32 s1, $0x4  }
.Ltmp0:
0x5: {  	s1 =	stileid.u32;
	s4 =	sand.u32 $0x10, s2;
	(pc) =	sbr.rel .LBB2_1-.Ltmp0, $4  }
0x6: {  	s10 =	simm.s32 $0x0;
	[sflag:s3] =	ssyncpa.u1 $0x0;
	s4 =	sor.u32 s1, s4  }
0x7: {  	s6 =	sadd.s32 $0x1ED3800, s7;
	[sflag:s5] =	ssyncpa.u1 $0x0;
	s4 =	smul.u32 $0x60, s4  }
0x8: {  	s2 =	sadd.s32 $0x1CA6A00, s7;
	s7 =	sadd.s32 $0x1C77200, s7;
	[sflag:s9] =	ssyncpa.u1 $0x0  }
0x9: {  	vm0 =	vmmov $0xff;
	vm1 =	vcmask $0x3F20;
	s9 =	simm.s32 $0x60;
	s8 =	sadd.s32 $0x60, s4;
	s11 =	smov.u32 s4  }
.LBB2_10:
0xa: {  	s12 =	sshrl.u32 s11, $0x3  }
0xb: {  	s13 =	sand.u32 $0x7, s11;
	s12 =	sadd.s32 s6, s12  }
0xc: {  	[tilespmem:s9], [sflag:$0x2] =	stream.linear.gather [hbm4b:s12+s13], $0x60, $0x38;
	[tilespmem:$0x60C0] =	vst v63  }
.LBB2_8:
0xd: {  	s12 =	sadd.s32 $0x60, s11  }
0xe: {  	s13 =	smov.u32 s4;
	p0 =	slt.s32 s12, s8  }
0xf: {  	s13 =	smov.u32 @p0 s12  }
0x10: {  	s10 =	sadd.s32 $0x1, s10;
	s12 =	smov.u32 s11;
	s11 =	smov.u32 s13  }
.LBB2_1:
0x11: {  	p0 =	seq.s32 s10, $0x0  }
.Ltmp1:
0x12: {  	_ = 	snop;
	(pc) =	sbr.rel @p0 .LBB2_10-.Ltmp1, $1  }
0x13: {  	_ =	sdelay $0x3  }
0x14: {  	p0 =	seq.s32 s10, $0x1  }
.Ltmp2:
0x15: {  	_ = 	snop;
	(pc) =	sbr.rel @!p0 .LBB2_9-.Ltmp2, $1  }
0x16: {  	_ =	sdelay $0x3  }
0x17: {  	_ =	swait.ge [sflag:s5], $0x60  }
0x18: {  	[sflag:s5] =	ssyncset.done $0x0  }
0x19: {  	s13 =	simm.s32 $0x0;
	[sflag:s5] =	ssyncadd.s32 $0xFFFFFFA0  }
0x1a: {  	v0 =	vld.msk [tilespmem:s13+$0x60 ss:$0x1], $0xffff;
	_ =	sdelay $0x4  }
0x1b: {  	vm2 =	vgt.s32 v0, $0x0  }
0x1c: {  	v0 =	vnsel vm2, $0x0, v0  }
0x1d: {  	v0 =	vmin.u32 v0, $0x11FF  }
0x1e: {  	v0 =	vshll.u32 v0, $0x4;
	_ =	sdelay $0x3  }
0x1f: {  	s13 =	simm.s32 $0x30C0  }
0x20: {  	[tilespmem:s13], [sflag:$0x1] =	stream.indirect_vreg.gather [hbm:s2], $0x80, v0, vm0, $0x38;
	[tilespmem:$0x60C0] =	vst v63  }
0x21: {  	s14 =	simm.s32 $0x34C0;
	s31 =	simm.s32 $0x10  }
0x22: {  	[tilespmem:s14], [sflag:$0x1] =	stream.indirect_vreg.gather [hbm:s2], $0x80, v0, vm1, $0x38;
	[tilespmem:$0x60C0] =	vst v63  }
0x23: {  	s14 =	simm.s32 $0x80;
	v0 =	vld.msk [tilespmem:s31+$0x60 ss:$0x1], $0xffff  }
.LBB2_4:
0x24: {  	p0 =	sne.s32 s14, $0x140;
	_ =	sdelay $0x4  }
0x25: {  	vm2 =	vgt.s32 v0, $0x0  }
0x26: {  	v0 =	vnsel vm2, $0x0, v0  }
0x27: {  	v0 =	vmin.u32 v0, $0x11FF  }
0x28: {  	v0 =	vshll.u32 v0, $0x4;
	_ =	sdelay $0x3  }
.Ltmp3:
0x29: {  	s13 =	sadd.s32 $0x800, s13;
	(pc) =	sbr.rel @p0 .LBB2_4-.Ltmp3, $4  }
0x2a: {  	[tilespmem:s13], [sflag:$0x1] =	stream.indirect_vreg.gather [hbm:s2], $0x80, v0, vm0, $0x38;
	[tilespmem:$0x60C0] =	vst v63  }
0x2b: {  	s15 =	sshra.s32 s14, $0x2;
	s16 =	sadd.s32 $0x400, s13  }
0x2c: {  	[tilespmem:s16], [sflag:$0x1] =	stream.indirect_vreg.gather [hbm:s2], $0x80, v0, vm1, $0x38;
	[tilespmem:$0x60C0] =	vst v63  }
0x2d: {  	s14 =	sadd.s32 $0x40, s14;
	v0 =	vld.msk [tilespmem:s15+$0x60 ss:$0x1], $0xffff  }
0x2e: {  	_ =	sdelay $0x3  }
0x2f: {  	vm2 =	vgt.s32 v0, $0x0  }
0x30: {  	v0 =	vnsel vm2, $0x0, v0  }
0x31: {  	v0 =	vmin.u32 v0, $0x11FF  }
0x32: {  	v0 =	vshll.u32 v0, $0x4;
	_ =	sdelay $0x3  }
0x33: {  	s13 =	sadd.s32 $0x800, s13  }
0x34: {  	[tilespmem:s13], [sflag:$0x1] =	stream.indirect_vreg.gather [hbm:s2], $0x80, v0, vm0, $0x38;
	[tilespmem:$0x60C0] =	vst v63  }
0x35: {  	s13 =	sadd.s32 $0x400, s13  }
0x36: {  	[tilespmem:s13], [sflag:$0x1] =	stream.indirect_vreg.gather [hbm:s2], $0x80, v0, vm1, $0x38;
	[tilespmem:$0x60C0] =	vst v63  }
0x37: {  	s12 =	sshll.u32 s12, $0x4;
	s14 =	simm.s32 $0x80;
	_ =	swait.ge [sflag:s3], $0x3000  }
0x38: {  	s15 =	simm.s32 $0x34C0;
	s12 =	sadd.s32 s12, s7;
	[sflag:s3] =	ssyncset.done $0x0  }
0x39: {  	s16 =	sadd.s32 $0x0, s12;
	s13 =	simm.s32 $0x30C0;
	[sflag:s3] =	ssyncadd.s32 $0xFFFFD000  }
.LBB2_6:
0x3a: {  	[hbm:s16] =	stream.linear.scatter [tilespmem:s13], [sflag:$0x3], $0x400, $0x38;
	[tilespmem:$0x60C0] =	vst v63  }
0x3b: {  	s16 =	smov.u32 s14;
	s13 =	smov.u32 s15;
	p0 =	seq.s32 s14, $0x580  }
.Ltmp4:
0x3c: {  	s14 =	sadd.s32 $0x80, s14;
	(pc) =	sbr.rel @!p0 .LBB2_6-.Ltmp4, $2  }
0x3d: {  	_ =	sdelay $0x2  }
0x3e: {  	s15 =	sadd.s32 $0x400, s15;
	s16 =	sadd.s32 s16, s12  }
.Ltmp5:
0x3f: {  	(pc) =	sbr.rel .LBB2_8-.Ltmp5, $2  }
0x40: {  	_ =	sdelay $0x2  }
0x41: {  	[hbm:s16] =	stream.linear.scatter [tilespmem:s13], [sflag:$0x3], $0x400, $0x38;
	[tilespmem:$0x60C0] =	vst v63  }
.LBB2_9:
0x42: {  	s2 =	simm.s32 $0x3  }
0x43: {  	_ =	swait.ge [sflag:s2], $0x3000  }
0x44: {  	[sflag:s2] =	ssyncset.done $0x0  }
0x45: {  	[sflag:s2] =	ssyncadd.s32 $0xFFFFD000  }
0x46: {  	_ =	sfence.sel $0x180000  }
0x47: {  	s3 =	simm.s32 $0x2;
	[bflag:$0x0] =	sbarrier.arrive $0xFFFF  }
0x48: {  	[sflag:s3] =	ssyncpa.u1 $0x1  }
0x49: {  	s31 =	simm.s32 $0x1;
	[sflag:s2] =	ssyncpa.u1 $0x1  }
0x4a: {  	[sflag:s31] =	ssyncpa.u1 $0x1  }
0x4b: {  	p0 =	sne.s32 s1, $0x0;
	_ =	strace $0x90000062  }
0x4c: {  	s0 =	sadd.s32 @!p0 $0x100000, s0;
	[bflag:$0x2] =	sbarrier.arrive $0xFFFF  }
0x4d: {  	[sflag:s0] =	ssyncadd.tile.s32 @!p0 $0x1;
	_ =	shalt  }
.Lfunc_end2:
_tile_overlayer_lowered:
.L_overlay_start_2:
0x4e: {  	(tag) =	ssettag $0x2  }
0x4f: {  	s0 =	rddreg [dreg:$0x0];
	s2 =	stileid.u32  }
0x50: {  	s1 =	rddreg [dreg:$0x1];
	p0 =	sne.s32 s2, $0x0  }
0x51: {  	s3 =	rddreg [dreg:$0x2];
	[bflag:$0x3] =	sbarrier.arrive $0xFFFF;
	s2 =	simm.s32 @!p0 $0x1C01  }
0x52: {  	[timem:s3], [sflag:s2] =	dma.local @!p0 [hbm:s0], s1  }
0x53: {  	s0 =	simm.s32 @!p0 $0x1  }
0x54: {  	_ =	swait.ge @!p0 [sflag:s0], s1  }
0x55: {  	s1 =	ssub.s32 @!p0 $0x0, s1;
	[sflag:s0] =	ssyncset.done @!p0 $0x0  }
0x56: {  	[sflag:s0] =	ssyncadd.s32 @!p0 s1  }
0x57: {  	[bflag:$0x3] =	sbarrier.arrive $0xFFFF  }
0x58: {  	_ =	shalt  }

// kernel: gather_offload_async_start.9
scs
__scs_entry_jumppad:
0x0: {  	(pc) =	sbr.rel $0x88, $3  }
0x1: {  	(tag) =	ssettag $0x0;
	lr =	simm.s32 $0x1  }
0x2: {  	[smem:$0x3F8E] =	sst lr;
	_ =	strace $0xD0000000  }
0x3: {  	_ = 	snop  }
0x4: {  	_ = 	snop  }
0x5: {  	_ = 	snop  }
0x6: {  	_ = 	snop  }
0x7: {  	_ = 	snop  }
__scs_overlays_trampoline_lowered:
0x8: {  	[smem:$0x3F9D] =	sst s0  }
0x9: {  	[smem:$0x3F9E] =	sst s1  }
0xa: {  	[smem:$0x3F9F] =	sst s2  }
0xb: {  	[smem:$0x3FA0] =	sst s3  }
0xc: {  	[smem:$0x3FA1] =	sst s4  }
0xd: {  	[smem:$0x3FA2] =	sst s5  }
0xe: {  	[smem:$0x3FA3] =	sst s6  }
0xf: {  	[smem:$0x3FA4] =	sst s7  }
0x10: {  	[smem:$0x3FA5] =	sst s8  }
0x11: {  	[smem:$0x3FA6] =	sst s9;
	s0 =	simm.s32 @!p0 $0x0  }
0x12: {  	s1 =	sld [smem:$0x3F8C];
	s0 =	simm.s32 @p0 $0x1  }
0x13: {  	[smem:$0x3FA7] =	sst s0;
	s0 =	simm.s32 @!p1 $0x0  }
0x14: {  	s2 =	sld [smem:$0x3F8B];
	s0 =	simm.s32 @p1 $0x1  }
0x15: {  	[smem:$0x3FA8] =	sst s0;
	s0 =	simm.s32 @!p2 $0x0  }
0x16: {  	s3 =	sld [smem:$0x3FDB];
	s0 =	simm.s32 @p2 $0x1  }
0x17: {  	s4 =	simm.s32 $0x1BF5;
	[smem:$0x3FAA] =	sst s0  }
0x18: {  	s0 =	sld [smem:$0x3F8D];
	_ =	swait.ge [sflag:s4], $0x0  }
0x19: {  	s7 =	sld [smem:$0x3F8E]  }
0x1a: {  	s8 =	sadd.s32 $0xFFFFE003, lr  }
0x1b: {  	s9 =	sadd.s32 $0xFFFFFEF7, lr;
	s5 =	simm.s32 $0xFFFFFFFF;
	p2 =	slt.u32 s8, $0xFFFFF086  }
0x1c: {  	p1 =	slt.u32 s9, $0xF7A;
	s5 =	simm.s32 @!p2 $0x0  }
0x1d: {  	s5 =	simm.s32 @p1 $0x1;
	p0 =	seq.s32 s7, s2  }
0x1e: {  	s7 =	smul.u32 @!p0 $0xF7A, s2;
	p2 =	seq.s32 @!p0 s5, $0x0  }
0x1f: {  	s9 =	smul.u32 $0xF7A, s1;
	s8 =	simm.s32 @!p0 $0x1BF5;
	p2 =	por !p2, p0  }
0x20: {  	[sflag:s8] =	ssyncset.s32 @!p0 $0xFFFFF086;
	s6 =	sadd.s32 @!p0 s3, s7;
	s7 =	simm.s32 @!p0 $0x108  }
0x21: {  	s3 =	sadd.s32 s3, s9;
	s6 =	sadd.s32 @!p0 $0x88, s6;
	s7 =	simm.s32 @p2 $0x1082  }
0x22: {  	[simem:s7], [sflag:s8] =	dma.local @!p0 [hbm:s6], $0xF7A  }
0x23: {  	s9 =	sor.u32 $0xD0000000, s2;
	s6 =	simm.s32 $0x108;
	_ =	swait.ge @!p0 [sflag:s8], $0x0  }
0x24: {  	s3 =	sadd.s32 $0x88, s3;
	s6 =	simm.s32 @!p1 $0x1082;
	[sflag:s4] =	ssyncset.s32 $0xFFFFF086  }
0x25: {  	[simem:s6], [sflag:s4] =	dma.local [hbm:s3], $0xF7A  }
0x26: {  	[smem:$0x3F8E] =	sst s1;
	(tag) =	ssettag s2;
	_ =	strace s9  }
0x27: {  	s1 =	sld [smem:$0x3F9E]  }
0x28: {  	s2 =	sld [smem:$0x3F9F]  }
0x29: {  	s4 =	sld [smem:$0x3FA1]  }
0x2a: {  	p0 =	seq.s32 s5, $0x0;
	s5 =	sld [smem:$0x3FA2]  }
0x2b: {  	s6 =	sld [smem:$0x3FA3]  }
0x2c: {  	s7 =	sld [smem:$0x3FA4]  }
0x2d: {  	s3 =	simm.s32 $0x108;
	s8 =	sld [smem:$0x3FA5]  }
0x2e: {  	s3 =	simm.s32 @!p0 $0x1082;
	s9 =	sld [smem:$0x3FA6]  }
0x2f: {  	lr =	sadd.s32 s0, s3;
	s0 =	sld [smem:$0x3F9D]  }
0x30: {  	s3 =	sld [smem:$0x3FA0]  }
0x31: {  	[smem:$0x3FA9] =	sst s10  }
0x32: {  	s10 =	sld [smem:$0x3FA7];
	_ =	sdelay $0x3  }
0x33: {  	p0 =	seq.s32 s10, $0x1;
	s10 =	sld [smem:$0x3FA9];
	_ =	sdelay $0x3  }
0x34: {  	[smem:$0x3FA9] =	sst s10  }
0x35: {  	s10 =	sld [smem:$0x3FA8];
	_ =	sdelay $0x3  }
0x36: {  	p1 =	seq.s32 s10, $0x1;
	s10 =	sld [smem:$0x3FA9];
	_ =	sdelay $0x3  }
0x37: {  	[smem:$0x3FA9] =	sst s10  }
0x38: {  	s10 =	sld [smem:$0x3FAA]  }
0x39: {  	_ = 	snop;
	(pc) =	sbr.ind lr, $3  }
0x3a: {  	_ = 	snop  }
0x3b: {  	_ = 	snop  }
0x3c: {  	p2 =	seq.s32 s10, $0x1;
	s10 =	sld [smem:$0x3FA9]  }
0x3d: {  	_ =	shalt  }
0x3e: {  	_ =	shalt  }
0x3f: {  	_ =	shalt  }
0x40: {  	_ =	shalt  }
0x41: {  	_ =	shalt  }
0x42: {  	_ =	shalt  }
0x43: {  	_ =	shalt  }
0x44: {  	_ =	shalt  }
0x45: {  	_ =	shalt  }
0x46: {  	_ =	shalt  }
0x47: {  	_ =	shalt  }
0x48: {  	_ =	shalt  }
0x49: {  	_ =	shalt  }
0x4a: {  	_ =	shalt  }
0x4b: {  	_ =	shalt  }
0x4c: {  	_ =	shalt  }
0x4d: {  	_ =	shalt  }
0x4e: {  	_ =	shalt  }
0x4f: {  	_ =	shalt  }
0x50: {  	_ =	shalt  }
0x51: {  	_ =	shalt  }
0x52: {  	_ =	shalt  }
0x53: {  	_ =	shalt  }
0x54: {  	_ =	shalt  }
0x55: {  	_ =	shalt  }
0x56: {  	_ =	shalt  }
0x57: {  	_ =	shalt  }
0x58: {  	_ =	shalt  }
0x59: {  	_ =	shalt  }
0x5a: {  	_ =	shalt  }
0x5b: {  	_ =	shalt  }
0x5c: {  	_ =	shalt  }
0x5d: {  	_ =	shalt  }
0x5e: {  	_ =	shalt  }
0x5f: {  	_ =	shalt  }
0x60: {  	_ =	shalt  }
0x61: {  	_ =	shalt  }
0x62: {  	_ =	shalt  }
0x63: {  	_ =	shalt  }
0x64: {  	_ =	shalt  }
0x65: {  	_ =	shalt  }
0x66: {  	_ =	shalt  }
0x67: {  	_ =	shalt  }
0x68: {  	_ =	shalt  }
0x69: {  	_ =	shalt  }
0x6a: {  	_ =	shalt  }
0x6b: {  	_ =	shalt  }
0x6c: {  	_ =	shalt  }
0x6d: {  	_ =	shalt  }
0x6e: {  	_ =	shalt  }
0x6f: {  	_ =	shalt  }
0x70: {  	_ =	shalt  }
0x71: {  	_ =	shalt  }
0x72: {  	_ =	shalt  }
0x73: {  	_ =	shalt  }
0x74: {  	_ =	shalt  }
0x75: {  	_ =	shalt  }
0x76: {  	_ =	shalt  }
0x77: {  	_ =	shalt  }
0x78: {  	_ =	shalt  }
0x79: {  	_ =	shalt  }
0x7a: {  	_ =	shalt  }
0x7b: {  	_ =	shalt  }
0x7c: {  	_ =	shalt  }
0x7d: {  	_ =	shalt  }
0x7e: {  	_ =	shalt  }
0x7f: {  	_ =	shalt  }
0x80: {  	_ =	shalt  }
0x81: {  	_ =	shalt  }
0x82: {  	_ =	shalt  }
0x83: {  	_ =	shalt  }
0x84: {  	_ =	shalt  }
0x85: {  	_ =	shalt  }
0x86: {  	_ =	shalt  }
0x87: {  	_ =	shalt  }
.Lfunc_end0:
.L_simem_size_0:
called_computation.10_lowered:
.L_overlay_start_0:
0x88: {  	s2 =	sld [smem:$0x3FD9]  }
0x89: {  	s3 =	sld [smem:$0x3FFE];
	_ =	sdelay $0x1  }
0x8a: {  	s1 =	srdreg.scid  }
0x8b: {  	s0 =	sand.u32 $0x1, s1  }
0x8c: {  	s16 =	sshll.u32 s0, $0xA;
	s2 =	sadd.s32 s3, s2  }
0x8d: {  	s2 =	sadd.s32 s2, s16  }
0x8e: {  	[smem:$0x3FB5] =	sst s2  }
0x8f: {  	_ = 	snop  }
0x90: {  	(tm) =	ssettm $0x1  }
0x91: {  	s17 =	sld [smem:$0x3FFB];
	_ =	sdelay $0x3  }
0x92: {  	_ =	strace s17  }
0x93: {  	s2 =	sld [smem:$0x3FFC];
	_ =	sdelay $0x3  }
0x94: {  	_ =	strace s2  }
0x95: {  	s2 =	sld [smem:$0x3FFD];
	_ =	sdelay $0x3  }
0x96: {  	_ =	strace s2  }
0x97: {  	_ =	strace $0x8FFFFFFF  }
0x98: {  	s18 =	sld [smem:$0x3FDB];
	_ =	sdelay $0x1  }
0x99: {  	s19 =	simm.s32 $_scs_section_size  }
0x9a: {  	s4 =	simm.s32 $_size__tile_overlayer_lowered;
	s5 =	simm.s32 $_tile_overlayer_lowered  }
0x9b: {  	s22 =	simm.s32 $0x1BFF;
	s21 =	sshll.u32 s5, $0x1;
	s2 =	sadd.s32 s19, s18  }
0x9c: {  	s6 =	simm.s32 $0x0;
	s20 =	sshll.u32 s4, $0x1;
	s4 =	sadd.s32 s21, s2  }
0x9d: {  	[timem:s6], [sflag:s22] =	dma.local [hbm:s4], s20  }
0x9e: {  	_ =	swait.ge [sflag:s22], s20  }
0x9f: {  	s3 =	ssub.s32 $0x0, s20;
	[sflag:s22] =	ssyncset.done $0x0  }
0xa0: {  	[sflag:s22] =	ssyncadd.s32 s3;
	_ =	sdelay $0x1  }
0xa1: {  	s23 =	simm.s32 $0x1B8B  }
0xa2: {  	_ =	swait.ge [sflag:s23], $0x1  }
0xa3: {  	[sflag:s23] =	ssyncset.done $0x0  }
0xa4: {  	s25 =	simm.s32 $0x1B8E;
	s24 =	sld [smem:$0x3FFE];
	[sflag:s23] =	ssyncadd.s32 $0xFFFFFFFF  }
0xa5: {  	s26 =	simm.s32 $execute0_lowered;
	[smem:$0x3FD2] =	sst s25  }
0xa6: {  	s4 =	sshll.u32 s26, $0x1;
	_ =	strace $0x8000005E;
	[dreg:$0x1] =	wrdreg $0xFFFFFFFF  }
0xa7: {  	s28 =	simm.s32 $_size_execute0_lowered;
	s2 =	sadd.s32 s2, s4;
	[dreg:$0x0] =	wrdreg $0x0  }
0xa8: {  	s4 =	sshll.u32 s28, $0x1;
	[dreg:$0x2] =	wrdreg s2  }
0xa9: {  	[dreg:$0x3] =	wrdreg s4  }
0xaa: {  	[dreg:$0x4] =	wrdreg $0xC0  }
0xab: {  	_ =	task [dreg:s6], $0x5FFFF  }
0xac: {  	[dreg:$0x1] =	wrdreg $0xFFFFFFFF  }
0xad: {  	[dreg:$0x0] =	wrdreg $0x60  }
0xae: {  	[dreg:$0x2] =	wrdreg s24  }
0xaf: {  	[dreg:$0x3] =	wrdreg $0x9  }
0xb0: {  	_ =	task.clear_ibuf [dreg:s6], $0x4FFFF;
	_ =	strace $0x9000005E  }
0xb1: {  	s29 =	simm.s32 $0x9;
	_ =	strace $0x80000060  }
0xb2: {  	_ =	swait.ge [sflag:s29], $0x1  }
0xb3: {  	[sflag:s29] =	ssyncadd.s32 $0xFFFFFFFF  }
0xb4: {  	_ =	strace $0x90000060  }
0xb5: {  	_ =	sfence  }
0xb6: {  	s30 =	sld [smem:$0x0];
	_ =	sdelay $0x2  }
0xb7: {  	s31 =	sshll.u32 s1, $0xD;
	s1 =	sshrl.u32 s1, $0x2  }
0xb8: {  	s3 =	sand.u32 $0x4000, s31;
	s1 =	sadd.s32 s1, s30  }
0xb9: {  	s0 =	sor.u32 s3, s0;
	s1 =	sshll.u32 s1, $0x11  }
0xba: {  	s0 =	sor.u32 s1, s0  }
0xbb: {  	s0 =	sadd.s32 $0x8F2B, s0  }
0xbc: {  	[sflag:s0] =	ssyncadd.remote.s32 $0x1  }
0xbd: {  	_ =	sfence.sel $0xFFFF  }
0xbe: {  	[dreg:$0x0] =	wrdreg $0xFFFFFFFF;
	(pc) =	sbr.abs _section_cstart, $3  }
0xbf: {  	[dreg:$0x1] =	wrdreg $0xFFFFFFFF  }
0xc0: {  	_ =	task.clear_ibuf [dreg:s6], $0x2FFFF;
	_ =	strace $0x9FFFFFFF  }
0xc1: {  	(tm) =	ssettm $0x7FFFFFFF  }
tec
execute0_lowered:
.L_overlay_start_1:
0x0: {  	(tag) =	ssettag $0x1  }
0x1: {  	s7 =	rddreg [dreg:$0x0]  }
0x2: {  	s1 =	srdreg.scid;
	s0 =	rddreg [dreg:$0x1]  }
0x3: {  	_ =	strace $0x8000005F;
	s3 =	simm.s32 $0x1;
	s5 =	simm.s32 $0x2  }
0x4: {  	s9 =	simm.s32 $0x3;
	s12 =	simm.s32 $0x0;
	s2 =	sshll.u32 s1, $0x4  }
.Ltmp0:
0x5: {  	s1 =	stileid.u32;
	s4 =	sand.u32 $0x10, s2;
	(pc) =	sbr.rel .LBB2_1-.Ltmp0, $4  }
0x6: {  	s10 =	simm.s32 $0x0;
	[sflag:s3] =	ssyncpa.u1 $0x0;
	s4 =	sor.u32 s1, s4  }
0x7: {  	s6 =	sadd.s32 $0x566200, s7;
	[sflag:s5] =	ssyncpa.u1 $0x0;
	s4 =	smul.u32 $0x60, s4  }
0x8: {  	s2 =	sadd.s32 $0x1CA6A00, s7;
	s7 =	sadd.s32 $0x1C77200, s7;
	[sflag:s9] =	ssyncpa.u1 $0x0  }
0x9: {  	vm0 =	vmmov $0xff;
	vm1 =	vcmask $0x3F20;
	s9 =	simm.s32 $0x60;
	s8 =	sadd.s32 $0x60, s4;
	s11 =	smov.u32 s4  }
.LBB2_10:
0xa: {  	s12 =	sshrl.u32 s11, $0x3  }
0xb: {  	s13 =	sand.u32 $0x7, s11;
	s12 =	sadd.s32 s6, s12  }
0xc: {  	[tilespmem:s9], [sflag:$0x2] =	stream.linear.gather [hbm4b:s12+s13], $0x60, $0x38;
	[tilespmem:$0x60C0] =	vst v63  }
.LBB2_8:
0xd: {  	s12 =	sadd.s32 $0x60, s11  }
0xe: {  	s13 =	smov.u32 s4;
	p0 =	slt.s32 s12, s8  }
0xf: {  	s13 =	smov.u32 @p0 s12  }
0x10: {  	s10 =	sadd.s32 $0x1, s10;
	s12 =	smov.u32 s11;
	s11 =	smov.u32 s13  }
.LBB2_1:
0x11: {  	p0 =	seq.s32 s10, $0x0  }
.Ltmp1:
0x12: {  	_ = 	snop;
	(pc) =	sbr.rel @p0 .LBB2_10-.Ltmp1, $1  }
0x13: {  	_ =	sdelay $0x3  }
0x14: {  	p0 =	seq.s32 s10, $0x1  }
.Ltmp2:
0x15: {  	_ = 	snop;
	(pc) =	sbr.rel @!p0 .LBB2_9-.Ltmp2, $1  }
0x16: {  	_ =	sdelay $0x3  }
0x17: {  	_ =	swait.ge [sflag:s5], $0x60  }
0x18: {  	[sflag:s5] =	ssyncset.done $0x0  }
0x19: {  	s13 =	simm.s32 $0x0;
	[sflag:s5] =	ssyncadd.s32 $0xFFFFFFA0  }
0x1a: {  	v0 =	vld.msk [tilespmem:s13+$0x60 ss:$0x1], $0xffff;
	_ =	sdelay $0x4  }
0x1b: {  	vm2 =	vgt.s32 v0, $0x0  }
0x1c: {  	v0 =	vnsel vm2, $0x0, v0  }
0x1d: {  	v0 =	vmin.u32 v0, $0x11FF  }
0x1e: {  	v0 =	vshll.u32 v0, $0x4;
	_ =	sdelay $0x3  }
0x1f: {  	s13 =	simm.s32 $0x30C0  }
0x20: {  	[tilespmem:s13], [sflag:$0x1] =	stream.indirect_vreg.gather [hbm:s2], $0x80, v0, vm0, $0x38;
	[tilespmem:$0x60C0] =	vst v63  }
0x21: {  	s14 =	simm.s32 $0x34C0;
	s31 =	simm.s32 $0x10  }
0x22: {  	[tilespmem:s14], [sflag:$0x1] =	stream.indirect_vreg.gather [hbm:s2], $0x80, v0, vm1, $0x38;
	[tilespmem:$0x60C0] =	vst v63  }
0x23: {  	s14 =	simm.s32 $0x80;
	v0 =	vld.msk [tilespmem:s31+$0x60 ss:$0x1], $0xffff  }
.LBB2_4:
0x24: {  	p0 =	sne.s32 s14, $0x140;
	_ =	sdelay $0x4  }
0x25: {  	vm2 =	vgt.s32 v0, $0x0  }
0x26: {  	v0 =	vnsel vm2, $0x0, v0  }
0x27: {  	v0 =	vmin.u32 v0, $0x11FF  }
0x28: {  	v0 =	vshll.u32 v0, $0x4;
	_ =	sdelay $0x3  }
.Ltmp3:
0x29: {  	s13 =	sadd.s32 $0x800, s13;
	(pc) =	sbr.rel @p0 .LBB2_4-.Ltmp3, $4  }
0x2a: {  	[tilespmem:s13], [sflag:$0x1] =	stream.indirect_vreg.gather [hbm:s2], $0x80, v0, vm0, $0x38;
	[tilespmem:$0x60C0] =	vst v63  }
0x2b: {  	s15 =	sshra.s32 s14, $0x2;
	s16 =	sadd.s32 $0x400, s13  }
0x2c: {  	[tilespmem:s16], [sflag:$0x1] =	stream.indirect_vreg.gather [hbm:s2], $0x80, v0, vm1, $0x38;
	[tilespmem:$0x60C0] =	vst v63  }
0x2d: {  	s14 =	sadd.s32 $0x40, s14;
	v0 =	vld.msk [tilespmem:s15+$0x60 ss:$0x1], $0xffff  }
0x2e: {  	_ =	sdelay $0x3  }
0x2f: {  	vm2 =	vgt.s32 v0, $0x0  }
0x30: {  	v0 =	vnsel vm2, $0x0, v0  }
0x31: {  	v0 =	vmin.u32 v0, $0x11FF  }
0x32: {  	v0 =	vshll.u32 v0, $0x4;
	_ =	sdelay $0x3  }
0x33: {  	s13 =	sadd.s32 $0x800, s13  }
0x34: {  	[tilespmem:s13], [sflag:$0x1] =	stream.indirect_vreg.gather [hbm:s2], $0x80, v0, vm0, $0x38;
	[tilespmem:$0x60C0] =	vst v63  }
0x35: {  	s13 =	sadd.s32 $0x400, s13  }
0x36: {  	[tilespmem:s13], [sflag:$0x1] =	stream.indirect_vreg.gather [hbm:s2], $0x80, v0, vm1, $0x38;
	[tilespmem:$0x60C0] =	vst v63  }
0x37: {  	s12 =	sshll.u32 s12, $0x4;
	s14 =	simm.s32 $0x80;
	_ =	swait.ge [sflag:s3], $0x3000  }
0x38: {  	s15 =	simm.s32 $0x34C0;
	s12 =	sadd.s32 s12, s7;
	[sflag:s3] =	ssyncset.done $0x0  }
0x39: {  	s16 =	sadd.s32 $0x0, s12;
	s13 =	simm.s32 $0x30C0;
	[sflag:s3] =	ssyncadd.s32 $0xFFFFD000  }
.LBB2_6:
0x3a: {  	[hbm:s16] =	stream.linear.scatter [tilespmem:s13], [sflag:$0x3], $0x400, $0x38;
	[tilespmem:$0x60C0] =	vst v63  }
0x3b: {  	s16 =	smov.u32 s14;
	s13 =	smov.u32 s15;
	p0 =	seq.s32 s14, $0x580  }
.Ltmp4:
0x3c: {  	s14 =	sadd.s32 $0x80, s14;
	(pc) =	sbr.rel @!p0 .LBB2_6-.Ltmp4, $2  }
0x3d: {  	_ =	sdelay $0x2  }
0x3e: {  	s15 =	sadd.s32 $0x400, s15;
	s16 =	sadd.s32 s16, s12  }
.Ltmp5:
0x3f: {  	(pc) =	sbr.rel .LBB2_8-.Ltmp5, $2  }
0x40: {  	_ =	sdelay $0x2  }
0x41: {  	[hbm:s16] =	stream.linear.scatter [tilespmem:s13], [sflag:$0x3], $0x400, $0x38;
	[tilespmem:$0x60C0] =	vst v63  }
.LBB2_9:
0x42: {  	s2 =	simm.s32 $0x3  }
0x43: {  	_ =	swait.ge [sflag:s2], $0x3000  }
0x44: {  	[sflag:s2] =	ssyncset.done $0x0  }
0x45: {  	[sflag:s2] =	ssyncadd.s32 $0xFFFFD000  }
0x46: {  	_ =	sfence.sel $0x180000  }
0x47: {  	s3 =	simm.s32 $0x2;
	[bflag:$0x0] =	sbarrier.arrive $0xFFFF  }
0x48: {  	[sflag:s3] =	ssyncpa.u1 $0x1  }
0x49: {  	s31 =	simm.s32 $0x1;
	[sflag:s2] =	ssyncpa.u1 $0x1  }
0x4a: {  	[sflag:s31] =	ssyncpa.u1 $0x1  }
0x4b: {  	p0 =	sne.s32 s1, $0x0;
	_ =	strace $0x9000005F  }
0x4c: {  	s0 =	sadd.s32 @!p0 $0x100000, s0;
	[bflag:$0x2] =	sbarrier.arrive $0xFFFF  }
0x4d: {  	[sflag:s0] =	ssyncadd.tile.s32 @!p0 $0x1;
	_ =	shalt  }
.Lfunc_end2:
_tile_overlayer_lowered:
.L_overlay_start_2:
0x4e: {  	(tag) =	ssettag $0x2  }
0x4f: {  	s0 =	rddreg [dreg:$0x0];
	s2 =	stileid.u32  }
0x50: {  	s1 =	rddreg [dreg:$0x1];
	p0 =	sne.s32 s2, $0x0  }
0x51: {  	s3 =	rddreg [dreg:$0x2];
	[bflag:$0x3] =	sbarrier.arrive $0xFFFF;
	s2 =	simm.s32 @!p0 $0x1C01  }
0x52: {  	[timem:s3], [sflag:s2] =	dma.local @!p0 [hbm:s0], s1  }
0x53: {  	s0 =	simm.s32 @!p0 $0x1  }
0x54: {  	_ =	swait.ge @!p0 [sflag:s0], s1  }
0x55: {  	s1 =	ssub.s32 @!p0 $0x0, s1;
	[sflag:s0] =	ssyncset.done @!p0 $0x0  }
0x56: {  	[sflag:s0] =	ssyncadd.s32 @!p0 s1  }
0x57: {  	[bflag:$0x3] =	sbarrier.arrive $0xFFFF  }
0x58: {  	_ =	shalt  }

// kernel: gather_offload_async_start
scs
__scs_entry_jumppad:
0x0: {  	(pc) =	sbr.rel $0x88, $3  }
0x1: {  	(tag) =	ssettag $0x0;
	lr =	simm.s32 $0x1  }
0x2: {  	[smem:$0x3F8E] =	sst lr;
	_ =	strace $0xD0000000  }
0x3: {  	_ = 	snop  }
0x4: {  	_ = 	snop  }
0x5: {  	_ = 	snop  }
0x6: {  	_ = 	snop  }
0x7: {  	_ = 	snop  }
__scs_overlays_trampoline_lowered:
0x8: {  	[smem:$0x3F9D] =	sst s0  }
0x9: {  	[smem:$0x3F9E] =	sst s1  }
0xa: {  	[smem:$0x3F9F] =	sst s2  }
0xb: {  	[smem:$0x3FA0] =	sst s3  }
0xc: {  	[smem:$0x3FA1] =	sst s4  }
0xd: {  	[smem:$0x3FA2] =	sst s5  }
0xe: {  	[smem:$0x3FA3] =	sst s6  }
0xf: {  	[smem:$0x3FA4] =	sst s7  }
0x10: {  	[smem:$0x3FA5] =	sst s8  }
0x11: {  	[smem:$0x3FA6] =	sst s9;
	s0 =	simm.s32 @!p0 $0x0  }
0x12: {  	s1 =	sld [smem:$0x3F8C];
	s0 =	simm.s32 @p0 $0x1  }
0x13: {  	[smem:$0x3FA7] =	sst s0;
	s0 =	simm.s32 @!p1 $0x0  }
0x14: {  	s2 =	sld [smem:$0x3F8B];
	s0 =	simm.s32 @p1 $0x1  }
0x15: {  	[smem:$0x3FA8] =	sst s0;
	s0 =	simm.s32 @!p2 $0x0  }
0x16: {  	s3 =	sld [smem:$0x3FDB];
	s0 =	simm.s32 @p2 $0x1  }
0x17: {  	s4 =	simm.s32 $0x1BF5;
	[smem:$0x3FAA] =	sst s0  }
0x18: {  	s0 =	sld [smem:$0x3F8D];
	_ =	swait.ge [sflag:s4], $0x0  }
0x19: {  	s7 =	sld [smem:$0x3F8E]  }
0x1a: {  	s8 =	sadd.s32 $0xFFFFE003, lr  }
0x1b: {  	s9 =	sadd.s32 $0xFFFFFEF7, lr;
	s5 =	simm.s32 $0xFFFFFFFF;
	p2 =	slt.u32 s8, $0xFFFFF086  }
0x1c: {  	p1 =	slt.u32 s9, $0xF7A;
	s5 =	simm.s32 @!p2 $0x0  }
0x1d: {  	s5 =	simm.s32 @p1 $0x1;
	p0 =	seq.s32 s7, s2  }
0x1e: {  	s7 =	smul.u32 @!p0 $0xF7A, s2;
	p2 =	seq.s32 @!p0 s5, $0x0  }
0x1f: {  	s9 =	smul.u32 $0xF7A, s1;
	s8 =	simm.s32 @!p0 $0x1BF5;
	p2 =	por !p2, p0  }
0x20: {  	[sflag:s8] =	ssyncset.s32 @!p0 $0xFFFFF086;
	s6 =	sadd.s32 @!p0 s3, s7;
	s7 =	simm.s32 @!p0 $0x108  }
0x21: {  	s3 =	sadd.s32 s3, s9;
	s6 =	sadd.s32 @!p0 $0x88, s6;
	s7 =	simm.s32 @p2 $0x1082  }
0x22: {  	[simem:s7], [sflag:s8] =	dma.local @!p0 [hbm:s6], $0xF7A  }
0x23: {  	s9 =	sor.u32 $0xD0000000, s2;
	s6 =	simm.s32 $0x108;
	_ =	swait.ge @!p0 [sflag:s8], $0x0  }
0x24: {  	s3 =	sadd.s32 $0x88, s3;
	s6 =	simm.s32 @!p1 $0x1082;
	[sflag:s4] =	ssyncset.s32 $0xFFFFF086  }
0x25: {  	[simem:s6], [sflag:s4] =	dma.local [hbm:s3], $0xF7A  }
0x26: {  	[smem:$0x3F8E] =	sst s1;
	(tag) =	ssettag s2;
	_ =	strace s9  }
0x27: {  	s1 =	sld [smem:$0x3F9E]  }
0x28: {  	s2 =	sld [smem:$0x3F9F]  }
0x29: {  	s4 =	sld [smem:$0x3FA1]  }
0x2a: {  	p0 =	seq.s32 s5, $0x0;
	s5 =	sld [smem:$0x3FA2]  }
0x2b: {  	s6 =	sld [smem:$0x3FA3]  }
0x2c: {  	s7 =	sld [smem:$0x3FA4]  }
0x2d: {  	s3 =	simm.s32 $0x108;
	s8 =	sld [smem:$0x3FA5]  }
0x2e: {  	s3 =	simm.s32 @!p0 $0x1082;
	s9 =	sld [smem:$0x3FA6]  }
0x2f: {  	lr =	sadd.s32 s0, s3;
	s0 =	sld [smem:$0x3F9D]  }
0x30: {  	s3 =	sld [smem:$0x3FA0]  }
0x31: {  	[smem:$0x3FA9] =	sst s10  }
0x32: {  	s10 =	sld [smem:$0x3FA7];
	_ =	sdelay $0x3  }
0x33: {  	p0 =	seq.s32 s10, $0x1;
	s10 =	sld [smem:$0x3FA9];
	_ =	sdelay $0x3  }
0x34: {  	[smem:$0x3FA9] =	sst s10  }
0x35: {  	s10 =	sld [smem:$0x3FA8];
	_ =	sdelay $0x3  }
0x36: {  	p1 =	seq.s32 s10, $0x1;
	s10 =	sld [smem:$0x3FA9];
	_ =	sdelay $0x3  }
0x37: {  	[smem:$0x3FA9] =	sst s10  }
0x38: {  	s10 =	sld [smem:$0x3FAA]  }
0x39: {  	_ = 	snop;
	(pc) =	sbr.ind lr, $3  }
0x3a: {  	_ = 	snop  }
0x3b: {  	_ = 	snop  }
0x3c: {  	p2 =	seq.s32 s10, $0x1;
	s10 =	sld [smem:$0x3FA9]  }
0x3d: {  	_ =	shalt  }
0x3e: {  	_ =	shalt  }
0x3f: {  	_ =	shalt  }
0x40: {  	_ =	shalt  }
0x41: {  	_ =	shalt  }
0x42: {  	_ =	shalt  }
0x43: {  	_ =	shalt  }
0x44: {  	_ =	shalt  }
0x45: {  	_ =	shalt  }
0x46: {  	_ =	shalt  }
0x47: {  	_ =	shalt  }
0x48: {  	_ =	shalt  }
0x49: {  	_ =	shalt  }
0x4a: {  	_ =	shalt  }
0x4b: {  	_ =	shalt  }
0x4c: {  	_ =	shalt  }
0x4d: {  	_ =	shalt  }
0x4e: {  	_ =	shalt  }
0x4f: {  	_ =	shalt  }
0x50: {  	_ =	shalt  }
0x51: {  	_ =	shalt  }
0x52: {  	_ =	shalt  }
0x53: {  	_ =	shalt  }
0x54: {  	_ =	shalt  }
0x55: {  	_ =	shalt  }
0x56: {  	_ =	shalt  }
0x57: {  	_ =	shalt  }
0x58: {  	_ =	shalt  }
0x59: {  	_ =	shalt  }
0x5a: {  	_ =	shalt  }
0x5b: {  	_ =	shalt  }
0x5c: {  	_ =	shalt  }
0x5d: {  	_ =	shalt  }
0x5e: {  	_ =	shalt  }
0x5f: {  	_ =	shalt  }
0x60: {  	_ =	shalt  }
0x61: {  	_ =	shalt  }
0x62: {  	_ =	shalt  }
0x63: {  	_ =	shalt  }
0x64: {  	_ =	shalt  }
0x65: {  	_ =	shalt  }
0x66: {  	_ =	shalt  }
0x67: {  	_ =	shalt  }
0x68: {  	_ =	shalt  }
0x69: {  	_ =	shalt  }
0x6a: {  	_ =	shalt  }
0x6b: {  	_ =	shalt  }
0x6c: {  	_ =	shalt  }
0x6d: {  	_ =	shalt  }
0x6e: {  	_ =	shalt  }
0x6f: {  	_ =	shalt  }
0x70: {  	_ =	shalt  }
0x71: {  	_ =	shalt  }
0x72: {  	_ =	shalt  }
0x73: {  	_ =	shalt  }
0x74: {  	_ =	shalt  }
0x75: {  	_ =	shalt  }
0x76: {  	_ =	shalt  }
0x77: {  	_ =	shalt  }
0x78: {  	_ =	shalt  }
0x79: {  	_ =	shalt  }
0x7a: {  	_ =	shalt  }
0x7b: {  	_ =	shalt  }
0x7c: {  	_ =	shalt  }
0x7d: {  	_ =	shalt  }
0x7e: {  	_ =	shalt  }
0x7f: {  	_ =	shalt  }
0x80: {  	_ =	shalt  }
0x81: {  	_ =	shalt  }
0x82: {  	_ =	shalt  }
0x83: {  	_ =	shalt  }
0x84: {  	_ =	shalt  }
0x85: {  	_ =	shalt  }
0x86: {  	_ =	shalt  }
0x87: {  	_ =	shalt  }
.Lfunc_end0:
.L_simem_size_0:
called_computation.1_lowered:
.L_overlay_start_0:
0x88: {  	s2 =	sld [smem:$0x3FD9]  }
0x89: {  	s3 =	sld [smem:$0x3FFE];
	_ =	sdelay $0x1  }
0x8a: {  	s1 =	srdreg.scid  }
0x8b: {  	s0 =	sand.u32 $0x1, s1  }
0x8c: {  	s16 =	sshll.u32 s0, $0xA;
	s2 =	sadd.s32 s3, s2  }
0x8d: {  	s2 =	sadd.s32 s2, s16  }
0x8e: {  	[smem:$0x3FB5] =	sst s2  }
0x8f: {  	_ = 	snop  }
0x90: {  	(tm) =	ssettm $0x1  }
0x91: {  	s17 =	sld [smem:$0x3FFB];
	_ =	sdelay $0x3  }
0x92: {  	_ =	strace s17  }
0x93: {  	s2 =	sld [smem:$0x3FFC];
	_ =	sdelay $0x3  }
0x94: {  	_ =	strace s2  }
0x95: {  	s2 =	sld [smem:$0x3FFD];
	_ =	sdelay $0x3  }
0x96: {  	_ =	strace s2  }
0x97: {  	_ =	strace $0x8FFFFFFF  }
0x98: {  	s18 =	sld [smem:$0x3FDB];
	_ =	sdelay $0x1  }
0x99: {  	s19 =	simm.s32 $_scs_section_size  }
0x9a: {  	s4 =	simm.s32 $_size__tile_overlayer_lowered;
	s5 =	simm.s32 $_tile_overlayer_lowered  }
0x9b: {  	s22 =	simm.s32 $0x1BFF;
	s21 =	sshll.u32 s5, $0x1;
	s2 =	sadd.s32 s19, s18  }
0x9c: {  	s6 =	simm.s32 $0x0;
	s20 =	sshll.u32 s4, $0x1;
	s4 =	sadd.s32 s21, s2  }
0x9d: {  	[timem:s6], [sflag:s22] =	dma.local [hbm:s4], s20  }
0x9e: {  	_ =	swait.ge [sflag:s22], s20  }
0x9f: {  	s3 =	ssub.s32 $0x0, s20;
	[sflag:s22] =	ssyncset.done $0x0  }
0xa0: {  	[sflag:s22] =	ssyncadd.s32 s3;
	_ =	sdelay $0x1  }
0xa1: {  	s23 =	simm.s32 $0x1B8B  }
0xa2: {  	_ =	swait.ge [sflag:s23], $0x1  }
0xa3: {  	[sflag:s23] =	ssyncset.done $0x0  }
0xa4: {  	s25 =	simm.s32 $0x1B8E;
	s24 =	sld [smem:$0x3FFE];
	[sflag:s23] =	ssyncadd.s32 $0xFFFFFFFF  }
0xa5: {  	s26 =	simm.s32 $execute0_lowered;
	[smem:$0x3FD2] =	sst s25  }
0xa6: {  	s4 =	sshll.u32 s26, $0x1;
	_ =	strace $0x80000052;
	[dreg:$0x1] =	wrdreg $0xFFFFFFFF  }
0xa7: {  	s28 =	simm.s32 $_size_execute0_lowered;
	s2 =	sadd.s32 s2, s4;
	[dreg:$0x0] =	wrdreg $0x0  }
0xa8: {  	s4 =	sshll.u32 s28, $0x1;
	[dreg:$0x2] =	wrdreg s2  }
0xa9: {  	[dreg:$0x3] =	wrdreg s4  }
0xaa: {  	[dreg:$0x4] =	wrdreg $0xC0  }
0xab: {  	_ =	task [dreg:s6], $0x5FFFF  }
0xac: {  	[dreg:$0x1] =	wrdreg $0xFFFFFFFF  }
0xad: {  	[dreg:$0x0] =	wrdreg $0x60  }
0xae: {  	[dreg:$0x2] =	wrdreg s24  }
0xaf: {  	[dreg:$0x3] =	wrdreg $0x9  }
0xb0: {  	_ =	task.clear_ibuf [dreg:s6], $0x4FFFF;
	_ =	strace $0x90000052  }
0xb1: {  	s29 =	simm.s32 $0x9;
	_ =	strace $0x80000054  }
0xb2: {  	_ =	swait.ge [sflag:s29], $0x1  }
0xb3: {  	[sflag:s29] =	ssyncadd.s32 $0xFFFFFFFF  }
0xb4: {  	_ =	strace $0x90000054  }
0xb5: {  	_ =	sfence  }
0xb6: {  	s30 =	sld [smem:$0x0];
	_ =	sdelay $0x2  }
0xb7: {  	s31 =	sshll.u32 s1, $0xD;
	s1 =	sshrl.u32 s1, $0x2  }
0xb8: {  	s3 =	sand.u32 $0x4000, s31;
	s1 =	sadd.s32 s1, s30  }
0xb9: {  	s0 =	sor.u32 s3, s0;
	s1 =	sshll.u32 s1, $0x11  }
0xba: {  	s0 =	sor.u32 s1, s0  }
0xbb: {  	s0 =	sadd.s32 $0x8F2B, s0  }
0xbc: {  	[sflag:s0] =	ssyncadd.remote.s32 $0x1  }
0xbd: {  	_ =	sfence.sel $0xFFFF  }
0xbe: {  	[dreg:$0x0] =	wrdreg $0xFFFFFFFF;
	(pc) =	sbr.abs _section_cstart, $3  }
0xbf: {  	[dreg:$0x1] =	wrdreg $0xFFFFFFFF  }
0xc0: {  	_ =	task.clear_ibuf [dreg:s6], $0x2FFFF;
	_ =	strace $0x9FFFFFFF  }
0xc1: {  	(tm) =	ssettm $0x7FFFFFFF  }
tec
execute0_lowered:
.L_overlay_start_1:
0x0: {  	(tag) =	ssettag $0x1  }
0x1: {  	s7 =	rddreg [dreg:$0x0]  }
0x2: {  	s1 =	srdreg.scid;
	s0 =	rddreg [dreg:$0x1]  }
0x3: {  	_ =	strace $0x80000053;
	s3 =	simm.s32 $0x1;
	s5 =	simm.s32 $0x2  }
0x4: {  	s9 =	simm.s32 $0x3;
	s12 =	simm.s32 $0x0;
	s2 =	sshll.u32 s1, $0x4  }
.Ltmp0:
0x5: {  	s1 =	stileid.u32;
	s4 =	sand.u32 $0x10, s2;
	(pc) =	sbr.rel .LBB2_1-.Ltmp0, $4  }
0x6: {  	s10 =	simm.s32 $0x0;
	[sflag:s3] =	ssyncpa.u1 $0x0;
	s4 =	sor.u32 s1, s4  }
0x7: {  	s6 =	sadd.s32 $0x565800, s7;
	[sflag:s5] =	ssyncpa.u1 $0x0;
	s4 =	smul.u32 $0x60, s4  }
0x8: {  	s2 =	sadd.s32 $0x566600, s7;
	s7 =	sadd.s32 $0x1C83200, s7;
	[sflag:s9] =	ssyncpa.u1 $0x0  }
0x9: {  	vm0 =	vmmov $0xff;
	vm1 =	vcmask $0x3F20;
	s9 =	simm.s32 $0x60;
	s8 =	sadd.s32 $0x60, s4;
	s11 =	smov.u32 s4  }
.LBB2_10:
0xa: {  	s12 =	sshrl.u32 s11, $0x3  }
0xb: {  	s13 =	sand.u32 $0x7, s11;
	s12 =	sadd.s32 s6, s12  }
0xc: {  	[tilespmem:s9], [sflag:$0x2] =	stream.linear.gather [hbm4b:s12+s13], $0x60, $0x38;
	[tilespmem:$0x60C0] =	vst v63  }
.LBB2_8:
0xd: {  	s12 =	sadd.s32 $0x60, s11  }
0xe: {  	s13 =	smov.u32 s4;
	p0 =	slt.s32 s12, s8  }
0xf: {  	s13 =	smov.u32 @p0 s12  }
0x10: {  	s10 =	sadd.s32 $0x1, s10;
	s12 =	smov.u32 s11;
	s11 =	smov.u32 s13  }
.LBB2_1:
0x11: {  	p0 =	seq.s32 s10, $0x0  }
.Ltmp1:
0x12: {  	_ = 	snop;
	(pc) =	sbr.rel @p0 .LBB2_10-.Ltmp1, $1  }
0x13: {  	_ =	sdelay $0x3  }
0x14: {  	p0 =	seq.s32 s10, $0x1  }
.Ltmp2:
0x15: {  	_ = 	snop;
	(pc) =	sbr.rel @!p0 .LBB2_9-.Ltmp2, $1  }
0x16: {  	_ =	sdelay $0x3  }
0x17: {  	_ =	swait.ge [sflag:s5], $0x60  }
0x18: {  	[sflag:s5] =	ssyncset.done $0x0  }
0x19: {  	s13 =	simm.s32 $0x0;
	[sflag:s5] =	ssyncadd.s32 $0xFFFFFFA0  }
0x1a: {  	v0 =	vld.msk [tilespmem:s13+$0x60 ss:$0x1], $0xffff;
	_ =	sdelay $0x4  }
0x1b: {  	vm2 =	vgt.s32 v0, $0x0  }
0x1c: {  	v0 =	vnsel vm2, $0x0, v0  }
0x1d: {  	v0 =	vmin.u32 v0, $0x77FF  }
0x1e: {  	v0 =	vshll.u32 v0, $0x4;
	_ =	sdelay $0x3  }
0x1f: {  	s13 =	simm.s32 $0x30C0  }
0x20: {  	[tilespmem:s13], [sflag:$0x1] =	stream.indirect_vreg.gather [hbm:s2], $0x80, v0, vm0, $0x38;
	[tilespmem:$0x60C0] =	vst v63  }
0x21: {  	s14 =	simm.s32 $0x34C0;
	s31 =	simm.s32 $0x10  }
0x22: {  	[tilespmem:s14], [sflag:$0x1] =	stream.indirect_vreg.gather [hbm:s2], $0x80, v0, vm1, $0x38;
	[tilespmem:$0x60C0] =	vst v63  }
0x23: {  	s14 =	simm.s32 $0x80;
	v0 =	vld.msk [tilespmem:s31+$0x60 ss:$0x1], $0xffff  }
.LBB2_4:
0x24: {  	p0 =	sne.s32 s14, $0x140;
	_ =	sdelay $0x4  }
0x25: {  	vm2 =	vgt.s32 v0, $0x0  }
0x26: {  	v0 =	vnsel vm2, $0x0, v0  }
0x27: {  	v0 =	vmin.u32 v0, $0x77FF  }
0x28: {  	v0 =	vshll.u32 v0, $0x4;
	_ =	sdelay $0x3  }
.Ltmp3:
0x29: {  	s13 =	sadd.s32 $0x800, s13;
	(pc) =	sbr.rel @p0 .LBB2_4-.Ltmp3, $4  }
0x2a: {  	[tilespmem:s13], [sflag:$0x1] =	stream.indirect_vreg.gather [hbm:s2], $0x80, v0, vm0, $0x38;
	[tilespmem:$0x60C0] =	vst v63  }
0x2b: {  	s15 =	sshra.s32 s14, $0x2;
	s16 =	sadd.s32 $0x400, s13  }
0x2c: {  	[tilespmem:s16], [sflag:$0x1] =	stream.indirect_vreg.gather [hbm:s2], $0x80, v0, vm1, $0x38;
	[tilespmem:$0x60C0] =	vst v63  }
0x2d: {  	s14 =	sadd.s32 $0x40, s14;
	v0 =	vld.msk [tilespmem:s15+$0x60 ss:$0x1], $0xffff  }
0x2e: {  	_ =	sdelay $0x3  }
0x2f: {  	vm2 =	vgt.s32 v0, $0x0  }
0x30: {  	v0 =	vnsel vm2, $0x0, v0  }
0x31: {  	v0 =	vmin.u32 v0, $0x77FF  }
0x32: {  	v0 =	vshll.u32 v0, $0x4;
	_ =	sdelay $0x3  }
0x33: {  	s13 =	sadd.s32 $0x800, s13  }
0x34: {  	[tilespmem:s13], [sflag:$0x1] =	stream.indirect_vreg.gather [hbm:s2], $0x80, v0, vm0, $0x38;
	[tilespmem:$0x60C0] =	vst v63  }
0x35: {  	s13 =	sadd.s32 $0x400, s13  }
0x36: {  	[tilespmem:s13], [sflag:$0x1] =	stream.indirect_vreg.gather [hbm:s2], $0x80, v0, vm1, $0x38;
	[tilespmem:$0x60C0] =	vst v63  }
0x37: {  	s12 =	sshll.u32 s12, $0x4;
	s14 =	simm.s32 $0x80;
	_ =	swait.ge [sflag:s3], $0x3000  }
0x38: {  	s15 =	simm.s32 $0x34C0;
	s12 =	sadd.s32 s12, s7;
	[sflag:s3] =	ssyncset.done $0x0  }
0x39: {  	s16 =	sadd.s32 $0x0, s12;
	s13 =	simm.s32 $0x30C0;
	[sflag:s3] =	ssyncadd.s32 $0xFFFFD000  }
.LBB2_6:
0x3a: {  	[hbm:s16] =	stream.linear.scatter [tilespmem:s13], [sflag:$0x3], $0x400, $0x38;
	[tilespmem:$0x60C0] =	vst v63  }
0x3b: {  	s16 =	smov.u32 s14;
	s13 =	smov.u32 s15;
	p0 =	seq.s32 s14, $0x580  }
.Ltmp4:
0x3c: {  	s14 =	sadd.s32 $0x80, s14;
	(pc) =	sbr.rel @!p0 .LBB2_6-.Ltmp4, $2  }
0x3d: {  	_ =	sdelay $0x2  }
0x3e: {  	s15 =	sadd.s32 $0x400, s15;
	s16 =	sadd.s32 s16, s12  }
.Ltmp5:
0x3f: {  	(pc) =	sbr.rel .LBB2_8-.Ltmp5, $2  }
0x40: {  	_ =	sdelay $0x2  }
0x41: {  	[hbm:s16] =	stream.linear.scatter [tilespmem:s13], [sflag:$0x3], $0x400, $0x38;
	[tilespmem:$0x60C0] =	vst v63  }
.LBB2_9:
0x42: {  	s2 =	simm.s32 $0x3  }
0x43: {  	_ =	swait.ge [sflag:s2], $0x3000  }
0x44: {  	[sflag:s2] =	ssyncset.done $0x0  }
0x45: {  	[sflag:s2] =	ssyncadd.s32 $0xFFFFD000  }
0x46: {  	_ =	sfence.sel $0x180000  }
0x47: {  	s3 =	simm.s32 $0x2;
	[bflag:$0x0] =	sbarrier.arrive $0xFFFF  }
0x48: {  	[sflag:s3] =	ssyncpa.u1 $0x1  }
0x49: {  	s31 =	simm.s32 $0x1;
	[sflag:s2] =	ssyncpa.u1 $0x1  }
0x4a: {  	[sflag:s31] =	ssyncpa.u1 $0x1  }
0x4b: {  	p0 =	sne.s32 s1, $0x0;
	_ =	strace $0x90000053  }
0x4c: {  	s0 =	sadd.s32 @!p0 $0x100000, s0;
	[bflag:$0x2] =	sbarrier.arrive $0xFFFF  }
0x4d: {  	[sflag:s0] =	ssyncadd.tile.s32 @!p0 $0x1;
	_ =	shalt  }
.Lfunc_end2:
_tile_overlayer_lowered:
.L_overlay_start_2:
0x4e: {  	(tag) =	ssettag $0x2  }
0x4f: {  	s0 =	rddreg [dreg:$0x0];
	s2 =	stileid.u32  }
0x50: {  	s1 =	rddreg [dreg:$0x1];
	p0 =	sne.s32 s2, $0x0  }
0x51: {  	s3 =	rddreg [dreg:$0x2];
	[bflag:$0x3] =	sbarrier.arrive $0xFFFF;
	s2 =	simm.s32 @!p0 $0x1C01  }
0x52: {  	[timem:s3], [sflag:s2] =	dma.local @!p0 [hbm:s0], s1  }
0x53: {  	s0 =	simm.s32 @!p0 $0x1  }
0x54: {  	_ =	swait.ge @!p0 [sflag:s0], s1  }
0x55: {  	s1 =	ssub.s32 @!p0 $0x0, s1;
	[sflag:s0] =	ssyncset.done @!p0 $0x0  }
0x56: {  	[sflag:s0] =	ssyncadd.s32 @!p0 s1  }
0x57: {  	[bflag:$0x3] =	sbarrier.arrive $0xFFFF  }
0x58: {  	_ =	shalt  }

// kernel: sparse-core-data-format-call.cloned.1.call-start
scs
called_computation_lowered:
.L_overlay_start_0:
0x0: {  	s1 =	sld [smem:$0x3FD9]  }
0x1: {  	s2 =	sld [smem:$0x3FFE];
	_ =	sdelay $0x1  }
0x2: {  	s3 =	srdreg.scid  }
0x3: {  	s0 =	sand.u32 $0x1, s3  }
0x4: {  	s17 =	sshll.u32 s0, $0xA;
	s1 =	sadd.s32 s2, s1  }
0x5: {  	s1 =	sadd.s32 s1, s17  }
0x6: {  	[smem:$0x3FB5] =	sst s1  }
0x7: {  	_ = 	snop  }
0x8: {  	(tm) =	ssettm $0x1  }
0x9: {  	s18 =	sld [smem:$0x3FFB];
	_ =	sdelay $0x3  }
0xa: {  	_ =	strace s18  }
0xb: {  	s1 =	sld [smem:$0x3FFC];
	_ =	sdelay $0x3  }
0xc: {  	_ =	strace s1  }
0xd: {  	s1 =	sld [smem:$0x3FFD];
	_ =	sdelay $0x3  }
0xe: {  	_ =	strace s1  }
0xf: {  	_ =	strace $0x8FFFFFFF  }
0x10: {  	s19 =	sld [smem:$0x3FDB];
	_ =	sdelay $0x1  }
0x11: {  	s20 =	simm.s32 $_scs_section_size  }
0x12: {  	s4 =	simm.s32 $_size__tile_overlayer_lowered;
	s5 =	simm.s32 $_tile_overlayer_lowered  }
0x13: {  	s23 =	simm.s32 $0x1BFF;
	s22 =	sshll.u32 s5, $0x1;
	s1 =	sadd.s32 s20, s19  }
0x14: {  	s6 =	simm.s32 $0x0;
	s21 =	sshll.u32 s4, $0x1;
	s4 =	sadd.s32 s22, s1  }
0x15: {  	[timem:s6], [sflag:s23] =	dma.local [hbm:s4], s21  }
0x16: {  	_ =	swait.ge [sflag:s23], s21  }
0x17: {  	s2 =	ssub.s32 $0x0, s21;
	[sflag:s23] =	ssyncset.done $0x0  }
0x18: {  	[sflag:s23] =	ssyncadd.s32 s2;
	_ =	sdelay $0x1  }
0x19: {  	s24 =	simm.s32 $0x1B8B  }
0x1a: {  	_ =	swait.ge [sflag:s24], $0x1  }
0x1b: {  	[sflag:s24] =	ssyncset.done $0x0  }
0x1c: {  	s26 =	simm.s32 $0x1B8E;
	s25 =	sld [smem:$0x3FFE];
	[sflag:s24] =	ssyncadd.s32 $0xFFFFFFFF  }
0x1d: {  	s27 =	simm.s32 $execute0_lowered;
	[smem:$0x3FD2] =	sst s26  }
0x1e: {  	s4 =	sshll.u32 s27, $0x1;
	_ =	strace $0x80000046;
	[dreg:$0x1] =	wrdreg $0xFFFFFFFF  }
0x1f: {  	s28 =	simm.s32 $_size_execute0_lowered;
	s1 =	sadd.s32 s1, s4;
	[dreg:$0x0] =	wrdreg $0x0  }
0x20: {  	s4 =	sshll.u32 s28, $0x1;
	[dreg:$0x2] =	wrdreg s1  }
0x21: {  	[dreg:$0x3] =	wrdreg s4  }
0x22: {  	[dreg:$0x4] =	wrdreg $0xC0  }
0x23: {  	_ =	task [dreg:s6], $0x5FFFF  }
0x24: {  	[dreg:$0x1] =	wrdreg $0xFFFFFFFF  }
0x25: {  	[dreg:$0x0] =	wrdreg $0x60  }
0x26: {  	[dreg:$0x2] =	wrdreg s25  }
0x27: {  	[dreg:$0x3] =	wrdreg $0x9  }
0x28: {  	_ =	task.clear_ibuf [dreg:s6], $0x4FFFF;
	_ =	strace $0x90000046  }
0x29: {  	s29 =	simm.s32 $0x9;
	_ =	strace $0x80000048  }
0x2a: {  	_ =	swait.ge [sflag:s29], $0x1  }
0x2b: {  	[sflag:s29] =	ssyncadd.s32 $0xFFFFFFFF  }
0x2c: {  	_ =	strace $0x90000048  }
0x2d: {  	_ =	sfence  }
0x2e: {  	s30 =	sld [smem:$0x0];
	_ =	sdelay $0x2  }
0x2f: {  	s31 =	sshll.u32 s3, $0xD;
	s3 =	sshrl.u32 s3, $0x2  }
0x30: {  	s2 =	sand.u32 $0x4000, s31;
	s1 =	sadd.s32 s3, s30  }
0x31: {  	s0 =	sor.u32 s2, s0;
	s1 =	sshll.u32 s1, $0x11  }
0x32: {  	s0 =	sor.u32 s1, s0  }
0x33: {  	s0 =	sadd.s32 $0x8F2B, s0  }
0x34: {  	[sflag:s0] =	ssyncadd.remote.s32 $0x1  }
0x35: {  	_ =	sfence.sel $0xFFFF  }
0x36: {  	[dreg:$0x0] =	wrdreg $0xFFFFFFFF;
	(pc) =	sbr.abs _section_cstart, $3  }
0x37: {  	[dreg:$0x1] =	wrdreg $0xFFFFFFFF  }
0x38: {  	_ =	task.clear_ibuf [dreg:s6], $0x2FFFF;
	_ =	strace $0x9FFFFFFF  }
0x39: {  	(tm) =	ssettm $0x7FFFFFFF  }
tec
execute0_lowered:
.L_overlay_start_1:
0x0: {  	(tag) =	ssettag $0x1  }
0x1: {  	s2 =	stileid.u32;
	s0 =	srdreg.scid  }
0x2: {  	s1 =	sshll.u32 s2, $0x5;
	s0 =	sshll.u32 s0, $0x9  }
0x3: {  	s28 =	rddreg [dreg:$0x0];
	s0 =	sor.u32 s1, s0  }
0x4: {  	_ =	strace $0x80000047;
	s29 =	simm.s32 $0x1;
	s12 =	sand.u32 $0x380, s0  }
0x5: {  	s30 =	simm.s32 $0x2;
	s17 =	simm.s32 $0x0;
	s0 =	ssub.s32 $0xC00, s12  }
0x6: {  	s18 =	simm.s32 $0x0;
	s19 =	simm.s32 $0x0;
	s0 =	sshrl.u32 s0, $0xA  }
0x7: {  	s10 =	simm.s32 $0x0;
	s14 =	sand.u32 $0x3, s2;
	s0 =	smul.u32 $0x16, s0  }
.Ltmp0:
0x8: {  	s1 =	sadd.s32 $0x449400, s28;
	[dreg:$0x4] =	wrdreg s14;
	(pc) =	sbr.rel .LBB1_1-.Ltmp0, $4  }
0x9: {  	s11 =	simm.s32 $0x0;
	s13 =	simm.s32 $0x0;
	[dreg:$0x3] =	wrdreg s1  }
0xa: {  	s15 =	simm.s32 $0x0;
	[dreg:$0x2] =	wrdreg s12;
	s31 =	sadd.s32 $0x16, s0  }
0xb: {  	[sflag:s29] =	ssyncpa.u1 $0x0;
	s6 =	sadd.s32 $0x17, s0;
	[dreg:$0x5] =	wrdreg s31  }
0xc: {  	s16 =	simm.s32 $0x0;
	[sflag:s30] =	ssyncpa.u1 $0x0;
	[dreg:$0x6] =	wrdreg s6  }
.LBB1_13:
0xd: {  	s0 =	sshrl.u32 s11, $0x2  }
0xe: {  	s1 =	sshll.u32 s10, $0x2;
	s2 =	sshll.u32 s11, $0x7;
	s0 =	smul.u32 $0x3200, s0  }
0xf: {  	p0 =	sgt.s32 s10, $0xC00;
	s3 =	smov.u32 s10;
	s1 =	sand.u32 $0xFFFFFE00, s1  }
0x10: {  	s22 =	sand.u32 $0x7F, s10;
	s20 =	sand.u32 $0x180, s2;
	s0 =	sadd.s32 s0, s1  }
0x11: {  	s4 =	rddreg [dreg:$0x7];
	s25 =	smul.u32 $0xCE40, s13;
	s0 =	sor.u32 s20, s0  }
0x12: {  	s26 =	rddreg [dreg:$0x3];
	s3 =	simm.s32 @!p0 $0xC00;
	s1 =	sor.u32 s22, s0  }
0x13: {  	s29 =	rddreg [dreg:$0x8];
	s23 =	sadd.s32 s21, s3;
	s24 =	smulhi.u32 $0x51EB851F, s1  }
0x14: {  	s31 =	simm.s32 $0x3200;
	s3 =	sadd.s32 $0xFFFFF400, s23;
	s0 =	smulhi.u32 $0x51EB851F, s0  }
0x15: {  	s2 =	ssub.s32 $0xC80, s23;
	p0 =	sgt.s32 s3, $0x7F;
	s3 =	sshrl.u32 s24, $0xA  }
0x16: {  	s2 =	simm.s32 @p0 $0x0;
	s0 =	sshrl.u32 s0, $0xA;
	s3 =	smul.u32 $0xC80, s3  }
0x17: {  	s6 =	rddreg [dreg:$0x6];
	s2 =	smul.u32 s2, s4;
	s0 =	sand.u32 $0x3, s0  }
0x18: {  	s4 =	sor.u32 $0x4000, s29;
	s0 =	smul.u32 $0x190, s0;
	s1 =	ssub.s32 s1, s3  }
0x19: {  	s2 =	smul.u32 $0x21, s2;
	s3 =	sadd.s32 s26, s25;
	s27 =	sand.u32 $0x7, s1  }
0x1a: {  	s1 =	sshrl.u32 s1, $0x3;
	s0 =	sadd.s32 s0, s3;
	s28 =	sshll.u32 s27, $0x12  }
0x1b: {  	s2 =	sand.u32 $0x3FFFFFFF, s2;
	s0 =	sadd.s32 s1, s0;
	s30 =	sor.u32 $0x80, s28  }
0x1c: {  	[hbm4b:s0+s30] =	stream.strided.scatter [tilespmem:s4], [sflag:$0x2], s2, s31, s30, $0x20;
	[tilespmem:$0x8080] =	vst v63  }
.LBB1_14:
0x1d: {  	p0 =	slt.u32 s16, $0x2  }
0x1e: {  	s0 =	smov.u32 s19;
	p1 =	sgt.s32 @!p0 s19, $0x15  }
0x1f: {  	s1 =	sshra.s32 @!p0 s19, $0x1F;
	s2 =	sshra.s32 @!p0 s18, $0x1F;
	p1 =	por !p1, p0  }
0x20: {  	s1 =	sand.u32 @!p0 s1, s19;
	s0 =	simm.s32 @p1 $0x15;
	p1 =	sgt.s32 @!p0 s18, $0x3  }
0x21: {  	s0 =	ssub.s32 @!p0 s0, s1;
	p1 =	por !p1, p0;
	s1 =	smov.u32 s18  }
0x22: {  	p2 =	sgt.s32 @!p0 s17, $0xC00;
	s2 =	sand.u32 @!p0 s2, s18;
	s1 =	simm.s32 @p1 $0x3  }
0x23: {  	p2 =	por !p2, p0;
	s3 =	sadd.s32 @!p0 $0xFFFFFFEB, s0;
	s1 =	ssub.s32 @!p0 s1, s2  }
0x24: {  	p1 =	sgt.s32 @!p0 s3, $0x0;
	s3 =	smov.u32 s17;
	s2 =	sadd.s32 @!p0 $0xFFFFFFFD, s1  }
0x25: {  	s3 =	simm.s32 @p2 $0xC00;
	p2 =	sgt.s32 @!p0 s2, $0x0;
	s2 =	sshra.s32 @!p0 s17, $0x1F  }
0x26: {  	s4 =	smov.u32 s14;
	s0 =	ssub.s32 @!p0 $0x16, s0;
	s2 =	sand.u32 @!p0 s2, s17  }
0x27: {  	s0 =	smul.u32 @!p0 $0x21, s0;
	p1 =	por !p1, p0;
	s2 =	ssub.s32 @!p0 s3, s2  }
0x28: {  	s1 =	ssub.s32 @!p0 $0x4, s1;
	p2 =	por !p2, p0;
	s3 =	sadd.s32 @!p0 $0xFFFFF400, s2  }
0x29: {  	s0 =	simm.s32 @!p1 $0x0;
	s1 =	simm.s32 @!p2 $0x0;
	p1 =	sgt.s32 @!p0 s3, $0x7F  }
0x2a: {  	s0 =	smul.u32 @!p0 s1, s0;
	s1 =	ssub.s32 @!p0 $0xC80, s2;
	p1 =	por !p1, p0  }
0x2b: {  	s2 =	sadd.s32 $0x400, s12;
	s3 =	sadd.s32 $0x4, s14;
	s1 =	simm.s32 @!p1 $0x0  }
0x2c: {  	p1 =	sgt.s32 s2, $0xC70;
	s0 =	smul.u32 @!p0 s1, s0;
	s1 =	rddreg [dreg:$0x2]  }
0x2d: {  	s4 =	smov.u32 @p1 s3;
	s3 =	simm.s32 @!p0 $0x2;
	s2 =	smov.u32 @p1 s1  }
0x2e: {  	p1 =	sgt.s32 s4, $0x3;
	s1 =	simm.s32 $0x1;
	s0 =	sand.u32 @!p0 $0x3FFFFFFF, s0  }
0x2f: {  	s1 =	simm.s32 @!p1 $0x0;
	_ =	swait.ge @!p0 [sflag:s3], s0  }
0x30: {  	s1 =	sadd.s32 s1, s15;
	s5 =	rddreg [dreg:$0x4]  }
0x31: {  	s4 =	smov.u32 @p1 s5;
	p1 =	sgt.s32 s1, $0x15  }
0x32: {  	s1 =	simm.s32 @p1 $0x0;
	p1 =	sne.s32 s16, s6  }
.Ltmp1:
0x33: {  	s19 =	smov.u32 s13;
	(pc) =	sbr.rel @!p1 .LBB1_15-.Ltmp1, $4  }
0x34: {  	s13 =	smov.u32 s15;
	s18 =	smov.u32 s11;
	s11 =	smov.u32 s14  }
0x35: {  	s17 =	smov.u32 s10;
	s0 =	ssub.s32 @!p0 $0x0, s0;
	[sflag:s3] =	ssyncset.done @!p0 $0x0  }
0x36: {  	s10 =	smov.u32 s12;
	s12 =	smov.u32 s2;
	[sflag:s3] =	ssyncadd.s32 @!p0 s0  }
0x37: {  	s16 =	sadd.s32 $0x1, s16;
	s14 =	smov.u32 s4;
	s15 =	smov.u32 s1  }
.LBB1_1:
0x38: {  	s0 =	rddreg [dreg:$0x5]  }
0x39: {  	s2 =	smov.u32 s15;
	p0 =	sge.u32 s16, s0  }
0x3a: {  	s4 =	smov.u32 s14;
	s0 =	sand.u32 @!p0 $0x1FFFFFF, s12;
	p1 =	sgt.s32 @!p0 s15, $0x15  }
0x3b: {  	s3 =	sshra.s32 @!p0 s15, $0x1F;
	s5 =	sshra.s32 @!p0 s14, $0x1F;
	p1 =	por !p1, p0  }
0x3c: {  	s1 =	smulhi.u32 @!p0 $0x29100A5, s0;
	s2 =	simm.s32 @p1 $0x15;
	p1 =	sgt.s32 @!p0 s14, $0x3  }
0x3d: {  	s3 =	sand.u32 @!p0 s3, s15;
	s5 =	sand.u32 @!p0 s5, s14;
	p1 =	por !p1, p0  }
0x3e: {  	s1 =	sshrl.u32 @!p0 s1, $0x5;
	s2 =	ssub.s32 @!p0 s2, s3;
	s4 =	simm.s32 @p1 $0x3  }
0x3f: {  	p1 =	sgt.s32 @!p0 s12, $0xBF8;
	s2 =	sadd.s32 @!p0 $0xFFFFFFEB, s2;
	s3 =	ssub.s32 @!p0 s4, s5  }
0x40: {  	p1 =	por !p1, p0;
	s5 =	smov.u32 s12;
	s4 =	sadd.s32 @!p0 $0xFFFFFFFD, s3  }
0x41: {  	s5 =	simm.s32 @p1 $0xBF8;
	p2 =	sgt.s32 @!p0 s4, $0x0;
	s4 =	sshra.s32 @!p0 s12, $0x1F  }
0x42: {  	p1 =	sgt.s32 @!p0 s2, $0x0;
	s2 =	sshll.u32 @!p0 s2, $0x6;
	s4 =	sand.u32 @!p0 s4, s12  }
0x43: {  	s3 =	ssub.s32 @!p0 $0x4, s3;
	s2 =	ssub.s32 @!p0 $0x40, s2;
	s4 =	ssub.s32 @!p0 s5, s4  }
0x44: {  	p1 =	por !p1, p0;
	p2 =	por !p2, p0;
	s5 =	sadd.s32 @!p0 $0xFFFFF408, s4  }
0x45: {  	s2 =	simm.s32 @!p1 $0x0;
	s3 =	simm.s32 @!p2 $0x0;
	p2 =	sgt.s32 @!p0 s5, $0x7F  }
0x46: {  	s4 =	ssub.s32 @!p0 $0xC78, s4;
	s2 =	smul.u32 @!p0 s3, s2;
	p1 =	por !p2, p0  }
0x47: {  	s1 =	smul.u32 @!p0 $0xC78, s1;
	s4 =	simm.s32 @!p1 $0x0  }
0x48: {  	s2 =	smul.u32 @!p0 s4, s2  }
0x49: {  	s0 =	ssub.s32 @!p0 s0, s1;
	s4 =	smul.u32 @!p0 $0x31E00, s15  }
0x4a: {  	s1 =	rddreg [dreg:$0x0];
	s3 =	sxor.u32 @!p0 $0xFFFFFFFF, s16;
	s5 =	smul.u32 @!p0 $0xC780, s14  }
0x4b: {  	s0 =	sshll.u32 @!p0 s0, $0x4;
	s3 =	sshll.u32 @!p0 s3, $0xD;
	s1 =	sadd.s32 @!p0 s1, s4  }
0x4c: {  	s3 =	sand.u32 @!p0 $0x2000, s3;
	s2 =	sand.u32 @!p0 $0x3FFFFFC0, s2;
	s1 =	sadd.s32 @!p0 s5, s1  }
0x4d: {  	s4 =	simm.s32 @!p0 $0x80;
	s0 =	sadd.s32 @!p0 s0, s1;
	s1 =	simm.s32 @!p0 $0x40  }
0x4e: {  	[tilespmem:s3], [sflag:$0x1] =	stream.strided.gather @!p0 [hbm4b:s0+s1], s2, s4, s1, $0x38;
	[tilespmem:$0x8080] =	vst v63  }
0x4f: {  	p0 =	seq.s32 s16, $0x0  }
0x50: {  	p1 =	sge.u32 @!p0 s16, s6  }
0x51: {  	p0 =	por p0, p1  }
.Ltmp2:
0x52: {  	_ = 	snop;
	(pc) =	sbr.rel @p0 .LBB1_14-.Ltmp2, $1  }
0x53: {  	_ =	sdelay $0x3  }
0x54: {  	p0 =	sgt.s32 s13, $0x15;
	s0 =	smov.u32 s13  }
0x55: {  	s1 =	sshra.s32 s13, $0x1F;
	s2 =	smov.u32 s11;
	s3 =	sshra.s32 s11, $0x1F  }
0x56: {  	s24 =	ssub.s32 $0x0, s10;
	s25 =	sshra.s32 s10, $0x1F;
	p2 =	sgt.s32 s10, $0xBF8  }
0x57: {  	s4 =	smov.u32 s10;
	s0 =	simm.s32 @!p0 $0x15;
	p0 =	sgt.s32 s11, $0x3  }
0x58: {  	s1 =	sand.u32 s1, s13;
	s3 =	sand.u32 s3, s11;
	s21 =	sand.u32 s24, s25  }
0x59: {  	s4 =	simm.s32 @!p2 $0xBF8;
	s2 =	simm.s32 @!p0 $0x3;
	s0 =	ssub.s32 s0, s1  }
0x5a: {  	s22 =	ssub.s32 s2, s3;
	s23 =	sadd.s32 $0xFFFFFFEB, s0;
	s0 =	ssub.s32 $0x16, s0  }
0x5b: {  	s2 =	sadd.s32 s21, s4;
	s3 =	sadd.s32 $0xFFFFFFFD, s22;
	p0 =	sgt.s32 s23, $0x0  }
0x5c: {  	s1 =	ssub.s32 $0x4, s22;
	s27 =	sadd.s32 $0xFFFFF408, s2;
	p1 =	sgt.s32 s3, $0x0  }
0x5d: {  	s0 =	simm.s32 @p0 $0x0;
	p0 =	sgt.s32 s27, $0x7F;
	s1 =	simm.s32 @p1 $0x0  }
0x5e: {  	s26 =	smul.u32 s0, s1;
	s0 =	ssub.s32 $0xC78, s2;
	s1 =	sadd.s32 $0x1, s13  }
0x5f: {  	s2 =	sadd.s32 $0x1, s11;
	s0 =	simm.s32 @p0 $0x0;
	p0 =	slt.s32 s1, $0x16  }
0x60: {  	s1 =	simm.s32 @!p0 $0x16;
	p0 =	slt.s32 s2, $0x4  }
0x61: {  	s23 =	ssub.s32 s1, s13;
	s2 =	simm.s32 @!p0 $0x4;
	s1 =	sadd.s32 $0x80, s10  }
0x62: {  	s24 =	ssub.s32 s2, s11;
	p1 =	slt.s32 s1, $0xC71;
	p0 =	slt.s32 s23, $0x1  }
0x63: {  	s1 =	simm.s32 @!p1 $0xC71;
	p1 =	slt.s32 @!p0 s24, $0x1  }
0x64: {  	s25 =	ssub.s32 s1, s10;
	p1 =	por p0, p1  }
0x65: {  	s0 =	smul.u32 s0, s26;
	p2 =	slt.s32 @!p1 s25, $0x1  }
0x66: {  	p1 =	por p1, p2  }
.Ltmp3:
0x67: {  	s29 =	simm.s32 $0x1;
	s0 =	sshll.u32 s0, $0x6;
	(pc) =	sbr.rel @p1 .LBB1_13-.Ltmp3, $4  }
0x68: {  	[dreg:$0x7] =	wrdreg s26;
	s28 =	sand.u32 $0x3FFFFFC0, s0;
	s0 =	sand.u32 $0x1, s16  }
0x69: {  	_ =	swait.ge [sflag:s29], s28;
	s31 =	smul.u32 $0x2040, s0  }
0x6a: {  	s30 =	ssub.s32 $0x0, s28;
	[sflag:s29] =	ssyncset.done $0x0  }
0x6b: {  	[sflag:s29] =	ssyncadd.s32 s30;
	[dreg:$0x8] =	wrdreg s31  }
.Ltmp4:
0x6c: {  	(pc) =	sbr.rel .LBB1_4-.Ltmp4, $3  }
0x6d: {  	_ =	sdelay $0x1  }
0x6e: {  	s26 =	sshll.u32 @!p0 s0, $0xD;
	s0 =	rddreg [dreg:$0x8]  }
0x6f: {  	s28 =	simm.s32 $0x0;
	s27 =	sor.u32 @!p0 $0x4000, s0  }
.LBB1_12:
0x70: {  	s28 =	sadd.s32 $0x1, s28  }
0x71: {  	p0 =	sne.s32 s28, s23  }
.Ltmp5:
0x72: {  	_ = 	snop;
	(pc) =	sbr.rel @!p0 .LBB1_13-.Ltmp5, $1  }
0x73: {  	_ =	sdelay $0x3  }
.LBB1_4:
0x74: {  	s0 =	smul.u32 $0x8100, s28;
	_ =	sdelay $0x1  }
0x75: {  	s0 =	sshra.s32 s0, $0x2  }
0x76: {  	s29 =	sadd.s32 s0, s27  }
0x77: {  	s1 =	simm.s32 $0x0;
	s30 =	sadd.s32 $0x810, s29;
	s31 =	sadd.s32 $0x1020, s29  }
.LBB1_5:
0x78: {  	s0 =	sadd.s32 s28, s1  }
0x79: {  	s0 =	sshll.u32 s0, $0xF  }
0x7a: {  	p1 =	sne.s32 s25, $0x1;
	s0 =	sshra.s32 s0, $0x2  }
.Ltmp6:
0x7b: {  	s3 =	sadd.s32 s0, s26;
	(pc) =	sbr.rel @!p1 .LBB1_6-.Ltmp6, $4  }
0x7c: {  	s2 =	sand.u32 $0x3, s1;
	v0 =	vmov s3  }
0x7d: {  	s8 =	simm.s32 $0x0;
	s2 =	smul.u32 $0x81, s2  }
0x7e: {  	s5 =	simm.s32 $0x1;
	p0 =	por $0x0, $0x0;
	s4 =	sand.u32 $0x1FC0, s8  }
0x7f: {  	s9 =	sadd.s32 s2, s29;
	s0 =	sadd.s32 s2, s30;
	s2 =	sadd.s32 s2, s31  }
0x80: {  	_ =	sdelay $0x1  }
0x81: {  	p1 =	sne.s32 s25, $0x2  }
.Ltmp7:
0x82: {  	_ = 	snop;
	(pc) =	sbr.rel @!p1 .LBB1_8-.Ltmp7, $4  }
0x83: {  	v1 =	vld.idx.msk [tilespmem:v0+s4+$0x20 ss:$0x1], $0xffff  }
0x84: {  	v2 =	vld.idx.msk [tilespmem:v0+s4+$0x0 ss:$0x1], $0xffff;
	s7 =	simm.s32 $0x2  }
0x85: {  	v3 =	vld.idx.msk [tilespmem:v0+s4+$0x10 ss:$0x1], $0xffff;
	s3 =	simm.s32 $0x40;
	s6 =	sand.u32 $0x7F, s8;
	p0 =	por $0x1, $0x1  }
0x86: {  	s4 =	sand.u32 $0x1FC0, s3;
	s22 =	sadd.s32 s6, s9;
	s20 =	sadd.s32 s6, s2  }
.LBB1_9:
0x87: {  	s8 =	smov.u32 s7;
	s7 =	sadd.s32 $0x1, s7  }
0x88: {  	s6 =	sadd.s32 s6, s0;
	[tilespmem:s20+$0x0 ss:$0x81] =	vst.msk $0xffff, v1;
	v1 =	vld.idx.msk [tilespmem:v0+s4+$0x20 ss:$0x1], $0xffff;
	p1 =	sne.s32 s25, s7  }
.Ltmp8:
0x89: {  	[tilespmem:s22+$0x0 ss:$0x81] =	vst.msk $0xffff, v2;
	v2 =	vld.idx.msk [tilespmem:v0+s4+$0x0 ss:$0x1], $0xffff;
	(pc) =	sbr.rel @p1 .LBB1_9-.Ltmp8, $3  }
0x8a: {  	[tilespmem:s6+$0x0 ss:$0x81] =	vst.msk $0xffff, v3;
	v3 =	vld.idx.msk [tilespmem:v0+s4+$0x10 ss:$0x1], $0xffff;
	_ =	sdelay $0x1  }
0x8b: {  	s3 =	sadd.s32 $0x40, s3;
	s6 =	sand.u32 $0x7F, s5;
	s5 =	smov.u32 s8  }
0x8c: {  	s4 =	sand.u32 $0x1FC0, s3;
	s22 =	sadd.s32 s6, s9;
	s20 =	sadd.s32 s6, s2  }
0x8d: {  	s8 =	smov.u32 s5  }
.LBB1_11:
0x8e: {  	_ =	sdelay $0x3  }
0x8f: {  	v4 =	vld.idx.msk [tilespmem:v0+s4+$0x20 ss:$0x1], $0xffff;
	[tilespmem:s20+$0x0 ss:$0x81] =	vst.msk @p0 $0xffff, v1  }
0x90: {  	v5 =	vld.idx.msk [tilespmem:v0+s4+$0x0 ss:$0x1], $0xffff;
	s3 =	sadd.s32 @p0 s6, s0;
	[tilespmem:s22+$0x0 ss:$0x81] =	vst.msk @p0 $0xffff, v2;
	s1 =	sadd.s32 $0x1, s1  }
0x91: {  	v63 =	vld.idx.msk [tilespmem:v0+s4+$0x10 ss:$0x1], $0xffff;
	[tilespmem:s3+$0x0 ss:$0x81] =	vst.msk @p0 $0xffff, v3;
	p0 =	sne.s32 s1, s24  }
.Ltmp9:
0x92: {  	s8 =	sand.u32 $0x7F, s8;
	(pc) =	sbr.rel @p0 .LBB1_5-.Ltmp9, $4  }
.Ltmp10:
0x93: {  	s2 =	sadd.s32 s8, s2;
	(pc) =	sbr.rel @!p0 .LBB1_12-.Ltmp10, $4  }
0x94: {  	s20 =	sadd.s32 s8, s9;
	[tilespmem:s2+$0x0 ss:$0x81] =	vst.msk $0xffff, v4  }
0x95: {  	s22 =	sadd.s32 s8, s0;
	[tilespmem:s20+$0x0 ss:$0x81] =	vst.msk $0xffff, v5  }
0x96: {  	[tilespmem:s22+$0x0 ss:$0x81] =	vst.msk $0xffff, v63  }
0x97: {  	_ = 	snop  }
.LBB1_6:
.Ltmp11:
0x98: {  	(pc) =	sbr.rel .LBB1_11-.Ltmp11, $2  }
0x99: {  	_ =	sdelay $0x2  }
0x9a: {  	_ = 	snop  }
.LBB1_8:
.Ltmp12:
0x9b: {  	(pc) =	sbr.rel .LBB1_11-.Ltmp12, $2  }
0x9c: {  	_ =	sdelay $0x2  }
0x9d: {  	s8 =	simm.s32 $0x1  }
.LBB1_15:
0x9e: {  	_ =	sfence.sel $0x180000  }
0x9f: {  	s0 =	simm.s32 $0x1;
	[bflag:$0x0] =	sbarrier.arrive $0xFFFF  }
0xa0: {  	s30 =	simm.s32 $0x2;
	[sflag:s0] =	ssyncpa.u1 $0x1  }
0xa1: {  	[sflag:s30] =	ssyncpa.u1 $0x1  }
0xa2: {  	_ =	strace $0x90000047  }
0xa3: {  	s31 =	stileid.u32;
	[bflag:$0x2] =	sbarrier.arrive $0xFFFF  }
0xa4: {  	p0 =	sne.s32 s31, $0x0;
	s0 =	rddreg [dreg:$0x1]  }
0xa5: {  	s0 =	sadd.s32 @!p0 $0x100000, s0  }
0xa6: {  	[sflag:s0] =	ssyncadd.tile.s32 @!p0 $0x1;
	_ =	shalt  }
.Lfunc_end1:
_tile_overlayer_lowered:
.L_overlay_start_2:
0xa7: {  	(tag) =	ssettag $0x2  }
0xa8: {  	s0 =	rddreg [dreg:$0x0];
	s2 =	stileid.u32  }
0xa9: {  	s1 =	rddreg [dreg:$0x1];
	p0 =	sne.s32 s2, $0x0  }
0xaa: {  	s3 =	rddreg [dreg:$0x2];
	[bflag:$0x3] =	sbarrier.arrive $0xFFFF;
	s2 =	simm.s32 @!p0 $0x1C01  }
0xab: {  	[timem:s3], [sflag:s2] =	dma.local @!p0 [hbm:s0], s1  }
0xac: {  	s0 =	simm.s32 @!p0 $0x1  }
0xad: {  	_ =	swait.ge @!p0 [sflag:s0], s1  }
0xae: {  	s1 =	ssub.s32 @!p0 $0x0, s1;
	[sflag:s0] =	ssyncset.done @!p0 $0x0  }
0xaf: {  	[sflag:s0] =	ssyncadd.s32 @!p0 s1  }
0xb0: {  	[bflag:$0x3] =	sbarrier.arrive $0xFFFF  }
0xb1: {  	_ =	shalt  }

</sc_bundles>
